<compile_context>
chip_gen: v7x
topology: tpu7x:2x2x1
jax: 0.10.2.dev20260603
libtpu: 0.0.44.dev20260713+nightly
codegen_flags: <defaults>
</compile_context>

<pallas_src>
import dataclasses
import functools

import jax
import jax.numpy as jnp
from jax import lax
from jax.experimental import pallas as pl
from jax.experimental.pallas import tpu as pltpu
from jax.experimental.pallas import tpu_sc as plsc

N, DEG, DIN, DOUT, H, K = 10000, 16, 128, 128, 4, 8
GM, CM, SLOPE = 0.1, 0.1, 0.2
E = N * DEG
EP = 1280 * 128
NW = 32

BA = 400
BC = 200


def _stage_a_body(x_ref, w_ref, al_ref, ar_ref, el_ref, er_ref):
    xb = x_ref[...]
    hb = jnp.dot(xb, w_ref[...], preferred_element_type=jnp.float32)
    h4 = hb.reshape(BA, H, DOUT)
    el_ref[...] = (h4 * al_ref[...][None]).sum(-1)
    er_ref[...] = (h4 * ar_ref[...][None]).sum(-1)


def _stage_a(x, fcwT, al, ar):
    return pl.pallas_call(
        _stage_a_body,
        grid=(N // BA,),
        in_specs=[
            pl.BlockSpec((BA, DIN), lambda i: (i, 0)),
            pl.BlockSpec((DIN, H * DOUT), lambda i: (0, 0)),
            pl.BlockSpec((H, DOUT), lambda i: (0, 0)),
            pl.BlockSpec((H, DOUT), lambda i: (0, 0)),
        ],
        out_specs=[
            pl.BlockSpec((BA, H), lambda i: (i, 0)),
            pl.BlockSpec((BA, H), lambda i: (i, 0)),
        ],
        out_shape=[
            jax.ShapeDtypeStruct((N, H), jnp.float32),
            jax.ShapeDtypeStruct((N, H), jnp.float32),
        ],
    )(x, fcwT, al, ar)


def _sc_gather(table, idx_flat, width):
    R = idx_flat.shape[0] // 128
    RW = R // NW
    mesh = plsc.VectorSubcoreMesh(core_axis_name="c", subcore_axis_name="s")

    @functools.partial(
        pl.kernel,
        mesh=mesh,
        out_type=jax.ShapeDtypeStruct((R * 128, width), table.dtype),
        scratch_types=[
            pltpu.VMEM((RW * 128,), jnp.int32),
            pltpu.VMEM((128, width), table.dtype),
            pltpu.VMEM((128, width), table.dtype),
            pltpu.SemaphoreType.DMA,
            pltpu.SemaphoreType.DMA,
            pltpu.SemaphoreType.DMA,
            pltpu.SemaphoreType.DMA,
        ],
    )
    def k(tab_hbm, idx_hbm, out_hbm, idx_v, ra, rb, gsa, gsb, wsa, wsb):
        wid = lax.axis_index("s") * 2 + lax.axis_index("c")
        base = wid * RW
        pltpu.sync_copy(idx_hbm.at[pl.ds(base * 128, RW * 128)], idx_v)
        bufs, gsems, wsems = [ra, rb], [gsa, gsb], [wsa, wsb]
        gcop = [None, None]
        wcop = [None, None]

        def gather(r, b):
            src = tab_hbm.at[idx_v.at[pl.ds(r * 128, 128)]]
            gcop[b] = pltpu.async_copy(src, bufs[b], gsems[b])

        gather(0, 0)
        for r in range(RW):
            b = r & 1
            nb = 1 - b
            if r + 1 < RW:
                if wcop[nb] is not None:
                    wcop[nb].wait()
                gather(r + 1, nb)
            gcop[b].wait()
            wcop[b] = pltpu.async_copy(
                bufs[b], out_hbm.at[pl.ds((base + r) * 128, 128)], wsems[b])
        wcop[0].wait()
        wcop[1].wait()

    return k(table, idx_flat)


def _sc_edge_tables(el_flat, er_flat, lab_f, src_pad, neg_pad):
    per_w = EP // NW
    CH = 1024
    mesh = plsc.VectorSubcoreMesh(core_axis_name="c", subcore_axis_name="s")
    cp = pltpu.CompilerParams()
    if "needs_layout_passes" in pltpu.CompilerParams.__dataclass_fields__:
        cp = dataclasses.replace(cp, needs_layout_passes=False)
    o4 = jax.ShapeDtypeStruct((EP * 4,), jnp.float32)

    @functools.partial(
        pl.kernel,
        mesh=mesh,
        compiler_params=cp,
        out_type=[o4, o4, o4, o4],
        scratch_types=[
            pltpu.VMEM((N * H,), jnp.float32),
            pltpu.VMEM((N * H,), jnp.float32),
            pltpu.VMEM((N,), jnp.float32),
            pltpu.VMEM((CH,), jnp.int32),
            pltpu.VMEM((CH,), jnp.int32),
            pltpu.VMEM((CH * 4,), jnp.float32),
            pltpu.VMEM((CH * 4,), jnp.float32),
            pltpu.VMEM((CH * 4,), jnp.float32),
            pltpu.VMEM((CH * 4,), jnp.float32),
        ],
    )
    def k(el_hbm, er_hbm, lab_hbm, src_hbm, neg_hbm,
          els_hbm, ern_hbm, erd_hbm, adj_hbm,
          el_v, er_v, lab_v, src_v, neg_v, els_v, ern_v, erd_v, adj_v):
        pltpu.sync_copy(el_hbm, el_v)
        pltpu.sync_copy(er_hbm, er_v)
        pltpu.sync_copy(lab_hbm, lab_v)
        wid = lax.axis_index("s") * 2 + lax.axis_index("c")
        base = wid * per_w
        zero16 = jnp.zeros((16,), jnp.int32)

        @pl.loop(0, per_w // CH)
        def _(ci):
            cb = base + ci * CH
            pltpu.sync_copy(src_hbm.at[pl.ds(cb, CH)], src_v)
            pltpu.sync_copy(neg_hbm.at[pl.ds(cb, CH)], neg_v)

            @pl.loop(0, CH // 16)
            def _(g):
                off = g * 16
                node = jnp.minimum(cb // 16 + g, N - 1)
                nb = g * 64
                sidx = src_v[pl.ds(off, 16)]
                nidx = neg_v[pl.ds(off, 16)]
                s4 = sidx * 4
                n4 = nidx * 4
                lv = plsc.load_gather(lab_v, [sidx])
                ln = plsc.load_gather(lab_v, [zero16 + node])
                adjf = jnp.where(lv == ln, 1.0, 0.0).astype(jnp.float32)
                for c in range(H):
                    els_v[pl.ds(nb + 16 * c, 16)] = (
                        plsc.load_gather(el_v, [s4 + c]))
                    ern_v[pl.ds(nb + 16 * c, 16)] = (
                        plsc.load_gather(er_v, [n4 + c]))
                    erd_v[pl.ds(nb + 16 * c, 16)] = (
                        plsc.load_gather(er_v, [zero16 + (node * 4 + c)]))
                    adj_v[pl.ds(nb + 16 * c, 16)] = adjf

            pltpu.sync_copy(els_v, els_hbm.at[pl.ds(cb * 4, CH * 4)])
            pltpu.sync_copy(ern_v, ern_hbm.at[pl.ds(cb * 4, CH * 4)])
            pltpu.sync_copy(erd_v, erd_hbm.at[pl.ds(cb * 4, CH * 4)])
            pltpu.sync_copy(adj_v, adj_hbm.at[pl.ds(cb * 4, CH * 4)])

    return k(el_flat, er_flat, lab_f, src_pad, neg_pad)


def _leaky(z):
    return jnp.where(z >= 0, z, SLOPE * z)


def _stage_c_body(els_ref, ern_ref, erd_ref, adj_ref, xg_ref, w_ref,
                  rst_ref, gl_ref, cl_ref):
    e = _leaky(els_ref[...] + erd_ref[...])
    en = _leaky(els_ref[...] + ern_ref[...])
    adj = adj_ref[...]
    dl = lax.broadcasted_iota(jnp.int32, (1, 128), 1) % 16

    def grp_roll(arr, s):
        s = s % 16
        if s == 0:
            return arr
        u = jnp.concatenate([arr[:, s:], arr[:, :s]], axis=1)
        w = (s + 112) % 128
        v = jnp.concatenate([arr[:, w:], arr[:, :w]], axis=1)
        return jnp.where(dl < 16 - s, u, v)

    gl_acc = jnp.maximum(en + GM - e, 0.0)
    cl_acc = jnp.zeros((BC, 128), jnp.float32)
    rank = jnp.zeros((BC, 128), jnp.float32)
    one = jnp.float32(1.0)
    nadj = one - adj
    for s in range(1, DEG):
        e_r = grp_roll(e, s)
        adj_r = grp_roll(adj, s)
        tie = (e_r == e) & (dl >= 16 - s)
        rank += jnp.where((e_r > e) | tie, one, 0.0)
        gl_acc += jnp.maximum(en + GM - e_r, 0.0)
        cl_acc += jnp.maximum(e + CM - e_r, 0.0) * (adj_r * nadj)
    gl_sum = gl_acc.sum()
    cl_sum = cl_acc.sum()

    m = e
    for k in (1, 2, 4, 8):
        m = jnp.maximum(m, grp_roll(m, k))
    num = jnp.where(rank < K, jnp.exp(e - m), 0.0)
    den = num
    for k in (1, 2, 4, 8):
        den = den + grp_roll(den, k)
    a = num / den

    xgr = xg_ref[...].reshape(BC, 2 * DEG, DIN)
    outs = []
    for p in range(2):
        for h in range(H):
            acc = jnp.zeros((BC, DIN), jnp.float32)
            for d in range(DEG):
                c = 64 * p + 16 * h + d
                xd = xgr[:, DEG * p + d, :]
                acc = acc + a[:, c:c + 1] * xd
            wh = w_ref[:, h * DOUT:(h + 1) * DOUT]
            outs.append(jnp.dot(acc, wh,
                                preferred_element_type=jnp.float32,
                                precision=lax.Precision.HIGHEST))
    rst_ref[...] = jnp.concatenate(outs, axis=1)

    @pl.when(pl.program_id(0) == 0)
    def _():
        gl_ref[...] = jnp.zeros((1, 1), jnp.float32)
        cl_ref[...] = jnp.zeros((1, 1), jnp.float32)
    gl_ref[...] += (gl_sum / (N * H)).reshape(1, 1)
    cl_ref[...] += (cl_sum / (N * H)).reshape(1, 1)


def _stage_c(els, ern, erd, adj, xg, fcwT):
    nrow = N // 2
    return pl.pallas_call(
        _stage_c_body,
        grid=(nrow // BC,),
        in_specs=[
            pl.BlockSpec((BC, 128), lambda i: (i, 0)),
            pl.BlockSpec((BC, 128), lambda i: (i, 0)),
            pl.BlockSpec((BC, 128), lambda i: (i, 0)),
            pl.BlockSpec((BC, 128), lambda i: (i, 0)),
            pl.BlockSpec((BC * 2 * DEG, DIN), lambda i: (i, 0)),
            pl.BlockSpec((DIN, H * DOUT), lambda i: (0, 0)),
        ],
        out_specs=[
            pl.BlockSpec((BC, 2 * H * DOUT), lambda i: (i, 0)),
            pl.BlockSpec((1, 1), lambda i: (0, 0)),
            pl.BlockSpec((1, 1), lambda i: (0, 0)),
        ],
        out_shape=[
            jax.ShapeDtypeStruct((nrow, 2 * H * DOUT), jnp.float32),
            jax.ShapeDtypeStruct((1, 1), jnp.float32),
            jax.ShapeDtypeStruct((1, 1), jnp.float32),
        ],
    )(els, ern, erd, adj, xg, fcwT)


def kernel(x, src, neg_dst, labels, fc_w, attn_l, attn_r):
    fcwT = fc_w.T
    al = attn_l.reshape(H, DOUT)
    ar = attn_r.reshape(H, DOUT)
    labf = labels.astype(jnp.float32)

    src_pad = jnp.pad(src.reshape(-1), (0, EP - E))
    neg_pad = jnp.pad(neg_dst.reshape(-1), (0, EP - E))
    xg = _sc_gather(x, src_pad, DIN)

    el, er = _stage_a(x, fcwT, al, ar)

    els, ern, erd, adj = _sc_edge_tables(el.reshape(-1), er.reshape(-1),
                                         labf, src_pad, neg_pad)
    nrow = EP // 32
    els = els.reshape(nrow, 128)
    ern = ern.reshape(nrow, 128)
    erd = erd.reshape(nrow, 128)
    adj = adj.reshape(nrow, 128)

    rst, gls, cls = _stage_c(els, ern, erd, adj, xg, fcwT)
    return (rst.reshape(N, H, DOUT), gls[0, 0], cls[0, 0])

# --- scband reference (transcript-rebuilt; emitter-appended) ---
"""Pipeline reference for scband-cgatconv-17600775979449 (READ-ONLY COPY).

The authoritative reference and input builder live on the scoring server;
editing this copy changes nothing except your own understanding.
"""

import jax, jax.numpy as jnp
import numpy as np

N = 10000      # nodes
DEG = 16       # regular in-degree (each dst has exactly DEG incoming edges)
DIN = 128      # in_feats
DOUT = 128     # out_feats
H = 4          # num_heads
K = 8          # top_k
GM = 0.1       # graph_margin
CM = 0.1       # class_margin
SLOPE = 0.2    # leaky relu negative slope


def leaky_relu(v):
    return jnp.where(v >= 0, v, SLOPE * v)


def setup_inputs(seed: int = 0) -> dict:
    key = jax.random.key(seed)
    ks = jax.random.split(key, 7)
    x = jax.random.normal(ks[0], (N, DIN), dtype=jnp.float32)
    # positive graph: dst node i receives edges from src[i, :]
    src = jax.random.randint(ks[1], (N, DEG), 0, N)
    # negative graph (construct_negative_graph): same src, shuffled dst
    neg_dst = jax.random.randint(ks[2], (N, DEG), 0, N)
    labels = jax.random.randint(ks[3], (N,), 0, 32)
    # fc: Linear(DIN -> H*DOUT, bias=False), xavier-normal
    fc_w = jax.random.normal(ks[4], (H * DOUT, DIN), dtype=jnp.float32) * np.sqrt(2.0 / (DIN + H * DOUT))
    attn_l = jax.random.normal(ks[5], (1, H, DOUT), dtype=jnp.float32) * np.sqrt(2.0 / (1 + DOUT))
    attn_r = jax.random.normal(ks[6], (1, H, DOUT), dtype=jnp.float32) * np.sqrt(2.0 / (1 + DOUT))
    return {"x": x, "src": src, "neg_dst": neg_dst, "labels": labels,
            "fc_w": fc_w, "attn_l": attn_l, "attn_r": attn_r}


def reference(x, src, neg_dst, labels, fc_w, attn_l, attn_r):
    # feat_drop = 0 (eval), so no dropout
    h = (x @ fc_w.T).reshape(N, H, DOUT)              # [N,H,D]
    el = (h * attn_l).sum(-1)                         # [N,H]
    er = (h * attn_r).sum(-1)                         # [N,H]
    # positive-edge attention logits: e_ij = leaky_relu(el[src] + er[dst])
    e = leaky_relu(el[src] + er[:, None, :])          # [N,DEG,H]
    # negative-edge attention logits (same src, shuffled dst)
    e_neg = leaky_relu(el[src] + er[neg_dst])         # [N,DEG,H]

    # graph loss: clamp(nw + graph_margin - pw, 0) summed over all (pos, neg) pairs per node
    gl = jnp.maximum(e_neg[:, None, :, :] + GM - e[:, :, None, :], 0.0)  # [N,DEG_p,DEG_n,H]
    graph_loss = gl.sum((1, 2)).mean()

    # class boundary loss: pairs (same-class i, diff-class j) per dst node
    adj = labels[src] == labels[:, None]              # [N,DEG] True if same class
    valid = (~adj)[:, None, :] & adj[:, :, None]      # [N, i(same), j(diff)]
    diff_term = jnp.maximum(e[:, None, :, :] + CM - e[:, :, None, :], 0.0)  # [N,i,j,H]
    class_loss = (diff_term * valid[..., None].astype(e.dtype)).sum((1, 2)).mean()

    # top-k constrained aggregation: keep K highest-attention incoming edges per dst per head
    et = jnp.transpose(e, (0, 2, 1))                  # [N,H,DEG]
    vals, idx = jax.lax.top_k(et, K)                  # [N,H,K]
    a = jax.nn.softmax(vals, axis=-1)                 # [N,H,K]
    src_h = h[src]                                    # [N,DEG,H,D]
    src_h = jnp.transpose(src_h, (0, 2, 1, 3))        # [N,H,DEG,D]
    sel = jnp.take_along_axis(src_h, idx[..., None], axis=2)  # [N,H,K,D]
    rst = (a[..., None] * sel).sum(2)                 # [N,H,D]
    # residual=False, activation=None
    return rst, graph_loss, class_loss

if __name__ == "__main__":
    import jax
    _d = setup_inputs()
    print(jax.jit(kernel)(*tuple(_d.values())))

</pallas_src>

<mosaic_0001>
#map = affine_map<(d0, d1) -> (0)>
module attributes {stable_mosaic.version = 14 : i64} {
  func.func @k(%arg0: i32, %arg1: i32, %arg2: memref<40000xf32, #tpu.memory_space<hbm>>, %arg3: memref<40000xf32, #tpu.memory_space<hbm>>, %arg4: memref<10000xf32, #tpu.memory_space<hbm>>, %arg5: memref<163840xi32, #tpu.memory_space<hbm>>, %arg6: memref<163840xi32, #tpu.memory_space<hbm>>, %arg7: memref<655360xf32, #tpu.memory_space<hbm>>, %arg8: memref<655360xf32, #tpu.memory_space<hbm>>, %arg9: memref<655360xf32, #tpu.memory_space<hbm>>, %arg10: memref<655360xf32, #tpu.memory_space<hbm>>, %arg11: memref<40000xf32, #tpu.memory_space<vmem>>, %arg12: memref<40000xf32, #tpu.memory_space<vmem>>, %arg13: memref<10000xf32, #tpu.memory_space<vmem>>, %arg14: memref<1024xi32, #tpu.memory_space<vmem>>, %arg15: memref<1024xi32, #tpu.memory_space<vmem>>, %arg16: memref<4096xf32, #tpu.memory_space<vmem>>, %arg17: memref<4096xf32, #tpu.memory_space<vmem>>, %arg18: memref<4096xf32, #tpu.memory_space<vmem>>, %arg19: memref<4096xf32, #tpu.memory_space<vmem>>) attributes {dimension_semantics = [#tpu.dimension_semantics<core_parallel>, #tpu.dimension_semantics<subcore_parallel>], iteration_bounds = array<i64: 2, 16>, scalar_prefetch = 0 : i64, scratch_operands = 9 : i64, tpu.core_type = #tpu.core_type<sc_vector_subcore>, window_params = [{transform_indices = #map}, {transform_indices = #map}, {transform_indices = #map}, {transform_indices = #map}, {transform_indices = #map}, {transform_indices = #map}, {transform_indices = #map}, {transform_indices = #map}, {transform_indices = #map}]} {
    "tpu.region"() ({
      %run_scoped3A = tpu.sem_alloc : memref<!tpu.dma_semaphore, #tpu.memory_space<semaphore_mem>>
      tpu.enqueue_dma source(%arg2 : memref<40000xf32, #tpu.memory_space<hbm>>) target(%arg11 : memref<40000xf32, #tpu.memory_space<vmem>>) target_semaphore(%run_scoped3A : memref<!tpu.dma_semaphore, #tpu.memory_space<semaphore_mem>>)
      tpu.wait_dma2 semaphore(%run_scoped3A : memref<!tpu.dma_semaphore, #tpu.memory_space<semaphore_mem>>) src(%arg2 : memref<40000xf32, #tpu.memory_space<hbm>>) dst(%arg11 : memref<40000xf32, #tpu.memory_space<vmem>>)
      tpu.yield
    }) : () -> ()
    "tpu.region"() ({
      %run_scoped3A = tpu.sem_alloc : memref<!tpu.dma_semaphore, #tpu.memory_space<semaphore_mem>>
      tpu.enqueue_dma source(%arg3 : memref<40000xf32, #tpu.memory_space<hbm>>) target(%arg12 : memref<40000xf32, #tpu.memory_space<vmem>>) target_semaphore(%run_scoped3A : memref<!tpu.dma_semaphore, #tpu.memory_space<semaphore_mem>>)
      tpu.wait_dma2 semaphore(%run_scoped3A : memref<!tpu.dma_semaphore, #tpu.memory_space<semaphore_mem>>) src(%arg3 : memref<40000xf32, #tpu.memory_space<hbm>>) dst(%arg12 : memref<40000xf32, #tpu.memory_space<vmem>>)
      tpu.yield
    }) : () -> ()
    "tpu.region"() ({
      %run_scoped3A = tpu.sem_alloc : memref<!tpu.dma_semaphore, #tpu.memory_space<semaphore_mem>>
      tpu.enqueue_dma source(%arg4 : memref<10000xf32, #tpu.memory_space<hbm>>) target(%arg13 : memref<10000xf32, #tpu.memory_space<vmem>>) target_semaphore(%run_scoped3A : memref<!tpu.dma_semaphore, #tpu.memory_space<semaphore_mem>>)
      tpu.wait_dma2 semaphore(%run_scoped3A : memref<!tpu.dma_semaphore, #tpu.memory_space<semaphore_mem>>) src(%arg4 : memref<10000xf32, #tpu.memory_space<hbm>>) dst(%arg13 : memref<10000xf32, #tpu.memory_space<vmem>>)
      tpu.yield
    }) : () -> ()
    %mul3A = arith.constant 2 : i32
    %mul3A_0 = arith.muli %arg1, %mul3A : i32
    %add3A = arith.addi %mul3A_0, %arg0 : i32
    %mul3A_1 = arith.constant 5120 : i32
    %mul3A_2 = arith.muli %add3A, %mul3A_1 : i32
    %broadcast_in_dim3A = arith.constant 0 : i32
    %broadcast_in_dim3A_3 = vector.broadcast %broadcast_in_dim3A : i32 to vector<16xi32>
    %scan3A = arith.constant 0 : i32
    %scan3A_4 = arith.constant 5 : i32
    %scan3A_5 = arith.addi %scan3A, %scan3A_4 : i32
    %scan3A_6 = arith.constant 1 : i32
    scf.for %scan3A_8 = %scan3A to %scan3A_5 step %scan3A_6  : i32 {
      %mul3A_9 = arith.constant 1 : i32
      %mul3A_10 = arith.muli %scan3A_8, %mul3A_9 : i32
      %add3A_11 = arith.constant 0 : i32
      %add3A_12 = arith.addi %add3A_11, %mul3A_10 : i32
      %mul3A_13 = arith.constant 1024 : i32
      %mul3A_14 = arith.muli %add3A_12, %mul3A_13 : i32
      %add3A_15 = arith.addi %mul3A_2, %mul3A_14 : i32
      "tpu.region"() ({
        %run_scoped3A = tpu.sem_alloc : memref<!tpu.dma_semaphore, #tpu.memory_space<semaphore_mem>>
        %dma_start3A = tpu.memref_slice %arg5[%add3A_15] : memref<163840xi32, #tpu.memory_space<hbm>> -> memref<1024xi32, #tpu.memory_space<hbm>>
        %dma_start3A_29 = tpu.memref_slice %arg5[%add3A_15] : memref<163840xi32, #tpu.memory_space<hbm>> -> memref<1024xi32, #tpu.memory_space<hbm>>
        tpu.enqueue_dma source(%dma_start3A_29 : memref<1024xi32, #tpu.memory_space<hbm>>) target(%arg14 : memref<1024xi32, #tpu.memory_space<vmem>>) target_semaphore(%run_scoped3A : memref<!tpu.dma_semaphore, #tpu.memory_space<semaphore_mem>>)
        %dma_wait3A = tpu.memref_slice %arg5[%add3A_15] : memref<163840xi32, #tpu.memory_space<hbm>> -> memref<1024xi32, #tpu.memory_space<hbm>>
        %dma_wait3A_30 = tpu.memref_slice %arg5[%add3A_15] : memref<163840xi32, #tpu.memory_space<hbm>> -> memref<1024xi32, #tpu.memory_space<hbm>>
        tpu.wait_dma2 semaphore(%run_scoped3A : memref<!tpu.dma_semaphore, #tpu.memory_space<semaphore_mem>>) src(%dma_wait3A_30 : memref<1024xi32, #tpu.memory_space<hbm>>) dst(%arg14 : memref<1024xi32, #tpu.memory_space<vmem>>)
        tpu.yield
      }) : () -> ()
      "tpu.region"() ({
        %run_scoped3A = tpu.sem_alloc : memref<!tpu.dma_semaphore, #tpu.memory_space<semaphore_mem>>
        %dma_start3A = tpu.memref_slice %arg6[%add3A_15] : memref<163840xi32, #tpu.memory_space<hbm>> -> memref<1024xi32, #tpu.memory_space<hbm>>
        %dma_start3A_29 = tpu.memref_slice %arg6[%add3A_15] : memref<163840xi32, #tpu.memory_space<hbm>> -> memref<1024xi32, #tpu.memory_space<hbm>>
        tpu.enqueue_dma source(%dma_start3A_29 : memref<1024xi32, #tpu.memory_space<hbm>>) target(%arg15 : memref<1024xi32, #tpu.memory_space<vmem>>) target_semaphore(%run_scoped3A : memref<!tpu.dma_semaphore, #tpu.memory_space<semaphore_mem>>)
        %dma_wait3A = tpu.memref_slice %arg6[%add3A_15] : memref<163840xi32, #tpu.memory_space<hbm>> -> memref<1024xi32, #tpu.memory_space<hbm>>
        %dma_wait3A_30 = tpu.memref_slice %arg6[%add3A_15] : memref<163840xi32, #tpu.memory_space<hbm>> -> memref<1024xi32, #tpu.memory_space<hbm>>
        tpu.wait_dma2 semaphore(%run_scoped3A : memref<!tpu.dma_semaphore, #tpu.memory_space<semaphore_mem>>) src(%dma_wait3A_30 : memref<1024xi32, #tpu.memory_space<hbm>>) dst(%arg15 : memref<1024xi32, #tpu.memory_space<vmem>>)
        tpu.yield
      }) : () -> ()
      %scan3A_16 = arith.constant 0 : i32
      %scan3A_17 = arith.constant 64 : i32
      %scan3A_18 = arith.addi %scan3A_16, %scan3A_17 : i32
      %scan3A_19 = arith.constant 1 : i32
      scf.for %scan3A_29 = %scan3A_16 to %scan3A_18 step %scan3A_19  : i32 {
        %mul3A_30 = arith.constant 1 : i32
        %mul3A_31 = arith.muli %scan3A_29, %mul3A_30 : i32
        %add3A_32 = arith.constant 0 : i32
        %add3A_33 = arith.addi %add3A_32, %mul3A_31 : i32
        %mul3A_34 = arith.constant 16 : i32
        %mul3A_35 = arith.muli %add3A_33, %mul3A_34 : i32
        %jit3A = arith.constant 16 : i32
        %div3A = arith.divsi %add3A_15, %jit3A : i32
        %sign3A = arith.constant 0 : i32
        %sign3A_36 = arith.cmpi sgt, %add3A_15, %sign3A : i32
        %sign3A_37 = arith.extui %sign3A_36 : i1 to i32
        %sign3A_38 = arith.constant 0 : i32
        %sign3A_39 = arith.cmpi slt, %add3A_15, %sign3A_38 : i32
        %sign3A_40 = arith.extui %sign3A_39 : i1 to i32
        %sign3A_41 = arith.subi %sign3A_37, %sign3A_40 : i32
        %sign3A_42 = arith.constant 0 : i32
        %sign3A_43 = arith.cmpi sgt, %jit3A, %sign3A_42 : i32
        %sign3A_44 = arith.extui %sign3A_43 : i1 to i32
        %sign3A_45 = arith.constant 0 : i32
        %sign3A_46 = arith.cmpi slt, %jit3A, %sign3A_45 : i32
        %sign3A_47 = arith.extui %sign3A_46 : i1 to i32
        %sign3A_48 = arith.subi %sign3A_44, %sign3A_47 : i32
        %ne3A = arith.cmpi ne, %sign3A_41, %sign3A_48 : i32
        %rem3A = arith.remsi %add3A_15, %jit3A : i32
        %ne3A_49 = arith.constant 0 : i32
        %ne3A_50 = arith.cmpi ne, %rem3A, %ne3A_49 : i32
        %and3A = arith.andi %ne3A, %ne3A_50 : i1
        %sub3A = arith.constant 1 : i32
        %sub3A_51 = arith.subi %div3A, %sub3A : i32
        %select_n3A = arith.select %and3A, %sub3A_51, %div3A : i32
        %add3A_52 = arith.addi %select_n3A, %add3A_33 : i32
        %min3A = arith.constant 9999 : i32
        %min3A_53 = arith.minsi %add3A_52, %min3A : i32
        %mul3A_54 = arith.constant 64 : i32
        %mul3A_55 = arith.muli %add3A_33, %mul3A_54 : i32
        %get3A = arith.index_cast %mul3A_35 : i32 to index
        %get3A_56 = tpu.vector_load %arg14[%get3A] {strides = array<i32>} : memref<1024xi32, #tpu.memory_space<vmem>>, vector<16xi32>,
        %get3A_57 = arith.index_cast %mul3A_35 : i32 to index
        %get3A_58 = tpu.vector_load %arg15[%get3A_57] {strides = array<i32>} : memref<1024xi32, #tpu.memory_space<vmem>>, vector<16xi32>,
        %mul3A_59 = arith.constant 4 : i32
        %mul3A_60 = vector.broadcast %mul3A_59 : i32 to vector<16xi32>
        %mul3A_61 = arith.muli %get3A_56, %mul3A_60 : vector<16xi32>
        %mul3A_62 = arith.constant 4 : i32
        %mul3A_63 = vector.broadcast %mul3A_62 : i32 to vector<16xi32>
        %mul3A_64 = arith.muli %get3A_58, %mul3A_63 : vector<16xi32>
        %gather3A = tpu.vector_load_idx %arg13[%get3A_56] : memref<10000xf32, #tpu.memory_space<vmem>>[vector<16xi32>], vector<16xf32>,
        %add3A_65 = vector.broadcast %min3A_53 : i32 to vector<16xi32>
        %add3A_66 = arith.addi %broadcast_in_dim3A_3, %add3A_65 : vector<16xi32>
        %gather3A_67 = tpu.vector_load_idx %arg13[%add3A_66] : memref<10000xf32, #tpu.memory_space<vmem>>[vector<16xi32>], vector<16xf32>,
        %eq3A = arith.cmpf oeq, %gather3A, %gather3A_67 : vector<16xf32>
        %jit3A_68 = arith.constant 1.000000e+00 : f32
        %jit3A_69 = arith.constant 0.000000e+00 : f32
        %broadcast_in_dim3A_70 = vector.broadcast %jit3A_68 : f32 to vector<16xf32>
        %broadcast_in_dim3A_71 = vector.broadcast %jit3A_69 : f32 to vector<16xf32>
        %select_n3A_72 = arith.select %eq3A, %broadcast_in_dim3A_70, %broadcast_in_dim3A_71 : vector<16xi1>, vector<16xf32>
        %add3A_73 = arith.constant 0 : i32
        %add3A_74 = vector.broadcast %add3A_73 : i32 to vector<16xi32>
        %add3A_75 = arith.addi %mul3A_61, %add3A_74 : vector<16xi32>
        %gather3A_76 = tpu.vector_load_idx %arg11[%add3A_75] : memref<40000xf32, #tpu.memory_space<vmem>>[vector<16xi32>], vector<16xf32>,
        %add3A_77 = arith.constant 0 : i32
        %add3A_78 = arith.addi %mul3A_55, %add3A_77 : i32
        %swap3A = arith.index_cast %add3A_78 : i32 to index
        %swap3A_79 = tpu.vector_load %arg16[%swap3A] {strides = array<i32>} : memref<4096xf32, #tpu.memory_space<vmem>>, vector<16xf32>,
        tpu.vector_store %arg16[%swap3A], %gather3A_76 {strides = array<i32>} : memref<4096xf32, #tpu.memory_space<vmem>>, vector<16xf32>,
        %add3A_80 = arith.constant 0 : i32
        %add3A_81 = vector.broadcast %add3A_80 : i32 to vector<16xi32>
        %add3A_82 = arith.addi %mul3A_64, %add3A_81 : vector<16xi32>
        %gather3A_83 = tpu.vector_load_idx %arg12[%add3A_82] : memref<40000xf32, #tpu.memory_space<vmem>>[vector<16xi32>], vector<16xf32>,
        %add3A_84 = arith.constant 0 : i32
        %add3A_85 = arith.addi %mul3A_55, %add3A_84 : i32
        %swap3A_86 = arith.index_cast %add3A_85 : i32 to index
        %swap3A_87 = tpu.vector_load %arg17[%swap3A_86] {strides = array<i32>} : memref<4096xf32, #tpu.memory_space<vmem>>, vector<16xf32>,
        tpu.vector_store %arg17[%swap3A_86], %gather3A_83 {strides = array<i32>} : memref<4096xf32, #tpu.memory_space<vmem>>, vector<16xf32>,
        %mul3A_88 = arith.constant 4 : i32
        %mul3A_89 = arith.muli %min3A_53, %mul3A_88 : i32
        %add3A_90 = arith.constant 0 : i32
        %add3A_91 = arith.addi %mul3A_89, %add3A_90 : i32
        %add3A_92 = vector.broadcast %add3A_91 : i32 to vector<16xi32>
        %add3A_93 = arith.addi %broadcast_in_dim3A_3, %add3A_92 : vector<16xi32>
        %gather3A_94 = tpu.vector_load_idx %arg12[%add3A_93] : memref<40000xf32, #tpu.memory_space<vmem>>[vector<16xi32>], vector<16xf32>,
        %add3A_95 = arith.constant 0 : i32
        %add3A_96 = arith.addi %mul3A_55, %add3A_95 : i32
        %swap3A_97 = arith.index_cast %add3A_96 : i32 to index
        %swap3A_98 = tpu.vector_load %arg18[%swap3A_97] {strides = array<i32>} : memref<4096xf32, #tpu.memory_space<vmem>>, vector<16xf32>,
        tpu.vector_store %arg18[%swap3A_97], %gather3A_94 {strides = array<i32>} : memref<4096xf32, #tpu.memory_space<vmem>>, vector<16xf32>,
        %add3A_99 = arith.constant 0 : i32
        %add3A_100 = arith.addi %mul3A_55, %add3A_99 : i32
        %swap3A_101 = arith.index_cast %add3A_100 : i32 to index
        %swap3A_102 = tpu.vector_load %arg19[%swap3A_101] {strides = array<i32>} : memref<4096xf32, #tpu.memory_space<vmem>>, vector<16xf32>,
        tpu.vector_store %arg19[%swap3A_101], %select_n3A_72 {strides = array<i32>} : memref<4096xf32, #tpu.memory_space<vmem>>, vector<16xf32>,
        %add3A_103 = arith.constant 1 : i32
        %add3A_104 = vector.broadcast %add3A_103 : i32 to vector<16xi32>
        %add3A_105 = arith.addi %mul3A_61, %add3A_104 : vector<16xi32>
        %gather3A_106 = tpu.vector_load_idx %arg11[%add3A_105] : memref<40000xf32, #tpu.memory_space<vmem>>[vector<16xi32>], vector<16xf32>,
        %add3A_107 = arith.constant 16 : i32
        %add3A_108 = arith.addi %mul3A_55, %add3A_107 : i32
        %swap3A_109 = arith.index_cast %add3A_108 : i32 to index
        %swap3A_110 = tpu.vector_load %arg16[%swap3A_109] {strides = array<i32>} : memref<4096xf32, #tpu.memory_space<vmem>>, vector<16xf32>,
        tpu.vector_store %arg16[%swap3A_109], %gather3A_106 {strides = array<i32>} : memref<4096xf32, #tpu.memory_space<vmem>>, vector<16xf32>,
        %add3A_111 = arith.constant 1 : i32
        %add3A_112 = vector.broadcast %add3A_111 : i32 to vector<16xi32>
        %add3A_113 = arith.addi %mul3A_64, %add3A_112 : vector<16xi32>
        %gather3A_114 = tpu.vector_load_idx %arg12[%add3A_113] : memref<40000xf32, #tpu.memory_space<vmem>>[vector<16xi32>], vector<16xf32>,
        %add3A_115 = arith.constant 16 : i32
        %add3A_116 = arith.addi %mul3A_55, %add3A_115 : i32
        %swap3A_117 = arith.index_cast %add3A_116 : i32 to index
        %swap3A_118 = tpu.vector_load %arg17[%swap3A_117] {strides = array<i32>} : memref<4096xf32, #tpu.memory_space<vmem>>, vector<16xf32>,
        tpu.vector_store %arg17[%swap3A_117], %gather3A_114 {strides = array<i32>} : memref<4096xf32, #tpu.memory_space<vmem>>, vector<16xf32>,
        %mul3A_119 = arith.constant 4 : i32
        %mul3A_120 = arith.muli %min3A_53, %mul3A_119 : i32
        %add3A_121 = arith.constant 1 : i32
        %add3A_122 = arith.addi %mul3A_120, %add3A_121 : i32
        %add3A_123 = vector.broadcast %add3A_122 : i32 to vector<16xi32>
        %add3A_124 = arith.addi %broadcast_in_dim3A_3, %add3A_123 : vector<16xi32>
        %gather3A_125 = tpu.vector_load_idx %arg12[%add3A_124] : memref<40000xf32, #tpu.memory_space<vmem>>[vector<16xi32>], vector<16xf32>,
        %add3A_126 = arith.constant 16 : i32
        %add3A_127 = arith.addi %mul3A_55, %add3A_126 : i32
        %swap3A_128 = arith.index_cast %add3A_127 : i32 to index
        %swap3A_129 = tpu.vector_load %arg18[%swap3A_128] {strides = array<i32>} : memref<4096xf32, #tpu.memory_space<vmem>>, vector<16xf32>,
        tpu.vector_store %arg18[%swap3A_128], %gather3A_125 {strides = array<i32>} : memref<4096xf32, #tpu.memory_space<vmem>>, vector<16xf32>,
        %add3A_130 = arith.constant 16 : i32
        %add3A_131 = arith.addi %mul3A_55, %add3A_130 : i32
        %swap3A_132 = arith.index_cast %add3A_131 : i32 to index
        %swap3A_133 = tpu.vector_load %arg19[%swap3A_132] {strides = array<i32>} : memref<4096xf32, #tpu.memory_space<vmem>>, vector<16xf32>,
        tpu.vector_store %arg19[%swap3A_132], %select_n3A_72 {strides = array<i32>} : memref<4096xf32, #tpu.memory_space<vmem>>, vector<16xf32>,
        %add3A_134 = arith.constant 2 : i32
        %add3A_135 = vector.broadcast %add3A_134 : i32 to vector<16xi32>
        %add3A_136 = arith.addi %mul3A_61, %add3A_135 : vector<16xi32>
        %gather3A_137 = tpu.vector_load_idx %arg11[%add3A_136] : memref<40000xf32, #tpu.memory_space<vmem>>[vector<16xi32>], vector<16xf32>,
        %add3A_138 = arith.constant 32 : i32
        %add3A_139 = arith.addi %mul3A_55, %add3A_138 : i32
        %swap3A_140 = arith.index_cast %add3A_139 : i32 to index
        %swap3A_141 = tpu.vector_load %arg16[%swap3A_140] {strides = array<i32>} : memref<4096xf32, #tpu.memory_space<vmem>>, vector<16xf32>,
        tpu.vector_store %arg16[%swap3A_140], %gather3A_137 {strides = array<i32>} : memref<4096xf32, #tpu.memory_space<vmem>>, vector<16xf32>,
        %add3A_142 = arith.constant 2 : i32
        %add3A_143 = vector.broadcast %add3A_142 : i32 to vector<16xi32>
        %add3A_144 = arith.addi %mul3A_64, %add3A_143 : vector<16xi32>
        %gather3A_145 = tpu.vector_load_idx %arg12[%add3A_144] : memref<40000xf32, #tpu.memory_space<vmem>>[vector<16xi32>], vector<16xf32>,
        %add3A_146 = arith.constant 32 : i32
        %add3A_147 = arith.addi %mul3A_55, %add3A_146 : i32
        %swap3A_148 = arith.index_cast %add3A_147 : i32 to index
        %swap3A_149 = tpu.vector_load %arg17[%swap3A_148] {strides = array<i32>} : memref<4096xf32, #tpu.memory_space<vmem>>, vector<16xf32>,
        tpu.vector_store %arg17[%swap3A_148], %gather3A_145 {strides = array<i32>} : memref<4096xf32, #tpu.memory_space<vmem>>, vector<16xf32>,
        %mul3A_150 = arith.constant 4 : i32
        %mul3A_151 = arith.muli %min3A_53, %mul3A_150 : i32
        %add3A_152 = arith.constant 2 : i32
        %add3A_153 = arith.addi %mul3A_151, %add3A_152 : i32
        %add3A_154 = vector.broadcast %add3A_153 : i32 to vector<16xi32>
        %add3A_155 = arith.addi %broadcast_in_dim3A_3, %add3A_154 : vector<16xi32>
        %gather3A_156 = tpu.vector_load_idx %arg12[%add3A_155] : memref<40000xf32, #tpu.memory_space<vmem>>[vector<16xi32>], vector<16xf32>,
        %add3A_157 = arith.constant 32 : i32
        %add3A_158 = arith.addi %mul3A_55, %add3A_157 : i32
        %swap3A_159 = arith.index_cast %add3A_158 : i32 to index
        %swap3A_160 = tpu.vector_load %arg18[%swap3A_159] {strides = array<i32>} : memref<4096xf32, #tpu.memory_space<vmem>>, vector<16xf32>,
        tpu.vector_store %arg18[%swap3A_159], %gather3A_156 {strides = array<i32>} : memref<4096xf32, #tpu.memory_space<vmem>>, vector<16xf32>,
        %add3A_161 = arith.constant 32 : i32
        %add3A_162 = arith.addi %mul3A_55, %add3A_161 : i32
        %swap3A_163 = arith.index_cast %add3A_162 : i32 to index
        %swap3A_164 = tpu.vector_load %arg19[%swap3A_163] {strides = array<i32>} : memref<4096xf32, #tpu.memory_space<vmem>>, vector<16xf32>,
        tpu.vector_store %arg19[%swap3A_163], %select_n3A_72 {strides = array<i32>} : memref<4096xf32, #tpu.memory_space<vmem>>, vector<16xf32>,
        %add3A_165 = arith.constant 3 : i32
        %add3A_166 = vector.broadcast %add3A_165 : i32 to vector<16xi32>
        %add3A_167 = arith.addi %mul3A_61, %add3A_166 : vector<16xi32>
        %gather3A_168 = tpu.vector_load_idx %arg11[%add3A_167] : memref<40000xf32, #tpu.memory_space<vmem>>[vector<16xi32>], vector<16xf32>,
        %add3A_169 = arith.constant 48 : i32
        %add3A_170 = arith.addi %mul3A_55, %add3A_169 : i32
        %swap3A_171 = arith.index_cast %add3A_170 : i32 to index
        %swap3A_172 = tpu.vector_load %arg16[%swap3A_171] {strides = array<i32>} : memref<4096xf32, #tpu.memory_space<vmem>>, vector<16xf32>,
        tpu.vector_store %arg16[%swap3A_171], %gather3A_168 {strides = array<i32>} : memref<4096xf32, #tpu.memory_space<vmem>>, vector<16xf32>,
        %add3A_173 = arith.constant 3 : i32
        %add3A_174 = vector.broadcast %add3A_173 : i32 to vector<16xi32>
        %add3A_175 = arith.addi %mul3A_64, %add3A_174 : vector<16xi32>
        %gather3A_176 = tpu.vector_load_idx %arg12[%add3A_175] : memref<40000xf32, #tpu.memory_space<vmem>>[vector<16xi32>], vector<16xf32>,
        %add3A_177 = arith.constant 48 : i32
        %add3A_178 = arith.addi %mul3A_55, %add3A_177 : i32
        %swap3A_179 = arith.index_cast %add3A_178 : i32 to index
        %swap3A_180 = tpu.vector_load %arg17[%swap3A_179] {strides = array<i32>} : memref<4096xf32, #tpu.memory_space<vmem>>, vector<16xf32>,
        tpu.vector_store %arg17[%swap3A_179], %gather3A_176 {strides = array<i32>} : memref<4096xf32, #tpu.memory_space<vmem>>, vector<16xf32>,
        %mul3A_181 = arith.constant 4 : i32
        %mul3A_182 = arith.muli %min3A_53, %mul3A_181 : i32
        %add3A_183 = arith.constant 3 : i32
        %add3A_184 = arith.addi %mul3A_182, %add3A_183 : i32
        %add3A_185 = vector.broadcast %add3A_184 : i32 to vector<16xi32>
        %add3A_186 = arith.addi %broadcast_in_dim3A_3, %add3A_185 : vector<16xi32>
        %gather3A_187 = tpu.vector_load_idx %arg12[%add3A_186] : memref<40000xf32, #tpu.memory_space<vmem>>[vector<16xi32>], vector<16xf32>,
        %add3A_188 = arith.constant 48 : i32
        %add3A_189 = arith.addi %mul3A_55, %add3A_188 : i32
        %swap3A_190 = arith.index_cast %add3A_189 : i32 to index
        %swap3A_191 = tpu.vector_load %arg18[%swap3A_190] {strides = array<i32>} : memref<4096xf32, #tpu.memory_space<vmem>>, vector<16xf32>,
        tpu.vector_store %arg18[%swap3A_190], %gather3A_187 {strides = array<i32>} : memref<4096xf32, #tpu.memory_space<vmem>>, vector<16xf32>,
        %add3A_192 = arith.constant 48 : i32
        %add3A_193 = arith.addi %mul3A_55, %add3A_192 : i32
        %swap3A_194 = arith.index_cast %add3A_193 : i32 to index
        %swap3A_195 = tpu.vector_load %arg19[%swap3A_194] {strides = array<i32>} : memref<4096xf32, #tpu.memory_space<vmem>>, vector<16xf32>,
        tpu.vector_store %arg19[%swap3A_194], %select_n3A_72 {strides = array<i32>} : memref<4096xf32, #tpu.memory_space<vmem>>, vector<16xf32>,
      }
      %scan3A_20 = arith.constant 64 : i32
      %mul3A_21 = arith.constant 4 : i32
      %mul3A_22 = arith.muli %add3A_15, %mul3A_21 : i32
      "tpu.region"() ({
        %run_scoped3A = tpu.sem_alloc : memref<!tpu.dma_semaphore, #tpu.memory_space<semaphore_mem>>
        %dma_start3A = tpu.memref_slice %arg7[%mul3A_22] : memref<655360xf32, #tpu.memory_space<hbm>> -> memref<4096xf32, #tpu.memory_space<hbm>>
        %dma_start3A_29 = tpu.memref_slice %arg7[%mul3A_22] : memref<655360xf32, #tpu.memory_space<hbm>> -> memref<4096xf32, #tpu.memory_space<hbm>>
        tpu.enqueue_dma source(%arg16 : memref<4096xf32, #tpu.memory_space<vmem>>) target(%dma_start3A_29 : memref<4096xf32, #tpu.memory_space<hbm>>) target_semaphore(%run_scoped3A : memref<!tpu.dma_semaphore, #tpu.memory_space<semaphore_mem>>)
        %dma_wait3A = tpu.memref_slice %arg7[%mul3A_22] : memref<655360xf32, #tpu.memory_space<hbm>> -> memref<4096xf32, #tpu.memory_space<hbm>>
        %dma_wait3A_30 = tpu.memref_slice %arg7[%mul3A_22] : memref<655360xf32, #tpu.memory_space<hbm>> -> memref<4096xf32, #tpu.memory_space<hbm>>
        tpu.wait_dma2 semaphore(%run_scoped3A : memref<!tpu.dma_semaphore, #tpu.memory_space<semaphore_mem>>) src(%arg16 : memref<4096xf32, #tpu.memory_space<vmem>>) dst(%dma_wait3A_30 : memref<4096xf32, #tpu.memory_space<hbm>>)
        tpu.yield
      }) : () -> ()
      %mul3A_23 = arith.constant 4 : i32
      %mul3A_24 = arith.muli %add3A_15, %mul3A_23 : i32
      "tpu.region"() ({
        %run_scoped3A = tpu.sem_alloc : memref<!tpu.dma_semaphore, #tpu.memory_space<semaphore_mem>>
        %dma_start3A = tpu.memref_slice %arg8[%mul3A_24] : memref<655360xf32, #tpu.memory_space<hbm>> -> memref<4096xf32, #tpu.memory_space<hbm>>
        %dma_start3A_29 = tpu.memref_slice %arg8[%mul3A_24] : memref<655360xf32, #tpu.memory_space<hbm>> -> memref<4096xf32, #tpu.memory_space<hbm>>
        tpu.enqueue_dma source(%arg17 : memref<4096xf32, #tpu.memory_space<vmem>>) target(%dma_start3A_29 : memref<4096xf32, #tpu.memory_space<hbm>>) target_semaphore(%run_scoped3A : memref<!tpu.dma_semaphore, #tpu.memory_space<semaphore_mem>>)
        %dma_wait3A = tpu.memref_slice %arg8[%mul3A_24] : memref<655360xf32, #tpu.memory_space<hbm>> -> memref<4096xf32, #tpu.memory_space<hbm>>
        %dma_wait3A_30 = tpu.memref_slice %arg8[%mul3A_24] : memref<655360xf32, #tpu.memory_space<hbm>> -> memref<4096xf32, #tpu.memory_space<hbm>>
        tpu.wait_dma2 semaphore(%run_scoped3A : memref<!tpu.dma_semaphore, #tpu.memory_space<semaphore_mem>>) src(%arg17 : memref<4096xf32, #tpu.memory_space<vmem>>) dst(%dma_wait3A_30 : memref<4096xf32, #tpu.memory_space<hbm>>)
        tpu.yield
      }) : () -> ()
      %mul3A_25 = arith.constant 4 : i32
      %mul3A_26 = arith.muli %add3A_15, %mul3A_25 : i32
      "tpu.region"() ({
        %run_scoped3A = tpu.sem_alloc : memref<!tpu.dma_semaphore, #tpu.memory_space<semaphore_mem>>
        %dma_start3A = tpu.memref_slice %arg9[%mul3A_26] : memref<655360xf32, #tpu.memory_space<hbm>> -> memref<4096xf32, #tpu.memory_space<hbm>>
        %dma_start3A_29 = tpu.memref_slice %arg9[%mul3A_26] : memref<655360xf32, #tpu.memory_space<hbm>> -> memref<4096xf32, #tpu.memory_space<hbm>>
        tpu.enqueue_dma source(%arg18 : memref<4096xf32, #tpu.memory_space<vmem>>) target(%dma_start3A_29 : memref<4096xf32, #tpu.memory_space<hbm>>) target_semaphore(%run_scoped3A : memref<!tpu.dma_semaphore, #tpu.memory_space<semaphore_mem>>)
        %dma_wait3A = tpu.memref_slice %arg9[%mul3A_26] : memref<655360xf32, #tpu.memory_space<hbm>> -> memref<4096xf32, #tpu.memory_space<hbm>>
        %dma_wait3A_30 = tpu.memref_slice %arg9[%mul3A_26] : memref<655360xf32, #tpu.memory_space<hbm>> -> memref<4096xf32, #tpu.memory_space<hbm>>
        tpu.wait_dma2 semaphore(%run_scoped3A : memref<!tpu.dma_semaphore, #tpu.memory_space<semaphore_mem>>) src(%arg18 : memref<4096xf32, #tpu.memory_space<vmem>>) dst(%dma_wait3A_30 : memref<4096xf32, #tpu.memory_space<hbm>>)
        tpu.yield
      }) : () -> ()
      %mul3A_27 = arith.constant 4 : i32
      %mul3A_28 = arith.muli %add3A_15, %mul3A_27 : i32
      "tpu.region"() ({
        %run_scoped3A = tpu.sem_alloc : memref<!tpu.dma_semaphore, #tpu.memory_space<semaphore_mem>>
        %dma_start3A = tpu.memref_slice %arg10[%mul3A_28] : memref<655360xf32, #tpu.memory_space<hbm>> -> memref<4096xf32, #tpu.memory_space<hbm>>
        %dma_start3A_29 = tpu.memref_slice %arg10[%mul3A_28] : memref<655360xf32, #tpu.memory_space<hbm>> -> memref<4096xf32, #tpu.memory_space<hbm>>
        tpu.enqueue_dma source(%arg19 : memref<4096xf32, #tpu.memory_space<vmem>>) target(%dma_start3A_29 : memref<4096xf32, #tpu.memory_space<hbm>>) target_semaphore(%run_scoped3A : memref<!tpu.dma_semaphore, #tpu.memory_space<semaphore_mem>>)
        %dma_wait3A = tpu.memref_slice %arg10[%mul3A_28] : memref<655360xf32, #tpu.memory_space<hbm>> -> memref<4096xf32, #tpu.memory_space<hbm>>
        %dma_wait3A_30 = tpu.memref_slice %arg10[%mul3A_28] : memref<655360xf32, #tpu.memory_space<hbm>> -> memref<4096xf32, #tpu.memory_space<hbm>>
        tpu.wait_dma2 semaphore(%run_scoped3A : memref<!tpu.dma_semaphore, #tpu.memory_space<semaphore_mem>>) src(%arg19 : memref<4096xf32, #tpu.memory_space<vmem>>) dst(%dma_wait3A_30 : memref<4096xf32, #tpu.memory_space<hbm>>)
        tpu.yield
      }) : () -> ()
    }
    %scan3A_7 = arith.constant 5 : i32
    return
  }
}

#map = affine_map<(d0, d1) -> (0, 0)>
#map1 = affine_map<(d0, d1) -> (0)>
module attributes {stable_mosaic.version = 14 : i64} {
  func.func @k(%arg0: i32, %arg1: i32, %arg2: memref<10000x128xf32, #tpu.memory_space<hbm>>, %arg3: memref<163840xi32, #tpu.memory_space<hbm>>, %arg4: memref<163840x128xf32, #tpu.memory_space<hbm>>, %arg5: memref<5120xi32, #tpu.memory_space<vmem>>, %arg6: memref<128x128xf32, #tpu.memory_space<vmem>>, %arg7: memref<128x128xf32, #tpu.memory_space<vmem>>, %arg8: memref<!tpu.dma_semaphore, #tpu.memory_space<semaphore_mem>>, %arg9: memref<!tpu.dma_semaphore, #tpu.memory_space<semaphore_mem>>, %arg10: memref<!tpu.dma_semaphore, #tpu.memory_space<semaphore_mem>>, %arg11: memref<!tpu.dma_semaphore, #tpu.memory_space<semaphore_mem>>) attributes {dimension_semantics = [#tpu.dimension_semantics<core_parallel>, #tpu.dimension_semantics<subcore_parallel>], iteration_bounds = array<i64: 2, 16>, scalar_prefetch = 0 : i64, scratch_operands = 7 : i64, tpu.core_type = #tpu.core_type<sc_vector_subcore>, window_params = [{transform_indices = #map}, {transform_indices = #map1}, {transform_indices = #map}]} {
    %mul3A = arith.constant 2 : i32
    %mul3A_0 = arith.muli %arg1, %mul3A : i32
    %add3A = arith.addi %mul3A_0, %arg0 : i32
    %mul3A_1 = arith.constant 40 : i32
    %mul3A_2 = arith.muli %add3A, %mul3A_1 : i32
    %mul3A_3 = arith.constant 128 : i32
    %mul3A_4 = arith.muli %mul3A_2, %mul3A_3 : i32
    "tpu.region"() ({
      %run_scoped3A = tpu.sem_alloc : memref<!tpu.dma_semaphore, #tpu.memory_space<semaphore_mem>>
      %dma_start3A_883 = tpu.memref_slice %arg3[%mul3A_4] : memref<163840xi32, #tpu.memory_space<hbm>> -> memref<5120xi32, #tpu.memory_space<hbm>>
      %dma_start3A_884 = tpu.memref_slice %arg3[%mul3A_4] : memref<163840xi32, #tpu.memory_space<hbm>> -> memref<5120xi32, #tpu.memory_space<hbm>>
      tpu.enqueue_dma source(%dma_start3A_884 : memref<5120xi32, #tpu.memory_space<hbm>>) target(%arg5 : memref<5120xi32, #tpu.memory_space<vmem>>) target_semaphore(%run_scoped3A : memref<!tpu.dma_semaphore, #tpu.memory_space<semaphore_mem>>)
      %dma_wait3A_885 = tpu.memref_slice %arg3[%mul3A_4] : memref<163840xi32, #tpu.memory_space<hbm>> -> memref<5120xi32, #tpu.memory_space<hbm>>
      %dma_wait3A_886 = tpu.memref_slice %arg3[%mul3A_4] : memref<163840xi32, #tpu.memory_space<hbm>> -> memref<5120xi32, #tpu.memory_space<hbm>>
      tpu.wait_dma2 semaphore(%run_scoped3A : memref<!tpu.dma_semaphore, #tpu.memory_space<semaphore_mem>>) src(%dma_wait3A_886 : memref<5120xi32, #tpu.memory_space<hbm>>) dst(%arg5 : memref<5120xi32, #tpu.memory_space<vmem>>)
      tpu.yield
    }) : () -> ()
    %dma_start3A = arith.constant 0 : i32
    %dma_start3A_5 = tpu.memref_slice %arg5[%dma_start3A] : memref<5120xi32, #tpu.memory_space<vmem>> -> memref<128xi32, #tpu.memory_space<vmem>>
    %dma_start3A_6 = arith.constant 0 : i32
    %dma_start3A_7 = arith.constant 0 : i32
    %dma_start3A_8 = tpu.memref_slice %arg2[%dma_start3A_6, %dma_start3A_7] : memref<10000x128xf32, #tpu.memory_space<hbm>> -> memref<10000x128xf32, #tpu.memory_space<hbm>>
    tpu.enqueue_indirect_dma source(%dma_start3A_8 : memref<10000x128xf32, #tpu.memory_space<hbm>>) target(%arg6 : memref<128x128xf32, #tpu.memory_space<vmem>>) offsets(%dma_start3A_5 : memref<128xi32, #tpu.memory_space<vmem>>) semaphore(%arg8 : memref<!tpu.dma_semaphore, #tpu.memory_space<semaphore_mem>>)
    %dma_start3A_9 = arith.constant 128 : i32
    %dma_start3A_10 = tpu.memref_slice %arg5[%dma_start3A_9] : memref<5120xi32, #tpu.memory_space<vmem>> -> memref<128xi32, #tpu.memory_space<vmem>>
    %dma_start3A_11 = arith.constant 0 : i32
    %dma_start3A_12 = arith.constant 0 : i32
    %dma_start3A_13 = tpu.memref_slice %arg2[%dma_start3A_11, %dma_start3A_12] : memref<10000x128xf32, #tpu.memory_space<hbm>> -> memref<10000x128xf32, #tpu.memory_space<hbm>>
    tpu.enqueue_indirect_dma source(%dma_start3A_13 : memref<10000x128xf32, #tpu.memory_space<hbm>>) target(%arg7 : memref<128x128xf32, #tpu.memory_space<vmem>>) offsets(%dma_start3A_10 : memref<128xi32, #tpu.memory_space<vmem>>) semaphore(%arg9 : memref<!tpu.dma_semaphore, #tpu.memory_space<semaphore_mem>>)
    %dma_wait3A = arith.constant 0 : i32
    %dma_wait3A_14 = tpu.memref_slice %arg5[%dma_wait3A] : memref<5120xi32, #tpu.memory_space<vmem>> -> memref<128xi32, #tpu.memory_space<vmem>>
    %dma_wait3A_15 = arith.constant 0 : i32
    %dma_wait3A_16 = arith.constant 0 : i32
    %dma_wait3A_17 = tpu.memref_slice %arg2[%dma_wait3A_15, %dma_wait3A_16] : memref<10000x128xf32, #tpu.memory_space<hbm>> -> memref<10000x128xf32, #tpu.memory_space<hbm>>
    tpu.wait_indirect_dma semaphore(%arg8 : memref<!tpu.dma_semaphore, #tpu.memory_space<semaphore_mem>>) src(%dma_wait3A_17 : memref<10000x128xf32, #tpu.memory_space<hbm>>) dst(%arg6 : memref<128x128xf32, #tpu.memory_space<vmem>>)
    %add3A_18 = arith.constant 0 : i32
    %add3A_19 = arith.addi %mul3A_2, %add3A_18 : i32
    %mul3A_20 = arith.constant 128 : i32
    %mul3A_21 = arith.muli %add3A_19, %mul3A_20 : i32
    %dma_start3A_22 = arith.constant 0 : i32
    %dma_start3A_23 = tpu.memref_slice %arg4[%mul3A_21, %dma_start3A_22] : memref<163840x128xf32, #tpu.memory_space<hbm>> -> memref<128x128xf32, #tpu.memory_space<hbm>>
    %dma_start3A_24 = arith.constant 0 : i32
    %dma_start3A_25 = tpu.memref_slice %arg4[%mul3A_21, %dma_start3A_24] : memref<163840x128xf32, #tpu.memory_space<hbm>> -> memref<128x128xf32, #tpu.memory_space<hbm>>
    tpu.enqueue_dma source(%arg6 : memref<128x128xf32, #tpu.memory_space<vmem>>) target(%dma_start3A_25 : memref<128x128xf32, #tpu.memory_space<hbm>>) target_semaphore(%arg10 : memref<!tpu.dma_semaphore, #tpu.memory_space<semaphore_mem>>)
    %dma_wait3A_26 = arith.constant 0 : i32
    %dma_wait3A_27 = tpu.memref_slice %arg4[%mul3A_21, %dma_wait3A_26] : memref<163840x128xf32, #tpu.memory_space<hbm>> -> memref<128x128xf32, #tpu.memory_space<hbm>>
    %dma_wait3A_28 = arith.constant 0 : i32
    %dma_wait3A_29 = tpu.memref_slice %arg4[%mul3A_21, %dma_wait3A_28] : memref<163840x128xf32, #tpu.memory_space<hbm>> -> memref<128x128xf32, #tpu.memory_space<hbm>>
    tpu.wait_dma2 semaphore(%arg10 : memref<!tpu.dma_semaphore, #tpu.memory_space<semaphore_mem>>) src(%arg6 : memref<128x128xf32, #tpu.memory_space<vmem>>) dst(%dma_wait3A_29 : memref<128x128xf32, #tpu.memory_space<hbm>>)
    %dma_start3A_30 = arith.constant 256 : i32
    %dma_start3A_31 = tpu.memref_slice %arg5[%dma_start3A_30] : memref<5120xi32, #tpu.memory_space<vmem>> -> memref<128xi32, #tpu.memory_space<vmem>>
    %dma_start3A_32 = arith.constant 0 : i32
    %dma_start3A_33 = arith.constant 0 : i32
    %dma_start3A_34 = tpu.memref_slice %arg2[%dma_start3A_32, %dma_start3A_33] : memref<10000x128xf32, #tpu.memory_space<hbm>> -> memref<10000x128xf32, #tpu.memory_space<hbm>>
    tpu.enqueue_indirect_dma source(%dma_start3A_34 : memref<10000x128xf32, #tpu.memory_space<hbm>>) target(%arg6 : memref<128x128xf32, #tpu.memory_space<vmem>>) offsets(%dma_start3A_31 : memref<128xi32, #tpu.memory_space<vmem>>) semaphore(%arg8 : memref<!tpu.dma_semaphore, #tpu.memory_space<semaphore_mem>>)
    %dma_wait3A_35 = arith.constant 128 : i32
    %dma_wait3A_36 = tpu.memref_slice %arg5[%dma_wait3A_35] : memref<5120xi32, #tpu.memory_space<vmem>> -> memref<128xi32, #tpu.memory_space<vmem>>
    %dma_wait3A_37 = arith.constant 0 : i32
    %dma_wait3A_38 = arith.constant 0 : i32
    %dma_wait3A_39 = tpu.memref_slice %arg2[%dma_wait3A_37, %dma_wait3A_38] : memref<10000x128xf32, #tpu.memory_space<hbm>> -> memref<10000x128xf32, #tpu.memory_space<hbm>>
    tpu.wait_indirect_dma semaphore(%arg9 : memref<!tpu.dma_semaphore, #tpu.memory_space<semaphore_mem>>) src(%dma_wait3A_39 : memref<10000x128xf32, #tpu.memory_space<hbm>>) dst(%arg7 : memref<128x128xf32, #tpu.memory_space<vmem>>)
    %add3A_40 = arith.constant 1 : i32
    %add3A_41 = arith.addi %mul3A_2, %add3A_40 : i32
    %mul3A_42 = arith.constant 128 : i32
    %mul3A_43 = arith.muli %add3A_41, %mul3A_42 : i32
    %dma_start3A_44 = arith.constant 0 : i32
    %dma_start3A_45 = tpu.memref_slice %arg4[%mul3A_43, %dma_start3A_44] : memref<163840x128xf32, #tpu.memory_space<hbm>> -> memref<128x128xf32, #tpu.memory_space<hbm>>
    %dma_start3A_46 = arith.constant 0 : i32
    %dma_start3A_47 = tpu.memref_slice %arg4[%mul3A_43, %dma_start3A_46] : memref<163840x128xf32, #tpu.memory_space<hbm>> -> memref<128x128xf32, #tpu.memory_space<hbm>>
    tpu.enqueue_dma source(%arg7 : memref<128x128xf32, #tpu.memory_space<vmem>>) target(%dma_start3A_47 : memref<128x128xf32, #tpu.memory_space<hbm>>) target_semaphore(%arg11 : memref<!tpu.dma_semaphore, #tpu.memory_space<semaphore_mem>>)
    %dma_wait3A_48 = arith.constant 0 : i32
    %dma_wait3A_49 = tpu.memref_slice %arg4[%mul3A_43, %dma_wait3A_48] : memref<163840x128xf32, #tpu.memory_space<hbm>> -> memref<128x128xf32, #tpu.memory_space<hbm>>
    %dma_wait3A_50 = arith.constant 0 : i32
    %dma_wait3A_51 = tpu.memref_slice %arg4[%mul3A_43, %dma_wait3A_50] : memref<163840x128xf32, #tpu.memory_space<hbm>> -> memref<128x128xf32, #tpu.memory_space<hbm>>
    tpu.wait_dma2 semaphore(%arg11 : memref<!tpu.dma_semaphore, #tpu.memory_space<semaphore_mem>>) src(%arg7 : memref<128x128xf32, #tpu.memory_space<vmem>>) dst(%dma_wait3A_51 : memref<128x128xf32, #tpu.memory_space<hbm>>)
    %dma_start3A_52 = arith.constant 384 : i32
    %dma_start3A_53 = tpu.memref_slice %arg5[%dma_start3A_52] : memref<5120xi32, #tpu.memory_space<vmem>> -> memref<128xi32, #tpu.memory_space<vmem>>
    %dma_start3A_54 = arith.constant 0 : i32
    %dma_start3A_55 = arith.constant 0 : i32
    %dma_start3A_56 = tpu.memref_slice %arg2[%dma_start3A_54, %dma_start3A_55] : memref<10000x128xf32, #tpu.memory_space<hbm>> -> memref<10000x128xf32, #tpu.memory_space<hbm>>
    tpu.enqueue_indirect_dma source(%dma_start3A_56 : memref<10000x128xf32, #tpu.memory_space<hbm>>) target(%arg7 : memref<128x128xf32, #tpu.memory_space<vmem>>) offsets(%dma_start3A_53 : memref<128xi32, #tpu.memory_space<vmem>>) semaphore(%arg9 : memref<!tpu.dma_semaphore, #tpu.memory_space<semaphore_mem>>)
    %dma_wait3A_57 = arith.constant 256 : i32
    %dma_wait3A_58 = tpu.memref_slice %arg5[%dma_wait3A_57] : memref<5120xi32, #tpu.memory_space<vmem>> -> memref<128xi32, #tpu.memory_space<vmem>>
    %dma_wait3A_59 = arith.constant 0 : i32
    %dma_wait3A_60 = arith.constant 0 : i32
    %dma_wait3A_61 = tpu.memref_slice %arg2[%dma_wait3A_59, %dma_wait3A_60] : memref<10000x128xf32, #tpu.memory_space<hbm>> -> memref<10000x128xf32, #tpu.memory_space<hbm>>
    tpu.wait_indirect_dma semaphore(%arg8 : memref<!tpu.dma_semaphore, #tpu.memory_space<semaphore_mem>>) src(%dma_wait3A_61 : memref<10000x128xf32, #tpu.memory_space<hbm>>) dst(%arg6 : memref<128x128xf32, #tpu.memory_space<vmem>>)
    %add3A_62 = arith.constant 2 : i32
    %add3A_63 = arith.addi %mul3A_2, %add3A_62 : i32
    %mul3A_64 = arith.constant 128 : i32
    %mul3A_65 = arith.muli %add3A_63, %mul3A_64 : i32
    %dma_start3A_66 = arith.constant 0 : i32
    %dma_start3A_67 = tpu.memref_slice %arg4[%mul3A_65, %dma_start3A_66] : memref<163840x128xf32, #tpu.memory_space<hbm>> -> memref<128x128xf32, #tpu.memory_space<hbm>>
    %dma_start3A_68 = arith.constant 0 : i32
    %dma_start3A_69 = tpu.memref_slice %arg4[%mul3A_65, %dma_start3A_68] : memref<163840x128xf32, #tpu.memory_space<hbm>> -> memref<128x128xf32, #tpu.memory_space<hbm>>
    tpu.enqueue_dma source(%arg6 : memref<128x128xf32, #tpu.memory_space<vmem>>) target(%dma_start3A_69 : memref<128x128xf32, #tpu.memory_space<hbm>>) target_semaphore(%arg10 : memref<!tpu.dma_semaphore, #tpu.memory_space<semaphore_mem>>)
    %dma_wait3A_70 = arith.constant 0 : i32
    %dma_wait3A_71 = tpu.memref_slice %arg4[%mul3A_65, %dma_wait3A_70] : memref<163840x128xf32, #tpu.memory_space<hbm>> -> memref<128x128xf32, #tpu.memory_space<hbm>>
    %dma_wait3A_72 = arith.constant 0 : i32
    %dma_wait3A_73 = tpu.memref_slice %arg4[%mul3A_65, %dma_wait3A_72] : memref<163840x128xf32, #tpu.memory_space<hbm>> -> memref<128x128xf32, #tpu.memory_space<hbm>>
    tpu.wait_dma2 semaphore(%arg10 : memref<!tpu.dma_semaphore, #tpu.memory_space<semaphore_mem>>) src(%arg6 : memref<128x128xf32, #tpu.memory_space<vmem>>) dst(%dma_wait3A_73 : memref<128x128xf32, #tpu.memory_space<hbm>>)
    %dma_start3A_74 = arith.constant 512 : i32
    %dma_start3A_75 = tpu.memref_slice %arg5[%dma_start3A_74] : memref<5120xi32, #tpu.memory_space<vmem>> -> memref<128xi32, #tpu.memory_space<vmem>>
    %dma_start3A_76 = arith.constant 0 : i32
    %dma_start3A_77 = arith.constant 0 : i32
    %dma_start3A_78 = tpu.memref_slice %arg2[%dma_start3A_76, %dma_start3A_77] : memref<10000x128xf32, #tpu.memory_space<hbm>> -> memref<10000x128xf32, #tpu.memory_space<hbm>>
    tpu.enqueue_indirect_dma source(%dma_start3A_78 : memref<10000x128xf32, #tpu.memory_space<hbm>>) target(%arg6 : memref<128x128xf32, #tpu.memory_space<vmem>>) offsets(%dma_start3A_75 : memref<128xi32, #tpu.memory_space<vmem>>) semaphore(%arg8 : memref<!tpu.dma_semaphore, #tpu.memory_space<semaphore_mem>>)
    %dma_wait3A_79 = arith.constant 384 : i32
    %dma_wait3A_80 = tpu.memref_slice %arg5[%dma_wait3A_79] : memref<5120xi32, #tpu.memory_space<vmem>> -> memref<128xi32, #tpu.memory_space<vmem>>
    %dma_wait3A_81 = arith.constant 0 : i32
    %dma_wait3A_82 = arith.constant 0 : i32
    %dma_wait3A_83 = tpu.memref_slice %arg2[%dma_wait3A_81, %dma_wait3A_82] : memref<10000x128xf32, #tpu.memory_space<hbm>> -> memref<10000x128xf32, #tpu.memory_space<hbm>>
    tpu.wait_indirect_dma semaphore(%arg9 : memref<!tpu.dma_semaphore, #tpu.memory_space<semaphore_mem>>) src(%dma_wait3A_83 : memref<10000x128xf32, #tpu.memory_space<hbm>>) dst(%arg7 : memref<128x128xf32, #tpu.memory_space<vmem>>)
    %add3A_84 = arith.constant 3 : i32
    %add3A_85 = arith.addi %mul3A_2, %add3A_84 : i32
    %mul3A_86 = arith.constant 128 : i32
    %mul3A_87 = arith.muli %add3A_85, %mul3A_86 : i32
    %dma_start3A_88 = arith.constant 0 : i32
    %dma_start3A_89 = tpu.memref_slice %arg4[%mul3A_87, %dma_start3A_88] : memref<163840x128xf32, #tpu.memory_space<hbm>> -> memref<128x128xf32, #tpu.memory_space<hbm>>
    %dma_start3A_90 = arith.constant 0 : i32
    %dma_start3A_91 = tpu.memref_slice %arg4[%mul3A_87, %dma_start3A_90] : memref<163840x128xf32, #tpu.memory_space<hbm>> -> memref<128x128xf32, #tpu.memory_space<hbm>>
    tpu.enqueue_dma source(%arg7 : memref<128x128xf32, #tpu.memory_space<vmem>>) target(%dma_start3A_91 : memref<128x128xf32, #tpu.memory_space<hbm>>) target_semaphore(%arg11 : memref<!tpu.dma_semaphore, #tpu.memory_space<semaphore_mem>>)
    %dma_wait3A_92 = arith.constant 0 : i32
    %dma_wait3A_93 = tpu.memref_slice %arg4[%mul3A_87, %dma_wait3A_92] : memref<163840x128xf32, #tpu.memory_space<hbm>> -> memref<128x128xf32, #tpu.memory_space<hbm>>
    %dma_wait3A_94 = arith.constant 0 : i32
    %dma_wait3A_95 = tpu.memref_slice %arg4[%mul3A_87, %dma_wait3A_94] : memref<163840x128xf32, #tpu.memory_space<hbm>> -> memref<128x128xf32, #tpu.memory_space<hbm>>
    tpu.wait_dma2 semaphore(%arg11 : memref<!tpu.dma_semaphore, #tpu.memory_space<semaphore_mem>>) src(%arg7 : memref<128x128xf32, #tpu.memory_space<vmem>>) dst(%dma_wait3A_95 : memref<128x128xf32, #tpu.memory_space<hbm>>)
    %dma_start3A_96 = arith.constant 640 : i32
    %dma_start3A_97 = tpu.memref_slice %arg5[%dma_start3A_96] : memref<5120xi32, #tpu.memory_space<vmem>> -> memref<128xi32, #tpu.memory_space<vmem>>
    %dma_start3A_98 = arith.constant 0 : i32
    %dma_start3A_99 = arith.constant 0 : i32
    %dma_start3A_100 = tpu.memref_slice %arg2[%dma_start3A_98, %dma_start3A_99] : memref<10000x128xf32, #tpu.memory_space<hbm>> -> memref<10000x128xf32, #tpu.memory_space<hbm>>
    tpu.enqueue_indirect_dma source(%dma_start3A_100 : memref<10000x128xf32, #tpu.memory_space<hbm>>) target(%arg7 : memref<128x128xf32, #tpu.memory_space<vmem>>) offsets(%dma_start3A_97 : memref<128xi32, #tpu.memory_space<vmem>>) semaphore(%arg9 : memref<!tpu.dma_semaphore, #tpu.memory_space<semaphore_mem>>)
    %dma_wait3A_101 = arith.constant 512 : i32
    %dma_wait3A_102 = tpu.memref_slice %arg5[%dma_wait3A_101] : memref<5120xi32, #tpu.memory_space<vmem>> -> memref<128xi32, #tpu.memory_space<vmem>>
    %dma_wait3A_103 = arith.constant 0 : i32
    %dma_wait3A_104 = arith.constant 0 : i32
    %dma_wait3A_105 = tpu.memref_slice %arg2[%dma_wait3A_103, %dma_wait3A_104] : memref<10000x128xf32, #tpu.memory_space<hbm>> -> memref<10000x128xf32, #tpu.memory_space<hbm>>
    tpu.wait_indirect_dma semaphore(%arg8 : memref<!tpu.dma_semaphore, #tpu.memory_space<semaphore_mem>>) src(%dma_wait3A_105 : memref<10000x128xf32, #tpu.memory_space<hbm>>) dst(%arg6 : memref<128x128xf32, #tpu.memory_space<vmem>>)
    %add3A_106 = arith.constant 4 : i32
    %add3A_107 = arith.addi %mul3A_2, %add3A_106 : i32
    %mul3A_108 = arith.constant 128 : i32
    %mul3A_109 = arith.muli %add3A_107, %mul3A_108 : i32
    %dma_start3A_110 = arith.constant 0 : i32
    %dma_start3A_111 = tpu.memref_slice %arg4[%mul3A_109, %dma_start3A_110] : memref<163840x128xf32, #tpu.memory_space<hbm>> -> memref<128x128xf32, #tpu.memory_space<hbm>>
    %dma_start3A_112 = arith.constant 0 : i32
    %dma_start3A_113 = tpu.memref_slice %arg4[%mul3A_109, %dma_start3A_112] : memref<163840x128xf32, #tpu.memory_space<hbm>> -> memref<128x128xf32, #tpu.memory_space<hbm>>
    tpu.enqueue_dma source(%arg6 : memref<128x128xf32, #tpu.memory_space<vmem>>) target(%dma_start3A_113 : memref<128x128xf32, #tpu.memory_space<hbm>>) target_semaphore(%arg10 : memref<!tpu.dma_semaphore, #tpu.memory_space<semaphore_mem>>)
    %dma_wait3A_114 = arith.constant 0 : i32
    %dma_wait3A_115 = tpu.memref_slice %arg4[%mul3A_109, %dma_wait3A_114] : memref<163840x128xf32, #tpu.memory_space<hbm>> -> memref<128x128xf32, #tpu.memory_space<hbm>>
    %dma_wait3A_116 = arith.constant 0 : i32
    %dma_wait3A_117 = tpu.memref_slice %arg4[%mul3A_109, %dma_wait3A_116] : memref<163840x128xf32, #tpu.memory_space<hbm>> -> memref<128x128xf32, #tpu.memory_space<hbm>>
    tpu.wait_dma2 semaphore(%arg10 : memref<!tpu.dma_semaphore, #tpu.memory_space<semaphore_mem>>) src(%arg6 : memref<128x128xf32, #tpu.memory_space<vmem>>) dst(%dma_wait3A_117 : memref<128x128xf32, #tpu.memory_space<hbm>>)
    %dma_start3A_118 = arith.constant 768 : i32
    %dma_start3A_119 = tpu.memref_slice %arg5[%dma_start3A_118] : memref<5120xi32, #tpu.memory_space<vmem>> -> memref<128xi32, #tpu.memory_space<vmem>>
    %dma_start3A_120 = arith.constant 0 : i32
    %dma_start3A_121 = arith.constant 0 : i32
    %dma_start3A_122 = tpu.memref_slice %arg2[%dma_start3A_120, %dma_start3A_121] : memref<10000x128xf32, #tpu.memory_space<hbm>> -> memref<10000x128xf32, #tpu.memory_space<hbm>>
    tpu.enqueue_indirect_dma source(%dma_start3A_122 : memref<10000x128xf32, #tpu.memory_space<hbm>>) target(%arg6 : memref<128x128xf32, #tpu.memory_space<vmem>>) offsets(%dma_start3A_119 : memref<128xi32, #tpu.memory_space<vmem>>) semaphore(%arg8 : memref<!tpu.dma_semaphore, #tpu.memory_space<semaphore_mem>>)
    %dma_wait3A_123 = arith.constant 640 : i32
    %dma_wait3A_124 = tpu.memref_slice %arg5[%dma_wait3A_123] : memref<5120xi32, #tpu.memory_space<vmem>> -> memref<128xi32, #tpu.memory_space<vmem>>
    %dma_wait3A_125 = arith.constant 0 : i32
    %dma_wait3A_126 = arith.constant 0 : i32
    %dma_wait3A_127 = tpu.memref_slice %arg2[%dma_wait3A_125, %dma_wait3A_126] : memref<10000x128xf32, #tpu.memory_space<hbm>> -> memref<10000x128xf32, #tpu.memory_space<hbm>>
    tpu.wait_indirect_dma semaphore(%arg9 : memref<!tpu.dma_semaphore, #tpu.memory_space<semaphore_mem>>) src(%dma_wait3A_127 : memref<10000x128xf32, #tpu.memory_space<hbm>>) dst(%arg7 : memref<128x128xf32, #tpu.memory_space<vmem>>)
    %add3A_128 = arith.constant 5 : i32
    %add3A_129 = arith.addi %mul3A_2, %add3A_128 : i32
    %mul3A_130 = arith.constant 128 : i32
    %mul3A_131 = arith.muli %add3A_129, %mul3A_130 : i32
    %dma_start3A_132 = arith.constant 0 : i32
    %dma_start3A_133 = tpu.memref_slice %arg4[%mul3A_131, %dma_start3A_132] : memref<163840x128xf32, #tpu.memory_space<hbm>> -> memref<128x128xf32, #tpu.memory_space<hbm>>
    %dma_start3A_134 = arith.constant 0 : i32
    %dma_start3A_135 = tpu.memref_slice %arg4[%mul3A_131, %dma_start3A_134] : memref<163840x128xf32, #tpu.memory_space<hbm>> -> memref<128x128xf32, #tpu.memory_space<hbm>>
    tpu.enqueue_dma source(%arg7 : memref<128x128xf32, #tpu.memory_space<vmem>>) target(%dma_start3A_135 : memref<128x128xf32, #tpu.memory_space<hbm>>) target_semaphore(%arg11 : memref<!tpu.dma_semaphore, #tpu.memory_space<semaphore_mem>>)
    %dma_wait3A_136 = arith.constant 0 : i32
    %dma_wait3A_137 = tpu.memref_slice %arg4[%mul3A_131, %dma_wait3A_136] : memref<163840x128xf32, #tpu.memory_space<hbm>> -> memref<128x128xf32, #tpu.memory_space<hbm>>
    %dma_wait3A_138 = arith.constant 0 : i32
    %dma_wait3A_139 = tpu.memref_slice %arg4[%mul3A_131, %dma_wait3A_138] : memref<163840x128xf32, #tpu.memory_space<hbm>> -> memref<128x128xf32, #tpu.memory_space<hbm>>
    tpu.wait_dma2 semaphore(%arg11 : memref<!tpu.dma_semaphore, #tpu.memory_space<semaphore_mem>>) src(%arg7 : memref<128x128xf32, #tpu.memory_space<vmem>>) dst(%dma_wait3A_139 : memref<128x128xf32, #tpu.memory_space<hbm>>)
    %dma_start3A_140 = arith.constant 896 : i32
    %dma_start3A_141 = tpu.memref_slice %arg5[%dma_start3A_140] : memref<5120xi32, #tpu.memory_space<vmem>> -> memref<128xi32, #tpu.memory_space<vmem>>
    %dma_start3A_142 = arith.constant 0 : i32
    %dma_start3A_143 = arith.constant 0 : i32
    %dma_start3A_144 = tpu.memref_slice %arg2[%dma_start3A_142, %dma_start3A_143] : memref<10000x128xf32, #tpu.memory_space<hbm>> -> memref<10000x128xf32, #tpu.memory_space<hbm>>
    tpu.enqueue_indirect_dma source(%dma_start3A_144 : memref<10000x128xf32, #tpu.memory_space<hbm>>) target(%arg7 : memref<128x128xf32, #tpu.memory_space<vmem>>) offsets(%dma_start3A_141 : memref<128xi32, #tpu.memory_space<vmem>>) semaphore(%arg9 : memref<!tpu.dma_semaphore, #tpu.memory_space<semaphore_mem>>)
    %dma_wait3A_145 = arith.constant 768 : i32
    %dma_wait3A_146 = tpu.memref_slice %arg5[%dma_wait3A_145] : memref<5120xi32, #tpu.memory_space<vmem>> -> memref<128xi32, #tpu.memory_space<vmem>>
    %dma_wait3A_147 = arith.constant 0 : i32
    %dma_wait3A_148 = arith.constant 0 : i32
    %dma_wait3A_149 = tpu.memref_slice %arg2[%dma_wait3A_147, %dma_wait3A_148] : memref<10000x128xf32, #tpu.memory_space<hbm>> -> memref<10000x128xf32, #tpu.memory_space<hbm>>
    tpu.wait_indirect_dma semaphore(%arg8 : memref<!tpu.dma_semaphore, #tpu.memory_space<semaphore_mem>>) src(%dma_wait3A_149 : memref<10000x128xf32, #tpu.memory_space<hbm>>) dst(%arg6 : memref<128x128xf32, #tpu.memory_space<vmem>>)
    %add3A_150 = arith.constant 6 : i32
    %add3A_151 = arith.addi %mul3A_2, %add3A_150 : i32
    %mul3A_152 = arith.constant 128 : i32
    %mul3A_153 = arith.muli %add3A_151, %mul3A_152 : i32
    %dma_start3A_154 = arith.constant 0 : i32
    %dma_start3A_155 = tpu.memref_slice %arg4[%mul3A_153, %dma_start3A_154] : memref<163840x128xf32, #tpu.memory_space<hbm>> -> memref<128x128xf32, #tpu.memory_space<hbm>>
    %dma_start3A_156 = arith.constant 0 : i32
    %dma_start3A_157 = tpu.memref_slice %arg4[%mul3A_153, %dma_start3A_156] : memref<163840x128xf32, #tpu.memory_space<hbm>> -> memref<128x128xf32, #tpu.memory_space<hbm>>
    tpu.enqueue_dma source(%arg6 : memref<128x128xf32, #tpu.memory_space<vmem>>) target(%dma_start3A_157 : memref<128x128xf32, #tpu.memory_space<hbm>>) target_semaphore(%arg10 : memref<!tpu.dma_semaphore, #tpu.memory_space<semaphore_mem>>)
    %dma_wait3A_158 = arith.constant 0 : i32
    %dma_wait3A_159 = tpu.memref_slice %arg4[%mul3A_153, %dma_wait3A_158] : memref<163840x128xf32, #tpu.memory_space<hbm>> -> memref<128x128xf32, #tpu.memory_space<hbm>>
    %dma_wait3A_160 = arith.constant 0 : i32
    %dma_wait3A_161 = tpu.memref_slice %arg4[%mul3A_153, %dma_wait3A_160] : memref<163840x128xf32, #tpu.memory_space<hbm>> -> memref<128x128xf32, #tpu.memory_space<hbm>>
    tpu.wait_dma2 semaphore(%arg10 : memref<!tpu.dma_semaphore, #tpu.memory_space<semaphore_mem>>) src(%arg6 : memref<128x128xf32, #tpu.memory_space<vmem>>) dst(%dma_wait3A_161 : memref<128x128xf32, #tpu.memory_space<hbm>>)
    %dma_start3A_162 = arith.constant 1024 : i32
    %dma_start3A_163 = tpu.memref_slice %arg5[%dma_start3A_162] : memref<5120xi32, #tpu.memory_space<vmem>> -> memref<128xi32, #tpu.memory_space<vmem>>
    %dma_start3A_164 = arith.constant 0 : i32
    %dma_start3A_165 = arith.constant 0 : i32
    %dma_start3A_166 = tpu.memref_slice %arg2[%dma_start3A_164, %dma_start3A_165] : memref<10000x128xf32, #tpu.memory_space<hbm>> -> memref<10000x128xf32, #tpu.memory_space<hbm>>
    tpu.enqueue_indirect_dma source(%dma_start3A_166 : memref<10000x128xf32, #tpu.memory_space<hbm>>) target(%arg6 : memref<128x128xf32, #tpu.memory_space<vmem>>) offsets(%dma_start3A_163 : memref<128xi32, #tpu.memory_space<vmem>>) semaphore(%arg8 : memref<!tpu.dma_semaphore, #tpu.memory_space<semaphore_mem>>)
    %dma_wait3A_167 = arith.constant 896 : i32
    %dma_wait3A_168 = tpu.memref_slice %arg5[%dma_wait3A_167] : memref<5120xi32, #tpu.memory_space<vmem>> -> memref<128xi32, #tpu.memory_space<vmem>>
    %dma_wait3A_169 = arith.constant 0 : i32
    %dma_wait3A_170 = arith.constant 0 : i32
    %dma_wait3A_171 = tpu.memref_slice %arg2[%dma_wait3A_169, %dma_wait3A_170] : memref<10000x128xf32, #tpu.memory_space<hbm>> -> memref<10000x128xf32, #tpu.memory_space<hbm>>
    tpu.wait_indirect_dma semaphore(%arg9 : memref<!tpu.dma_semaphore, #tpu.memory_space<semaphore_mem>>) src(%dma_wait3A_171 : memref<10000x128xf32, #tpu.memory_space<hbm>>) dst(%arg7 : memref<128x128xf32, #tpu.memory_space<vmem>>)
    %add3A_172 = arith.constant 7 : i32
    %add3A_173 = arith.addi %mul3A_2, %add3A_172 : i32
    %mul3A_174 = arith.constant 128 : i32
    %mul3A_175 = arith.muli %add3A_173, %mul3A_174 : i32
    %dma_start3A_176 = arith.constant 0 : i32
    %dma_start3A_177 = tpu.memref_slice %arg4[%mul3A_175, %dma_start3A_176] : memref<163840x128xf32, #tpu.memory_space<hbm>> -> memref<128x128xf32, #tpu.memory_space<hbm>>
    %dma_start3A_178 = arith.constant 0 : i32
    %dma_start3A_179 = tpu.memref_slice %arg4[%mul3A_175, %dma_start3A_178] : memref<163840x128xf32, #tpu.memory_space<hbm>> -> memref<128x128xf32, #tpu.memory_space<hbm>>
    tpu.enqueue_dma source(%arg7 : memref<128x128xf32, #tpu.memory_space<vmem>>) target(%dma_start3A_179 : memref<128x128xf32, #tpu.memory_space<hbm>>) target_semaphore(%arg11 : memref<!tpu.dma_semaphore, #tpu.memory_space<semaphore_mem>>)
    %dma_wait3A_180 = arith.constant 0 : i32
    %dma_wait3A_181 = tpu.memref_slice %arg4[%mul3A_175, %dma_wait3A_180] : memref<163840x128xf32, #tpu.memory_space<hbm>> -> memref<128x128xf32, #tpu.memory_space<hbm>>
    %dma_wait3A_182 = arith.constant 0 : i32
    %dma_wait3A_183 = tpu.memref_slice %arg4[%mul3A_175, %dma_wait3A_182] : memref<163840x128xf32, #tpu.memory_space<hbm>> -> memref<128x128xf32, #tpu.memory_space<hbm>>
    tpu.wait_dma2 semaphore(%arg11 : memref<!tpu.dma_semaphore, #tpu.memory_space<semaphore_mem>>) src(%arg7 : memref<128x128xf32, #tpu.memory_space<vmem>>) dst(%dma_wait3A_183 : memref<128x128xf32, #tpu.memory_space<hbm>>)
    %dma_start3A_184 = arith.constant 1152 : i32
    %dma_start3A_185 = tpu.memref_slice %arg5[%dma_start3A_184] : memref<5120xi32, #tpu.memory_space<vmem>> -> memref<128xi32, #tpu.memory_space<vmem>>
    %dma_start3A_186 = arith.constant 0 : i32
    %dma_start3A_187 = arith.constant 0 : i32
    %dma_start3A_188 = tpu.memref_slice %arg2[%dma_start3A_186, %dma_start3A_187] : memref<10000x128xf32, #tpu.memory_space<hbm>> -> memref<10000x128xf32, #tpu.memory_space<hbm>>
    tpu.enqueue_indirect_dma source(%dma_start3A_188 : memref<10000x128xf32, #tpu.memory_space<hbm>>) target(%arg7 : memref<128x128xf32, #tpu.memory_space<vmem>>) offsets(%dma_start3A_185 : memref<128xi32, #tpu.memory_space<vmem>>) semaphore(%arg9 : memref<!tpu.dma_semaphore, #tpu.memory_space<semaphore_mem>>)
    %dma_wait3A_189 = arith.constant 1024 : i32
    %dma_wait3A_190 = tpu.memref_slice %arg5[%dma_wait3A_189] : memref<5120xi32, #tpu.memory_space<vmem>> -> memref<128xi32, #tpu.memory_space<vmem>>
    %dma_wait3A_191 = arith.constant 0 : i32
    %dma_wait3A_192 = arith.constant 0 : i32
    %dma_wait3A_193 = tpu.memref_slice %arg2[%dma_wait3A_191, %dma_wait3A_192] : memref<10000x128xf32, #tpu.memory_space<hbm>> -> memref<10000x128xf32, #tpu.memory_space<hbm>>
    tpu.wait_indirect_dma semaphore(%arg8 : memref<!tpu.dma_semaphore, #tpu.memory_space<semaphore_mem>>) src(%dma_wait3A_193 : memref<10000x128xf32, #tpu.memory_space<hbm>>) dst(%arg6 : memref<128x128xf32, #tpu.memory_space<vmem>>)
    %add3A_194 = arith.constant 8 : i32
    %add3A_195 = arith.addi %mul3A_2, %add3A_194 : i32
    %mul3A_196 = arith.constant 128 : i32
    %mul3A_197 = arith.muli %add3A_195, %mul3A_196 : i32
    %dma_start3A_198 = arith.constant 0 : i32
    %dma_start3A_199 = tpu.memref_slice %arg4[%mul3A_197, %dma_start3A_198] : memref<163840x128xf32, #tpu.memory_space<hbm>> -> memref<128x128xf32, #tpu.memory_space<hbm>>
    %dma_start3A_200 = arith.constant 0 : i32
    %dma_start3A_201 = tpu.memref_slice %arg4[%mul3A_197, %dma_start3A_200] : memref<163840x128xf32, #tpu.memory_space<hbm>> -> memref<128x128xf32, #tpu.memory_space<hbm>>
    tpu.enqueue_dma source(%arg6 : memref<128x128xf32, #tpu.memory_space<vmem>>) target(%dma_start3A_201 : memref<128x128xf32, #tpu.memory_space<hbm>>) target_semaphore(%arg10 : memref<!tpu.dma_semaphore, #tpu.memory_space<semaphore_mem>>)
    %dma_wait3A_202 = arith.constant 0 : i32
    %dma_wait3A_203 = tpu.memref_slice %arg4[%mul3A_197, %dma_wait3A_202] : memref<163840x128xf32, #tpu.memory_space<hbm>> -> memref<128x128xf32, #tpu.memory_space<hbm>>
    %dma_wait3A_204 = arith.constant 0 : i32
    %dma_wait3A_205 = tpu.memref_slice %arg4[%mul3A_197, %dma_wait3A_204] : memref<163840x128xf32, #tpu.memory_space<hbm>> -> memref<128x128xf32, #tpu.memory_space<hbm>>
    tpu.wait_dma2 semaphore(%arg10 : memref<!tpu.dma_semaphore, #tpu.memory_space<semaphore_mem>>) src(%arg6 : memref<128x128xf32, #tpu.memory_space<vmem>>) dst(%dma_wait3A_205 : memref<128x128xf32, #tpu.memory_space<hbm>>)
    %dma_start3A_206 = arith.constant 1280 : i32
    %dma_start3A_207 = tpu.memref_slice %arg5[%dma_start3A_206] : memref<5120xi32, #tpu.memory_space<vmem>> -> memref<128xi32, #tpu.memory_space<vmem>>
    %dma_start3A_208 = arith.constant 0 : i32
    %dma_start3A_209 = arith.constant 0 : i32
    %dma_start3A_210 = tpu.memref_slice %arg2[%dma_start3A_208, %dma_start3A_209] : memref<10000x128xf32, #tpu.memory_space<hbm>> -> memref<10000x128xf32, #tpu.memory_space<hbm>>
    tpu.enqueue_indirect_dma source(%dma_start3A_210 : memref<10000x128xf32, #tpu.memory_space<hbm>>) target(%arg6 : memref<128x128xf32, #tpu.memory_space<vmem>>) offsets(%dma_start3A_207 : memref<128xi32, #tpu.memory_space<vmem>>) semaphore(%arg8 : memref<!tpu.dma_semaphore, #tpu.memory_space<semaphore_mem>>)
    %dma_wait3A_211 = arith.constant 1152 : i32
    %dma_wait3A_212 = tpu.memref_slice %arg5[%dma_wait3A_211] : memref<5120xi32, #tpu.memory_space<vmem>> -> memref<128xi32, #tpu.memory_space<vmem>>
    %dma_wait3A_213 = arith.constant 0 : i32
    %dma_wait3A_214 = arith.constant 0 : i32
    %dma_wait3A_215 = tpu.memref_slice %arg2[%dma_wait3A_213, %dma_wait3A_214] : memref<10000x128xf32, #tpu.memory_space<hbm>> -> memref<10000x128xf32, #tpu.memory_space<hbm>>
    tpu.wait_indirect_dma semaphore(%arg9 : memref<!tpu.dma_semaphore, #tpu.memory_space<semaphore_mem>>) src(%dma_wait3A_215 : memref<10000x128xf32, #tpu.memory_space<hbm>>) dst(%arg7 : memref<128x128xf32, #tpu.memory_space<vmem>>)
    %add3A_216 = arith.constant 9 : i32
    %add3A_217 = arith.addi %mul3A_2, %add3A_216 : i32
    %mul3A_218 = arith.constant 128 : i32
    %mul3A_219 = arith.muli %add3A_217, %mul3A_218 : i32
    %dma_start3A_220 = arith.constant 0 : i32
    %dma_start3A_221 = tpu.memref_slice %arg4[%mul3A_219, %dma_start3A_220] : memref<163840x128xf32, #tpu.memory_space<hbm>> -> memref<128x128xf32, #tpu.memory_space<hbm>>
    %dma_start3A_222 = arith.constant 0 : i32
    %dma_start3A_223 = tpu.memref_slice %arg4[%mul3A_219, %dma_start3A_222] : memref<163840x128xf32, #tpu.memory_space<hbm>> -> memref<128x128xf32, #tpu.memory_space<hbm>>
    tpu.enqueue_dma source(%arg7 : memref<128x128xf32, #tpu.memory_space<vmem>>) target(%dma_start3A_223 : memref<128x128xf32, #tpu.memory_space<hbm>>) target_semaphore(%arg11 : memref<!tpu.dma_semaphore, #tpu.memory_space<semaphore_mem>>)
    %dma_wait3A_224 = arith.constant 0 : i32
    %dma_wait3A_225 = tpu.memref_slice %arg4[%mul3A_219, %dma_wait3A_224] : memref<163840x128xf32, #tpu.memory_space<hbm>> -> memref<128x128xf32, #tpu.memory_space<hbm>>
    %dma_wait3A_226 = arith.constant 0 : i32
    %dma_wait3A_227 = tpu.memref_slice %arg4[%mul3A_219, %dma_wait3A_226] : memref<163840x128xf32, #tpu.memory_space<hbm>> -> memref<128x128xf32, #tpu.memory_space<hbm>>
    tpu.wait_dma2 semaphore(%arg11 : memref<!tpu.dma_semaphore, #tpu.memory_space<semaphore_mem>>) src(%arg7 : memref<128x128xf32, #tpu.memory_space<vmem>>) dst(%dma_wait3A_227 : memref<128x128xf32, #tpu.memory_space<hbm>>)
    %dma_start3A_228 = arith.constant 1408 : i32
    %dma_start3A_229 = tpu.memref_slice %arg5[%dma_start3A_228] : memref<5120xi32, #tpu.memory_space<vmem>> -> memref<128xi32, #tpu.memory_space<vmem>>
    %dma_start3A_230 = arith.constant 0 : i32
    %dma_start3A_231 = arith.constant 0 : i32
    %dma_start3A_232 = tpu.memref_slice %arg2[%dma_start3A_230, %dma_start3A_231] : memref<10000x128xf32, #tpu.memory_space<hbm>> -> memref<10000x128xf32, #tpu.memory_space<hbm>>
    tpu.enqueue_indirect_dma source(%dma_start3A_232 : memref<10000x128xf32, #tpu.memory_space<hbm>>) target(%arg7 : memref<128x128xf32, #tpu.memory_space<vmem>>) offsets(%dma_start3A_229 : memref<128xi32, #tpu.memory_space<vmem>>) semaphore(%arg9 : memref<!tpu.dma_semaphore, #tpu.memory_space<semaphore_mem>>)
    %dma_wait3A_233 = arith.constant 1280 : i32
    %dma_wait3A_234 = tpu.memref_slice %arg5[%dma_wait3A_233] : memref<5120xi32, #tpu.memory_space<vmem>> -> memref<128xi32, #tpu.memory_space<vmem>>
    %dma_wait3A_235 = arith.constant 0 : i32
    %dma_wait3A_236 = arith.constant 0 : i32
    %dma_wait3A_237 = tpu.memref_slice %arg2[%dma_wait3A_235, %dma_wait3A_236] : memref<10000x128xf32, #tpu.memory_space<hbm>> -> memref<10000x128xf32, #tpu.memory_space<hbm>>
    tpu.wait_indirect_dma semaphore(%arg8 : memref<!tpu.dma_semaphore, #tpu.memory_space<semaphore_mem>>) src(%dma_wait3A_237 : memref<10000x128xf32, #tpu.memory_space<hbm>>) dst(%arg6 : memref<128x128xf32, #tpu.memory_space<vmem>>)
    %add3A_238 = arith.constant 10 : i32
    %add3A_239 = arith.addi %mul3A_2, %add3A_238 : i32
    %mul3A_240 = arith.constant 128 : i32
    %mul3A_241 = arith.muli %add3A_239, %mul3A_240 : i32
    %dma_start3A_242 = arith.constant 0 : i32
    %dma_start3A_243 = tpu.memref_slice %arg4[%mul3A_241, %dma_start3A_242] : memref<163840x128xf32, #tpu.memory_space<hbm>> -> memref<128x128xf32, #tpu.memory_space<hbm>>
    %dma_start3A_244 = arith.constant 0 : i32
    %dma_start3A_245 = tpu.memref_slice %arg4[%mul3A_241, %dma_start3A_244] : memref<163840x128xf32, #tpu.memory_space<hbm>> -> memref<128x128xf32, #tpu.memory_space<hbm>>
    tpu.enqueue_dma source(%arg6 : memref<128x128xf32, #tpu.memory_space<vmem>>) target(%dma_start3A_245 : memref<128x128xf32, #tpu.memory_space<hbm>>) target_semaphore(%arg10 : memref<!tpu.dma_semaphore, #tpu.memory_space<semaphore_mem>>)
    %dma_wait3A_246 = arith.constant 0 : i32
    %dma_wait3A_247 = tpu.memref_slice %arg4[%mul3A_241, %dma_wait3A_246] : memref<163840x128xf32, #tpu.memory_space<hbm>> -> memref<128x128xf32, #tpu.memory_space<hbm>>
    %dma_wait3A_248 = arith.constant 0 : i32
    %dma_wait3A_249 = tpu.memref_slice %arg4[%mul3A_241, %dma_wait3A_248] : memref<163840x128xf32, #tpu.memory_space<hbm>> -> memref<128x128xf32, #tpu.memory_space<hbm>>
    tpu.wait_dma2 semaphore(%arg10 : memref<!tpu.dma_semaphore, #tpu.memory_space<semaphore_mem>>) src(%arg6 : memref<128x128xf32, #tpu.memory_space<vmem>>) dst(%dma_wait3A_249 : memref<128x128xf32, #tpu.memory_space<hbm>>)
    %dma_start3A_250 = arith.constant 1536 : i32
    %dma_start3A_251 = tpu.memref_slice %arg5[%dma_start3A_250] : memref<5120xi32, #tpu.memory_space<vmem>> -> memref<128xi32, #tpu.memory_space<vmem>>
    %dma_start3A_252 = arith.constant 0 : i32
    %dma_start3A_253 = arith.constant 0 : i32
    %dma_start3A_254 = tpu.memref_slice %arg2[%dma_start3A_252, %dma_start3A_253] : memref<10000x128xf32, #tpu.memory_space<hbm>> -> memref<10000x128xf32, #tpu.memory_space<hbm>>
    tpu.enqueue_indirect_dma source(%dma_start3A_254 : memref<10000x128xf32, #tpu.memory_space<hbm>>) target(%arg6 : memref<128x128xf32, #tpu.memory_space<vmem>>) offsets(%dma_start3A_251 : memref<128xi32, #tpu.memory_space<vmem>>) semaphore(%arg8 : memref<!tpu.dma_semaphore, #tpu.memory_space<semaphore_mem>>)
    %dma_wait3A_255 = arith.constant 1408 : i32
    %dma_wait3A_256 = tpu.memref_slice %arg5[%dma_wait3A_255] : memref<5120xi32, #tpu.memory_space<vmem>> -> memref<128xi32, #tpu.memory_space<vmem>>
    %dma_wait3A_257 = arith.constant 0 : i32
    %dma_wait3A_258 = arith.constant 0 : i32
    %dma_wait3A_259 = tpu.memref_slice %arg2[%dma_wait3A_257, %dma_wait3A_258] : memref<10000x128xf32, #tpu.memory_space<hbm>> -> memref<10000x128xf32, #tpu.memory_space<hbm>>
    tpu.wait_indirect_dma semaphore(%arg9 : memref<!tpu.dma_semaphore, #tpu.memory_space<semaphore_mem>>) src(%dma_wait3A_259 : memref<10000x128xf32, #tpu.memory_space<hbm>>) dst(%arg7 : memref<128x128xf32, #tpu.memory_space<vmem>>)
    %add3A_260 = arith.constant 11 : i32
    %add3A_261 = arith.addi %mul3A_2, %add3A_260 : i32
    %mul3A_262 = arith.constant 128 : i32
    %mul3A_263 = arith.muli %add3A_261, %mul3A_262 : i32
    %dma_start3A_264 = arith.constant 0 : i32
    %dma_start3A_265 = tpu.memref_slice %arg4[%mul3A_263, %dma_start3A_264] : memref<163840x128xf32, #tpu.memory_space<hbm>> -> memref<128x128xf32, #tpu.memory_space<hbm>>
    %dma_start3A_266 = arith.constant 0 : i32
    %dma_start3A_267 = tpu.memref_slice %arg4[%mul3A_263, %dma_start3A_266] : memref<163840x128xf32, #tpu.memory_space<hbm>> -> memref<128x128xf32, #tpu.memory_space<hbm>>
    tpu.enqueue_dma source(%arg7 : memref<128x128xf32, #tpu.memory_space<vmem>>) target(%dma_start3A_267 : memref<128x128xf32, #tpu.memory_space<hbm>>) target_semaphore(%arg11 : memref<!tpu.dma_semaphore, #tpu.memory_space<semaphore_mem>>)
    %dma_wait3A_268 = arith.constant 0 : i32
    %dma_wait3A_269 = tpu.memref_slice %arg4[%mul3A_263, %dma_wait3A_268] : memref<163840x128xf32, #tpu.memory_space<hbm>> -> memref<128x128xf32, #tpu.memory_space<hbm>>
    %dma_wait3A_270 = arith.constant 0 : i32
    %dma_wait3A_271 = tpu.memref_slice %arg4[%mul3A_263, %dma_wait3A_270] : memref<163840x128xf32, #tpu.memory_space<hbm>> -> memref<128x128xf32, #tpu.memory_space<hbm>>
    tpu.wait_dma2 semaphore(%arg11 : memref<!tpu.dma_semaphore, #tpu.memory_space<semaphore_mem>>) src(%arg7 : memref<128x128xf32, #tpu.memory_space<vmem>>) dst(%dma_wait3A_271 : memref<128x128xf32, #tpu.memory_space<hbm>>)
    %dma_start3A_272 = arith.constant 1664 : i32
    %dma_start3A_273 = tpu.memref_slice %arg5[%dma_start3A_272] : memref<5120xi32, #tpu.memory_space<vmem>> -> memref<128xi32, #tpu.memory_space<vmem>>
    %dma_start3A_274 = arith.constant 0 : i32
    %dma_start3A_275 = arith.constant 0 : i32
    %dma_start3A_276 = tpu.memref_slice %arg2[%dma_start3A_274, %dma_start3A_275] : memref<10000x128xf32, #tpu.memory_space<hbm>> -> memref<10000x128xf32, #tpu.memory_space<hbm>>
    tpu.enqueue_indirect_dma source(%dma_start3A_276 : memref<10000x128xf32, #tpu.memory_space<hbm>>) target(%arg7 : memref<128x128xf32, #tpu.memory_space<vmem>>) offsets(%dma_start3A_273 : memref<128xi32, #tpu.memory_space<vmem>>) semaphore(%arg9 : memref<!tpu.dma_semaphore, #tpu.memory_space<semaphore_mem>>)
    %dma_wait3A_277 = arith.constant 1536 : i32
    %dma_wait3A_278 = tpu.memref_slice %arg5[%dma_wait3A_277] : memref<5120xi32, #tpu.memory_space<vmem>> -> memref<128xi32, #tpu.memory_space<vmem>>
    %dma_wait3A_279 = arith.constant 0 : i32
    %dma_wait3A_280 = arith.constant 0 : i32
    %dma_wait3A_281 = tpu.memref_slice %arg2[%dma_wait3A_279, %dma_wait3A_280] : memref<10000x128xf32, #tpu.memory_space<hbm>> -> memref<10000x128xf32, #tpu.memory_space<hbm>>
    tpu.wait_indirect_dma semaphore(%arg8 : memref<!tpu.dma_semaphore, #tpu.memory_space<semaphore_mem>>) src(%dma_wait3A_281 : memref<10000x128xf32, #tpu.memory_space<hbm>>) dst(%arg6 : memref<128x128xf32, #tpu.memory_space<vmem>>)
    %add3A_282 = arith.constant 12 : i32
    %add3A_283 = arith.addi %mul3A_2, %add3A_282 : i32
    %mul3A_284 = arith.constant 128 : i32
    %mul3A_285 = arith.muli %add3A_283, %mul3A_284 : i32
    %dma_start3A_286 = arith.constant 0 : i32
    %dma_start3A_287 = tpu.memref_slice %arg4[%mul3A_285, %dma_start3A_286] : memref<163840x128xf32, #tpu.memory_space<hbm>> -> memref<128x128xf32, #tpu.memory_space<hbm>>
    %dma_start3A_288 = arith.constant 0 : i32
    %dma_start3A_289 = tpu.memref_slice %arg4[%mul3A_285, %dma_start3A_288] : memref<163840x128xf32, #tpu.memory_space<hbm>> -> memref<128x128xf32, #tpu.memory_space<hbm>>
    tpu.enqueue_dma source(%arg6 : memref<128x128xf32, #tpu.memory_space<vmem>>) target(%dma_start3A_289 : memref<128x128xf32, #tpu.memory_space<hbm>>) target_semaphore(%arg10 : memref<!tpu.dma_semaphore, #tpu.memory_space<semaphore_mem>>)
    %dma_wait3A_290 = arith.constant 0 : i32
    %dma_wait3A_291 = tpu.memref_slice %arg4[%mul3A_285, %dma_wait3A_290] : memref<163840x128xf32, #tpu.memory_space<hbm>> -> memref<128x128xf32, #tpu.memory_space<hbm>>
    %dma_wait3A_292 = arith.constant 0 : i32
    %dma_wait3A_293 = tpu.memref_slice %arg4[%mul3A_285, %dma_wait3A_292] : memref<163840x128xf32, #tpu.memory_space<hbm>> -> memref<128x128xf32, #tpu.memory_space<hbm>>
    tpu.wait_dma2 semaphore(%arg10 : memref<!tpu.dma_semaphore, #tpu.memory_space<semaphore_mem>>) src(%arg6 : memref<128x128xf32, #tpu.memory_space<vmem>>) dst(%dma_wait3A_293 : memref<128x128xf32, #tpu.memory_space<hbm>>)
    %dma_start3A_294 = arith.constant 1792 : i32
    %dma_start3A_295 = tpu.memref_slice %arg5[%dma_start3A_294] : memref<5120xi32, #tpu.memory_space<vmem>> -> memref<128xi32, #tpu.memory_space<vmem>>
    %dma_start3A_296 = arith.constant 0 : i32
    %dma_start3A_297 = arith.constant 0 : i32
    %dma_start3A_298 = tpu.memref_slice %arg2[%dma_start3A_296, %dma_start3A_297] : memref<10000x128xf32, #tpu.memory_space<hbm>> -> memref<10000x128xf32, #tpu.memory_space<hbm>>
    tpu.enqueue_indirect_dma source(%dma_start3A_298 : memref<10000x128xf32, #tpu.memory_space<hbm>>) target(%arg6 : memref<128x128xf32, #tpu.memory_space<vmem>>) offsets(%dma_start3A_295 : memref<128xi32, #tpu.memory_space<vmem>>) semaphore(%arg8 : memref<!tpu.dma_semaphore, #tpu.memory_space<semaphore_mem>>)
    %dma_wait3A_299 = arith.constant 1664 : i32
    %dma_wait3A_300 = tpu.memref_slice %arg5[%dma_wait3A_299] : memref<5120xi32, #tpu.memory_space<vmem>> -> memref<128xi32, #tpu.memory_space<vmem>>
    %dma_wait3A_301 = arith.constant 0 : i32
    %dma_wait3A_302 = arith.constant 0 : i32
    %dma_wait3A_303 = tpu.memref_slice %arg2[%dma_wait3A_301, %dma_wait3A_302] : memref<10000x128xf32, #tpu.memory_space<hbm>> -> memref<10000x128xf32, #tpu.memory_space<hbm>>
    tpu.wait_indirect_dma semaphore(%arg9 : memref<!tpu.dma_semaphore, #tpu.memory_space<semaphore_mem>>) src(%dma_wait3A_303 : memref<10000x128xf32, #tpu.memory_space<hbm>>) dst(%arg7 : memref<128x128xf32, #tpu.memory_space<vmem>>)
    %add3A_304 = arith.constant 13 : i32
    %add3A_305 = arith.addi %mul3A_2, %add3A_304 : i32
    %mul3A_306 = arith.constant 128 : i32
    %mul3A_307 = arith.muli %add3A_305, %mul3A_306 : i32
    %dma_start3A_308 = arith.constant 0 : i32
    %dma_start3A_309 = tpu.memref_slice %arg4[%mul3A_307, %dma_start3A_308] : memref<163840x128xf32, #tpu.memory_space<hbm>> -> memref<128x128xf32, #tpu.memory_space<hbm>>
    %dma_start3A_310 = arith.constant 0 : i32
    %dma_start3A_311 = tpu.memref_slice %arg4[%mul3A_307, %dma_start3A_310] : memref<163840x128xf32, #tpu.memory_space<hbm>> -> memref<128x128xf32, #tpu.memory_space<hbm>>
    tpu.enqueue_dma source(%arg7 : memref<128x128xf32, #tpu.memory_space<vmem>>) target(%dma_start3A_311 : memref<128x128xf32, #tpu.memory_space<hbm>>) target_semaphore(%arg11 : memref<!tpu.dma_semaphore, #tpu.memory_space<semaphore_mem>>)
    %dma_wait3A_312 = arith.constant 0 : i32
    %dma_wait3A_313 = tpu.memref_slice %arg4[%mul3A_307, %dma_wait3A_312] : memref<163840x128xf32, #tpu.memory_space<hbm>> -> memref<128x128xf32, #tpu.memory_space<hbm>>
    %dma_wait3A_314 = arith.constant 0 : i32
    %dma_wait3A_315 = tpu.memref_slice %arg4[%mul3A_307, %dma_wait3A_314] : memref<163840x128xf32, #tpu.memory_space<hbm>> -> memref<128x128xf32, #tpu.memory_space<hbm>>
    tpu.wait_dma2 semaphore(%arg11 : memref<!tpu.dma_semaphore, #tpu.memory_space<semaphore_mem>>) src(%arg7 : memref<128x128xf32, #tpu.memory_space<vmem>>) dst(%dma_wait3A_315 : memref<128x128xf32, #tpu.memory_space<hbm>>)
    %dma_start3A_316 = arith.constant 1920 : i32
    %dma_start3A_317 = tpu.memref_slice %arg5[%dma_start3A_316] : memref<5120xi32, #tpu.memory_space<vmem>> -> memref<128xi32, #tpu.memory_space<vmem>>
    %dma_start3A_318 = arith.constant 0 : i32
    %dma_start3A_319 = arith.constant 0 : i32
    %dma_start3A_320 = tpu.memref_slice %arg2[%dma_start3A_318, %dma_start3A_319] : memref<10000x128xf32, #tpu.memory_space<hbm>> -> memref<10000x128xf32, #tpu.memory_space<hbm>>
    tpu.enqueue_indirect_dma source(%dma_start3A_320 : memref<10000x128xf32, #tpu.memory_space<hbm>>) target(%arg7 : memref<128x128xf32, #tpu.memory_space<vmem>>) offsets(%dma_start3A_317 : memref<128xi32, #tpu.memory_space<vmem>>) semaphore(%arg9 : memref<!tpu.dma_semaphore, #tpu.memory_space<semaphore_mem>>)
    %dma_wait3A_321 = arith.constant 1792 : i32
    %dma_wait3A_322 = tpu.memref_slice %arg5[%dma_wait3A_321] : memref<5120xi32, #tpu.memory_space<vmem>> -> memref<128xi32, #tpu.memory_space<vmem>>
    %dma_wait3A_323 = arith.constant 0 : i32
    %dma_wait3A_324 = arith.constant 0 : i32
    %dma_wait3A_325 = tpu.memref_slice %arg2[%dma_wait3A_323, %dma_wait3A_324] : memref<10000x128xf32, #tpu.memory_space<hbm>> -> memref<10000x128xf32, #tpu.memory_space<hbm>>
    tpu.wait_indirect_dma semaphore(%arg8 : memref<!tpu.dma_semaphore, #tpu.memory_space<semaphore_mem>>) src(%dma_wait3A_325 : memref<10000x128xf32, #tpu.memory_space<hbm>>) dst(%arg6 : memref<128x128xf32, #tpu.memory_space<vmem>>)
    %add3A_326 = arith.constant 14 : i32
    %add3A_327 = arith.addi %mul3A_2, %add3A_326 : i32
    %mul3A_328 = arith.constant 128 : i32
    %mul3A_329 = arith.muli %add3A_327, %mul3A_328 : i32
    %dma_start3A_330 = arith.constant 0 : i32
    %dma_start3A_331 = tpu.memref_slice %arg4[%mul3A_329, %dma_start3A_330] : memref<163840x128xf32, #tpu.memory_space<hbm>> -> memref<128x128xf32, #tpu.memory_space<hbm>>
    %dma_start3A_332 = arith.constant 0 : i32
    %dma_start3A_333 = tpu.memref_slice %arg4[%mul3A_329, %dma_start3A_332] : memref<163840x128xf32, #tpu.memory_space<hbm>> -> memref<128x128xf32, #tpu.memory_space<hbm>>
    tpu.enqueue_dma source(%arg6 : memref<128x128xf32, #tpu.memory_space<vmem>>) target(%dma_start3A_333 : memref<128x128xf32, #tpu.memory_space<hbm>>) target_semaphore(%arg10 : memref<!tpu.dma_semaphore, #tpu.memory_space<semaphore_mem>>)
    %dma_wait3A_334 = arith.constant 0 : i32
    %dma_wait3A_335 = tpu.memref_slice %arg4[%mul3A_329, %dma_wait3A_334] : memref<163840x128xf32, #tpu.memory_space<hbm>> -> memref<128x128xf32, #tpu.memory_space<hbm>>
    %dma_wait3A_336 = arith.constant 0 : i32
    %dma_wait3A_337 = tpu.memref_slice %arg4[%mul3A_329, %dma_wait3A_336] : memref<163840x128xf32, #tpu.memory_space<hbm>> -> memref<128x128xf32, #tpu.memory_space<hbm>>
    tpu.wait_dma2 semaphore(%arg10 : memref<!tpu.dma_semaphore, #tpu.memory_space<semaphore_mem>>) src(%arg6 : memref<128x128xf32, #tpu.memory_space<vmem>>) dst(%dma_wait3A_337 : memref<128x128xf32, #tpu.memory_space<hbm>>)
    %dma_start3A_338 = arith.constant 2048 : i32
    %dma_start3A_339 = tpu.memref_slice %arg5[%dma_start3A_338] : memref<5120xi32, #tpu.memory_space<vmem>> -> memref<128xi32, #tpu.memory_space<vmem>>
    %dma_start3A_340 = arith.constant 0 : i32
    %dma_start3A_341 = arith.constant 0 : i32
    %dma_start3A_342 = tpu.memref_slice %arg2[%dma_start3A_340, %dma_start3A_341] : memref<10000x128xf32, #tpu.memory_space<hbm>> -> memref<10000x128xf32, #tpu.memory_space<hbm>>
    tpu.enqueue_indirect_dma source(%dma_start3A_342 : memref<10000x128xf32, #tpu.memory_space<hbm>>) target(%arg6 : memref<128x128xf32, #tpu.memory_space<vmem>>) offsets(%dma_start3A_339 : memref<128xi32, #tpu.memory_space<vmem>>) semaphore(%arg8 : memref<!tpu.dma_semaphore, #tpu.memory_space<semaphore_mem>>)
    %dma_wait3A_343 = arith.constant 1920 : i32
    %dma_wait3A_344 = tpu.memref_slice %arg5[%dma_wait3A_343] : memref<5120xi32, #tpu.memory_space<vmem>> -> memref<128xi32, #tpu.memory_space<vmem>>
    %dma_wait3A_345 = arith.constant 0 : i32
    %dma_wait3A_346 = arith.constant 0 : i32
    %dma_wait3A_347 = tpu.memref_slice %arg2[%dma_wait3A_345, %dma_wait3A_346] : memref<10000x128xf32, #tpu.memory_space<hbm>> -> memref<10000x128xf32, #tpu.memory_space<hbm>>
    tpu.wait_indirect_dma semaphore(%arg9 : memref<!tpu.dma_semaphore, #tpu.memory_space<semaphore_mem>>) src(%dma_wait3A_347 : memref<10000x128xf32, #tpu.memory_space<hbm>>) dst(%arg7 : memref<128x128xf32, #tpu.memory_space<vmem>>)
    %add3A_348 = arith.constant 15 : i32
    %add3A_349 = arith.addi %mul3A_2, %add3A_348 : i32
    %mul3A_350 = arith.constant 128 : i32
    %mul3A_351 = arith.muli %add3A_349, %mul3A_350 : i32
    %dma_start3A_352 = arith.constant 0 : i32
    %dma_start3A_353 = tpu.memref_slice %arg4[%mul3A_351, %dma_start3A_352] : memref<163840x128xf32, #tpu.memory_space<hbm>> -> memref<128x128xf32, #tpu.memory_space<hbm>>
    %dma_start3A_354 = arith.constant 0 : i32
    %dma_start3A_355 = tpu.memref_slice %arg4[%mul3A_351, %dma_start3A_354] : memref<163840x128xf32, #tpu.memory_space<hbm>> -> memref<128x128xf32, #tpu.memory_space<hbm>>
    tpu.enqueue_dma source(%arg7 : memref<128x128xf32, #tpu.memory_space<vmem>>) target(%dma_start3A_355 : memref<128x128xf32, #tpu.memory_space<hbm>>) target_semaphore(%arg11 : memref<!tpu.dma_semaphore, #tpu.memory_space<semaphore_mem>>)
    %dma_wait3A_356 = arith.constant 0 : i32
    %dma_wait3A_357 = tpu.memref_slice %arg4[%mul3A_351, %dma_wait3A_356] : memref<163840x128xf32, #tpu.memory_space<hbm>> -> memref<128x128xf32, #tpu.memory_space<hbm>>
    %dma_wait3A_358 = arith.constant 0 : i32
    %dma_wait3A_359 = tpu.memref_slice %arg4[%mul3A_351, %dma_wait3A_358] : memref<163840x128xf32, #tpu.memory_space<hbm>> -> memref<128x128xf32, #tpu.memory_space<hbm>>
    tpu.wait_dma2 semaphore(%arg11 : memref<!tpu.dma_semaphore, #tpu.memory_space<semaphore_mem>>) src(%arg7 : memref<128x128xf32, #tpu.memory_space<vmem>>) dst(%dma_wait3A_359 : memref<128x128xf32, #tpu.memory_space<hbm>>)
    %dma_start3A_360 = arith.constant 2176 : i32
    %dma_start3A_361 = tpu.memref_slice %arg5[%dma_start3A_360] : memref<5120xi32, #tpu.memory_space<vmem>> -> memref<128xi32, #tpu.memory_space<vmem>>
    %dma_start3A_362 = arith.constant 0 : i32
    %dma_start3A_363 = arith.constant 0 : i32
    %dma_start3A_364 = tpu.memref_slice %arg2[%dma_start3A_362, %dma_start3A_363] : memref<10000x128xf32, #tpu.memory_space<hbm>> -> memref<10000x128xf32, #tpu.memory_space<hbm>>
    tpu.enqueue_indirect_dma source(%dma_start3A_364 : memref<10000x128xf32, #tpu.memory_space<hbm>>) target(%arg7 : memref<128x128xf32, #tpu.memory_space<vmem>>) offsets(%dma_start3A_361 : memref<128xi32, #tpu.memory_space<vmem>>) semaphore(%arg9 : memref<!tpu.dma_semaphore, #tpu.memory_space<semaphore_mem>>)
    %dma_wait3A_365 = arith.constant 2048 : i32
    %dma_wait3A_366 = tpu.memref_slice %arg5[%dma_wait3A_365] : memref<5120xi32, #tpu.memory_space<vmem>> -> memref<128xi32, #tpu.memory_space<vmem>>
    %dma_wait3A_367 = arith.constant 0 : i32
    %dma_wait3A_368 = arith.constant 0 : i32
    %dma_wait3A_369 = tpu.memref_slice %arg2[%dma_wait3A_367, %dma_wait3A_368] : memref<10000x128xf32, #tpu.memory_space<hbm>> -> memref<10000x128xf32, #tpu.memory_space<hbm>>
    tpu.wait_indirect_dma semaphore(%arg8 : memref<!tpu.dma_semaphore, #tpu.memory_space<semaphore_mem>>) src(%dma_wait3A_369 : memref<10000x128xf32, #tpu.memory_space<hbm>>) dst(%arg6 : memref<128x128xf32, #tpu.memory_space<vmem>>)
    %add3A_370 = arith.constant 16 : i32
    %add3A_371 = arith.addi %mul3A_2, %add3A_370 : i32
    %mul3A_372 = arith.constant 128 : i32
    %mul3A_373 = arith.muli %add3A_371, %mul3A_372 : i32
    %dma_start3A_374 = arith.constant 0 : i32
    %dma_start3A_375 = tpu.memref_slice %arg4[%mul3A_373, %dma_start3A_374] : memref<163840x128xf32, #tpu.memory_space<hbm>> -> memref<128x128xf32, #tpu.memory_space<hbm>>
    %dma_start3A_376 = arith.constant 0 : i32
    %dma_start3A_377 = tpu.memref_slice %arg4[%mul3A_373, %dma_start3A_376] : memref<163840x128xf32, #tpu.memory_space<hbm>> -> memref<128x128xf32, #tpu.memory_space<hbm>>
    tpu.enqueue_dma source(%arg6 : memref<128x128xf32, #tpu.memory_space<vmem>>) target(%dma_start3A_377 : memref<128x128xf32, #tpu.memory_space<hbm>>) target_semaphore(%arg10 : memref<!tpu.dma_semaphore, #tpu.memory_space<semaphore_mem>>)
    %dma_wait3A_378 = arith.constant 0 : i32
    %dma_wait3A_379 = tpu.memref_slice %arg4[%mul3A_373, %dma_wait3A_378] : memref<163840x128xf32, #tpu.memory_space<hbm>> -> memref<128x128xf32, #tpu.memory_space<hbm>>
    %dma_wait3A_380 = arith.constant 0 : i32
    %dma_wait3A_381 = tpu.memref_slice %arg4[%mul3A_373, %dma_wait3A_380] : memref<163840x128xf32, #tpu.memory_space<hbm>> -> memref<128x128xf32, #tpu.memory_space<hbm>>
    tpu.wait_dma2 semaphore(%arg10 : memref<!tpu.dma_semaphore, #tpu.memory_space<semaphore_mem>>) src(%arg6 : memref<128x128xf32, #tpu.memory_space<vmem>>) dst(%dma_wait3A_381 : memref<128x128xf32, #tpu.memory_space<hbm>>)
    %dma_start3A_382 = arith.constant 2304 : i32
    %dma_start3A_383 = tpu.memref_slice %arg5[%dma_start3A_382] : memref<5120xi32, #tpu.memory_space<vmem>> -> memref<128xi32, #tpu.memory_space<vmem>>
    %dma_start3A_384 = arith.constant 0 : i32
    %dma_start3A_385 = arith.constant 0 : i32
    %dma_start3A_386 = tpu.memref_slice %arg2[%dma_start3A_384, %dma_start3A_385] : memref<10000x128xf32, #tpu.memory_space<hbm>> -> memref<10000x128xf32, #tpu.memory_space<hbm>>
    tpu.enqueue_indirect_dma source(%dma_start3A_386 : memref<10000x128xf32, #tpu.memory_space<hbm>>) target(%arg6 : memref<128x128xf32, #tpu.memory_space<vmem>>) offsets(%dma_start3A_383 : memref<128xi32, #tpu.memory_space<vmem>>) semaphore(%arg8 : memref<!tpu.dma_semaphore, #tpu.memory_space<semaphore_mem>>)
    %dma_wait3A_387 = arith.constant 2176 : i32
    %dma_wait3A_388 = tpu.memref_slice %arg5[%dma_wait3A_387] : memref<5120xi32, #tpu.memory_space<vmem>> -> memref<128xi32, #tpu.memory_space<vmem>>
    %dma_wait3A_389 = arith.constant 0 : i32
    %dma_wait3A_390 = arith.constant 0 : i32
    %dma_wait3A_391 = tpu.memref_slice %arg2[%dma_wait3A_389, %dma_wait3A_390] : memref<10000x128xf32, #tpu.memory_space<hbm>> -> memref<10000x128xf32, #tpu.memory_space<hbm>>
    tpu.wait_indirect_dma semaphore(%arg9 : memref<!tpu.dma_semaphore, #tpu.memory_space<semaphore_mem>>) src(%dma_wait3A_391 : memref<10000x128xf32, #tpu.memory_space<hbm>>) dst(%arg7 : memref<128x128xf32, #tpu.memory_space<vmem>>)
    %add3A_392 = arith.constant 17 : i32
    %add3A_393 = arith.addi %mul3A_2, %add3A_392 : i32
    %mul3A_394 = arith.constant 128 : i32
    %mul3A_395 = arith.muli %add3A_393, %mul3A_394 : i32
    %dma_start3A_396 = arith.constant 0 : i32
    %dma_start3A_397 = tpu.memref_slice %arg4[%mul3A_395, %dma_start3A_396] : memref<163840x128xf32, #tpu.memory_space<hbm>> -> memref<128x128xf32, #tpu.memory_space<hbm>>
    %dma_start3A_398 = arith.constant 0 : i32
    %dma_start3A_399 = tpu.memref_slice %arg4[%mul3A_395, %dma_start3A_398] : memref<163840x128xf32, #tpu.memory_space<hbm>> -> memref<128x128xf32, #tpu.memory_space<hbm>>
    tpu.enqueue_dma source(%arg7 : memref<128x128xf32, #tpu.memory_space<vmem>>) target(%dma_start3A_399 : memref<128x128xf32, #tpu.memory_space<hbm>>) target_semaphore(%arg11 : memref<!tpu.dma_semaphore, #tpu.memory_space<semaphore_mem>>)
    %dma_wait3A_400 = arith.constant 0 : i32
    %dma_wait3A_401 = tpu.memref_slice %arg4[%mul3A_395, %dma_wait3A_400] : memref<163840x128xf32, #tpu.memory_space<hbm>> -> memref<128x128xf32, #tpu.memory_space<hbm>>
    %dma_wait3A_402 = arith.constant 0 : i32
    %dma_wait3A_403 = tpu.memref_slice %arg4[%mul3A_395, %dma_wait3A_402] : memref<163840x128xf32, #tpu.memory_space<hbm>> -> memref<128x128xf32, #tpu.memory_space<hbm>>
    tpu.wait_dma2 semaphore(%arg11 : memref<!tpu.dma_semaphore, #tpu.memory_space<semaphore_mem>>) src(%arg7 : memref<128x128xf32, #tpu.memory_space<vmem>>) dst(%dma_wait3A_403 : memref<128x128xf32, #tpu.memory_space<hbm>>)
    %dma_start3A_404 = arith.constant 2432 : i32
    %dma_start3A_405 = tpu.memref_slice %arg5[%dma_start3A_404] : memref<5120xi32, #tpu.memory_space<vmem>> -> memref<128xi32, #tpu.memory_space<vmem>>
    %dma_start3A_406 = arith.constant 0 : i32
    %dma_start3A_407 = arith.constant 0 : i32
    %dma_start3A_408 = tpu.memref_slice %arg2[%dma_start3A_406, %dma_start3A_407] : memref<10000x128xf32, #tpu.memory_space<hbm>> -> memref<10000x128xf32, #tpu.memory_space<hbm>>
    tpu.enqueue_indirect_dma source(%dma_start3A_408 : memref<10000x128xf32, #tpu.memory_space<hbm>>) target(%arg7 : memref<128x128xf32, #tpu.memory_space<vmem>>) offsets(%dma_start3A_405 : memref<128xi32, #tpu.memory_space<vmem>>) semaphore(%arg9 : memref<!tpu.dma_semaphore, #tpu.memory_space<semaphore_mem>>)
    %dma_wait3A_409 = arith.constant 2304 : i32
    %dma_wait3A_410 = tpu.memref_slice %arg5[%dma_wait3A_409] : memref<5120xi32, #tpu.memory_space<vmem>> -> memref<128xi32, #tpu.memory_space<vmem>>
    %dma_wait3A_411 = arith.constant 0 : i32
    %dma_wait3A_412 = arith.constant 0 : i32
    %dma_wait3A_413 = tpu.memref_slice %arg2[%dma_wait3A_411, %dma_wait3A_412] : memref<10000x128xf32, #tpu.memory_space<hbm>> -> memref<10000x128xf32, #tpu.memory_space<hbm>>
    tpu.wait_indirect_dma semaphore(%arg8 : memref<!tpu.dma_semaphore, #tpu.memory_space<semaphore_mem>>) src(%dma_wait3A_413 : memref<10000x128xf32, #tpu.memory_space<hbm>>) dst(%arg6 : memref<128x128xf32, #tpu.memory_space<vmem>>)
    %add3A_414 = arith.constant 18 : i32
    %add3A_415 = arith.addi %mul3A_2, %add3A_414 : i32
    %mul3A_416 = arith.constant 128 : i32
    %mul3A_417 = arith.muli %add3A_415, %mul3A_416 : i32
    %dma_start3A_418 = arith.constant 0 : i32
    %dma_start3A_419 = tpu.memref_slice %arg4[%mul3A_417, %dma_start3A_418] : memref<163840x128xf32, #tpu.memory_space<hbm>> -> memref<128x128xf32, #tpu.memory_space<hbm>>
    %dma_start3A_420 = arith.constant 0 : i32
    %dma_start3A_421 = tpu.memref_slice %arg4[%mul3A_417, %dma_start3A_420] : memref<163840x128xf32, #tpu.memory_space<hbm>> -> memref<128x128xf32, #tpu.memory_space<hbm>>
    tpu.enqueue_dma source(%arg6 : memref<128x128xf32, #tpu.memory_space<vmem>>) target(%dma_start3A_421 : memref<128x128xf32, #tpu.memory_space<hbm>>) target_semaphore(%arg10 : memref<!tpu.dma_semaphore, #tpu.memory_space<semaphore_mem>>)
    %dma_wait3A_422 = arith.constant 0 : i32
    %dma_wait3A_423 = tpu.memref_slice %arg4[%mul3A_417, %dma_wait3A_422] : memref<163840x128xf32, #tpu.memory_space<hbm>> -> memref<128x128xf32, #tpu.memory_space<hbm>>
    %dma_wait3A_424 = arith.constant 0 : i32
    %dma_wait3A_425 = tpu.memref_slice %arg4[%mul3A_417, %dma_wait3A_424] : memref<163840x128xf32, #tpu.memory_space<hbm>> -> memref<128x128xf32, #tpu.memory_space<hbm>>
    tpu.wait_dma2 semaphore(%arg10 : memref<!tpu.dma_semaphore, #tpu.memory_space<semaphore_mem>>) src(%arg6 : memref<128x128xf32, #tpu.memory_space<vmem>>) dst(%dma_wait3A_425 : memref<128x128xf32, #tpu.memory_space<hbm>>)
    %dma_start3A_426 = arith.constant 2560 : i32
    %dma_start3A_427 = tpu.memref_slice %arg5[%dma_start3A_426] : memref<5120xi32, #tpu.memory_space<vmem>> -> memref<128xi32, #tpu.memory_space<vmem>>
    %dma_start3A_428 = arith.constant 0 : i32
    %dma_start3A_429 = arith.constant 0 : i32
    %dma_start3A_430 = tpu.memref_slice %arg2[%dma_start3A_428, %dma_start3A_429] : memref<10000x128xf32, #tpu.memory_space<hbm>> -> memref<10000x128xf32, #tpu.memory_space<hbm>>
    tpu.enqueue_indirect_dma source(%dma_start3A_430 : memref<10000x128xf32, #tpu.memory_space<hbm>>) target(%arg6 : memref<128x128xf32, #tpu.memory_space<vmem>>) offsets(%dma_start3A_427 : memref<128xi32, #tpu.memory_space<vmem>>) semaphore(%arg8 : memref<!tpu.dma_semaphore, #tpu.memory_space<semaphore_mem>>)
    %dma_wait3A_431 = arith.constant 2432 : i32
    %dma_wait3A_432 = tpu.memref_slice %arg5[%dma_wait3A_431] : memref<5120xi32, #tpu.memory_space<vmem>> -> memref<128xi32, #tpu.memory_space<vmem>>
    %dma_wait3A_433 = arith.constant 0 : i32
    %dma_wait3A_434 = arith.constant 0 : i32
    %dma_wait3A_435 = tpu.memref_slice %arg2[%dma_wait3A_433, %dma_wait3A_434] : memref<10000x128xf32, #tpu.memory_space<hbm>> -> memref<10000x128xf32, #tpu.memory_space<hbm>>
    tpu.wait_indirect_dma semaphore(%arg9 : memref<!tpu.dma_semaphore, #tpu.memory_space<semaphore_mem>>) src(%dma_wait3A_435 : memref<10000x128xf32, #tpu.memory_space<hbm>>) dst(%arg7 : memref<128x128xf32, #tpu.memory_space<vmem>>)
    %add3A_436 = arith.constant 19 : i32
    %add3A_437 = arith.addi %mul3A_2, %add3A_436 : i32
    %mul3A_438 = arith.constant 128 : i32
    %mul3A_439 = arith.muli %add3A_437, %mul3A_438 : i32
    %dma_start3A_440 = arith.constant 0 : i32
    %dma_start3A_441 = tpu.memref_slice %arg4[%mul3A_439, %dma_start3A_440] : memref<163840x128xf32, #tpu.memory_space<hbm>> -> memref<128x128xf32, #tpu.memory_space<hbm>>
    %dma_start3A_442 = arith.constant 0 : i32
    %dma_start3A_443 = tpu.memref_slice %arg4[%mul3A_439, %dma_start3A_442] : memref<163840x128xf32, #tpu.memory_space<hbm>> -> memref<128x128xf32, #tpu.memory_space<hbm>>
    tpu.enqueue_dma source(%arg7 : memref<128x128xf32, #tpu.memory_space<vmem>>) target(%dma_start3A_443 : memref<128x128xf32, #tpu.memory_space<hbm>>) target_semaphore(%arg11 : memref<!tpu.dma_semaphore, #tpu.memory_space<semaphore_mem>>)
    %dma_wait3A_444 = arith.constant 0 : i32
    %dma_wait3A_445 = tpu.memref_slice %arg4[%mul3A_439, %dma_wait3A_444] : memref<163840x128xf32, #tpu.memory_space<hbm>> -> memref<128x128xf32, #tpu.memory_space<hbm>>
    %dma_wait3A_446 = arith.constant 0 : i32
    %dma_wait3A_447 = tpu.memref_slice %arg4[%mul3A_439, %dma_wait3A_446] : memref<163840x128xf32, #tpu.memory_space<hbm>> -> memref<128x128xf32, #tpu.memory_space<hbm>>
    tpu.wait_dma2 semaphore(%arg11 : memref<!tpu.dma_semaphore, #tpu.memory_space<semaphore_mem>>) src(%arg7 : memref<128x128xf32, #tpu.memory_space<vmem>>) dst(%dma_wait3A_447 : memref<128x128xf32, #tpu.memory_space<hbm>>)
    %dma_start3A_448 = arith.constant 2688 : i32
    %dma_start3A_449 = tpu.memref_slice %arg5[%dma_start3A_448] : memref<5120xi32, #tpu.memory_space<vmem>> -> memref<128xi32, #tpu.memory_space<vmem>>
    %dma_start3A_450 = arith.constant 0 : i32
    %dma_start3A_451 = arith.constant 0 : i32
    %dma_start3A_452 = tpu.memref_slice %arg2[%dma_start3A_450, %dma_start3A_451] : memref<10000x128xf32, #tpu.memory_space<hbm>> -> memref<10000x128xf32, #tpu.memory_space<hbm>>
    tpu.enqueue_indirect_dma source(%dma_start3A_452 : memref<10000x128xf32, #tpu.memory_space<hbm>>) target(%arg7 : memref<128x128xf32, #tpu.memory_space<vmem>>) offsets(%dma_start3A_449 : memref<128xi32, #tpu.memory_space<vmem>>) semaphore(%arg9 : memref<!tpu.dma_semaphore, #tpu.memory_space<semaphore_mem>>)
    %dma_wait3A_453 = arith.constant 2560 : i32
    %dma_wait3A_454 = tpu.memref_slice %arg5[%dma_wait3A_453] : memref<5120xi32, #tpu.memory_space<vmem>> -> memref<128xi32, #tpu.memory_space<vmem>>
    %dma_wait3A_455 = arith.constant 0 : i32
    %dma_wait3A_456 = arith.constant 0 : i32
    %dma_wait3A_457 = tpu.memref_slice %arg2[%dma_wait3A_455, %dma_wait3A_456] : memref<10000x128xf32, #tpu.memory_space<hbm>> -> memref<10000x128xf32, #tpu.memory_space<hbm>>
    tpu.wait_indirect_dma semaphore(%arg8 : memref<!tpu.dma_semaphore, #tpu.memory_space<semaphore_mem>>) src(%dma_wait3A_457 : memref<10000x128xf32, #tpu.memory_space<hbm>>) dst(%arg6 : memref<128x128xf32, #tpu.memory_space<vmem>>)
    %add3A_458 = arith.constant 20 : i32
    %add3A_459 = arith.addi %mul3A_2, %add3A_458 : i32
    %mul3A_460 = arith.constant 128 : i32
    %mul3A_461 = arith.muli %add3A_459, %mul3A_460 : i32
    %dma_start3A_462 = arith.constant 0 : i32
    %dma_start3A_463 = tpu.memref_slice %arg4[%mul3A_461, %dma_start3A_462] : memref<163840x128xf32, #tpu.memory_space<hbm>> -> memref<128x128xf32, #tpu.memory_space<hbm>>
    %dma_start3A_464 = arith.constant 0 : i32
    %dma_start3A_465 = tpu.memref_slice %arg4[%mul3A_461, %dma_start3A_464] : memref<163840x128xf32, #tpu.memory_space<hbm>> -> memref<128x128xf32, #tpu.memory_space<hbm>>
    tpu.enqueue_dma source(%arg6 : memref<128x128xf32, #tpu.memory_space<vmem>>) target(%dma_start3A_465 : memref<128x128xf32, #tpu.memory_space<hbm>>) target_semaphore(%arg10 : memref<!tpu.dma_semaphore, #tpu.memory_space<semaphore_mem>>)
    %dma_wait3A_466 = arith.constant 0 : i32
    %dma_wait3A_467 = tpu.memref_slice %arg4[%mul3A_461, %dma_wait3A_466] : memref<163840x128xf32, #tpu.memory_space<hbm>> -> memref<128x128xf32, #tpu.memory_space<hbm>>
    %dma_wait3A_468 = arith.constant 0 : i32
    %dma_wait3A_469 = tpu.memref_slice %arg4[%mul3A_461, %dma_wait3A_468] : memref<163840x128xf32, #tpu.memory_space<hbm>> -> memref<128x128xf32, #tpu.memory_space<hbm>>
    tpu.wait_dma2 semaphore(%arg10 : memref<!tpu.dma_semaphore, #tpu.memory_space<semaphore_mem>>) src(%arg6 : memref<128x128xf32, #tpu.memory_space<vmem>>) dst(%dma_wait3A_469 : memref<128x128xf32, #tpu.memory_space<hbm>>)
    %dma_start3A_470 = arith.constant 2816 : i32
    %dma_start3A_471 = tpu.memref_slice %arg5[%dma_start3A_470] : memref<5120xi32, #tpu.memory_space<vmem>> -> memref<128xi32, #tpu.memory_space<vmem>>
    %dma_start3A_472 = arith.constant 0 : i32
    %dma_start3A_473 = arith.constant 0 : i32
    %dma_start3A_474 = tpu.memref_slice %arg2[%dma_start3A_472, %dma_start3A_473] : memref<10000x128xf32, #tpu.memory_space<hbm>> -> memref<10000x128xf32, #tpu.memory_space<hbm>>
    tpu.enqueue_indirect_dma source(%dma_start3A_474 : memref<10000x128xf32, #tpu.memory_space<hbm>>) target(%arg6 : memref<128x128xf32, #tpu.memory_space<vmem>>) offsets(%dma_start3A_471 : memref<128xi32, #tpu.memory_space<vmem>>) semaphore(%arg8 : memref<!tpu.dma_semaphore, #tpu.memory_space<semaphore_mem>>)
    %dma_wait3A_475 = arith.constant 2688 : i32
    %dma_wait3A_476 = tpu.memref_slice %arg5[%dma_wait3A_475] : memref<5120xi32, #tpu.memory_space<vmem>> -> memref<128xi32, #tpu.memory_space<vmem>>
    %dma_wait3A_477 = arith.constant 0 : i32
    %dma_wait3A_478 = arith.constant 0 : i32
    %dma_wait3A_479 = tpu.memref_slice %arg2[%dma_wait3A_477, %dma_wait3A_478] : memref<10000x128xf32, #tpu.memory_space<hbm>> -> memref<10000x128xf32, #tpu.memory_space<hbm>>
    tpu.wait_indirect_dma semaphore(%arg9 : memref<!tpu.dma_semaphore, #tpu.memory_space<semaphore_mem>>) src(%dma_wait3A_479 : memref<10000x128xf32, #tpu.memory_space<hbm>>) dst(%arg7 : memref<128x128xf32, #tpu.memory_space<vmem>>)
    %add3A_480 = arith.constant 21 : i32
    %add3A_481 = arith.addi %mul3A_2, %add3A_480 : i32
    %mul3A_482 = arith.constant 128 : i32
    %mul3A_483 = arith.muli %add3A_481, %mul3A_482 : i32
    %dma_start3A_484 = arith.constant 0 : i32
    %dma_start3A_485 = tpu.memref_slice %arg4[%mul3A_483, %dma_start3A_484] : memref<163840x128xf32, #tpu.memory_space<hbm>> -> memref<128x128xf32, #tpu.memory_space<hbm>>
    %dma_start3A_486 = arith.constant 0 : i32
    %dma_start3A_487 = tpu.memref_slice %arg4[%mul3A_483, %dma_start3A_486] : memref<163840x128xf32, #tpu.memory_space<hbm>> -> memref<128x128xf32, #tpu.memory_space<hbm>>
    tpu.enqueue_dma source(%arg7 : memref<128x128xf32, #tpu.memory_space<vmem>>) target(%dma_start3A_487 : memref<128x128xf32, #tpu.memory_space<hbm>>) target_semaphore(%arg11 : memref<!tpu.dma_semaphore, #tpu.memory_space<semaphore_mem>>)
    %dma_wait3A_488 = arith.constant 0 : i32
    %dma_wait3A_489 = tpu.memref_slice %arg4[%mul3A_483, %dma_wait3A_488] : memref<163840x128xf32, #tpu.memory_space<hbm>> -> memref<128x128xf32, #tpu.memory_space<hbm>>
    %dma_wait3A_490 = arith.constant 0 : i32
    %dma_wait3A_491 = tpu.memref_slice %arg4[%mul3A_483, %dma_wait3A_490] : memref<163840x128xf32, #tpu.memory_space<hbm>> -> memref<128x128xf32, #tpu.memory_space<hbm>>
    tpu.wait_dma2 semaphore(%arg11 : memref<!tpu.dma_semaphore, #tpu.memory_space<semaphore_mem>>) src(%arg7 : memref<128x128xf32, #tpu.memory_space<vmem>>) dst(%dma_wait3A_491 : memref<128x128xf32, #tpu.memory_space<hbm>>)
    %dma_start3A_492 = arith.constant 2944 : i32
    %dma_start3A_493 = tpu.memref_slice %arg5[%dma_start3A_492] : memref<5120xi32, #tpu.memory_space<vmem>> -> memref<128xi32, #tpu.memory_space<vmem>>
    %dma_start3A_494 = arith.constant 0 : i32
    %dma_start3A_495 = arith.constant 0 : i32
    %dma_start3A_496 = tpu.memref_slice %arg2[%dma_start3A_494, %dma_start3A_495] : memref<10000x128xf32, #tpu.memory_space<hbm>> -> memref<10000x128xf32, #tpu.memory_space<hbm>>
    tpu.enqueue_indirect_dma source(%dma_start3A_496 : memref<10000x128xf32, #tpu.memory_space<hbm>>) target(%arg7 : memref<128x128xf32, #tpu.memory_space<vmem>>) offsets(%dma_start3A_493 : memref<128xi32, #tpu.memory_space<vmem>>) semaphore(%arg9 : memref<!tpu.dma_semaphore, #tpu.memory_space<semaphore_mem>>)
    %dma_wait3A_497 = arith.constant 2816 : i32
    %dma_wait3A_498 = tpu.memref_slice %arg5[%dma_wait3A_497] : memref<5120xi32, #tpu.memory_space<vmem>> -> memref<128xi32, #tpu.memory_space<vmem>>
    %dma_wait3A_499 = arith.constant 0 : i32
    %dma_wait3A_500 = arith.constant 0 : i32
    %dma_wait3A_501 = tpu.memref_slice %arg2[%dma_wait3A_499, %dma_wait3A_500] : memref<10000x128xf32, #tpu.memory_space<hbm>> -> memref<10000x128xf32, #tpu.memory_space<hbm>>
    tpu.wait_indirect_dma semaphore(%arg8 : memref<!tpu.dma_semaphore, #tpu.memory_space<semaphore_mem>>) src(%dma_wait3A_501 : memref<10000x128xf32, #tpu.memory_space<hbm>>) dst(%arg6 : memref<128x128xf32, #tpu.memory_space<vmem>>)
    %add3A_502 = arith.constant 22 : i32
    %add3A_503 = arith.addi %mul3A_2, %add3A_502 : i32
    %mul3A_504 = arith.constant 128 : i32
    %mul3A_505 = arith.muli %add3A_503, %mul3A_504 : i32
    %dma_start3A_506 = arith.constant 0 : i32
    %dma_start3A_507 = tpu.memref_slice %arg4[%mul3A_505, %dma_start3A_506] : memref<163840x128xf32, #tpu.memory_space<hbm>> -> memref<128x128xf32, #tpu.memory_space<hbm>>
    %dma_start3A_508 = arith.constant 0 : i32
    %dma_start3A_509 = tpu.memref_slice %arg4[%mul3A_505, %dma_start3A_508] : memref<163840x128xf32, #tpu.memory_space<hbm>> -> memref<128x128xf32, #tpu.memory_space<hbm>>
    tpu.enqueue_dma source(%arg6 : memref<128x128xf32, #tpu.memory_space<vmem>>) target(%dma_start3A_509 : memref<128x128xf32, #tpu.memory_space<hbm>>) target_semaphore(%arg10 : memref<!tpu.dma_semaphore, #tpu.memory_space<semaphore_mem>>)
    %dma_wait3A_510 = arith.constant 0 : i32
    %dma_wait3A_511 = tpu.memref_slice %arg4[%mul3A_505, %dma_wait3A_510] : memref<163840x128xf32, #tpu.memory_space<hbm>> -> memref<128x128xf32, #tpu.memory_space<hbm>>
    %dma_wait3A_512 = arith.constant 0 : i32
    %dma_wait3A_513 = tpu.memref_slice %arg4[%mul3A_505, %dma_wait3A_512] : memref<163840x128xf32, #tpu.memory_space<hbm>> -> memref<128x128xf32, #tpu.memory_space<hbm>>
    tpu.wait_dma2 semaphore(%arg10 : memref<!tpu.dma_semaphore, #tpu.memory_space<semaphore_mem>>) src(%arg6 : memref<128x128xf32, #tpu.memory_space<vmem>>) dst(%dma_wait3A_513 : memref<128x128xf32, #tpu.memory_space<hbm>>)
    %dma_start3A_514 = arith.constant 3072 : i32
    %dma_start3A_515 = tpu.memref_slice %arg5[%dma_start3A_514] : memref<5120xi32, #tpu.memory_space<vmem>> -> memref<128xi32, #tpu.memory_space<vmem>>
    %dma_start3A_516 = arith.constant 0 : i32
    %dma_start3A_517 = arith.constant 0 : i32
    %dma_start3A_518 = tpu.memref_slice %arg2[%dma_start3A_516, %dma_start3A_517] : memref<10000x128xf32, #tpu.memory_space<hbm>> -> memref<10000x128xf32, #tpu.memory_space<hbm>>
    tpu.enqueue_indirect_dma source(%dma_start3A_518 : memref<10000x128xf32, #tpu.memory_space<hbm>>) target(%arg6 : memref<128x128xf32, #tpu.memory_space<vmem>>) offsets(%dma_start3A_515 : memref<128xi32, #tpu.memory_space<vmem>>) semaphore(%arg8 : memref<!tpu.dma_semaphore, #tpu.memory_space<semaphore_mem>>)
    %dma_wait3A_519 = arith.constant 2944 : i32
    %dma_wait3A_520 = tpu.memref_slice %arg5[%dma_wait3A_519] : memref<5120xi32, #tpu.memory_space<vmem>> -> memref<128xi32, #tpu.memory_space<vmem>>
    %dma_wait3A_521 = arith.constant 0 : i32
    %dma_wait3A_522 = arith.constant 0 : i32
    %dma_wait3A_523 = tpu.memref_slice %arg2[%dma_wait3A_521, %dma_wait3A_522] : memref<10000x128xf32, #tpu.memory_space<hbm>> -> memref<10000x128xf32, #tpu.memory_space<hbm>>
    tpu.wait_indirect_dma semaphore(%arg9 : memref<!tpu.dma_semaphore, #tpu.memory_space<semaphore_mem>>) src(%dma_wait3A_523 : memref<10000x128xf32, #tpu.memory_space<hbm>>) dst(%arg7 : memref<128x128xf32, #tpu.memory_space<vmem>>)
    %add3A_524 = arith.constant 23 : i32
    %add3A_525 = arith.addi %mul3A_2, %add3A_524 : i32
    %mul3A_526 = arith.constant 128 : i32
    %mul3A_527 = arith.muli %add3A_525, %mul3A_526 : i32
    %dma_start3A_528 = arith.constant 0 : i32
    %dma_start3A_529 = tpu.memref_slice %arg4[%mul3A_527, %dma_start3A_528] : memref<163840x128xf32, #tpu.memory_space<hbm>> -> memref<128x128xf32, #tpu.memory_space<hbm>>
    %dma_start3A_530 = arith.constant 0 : i32
    %dma_start3A_531 = tpu.memref_slice %arg4[%mul3A_527, %dma_start3A_530] : memref<163840x128xf32, #tpu.memory_space<hbm>> -> memref<128x128xf32, #tpu.memory_space<hbm>>
    tpu.enqueue_dma source(%arg7 : memref<128x128xf32, #tpu.memory_space<vmem>>) target(%dma_start3A_531 : memref<128x128xf32, #tpu.memory_space<hbm>>) target_semaphore(%arg11 : memref<!tpu.dma_semaphore, #tpu.memory_space<semaphore_mem>>)
    %dma_wait3A_532 = arith.constant 0 : i32
    %dma_wait3A_533 = tpu.memref_slice %arg4[%mul3A_527, %dma_wait3A_532] : memref<163840x128xf32, #tpu.memory_space<hbm>> -> memref<128x128xf32, #tpu.memory_space<hbm>>
    %dma_wait3A_534 = arith.constant 0 : i32
    %dma_wait3A_535 = tpu.memref_slice %arg4[%mul3A_527, %dma_wait3A_534] : memref<163840x128xf32, #tpu.memory_space<hbm>> -> memref<128x128xf32, #tpu.memory_space<hbm>>
    tpu.wait_dma2 semaphore(%arg11 : memref<!tpu.dma_semaphore, #tpu.memory_space<semaphore_mem>>) src(%arg7 : memref<128x128xf32, #tpu.memory_space<vmem>>) dst(%dma_wait3A_535 : memref<128x128xf32, #tpu.memory_space<hbm>>)
    %dma_start3A_536 = arith.constant 3200 : i32
    %dma_start3A_537 = tpu.memref_slice %arg5[%dma_start3A_536] : memref<5120xi32, #tpu.memory_space<vmem>> -> memref<128xi32, #tpu.memory_space<vmem>>
    %dma_start3A_538 = arith.constant 0 : i32
    %dma_start3A_539 = arith.constant 0 : i32
    %dma_start3A_540 = tpu.memref_slice %arg2[%dma_start3A_538, %dma_start3A_539] : memref<10000x128xf32, #tpu.memory_space<hbm>> -> memref<10000x128xf32, #tpu.memory_space<hbm>>
    tpu.enqueue_indirect_dma source(%dma_start3A_540 : memref<10000x128xf32, #tpu.memory_space<hbm>>) target(%arg7 : memref<128x128xf32, #tpu.memory_space<vmem>>) offsets(%dma_start3A_537 : memref<128xi32, #tpu.memory_space<vmem>>) semaphore(%arg9 : memref<!tpu.dma_semaphore, #tpu.memory_space<semaphore_mem>>)
    %dma_wait3A_541 = arith.constant 3072 : i32
    %dma_wait3A_542 = tpu.memref_slice %arg5[%dma_wait3A_541] : memref<5120xi32, #tpu.memory_space<vmem>> -> memref<128xi32, #tpu.memory_space<vmem>>
    %dma_wait3A_543 = arith.constant 0 : i32
    %dma_wait3A_544 = arith.constant 0 : i32
    %dma_wait3A_545 = tpu.memref_slice %arg2[%dma_wait3A_543, %dma_wait3A_544] : memref<10000x128xf32, #tpu.memory_space<hbm>> -> memref<10000x128xf32, #tpu.memory_space<hbm>>
    tpu.wait_indirect_dma semaphore(%arg8 : memref<!tpu.dma_semaphore, #tpu.memory_space<semaphore_mem>>) src(%dma_wait3A_545 : memref<10000x128xf32, #tpu.memory_space<hbm>>) dst(%arg6 : memref<128x128xf32, #tpu.memory_space<vmem>>)
    %add3A_546 = arith.constant 24 : i32
    %add3A_547 = arith.addi %mul3A_2, %add3A_546 : i32
    %mul3A_548 = arith.constant 128 : i32
    %mul3A_549 = arith.muli %add3A_547, %mul3A_548 : i32
    %dma_start3A_550 = arith.constant 0 : i32
    %dma_start3A_551 = tpu.memref_slice %arg4[%mul3A_549, %dma_start3A_550] : memref<163840x128xf32, #tpu.memory_space<hbm>> -> memref<128x128xf32, #tpu.memory_space<hbm>>
    %dma_start3A_552 = arith.constant 0 : i32
    %dma_start3A_553 = tpu.memref_slice %arg4[%mul3A_549, %dma_start3A_552] : memref<163840x128xf32, #tpu.memory_space<hbm>> -> memref<128x128xf32, #tpu.memory_space<hbm>>
    tpu.enqueue_dma source(%arg6 : memref<128x128xf32, #tpu.memory_space<vmem>>) target(%dma_start3A_553 : memref<128x128xf32, #tpu.memory_space<hbm>>) target_semaphore(%arg10 : memref<!tpu.dma_semaphore, #tpu.memory_space<semaphore_mem>>)
    %dma_wait3A_554 = arith.constant 0 : i32
    %dma_wait3A_555 = tpu.memref_slice %arg4[%mul3A_549, %dma_wait3A_554] : memref<163840x128xf32, #tpu.memory_space<hbm>> -> memref<128x128xf32, #tpu.memory_space<hbm>>
    %dma_wait3A_556 = arith.constant 0 : i32
    %dma_wait3A_557 = tpu.memref_slice %arg4[%mul3A_549, %dma_wait3A_556] : memref<163840x128xf32, #tpu.memory_space<hbm>> -> memref<128x128xf32, #tpu.memory_space<hbm>>
    tpu.wait_dma2 semaphore(%arg10 : memref<!tpu.dma_semaphore, #tpu.memory_space<semaphore_mem>>) src(%arg6 : memref<128x128xf32, #tpu.memory_space<vmem>>) dst(%dma_wait3A_557 : memref<128x128xf32, #tpu.memory_space<hbm>>)
    %dma_start3A_558 = arith.constant 3328 : i32
    %dma_start3A_559 = tpu.memref_slice %arg5[%dma_start3A_558] : memref<5120xi32, #tpu.memory_space<vmem>> -> memref<128xi32, #tpu.memory_space<vmem>>
    %dma_start3A_560 = arith.constant 0 : i32
    %dma_start3A_561 = arith.constant 0 : i32
    %dma_start3A_562 = tpu.memref_slice %arg2[%dma_start3A_560, %dma_start3A_561] : memref<10000x128xf32, #tpu.memory_space<hbm>> -> memref<10000x128xf32, #tpu.memory_space<hbm>>
    tpu.enqueue_indirect_dma source(%dma_start3A_562 : memref<10000x128xf32, #tpu.memory_space<hbm>>) target(%arg6 : memref<128x128xf32, #tpu.memory_space<vmem>>) offsets(%dma_start3A_559 : memref<128xi32, #tpu.memory_space<vmem>>) semaphore(%arg8 : memref<!tpu.dma_semaphore, #tpu.memory_space<semaphore_mem>>)
    %dma_wait3A_563 = arith.constant 3200 : i32
    %dma_wait3A_564 = tpu.memref_slice %arg5[%dma_wait3A_563] : memref<5120xi32, #tpu.memory_space<vmem>> -> memref<128xi32, #tpu.memory_space<vmem>>
    %dma_wait3A_565 = arith.constant 0 : i32
    %dma_wait3A_566 = arith.constant 0 : i32
    %dma_wait3A_567 = tpu.memref_slice %arg2[%dma_wait3A_565, %dma_wait3A_566] : memref<10000x128xf32, #tpu.memory_space<hbm>> -> memref<10000x128xf32, #tpu.memory_space<hbm>>
    tpu.wait_indirect_dma semaphore(%arg9 : memref<!tpu.dma_semaphore, #tpu.memory_space<semaphore_mem>>) src(%dma_wait3A_567 : memref<10000x128xf32, #tpu.memory_space<hbm>>) dst(%arg7 : memref<128x128xf32, #tpu.memory_space<vmem>>)
    %add3A_568 = arith.constant 25 : i32
    %add3A_569 = arith.addi %mul3A_2, %add3A_568 : i32
    %mul3A_570 = arith.constant 128 : i32
    %mul3A_571 = arith.muli %add3A_569, %mul3A_570 : i32
    %dma_start3A_572 = arith.constant 0 : i32
    %dma_start3A_573 = tpu.memref_slice %arg4[%mul3A_571, %dma_start3A_572] : memref<163840x128xf32, #tpu.memory_space<hbm>> -> memref<128x128xf32, #tpu.memory_space<hbm>>
    %dma_start3A_574 = arith.constant 0 : i32
    %dma_start3A_575 = tpu.memref_slice %arg4[%mul3A_571, %dma_start3A_574] : memref<163840x128xf32, #tpu.memory_space<hbm>> -> memref<128x128xf32, #tpu.memory_space<hbm>>
    tpu.enqueue_dma source(%arg7 : memref<128x128xf32, #tpu.memory_space<vmem>>) target(%dma_start3A_575 : memref<128x128xf32, #tpu.memory_space<hbm>>) target_semaphore(%arg11 : memref<!tpu.dma_semaphore, #tpu.memory_space<semaphore_mem>>)
    %dma_wait3A_576 = arith.constant 0 : i32
    %dma_wait3A_577 = tpu.memref_slice %arg4[%mul3A_571, %dma_wait3A_576] : memref<163840x128xf32, #tpu.memory_space<hbm>> -> memref<128x128xf32, #tpu.memory_space<hbm>>
    %dma_wait3A_578 = arith.constant 0 : i32
    %dma_wait3A_579 = tpu.memref_slice %arg4[%mul3A_571, %dma_wait3A_578] : memref<163840x128xf32, #tpu.memory_space<hbm>> -> memref<128x128xf32, #tpu.memory_space<hbm>>
    tpu.wait_dma2 semaphore(%arg11 : memref<!tpu.dma_semaphore, #tpu.memory_space<semaphore_mem>>) src(%arg7 : memref<128x128xf32, #tpu.memory_space<vmem>>) dst(%dma_wait3A_579 : memref<128x128xf32, #tpu.memory_space<hbm>>)
    %dma_start3A_580 = arith.constant 3456 : i32
    %dma_start3A_581 = tpu.memref_slice %arg5[%dma_start3A_580] : memref<5120xi32, #tpu.memory_space<vmem>> -> memref<128xi32, #tpu.memory_space<vmem>>
    %dma_start3A_582 = arith.constant 0 : i32
    %dma_start3A_583 = arith.constant 0 : i32
    %dma_start3A_584 = tpu.memref_slice %arg2[%dma_start3A_582, %dma_start3A_583] : memref<10000x128xf32, #tpu.memory_space<hbm>> -> memref<10000x128xf32, #tpu.memory_space<hbm>>
    tpu.enqueue_indirect_dma source(%dma_start3A_584 : memref<10000x128xf32, #tpu.memory_space<hbm>>) target(%arg7 : memref<128x128xf32, #tpu.memory_space<vmem>>) offsets(%dma_start3A_581 : memref<128xi32, #tpu.memory_space<vmem>>) semaphore(%arg9 : memref<!tpu.dma_semaphore, #tpu.memory_space<semaphore_mem>>)
    %dma_wait3A_585 = arith.constant 3328 : i32
    %dma_wait3A_586 = tpu.memref_slice %arg5[%dma_wait3A_585] : memref<5120xi32, #tpu.memory_space<vmem>> -> memref<128xi32, #tpu.memory_space<vmem>>
    %dma_wait3A_587 = arith.constant 0 : i32
    %dma_wait3A_588 = arith.constant 0 : i32
    %dma_wait3A_589 = tpu.memref_slice %arg2[%dma_wait3A_587, %dma_wait3A_588] : memref<10000x128xf32, #tpu.memory_space<hbm>> -> memref<10000x128xf32, #tpu.memory_space<hbm>>
    tpu.wait_indirect_dma semaphore(%arg8 : memref<!tpu.dma_semaphore, #tpu.memory_space<semaphore_mem>>) src(%dma_wait3A_589 : memref<10000x128xf32, #tpu.memory_space<hbm>>) dst(%arg6 : memref<128x128xf32, #tpu.memory_space<vmem>>)
    %add3A_590 = arith.constant 26 : i32
    %add3A_591 = arith.addi %mul3A_2, %add3A_590 : i32
    %mul3A_592 = arith.constant 128 : i32
    %mul3A_593 = arith.muli %add3A_591, %mul3A_592 : i32
    %dma_start3A_594 = arith.constant 0 : i32
    %dma_start3A_595 = tpu.memref_slice %arg4[%mul3A_593, %dma_start3A_594] : memref<163840x128xf32, #tpu.memory_space<hbm>> -> memref<128x128xf32, #tpu.memory_space<hbm>>
    %dma_start3A_596 = arith.constant 0 : i32
    %dma_start3A_597 = tpu.memref_slice %arg4[%mul3A_593, %dma_start3A_596] : memref<163840x128xf32, #tpu.memory_space<hbm>> -> memref<128x128xf32, #tpu.memory_space<hbm>>
    tpu.enqueue_dma source(%arg6 : memref<128x128xf32, #tpu.memory_space<vmem>>) target(%dma_start3A_597 : memref<128x128xf32, #tpu.memory_space<hbm>>) target_semaphore(%arg10 : memref<!tpu.dma_semaphore, #tpu.memory_space<semaphore_mem>>)
    %dma_wait3A_598 = arith.constant 0 : i32
    %dma_wait3A_599 = tpu.memref_slice %arg4[%mul3A_593, %dma_wait3A_598] : memref<163840x128xf32, #tpu.memory_space<hbm>> -> memref<128x128xf32, #tpu.memory_space<hbm>>
    %dma_wait3A_600 = arith.constant 0 : i32
    %dma_wait3A_601 = tpu.memref_slice %arg4[%mul3A_593, %dma_wait3A_600] : memref<163840x128xf32, #tpu.memory_space<hbm>> -> memref<128x128xf32, #tpu.memory_space<hbm>>
    tpu.wait_dma2 semaphore(%arg10 : memref<!tpu.dma_semaphore, #tpu.memory_space<semaphore_mem>>) src(%arg6 : memref<128x128xf32, #tpu.memory_space<vmem>>) dst(%dma_wait3A_601 : memref<128x128xf32, #tpu.memory_space<hbm>>)
    %dma_start3A_602 = arith.constant 3584 : i32
    %dma_start3A_603 = tpu.memref_slice %arg5[%dma_start3A_602] : memref<5120xi32, #tpu.memory_space<vmem>> -> memref<128xi32, #tpu.memory_space<vmem>>
    %dma_start3A_604 = arith.constant 0 : i32
    %dma_start3A_605 = arith.constant 0 : i32
    %dma_start3A_606 = tpu.memref_slice %arg2[%dma_start3A_604, %dma_start3A_605] : memref<10000x128xf32, #tpu.memory_space<hbm>> -> memref<10000x128xf32, #tpu.memory_space<hbm>>
    tpu.enqueue_indirect_dma source(%dma_start3A_606 : memref<10000x128xf32, #tpu.memory_space<hbm>>) target(%arg6 : memref<128x128xf32, #tpu.memory_space<vmem>>) offsets(%dma_start3A_603 : memref<128xi32, #tpu.memory_space<vmem>>) semaphore(%arg8 : memref<!tpu.dma_semaphore, #tpu.memory_space<semaphore_mem>>)
    %dma_wait3A_607 = arith.constant 3456 : i32
    %dma_wait3A_608 = tpu.memref_slice %arg5[%dma_wait3A_607] : memref<5120xi32, #tpu.memory_space<vmem>> -> memref<128xi32, #tpu.memory_space<vmem>>
    %dma_wait3A_609 = arith.constant 0 : i32
    %dma_wait3A_610 = arith.constant 0 : i32
    %dma_wait3A_611 = tpu.memref_slice %arg2[%dma_wait3A_609, %dma_wait3A_610] : memref<10000x128xf32, #tpu.memory_space<hbm>> -> memref<10000x128xf32, #tpu.memory_space<hbm>>
    tpu.wait_indirect_dma semaphore(%arg9 : memref<!tpu.dma_semaphore, #tpu.memory_space<semaphore_mem>>) src(%dma_wait3A_611 : memref<10000x128xf32, #tpu.memory_space<hbm>>) dst(%arg7 : memref<128x128xf32, #tpu.memory_space<vmem>>)
    %add3A_612 = arith.constant 27 : i32
    %add3A_613 = arith.addi %mul3A_2, %add3A_612 : i32
    %mul3A_614 = arith.constant 128 : i32
    %mul3A_615 = arith.muli %add3A_613, %mul3A_614 : i32
    %dma_start3A_616 = arith.constant 0 : i32
    %dma_start3A_617 = tpu.memref_slice %arg4[%mul3A_615, %dma_start3A_616] : memref<163840x128xf32, #tpu.memory_space<hbm>> -> memref<128x128xf32, #tpu.memory_space<hbm>>
    %dma_start3A_618 = arith.constant 0 : i32
    %dma_start3A_619 = tpu.memref_slice %arg4[%mul3A_615, %dma_start3A_618] : memref<163840x128xf32, #tpu.memory_space<hbm>> -> memref<128x128xf32, #tpu.memory_space<hbm>>
    tpu.enqueue_dma source(%arg7 : memref<128x128xf32, #tpu.memory_space<vmem>>) target(%dma_start3A_619 : memref<128x128xf32, #tpu.memory_space<hbm>>) target_semaphore(%arg11 : memref<!tpu.dma_semaphore, #tpu.memory_space<semaphore_mem>>)
    %dma_wait3A_620 = arith.constant 0 : i32
    %dma_wait3A_621 = tpu.memref_slice %arg4[%mul3A_615, %dma_wait3A_620] : memref<163840x128xf32, #tpu.memory_space<hbm>> -> memref<128x128xf32, #tpu.memory_space<hbm>>
    %dma_wait3A_622 = arith.constant 0 : i32
    %dma_wait3A_623 = tpu.memref_slice %arg4[%mul3A_615, %dma_wait3A_622] : memref<163840x128xf32, #tpu.memory_space<hbm>> -> memref<128x128xf32, #tpu.memory_space<hbm>>
    tpu.wait_dma2 semaphore(%arg11 : memref<!tpu.dma_semaphore, #tpu.memory_space<semaphore_mem>>) src(%arg7 : memref<128x128xf32, #tpu.memory_space<vmem>>) dst(%dma_wait3A_623 : memref<128x128xf32, #tpu.memory_space<hbm>>)
    %dma_start3A_624 = arith.constant 3712 : i32
    %dma_start3A_625 = tpu.memref_slice %arg5[%dma_start3A_624] : memref<5120xi32, #tpu.memory_space<vmem>> -> memref<128xi32, #tpu.memory_space<vmem>>
    %dma_start3A_626 = arith.constant 0 : i32
    %dma_start3A_627 = arith.constant 0 : i32
    %dma_start3A_628 = tpu.memref_slice %arg2[%dma_start3A_626, %dma_start3A_627] : memref<10000x128xf32, #tpu.memory_space<hbm>> -> memref<10000x128xf32, #tpu.memory_space<hbm>>
    tpu.enqueue_indirect_dma source(%dma_start3A_628 : memref<10000x128xf32, #tpu.memory_space<hbm>>) target(%arg7 : memref<128x128xf32, #tpu.memory_space<vmem>>) offsets(%dma_start3A_625 : memref<128xi32, #tpu.memory_space<vmem>>) semaphore(%arg9 : memref<!tpu.dma_semaphore, #tpu.memory_space<semaphore_mem>>)
    %dma_wait3A_629 = arith.constant 3584 : i32
    %dma_wait3A_630 = tpu.memref_slice %arg5[%dma_wait3A_629] : memref<5120xi32, #tpu.memory_space<vmem>> -> memref<128xi32, #tpu.memory_space<vmem>>
    %dma_wait3A_631 = arith.constant 0 : i32
    %dma_wait3A_632 = arith.constant 0 : i32
    %dma_wait3A_633 = tpu.memref_slice %arg2[%dma_wait3A_631, %dma_wait3A_632] : memref<10000x128xf32, #tpu.memory_space<hbm>> -> memref<10000x128xf32, #tpu.memory_space<hbm>>
    tpu.wait_indirect_dma semaphore(%arg8 : memref<!tpu.dma_semaphore, #tpu.memory_space<semaphore_mem>>) src(%dma_wait3A_633 : memref<10000x128xf32, #tpu.memory_space<hbm>>) dst(%arg6 : memref<128x128xf32, #tpu.memory_space<vmem>>)
    %add3A_634 = arith.constant 28 : i32
    %add3A_635 = arith.addi %mul3A_2, %add3A_634 : i32
    %mul3A_636 = arith.constant 128 : i32
    %mul3A_637 = arith.muli %add3A_635, %mul3A_636 : i32
    %dma_start3A_638 = arith.constant 0 : i32
    %dma_start3A_639 = tpu.memref_slice %arg4[%mul3A_637, %dma_start3A_638] : memref<163840x128xf32, #tpu.memory_space<hbm>> -> memref<128x128xf32, #tpu.memory_space<hbm>>
    %dma_start3A_640 = arith.constant 0 : i32
    %dma_start3A_641 = tpu.memref_slice %arg4[%mul3A_637, %dma_start3A_640] : memref<163840x128xf32, #tpu.memory_space<hbm>> -> memref<128x128xf32, #tpu.memory_space<hbm>>
    tpu.enqueue_dma source(%arg6 : memref<128x128xf32, #tpu.memory_space<vmem>>) target(%dma_start3A_641 : memref<128x128xf32, #tpu.memory_space<hbm>>) target_semaphore(%arg10 : memref<!tpu.dma_semaphore, #tpu.memory_space<semaphore_mem>>)
    %dma_wait3A_642 = arith.constant 0 : i32
    %dma_wait3A_643 = tpu.memref_slice %arg4[%mul3A_637, %dma_wait3A_642] : memref<163840x128xf32, #tpu.memory_space<hbm>> -> memref<128x128xf32, #tpu.memory_space<hbm>>
    %dma_wait3A_644 = arith.constant 0 : i32
    %dma_wait3A_645 = tpu.memref_slice %arg4[%mul3A_637, %dma_wait3A_644] : memref<163840x128xf32, #tpu.memory_space<hbm>> -> memref<128x128xf32, #tpu.memory_space<hbm>>
    tpu.wait_dma2 semaphore(%arg10 : memref<!tpu.dma_semaphore, #tpu.memory_space<semaphore_mem>>) src(%arg6 : memref<128x128xf32, #tpu.memory_space<vmem>>) dst(%dma_wait3A_645 : memref<128x128xf32, #tpu.memory_space<hbm>>)
    %dma_start3A_646 = arith.constant 3840 : i32
    %dma_start3A_647 = tpu.memref_slice %arg5[%dma_start3A_646] : memref<5120xi32, #tpu.memory_space<vmem>> -> memref<128xi32, #tpu.memory_space<vmem>>
    %dma_start3A_648 = arith.constant 0 : i32
    %dma_start3A_649 = arith.constant 0 : i32
    %dma_start3A_650 = tpu.memref_slice %arg2[%dma_start3A_648, %dma_start3A_649] : memref<10000x128xf32, #tpu.memory_space<hbm>> -> memref<10000x128xf32, #tpu.memory_space<hbm>>
    tpu.enqueue_indirect_dma source(%dma_start3A_650 : memref<10000x128xf32, #tpu.memory_space<hbm>>) target(%arg6 : memref<128x128xf32, #tpu.memory_space<vmem>>) offsets(%dma_start3A_647 : memref<128xi32, #tpu.memory_space<vmem>>) semaphore(%arg8 : memref<!tpu.dma_semaphore, #tpu.memory_space<semaphore_mem>>)
    %dma_wait3A_651 = arith.constant 3712 : i32
    %dma_wait3A_652 = tpu.memref_slice %arg5[%dma_wait3A_651] : memref<5120xi32, #tpu.memory_space<vmem>> -> memref<128xi32, #tpu.memory_space<vmem>>
    %dma_wait3A_653 = arith.constant 0 : i32
    %dma_wait3A_654 = arith.constant 0 : i32
    %dma_wait3A_655 = tpu.memref_slice %arg2[%dma_wait3A_653, %dma_wait3A_654] : memref<10000x128xf32, #tpu.memory_space<hbm>> -> memref<10000x128xf32, #tpu.memory_space<hbm>>
    tpu.wait_indirect_dma semaphore(%arg9 : memref<!tpu.dma_semaphore, #tpu.memory_space<semaphore_mem>>) src(%dma_wait3A_655 : memref<10000x128xf32, #tpu.memory_space<hbm>>) dst(%arg7 : memref<128x128xf32, #tpu.memory_space<vmem>>)
    %add3A_656 = arith.constant 29 : i32
    %add3A_657 = arith.addi %mul3A_2, %add3A_656 : i32
    %mul3A_658 = arith.constant 128 : i32
    %mul3A_659 = arith.muli %add3A_657, %mul3A_658 : i32
    %dma_start3A_660 = arith.constant 0 : i32
    %dma_start3A_661 = tpu.memref_slice %arg4[%mul3A_659, %dma_start3A_660] : memref<163840x128xf32, #tpu.memory_space<hbm>> -> memref<128x128xf32, #tpu.memory_space<hbm>>
    %dma_start3A_662 = arith.constant 0 : i32
    %dma_start3A_663 = tpu.memref_slice %arg4[%mul3A_659, %dma_start3A_662] : memref<163840x128xf32, #tpu.memory_space<hbm>> -> memref<128x128xf32, #tpu.memory_space<hbm>>
    tpu.enqueue_dma source(%arg7 : memref<128x128xf32, #tpu.memory_space<vmem>>) target(%dma_start3A_663 : memref<128x128xf32, #tpu.memory_space<hbm>>) target_semaphore(%arg11 : memref<!tpu.dma_semaphore, #tpu.memory_space<semaphore_mem>>)
    %dma_wait3A_664 = arith.constant 0 : i32
    %dma_wait3A_665 = tpu.memref_slice %arg4[%mul3A_659, %dma_wait3A_664] : memref<163840x128xf32, #tpu.memory_space<hbm>> -> memref<128x128xf32, #tpu.memory_space<hbm>>
    %dma_wait3A_666 = arith.constant 0 : i32
    %dma_wait3A_667 = tpu.memref_slice %arg4[%mul3A_659, %dma_wait3A_666] : memref<163840x128xf32, #tpu.memory_space<hbm>> -> memref<128x128xf32, #tpu.memory_space<hbm>>
    tpu.wait_dma2 semaphore(%arg11 : memref<!tpu.dma_semaphore, #tpu.memory_space<semaphore_mem>>) src(%arg7 : memref<128x128xf32, #tpu.memory_space<vmem>>) dst(%dma_wait3A_667 : memref<128x128xf32, #tpu.memory_space<hbm>>)
    %dma_start3A_668 = arith.constant 3968 : i32
    %dma_start3A_669 = tpu.memref_slice %arg5[%dma_start3A_668] : memref<5120xi32, #tpu.memory_space<vmem>> -> memref<128xi32, #tpu.memory_space<vmem>>
    %dma_start3A_670 = arith.constant 0 : i32
    %dma_start3A_671 = arith.constant 0 : i32
    %dma_start3A_672 = tpu.memref_slice %arg2[%dma_start3A_670, %dma_start3A_671] : memref<10000x128xf32, #tpu.memory_space<hbm>> -> memref<10000x128xf32, #tpu.memory_space<hbm>>
    tpu.enqueue_indirect_dma source(%dma_start3A_672 : memref<10000x128xf32, #tpu.memory_space<hbm>>) target(%arg7 : memref<128x128xf32, #tpu.memory_space<vmem>>) offsets(%dma_start3A_669 : memref<128xi32, #tpu.memory_space<vmem>>) semaphore(%arg9 : memref<!tpu.dma_semaphore, #tpu.memory_space<semaphore_mem>>)
    %dma_wait3A_673 = arith.constant 3840 : i32
    %dma_wait3A_674 = tpu.memref_slice %arg5[%dma_wait3A_673] : memref<5120xi32, #tpu.memory_space<vmem>> -> memref<128xi32, #tpu.memory_space<vmem>>
    %dma_wait3A_675 = arith.constant 0 : i32
    %dma_wait3A_676 = arith.constant 0 : i32
    %dma_wait3A_677 = tpu.memref_slice %arg2[%dma_wait3A_675, %dma_wait3A_676] : memref<10000x128xf32, #tpu.memory_space<hbm>> -> memref<10000x128xf32, #tpu.memory_space<hbm>>
    tpu.wait_indirect_dma semaphore(%arg8 : memref<!tpu.dma_semaphore, #tpu.memory_space<semaphore_mem>>) src(%dma_wait3A_677 : memref<10000x128xf32, #tpu.memory_space<hbm>>) dst(%arg6 : memref<128x128xf32, #tpu.memory_space<vmem>>)
    %add3A_678 = arith.constant 30 : i32
    %add3A_679 = arith.addi %mul3A_2, %add3A_678 : i32
    %mul3A_680 = arith.constant 128 : i32
    %mul3A_681 = arith.muli %add3A_679, %mul3A_680 : i32
    %dma_start3A_682 = arith.constant 0 : i32
    %dma_start3A_683 = tpu.memref_slice %arg4[%mul3A_681, %dma_start3A_682] : memref<163840x128xf32, #tpu.memory_space<hbm>> -> memref<128x128xf32, #tpu.memory_space<hbm>>
    %dma_start3A_684 = arith.constant 0 : i32
    %dma_start3A_685 = tpu.memref_slice %arg4[%mul3A_681, %dma_start3A_684] : memref<163840x128xf32, #tpu.memory_space<hbm>> -> memref<128x128xf32, #tpu.memory_space<hbm>>
    tpu.enqueue_dma source(%arg6 : memref<128x128xf32, #tpu.memory_space<vmem>>) target(%dma_start3A_685 : memref<128x128xf32, #tpu.memory_space<hbm>>) target_semaphore(%arg10 : memref<!tpu.dma_semaphore, #tpu.memory_space<semaphore_mem>>)
    %dma_wait3A_686 = arith.constant 0 : i32
    %dma_wait3A_687 = tpu.memref_slice %arg4[%mul3A_681, %dma_wait3A_686] : memref<163840x128xf32, #tpu.memory_space<hbm>> -> memref<128x128xf32, #tpu.memory_space<hbm>>
    %dma_wait3A_688 = arith.constant 0 : i32
    %dma_wait3A_689 = tpu.memref_slice %arg4[%mul3A_681, %dma_wait3A_688] : memref<163840x128xf32, #tpu.memory_space<hbm>> -> memref<128x128xf32, #tpu.memory_space<hbm>>
    tpu.wait_dma2 semaphore(%arg10 : memref<!tpu.dma_semaphore, #tpu.memory_space<semaphore_mem>>) src(%arg6 : memref<128x128xf32, #tpu.memory_space<vmem>>) dst(%dma_wait3A_689 : memref<128x128xf32, #tpu.memory_space<hbm>>)
    %dma_start3A_690 = arith.constant 4096 : i32
    %dma_start3A_691 = tpu.memref_slice %arg5[%dma_start3A_690] : memref<5120xi32, #tpu.memory_space<vmem>> -> memref<128xi32, #tpu.memory_space<vmem>>
    %dma_start3A_692 = arith.constant 0 : i32
    %dma_start3A_693 = arith.constant 0 : i32
    %dma_start3A_694 = tpu.memref_slice %arg2[%dma_start3A_692, %dma_start3A_693] : memref<10000x128xf32, #tpu.memory_space<hbm>> -> memref<10000x128xf32, #tpu.memory_space<hbm>>
    tpu.enqueue_indirect_dma source(%dma_start3A_694 : memref<10000x128xf32, #tpu.memory_space<hbm>>) target(%arg6 : memref<128x128xf32, #tpu.memory_space<vmem>>) offsets(%dma_start3A_691 : memref<128xi32, #tpu.memory_space<vmem>>) semaphore(%arg8 : memref<!tpu.dma_semaphore, #tpu.memory_space<semaphore_mem>>)
    %dma_wait3A_695 = arith.constant 3968 : i32
    %dma_wait3A_696 = tpu.memref_slice %arg5[%dma_wait3A_695] : memref<5120xi32, #tpu.memory_space<vmem>> -> memref<128xi32, #tpu.memory_space<vmem>>
    %dma_wait3A_697 = arith.constant 0 : i32
    %dma_wait3A_698 = arith.constant 0 : i32
    %dma_wait3A_699 = tpu.memref_slice %arg2[%dma_wait3A_697, %dma_wait3A_698] : memref<10000x128xf32, #tpu.memory_space<hbm>> -> memref<10000x128xf32, #tpu.memory_space<hbm>>
    tpu.wait_indirect_dma semaphore(%arg9 : memref<!tpu.dma_semaphore, #tpu.memory_space<semaphore_mem>>) src(%dma_wait3A_699 : memref<10000x128xf32, #tpu.memory_space<hbm>>) dst(%arg7 : memref<128x128xf32, #tpu.memory_space<vmem>>)
    %add3A_700 = arith.constant 31 : i32
    %add3A_701 = arith.addi %mul3A_2, %add3A_700 : i32
    %mul3A_702 = arith.constant 128 : i32
    %mul3A_703 = arith.muli %add3A_701, %mul3A_702 : i32
    %dma_start3A_704 = arith.constant 0 : i32
    %dma_start3A_705 = tpu.memref_slice %arg4[%mul3A_703, %dma_start3A_704] : memref<163840x128xf32, #tpu.memory_space<hbm>> -> memref<128x128xf32, #tpu.memory_space<hbm>>
    %dma_start3A_706 = arith.constant 0 : i32
    %dma_start3A_707 = tpu.memref_slice %arg4[%mul3A_703, %dma_start3A_706] : memref<163840x128xf32, #tpu.memory_space<hbm>> -> memref<128x128xf32, #tpu.memory_space<hbm>>
    tpu.enqueue_dma source(%arg7 : memref<128x128xf32, #tpu.memory_space<vmem>>) target(%dma_start3A_707 : memref<128x128xf32, #tpu.memory_space<hbm>>) target_semaphore(%arg11 : memref<!tpu.dma_semaphore, #tpu.memory_space<semaphore_mem>>)
    %dma_wait3A_708 = arith.constant 0 : i32
    %dma_wait3A_709 = tpu.memref_slice %arg4[%mul3A_703, %dma_wait3A_708] : memref<163840x128xf32, #tpu.memory_space<hbm>> -> memref<128x128xf32, #tpu.memory_space<hbm>>
    %dma_wait3A_710 = arith.constant 0 : i32
    %dma_wait3A_711 = tpu.memref_slice %arg4[%mul3A_703, %dma_wait3A_710] : memref<163840x128xf32, #tpu.memory_space<hbm>> -> memref<128x128xf32, #tpu.memory_space<hbm>>
    tpu.wait_dma2 semaphore(%arg11 : memref<!tpu.dma_semaphore, #tpu.memory_space<semaphore_mem>>) src(%arg7 : memref<128x128xf32, #tpu.memory_space<vmem>>) dst(%dma_wait3A_711 : memref<128x128xf32, #tpu.memory_space<hbm>>)
    %dma_start3A_712 = arith.constant 4224 : i32
    %dma_start3A_713 = tpu.memref_slice %arg5[%dma_start3A_712] : memref<5120xi32, #tpu.memory_space<vmem>> -> memref<128xi32, #tpu.memory_space<vmem>>
    %dma_start3A_714 = arith.constant 0 : i32
    %dma_start3A_715 = arith.constant 0 : i32
    %dma_start3A_716 = tpu.memref_slice %arg2[%dma_start3A_714, %dma_start3A_715] : memref<10000x128xf32, #tpu.memory_space<hbm>> -> memref<10000x128xf32, #tpu.memory_space<hbm>>
    tpu.enqueue_indirect_dma source(%dma_start3A_716 : memref<10000x128xf32, #tpu.memory_space<hbm>>) target(%arg7 : memref<128x128xf32, #tpu.memory_space<vmem>>) offsets(%dma_start3A_713 : memref<128xi32, #tpu.memory_space<vmem>>) semaphore(%arg9 : memref<!tpu.dma_semaphore, #tpu.memory_space<semaphore_mem>>)
    %dma_wait3A_717 = arith.constant 4096 : i32
    %dma_wait3A_718 = tpu.memref_slice %arg5[%dma_wait3A_717] : memref<5120xi32, #tpu.memory_space<vmem>> -> memref<128xi32, #tpu.memory_space<vmem>>
    %dma_wait3A_719 = arith.constant 0 : i32
    %dma_wait3A_720 = arith.constant 0 : i32
    %dma_wait3A_721 = tpu.memref_slice %arg2[%dma_wait3A_719, %dma_wait3A_720] : memref<10000x128xf32, #tpu.memory_space<hbm>> -> memref<10000x128xf32, #tpu.memory_space<hbm>>
    tpu.wait_indirect_dma semaphore(%arg8 : memref<!tpu.dma_semaphore, #tpu.memory_space<semaphore_mem>>) src(%dma_wait3A_721 : memref<10000x128xf32, #tpu.memory_space<hbm>>) dst(%arg6 : memref<128x128xf32, #tpu.memory_space<vmem>>)
    %add3A_722 = arith.constant 32 : i32
    %add3A_723 = arith.addi %mul3A_2, %add3A_722 : i32
    %mul3A_724 = arith.constant 128 : i32
    %mul3A_725 = arith.muli %add3A_723, %mul3A_724 : i32
    %dma_start3A_726 = arith.constant 0 : i32
    %dma_start3A_727 = tpu.memref_slice %arg4[%mul3A_725, %dma_start3A_726] : memref<163840x128xf32, #tpu.memory_space<hbm>> -> memref<128x128xf32, #tpu.memory_space<hbm>>
    %dma_start3A_728 = arith.constant 0 : i32
    %dma_start3A_729 = tpu.memref_slice %arg4[%mul3A_725, %dma_start3A_728] : memref<163840x128xf32, #tpu.memory_space<hbm>> -> memref<128x128xf32, #tpu.memory_space<hbm>>
    tpu.enqueue_dma source(%arg6 : memref<128x128xf32, #tpu.memory_space<vmem>>) target(%dma_start3A_729 : memref<128x128xf32, #tpu.memory_space<hbm>>) target_semaphore(%arg10 : memref<!tpu.dma_semaphore, #tpu.memory_space<semaphore_mem>>)
    %dma_wait3A_730 = arith.constant 0 : i32
    %dma_wait3A_731 = tpu.memref_slice %arg4[%mul3A_725, %dma_wait3A_730] : memref<163840x128xf32, #tpu.memory_space<hbm>> -> memref<128x128xf32, #tpu.memory_space<hbm>>
    %dma_wait3A_732 = arith.constant 0 : i32
    %dma_wait3A_733 = tpu.memref_slice %arg4[%mul3A_725, %dma_wait3A_732] : memref<163840x128xf32, #tpu.memory_space<hbm>> -> memref<128x128xf32, #tpu.memory_space<hbm>>
    tpu.wait_dma2 semaphore(%arg10 : memref<!tpu.dma_semaphore, #tpu.memory_space<semaphore_mem>>) src(%arg6 : memref<128x128xf32, #tpu.memory_space<vmem>>) dst(%dma_wait3A_733 : memref<128x128xf32, #tpu.memory_space<hbm>>)
    %dma_start3A_734 = arith.constant 4352 : i32
    %dma_start3A_735 = tpu.memref_slice %arg5[%dma_start3A_734] : memref<5120xi32, #tpu.memory_space<vmem>> -> memref<128xi32, #tpu.memory_space<vmem>>
    %dma_start3A_736 = arith.constant 0 : i32
    %dma_start3A_737 = arith.constant 0 : i32
    %dma_start3A_738 = tpu.memref_slice %arg2[%dma_start3A_736, %dma_start3A_737] : memref<10000x128xf32, #tpu.memory_space<hbm>> -> memref<10000x128xf32, #tpu.memory_space<hbm>>
    tpu.enqueue_indirect_dma source(%dma_start3A_738 : memref<10000x128xf32, #tpu.memory_space<hbm>>) target(%arg6 : memref<128x128xf32, #tpu.memory_space<vmem>>) offsets(%dma_start3A_735 : memref<128xi32, #tpu.memory_space<vmem>>) semaphore(%arg8 : memref<!tpu.dma_semaphore, #tpu.memory_space<semaphore_mem>>)
    %dma_wait3A_739 = arith.constant 4224 : i32
    %dma_wait3A_740 = tpu.memref_slice %arg5[%dma_wait3A_739] : memref<5120xi32, #tpu.memory_space<vmem>> -> memref<128xi32, #tpu.memory_space<vmem>>
    %dma_wait3A_741 = arith.constant 0 : i32
    %dma_wait3A_742 = arith.constant 0 : i32
    %dma_wait3A_743 = tpu.memref_slice %arg2[%dma_wait3A_741, %dma_wait3A_742] : memref<10000x128xf32, #tpu.memory_space<hbm>> -> memref<10000x128xf32, #tpu.memory_space<hbm>>
    tpu.wait_indirect_dma semaphore(%arg9 : memref<!tpu.dma_semaphore, #tpu.memory_space<semaphore_mem>>) src(%dma_wait3A_743 : memref<10000x128xf32, #tpu.memory_space<hbm>>) dst(%arg7 : memref<128x128xf32, #tpu.memory_space<vmem>>)
    %add3A_744 = arith.constant 33 : i32
    %add3A_745 = arith.addi %mul3A_2, %add3A_744 : i32
    %mul3A_746 = arith.constant 128 : i32
    %mul3A_747 = arith.muli %add3A_745, %mul3A_746 : i32
    %dma_start3A_748 = arith.constant 0 : i32
    %dma_start3A_749 = tpu.memref_slice %arg4[%mul3A_747, %dma_start3A_748] : memref<163840x128xf32, #tpu.memory_space<hbm>> -> memref<128x128xf32, #tpu.memory_space<hbm>>
    %dma_start3A_750 = arith.constant 0 : i32
    %dma_start3A_751 = tpu.memref_slice %arg4[%mul3A_747, %dma_start3A_750] : memref<163840x128xf32, #tpu.memory_space<hbm>> -> memref<128x128xf32, #tpu.memory_space<hbm>>
    tpu.enqueue_dma source(%arg7 : memref<128x128xf32, #tpu.memory_space<vmem>>) target(%dma_start3A_751 : memref<128x128xf32, #tpu.memory_space<hbm>>) target_semaphore(%arg11 : memref<!tpu.dma_semaphore, #tpu.memory_space<semaphore_mem>>)
    %dma_wait3A_752 = arith.constant 0 : i32
    %dma_wait3A_753 = tpu.memref_slice %arg4[%mul3A_747, %dma_wait3A_752] : memref<163840x128xf32, #tpu.memory_space<hbm>> -> memref<128x128xf32, #tpu.memory_space<hbm>>
    %dma_wait3A_754 = arith.constant 0 : i32
    %dma_wait3A_755 = tpu.memref_slice %arg4[%mul3A_747, %dma_wait3A_754] : memref<163840x128xf32, #tpu.memory_space<hbm>> -> memref<128x128xf32, #tpu.memory_space<hbm>>
    tpu.wait_dma2 semaphore(%arg11 : memref<!tpu.dma_semaphore, #tpu.memory_space<semaphore_mem>>) src(%arg7 : memref<128x128xf32, #tpu.memory_space<vmem>>) dst(%dma_wait3A_755 : memref<128x128xf32, #tpu.memory_space<hbm>>)
    %dma_start3A_756 = arith.constant 4480 : i32
    %dma_start3A_757 = tpu.memref_slice %arg5[%dma_start3A_756] : memref<5120xi32, #tpu.memory_space<vmem>> -> memref<128xi32, #tpu.memory_space<vmem>>
    %dma_start3A_758 = arith.constant 0 : i32
    %dma_start3A_759 = arith.constant 0 : i32
    %dma_start3A_760 = tpu.memref_slice %arg2[%dma_start3A_758, %dma_start3A_759] : memref<10000x128xf32, #tpu.memory_space<hbm>> -> memref<10000x128xf32, #tpu.memory_space<hbm>>
    tpu.enqueue_indirect_dma source(%dma_start3A_760 : memref<10000x128xf32, #tpu.memory_space<hbm>>) target(%arg7 : memref<128x128xf32, #tpu.memory_space<vmem>>) offsets(%dma_start3A_757 : memref<128xi32, #tpu.memory_space<vmem>>) semaphore(%arg9 : memref<!tpu.dma_semaphore, #tpu.memory_space<semaphore_mem>>)
    %dma_wait3A_761 = arith.constant 4352 : i32
    %dma_wait3A_762 = tpu.memref_slice %arg5[%dma_wait3A_761] : memref<5120xi32, #tpu.memory_space<vmem>> -> memref<128xi32, #tpu.memory_space<vmem>>
    %dma_wait3A_763 = arith.constant 0 : i32
    %dma_wait3A_764 = arith.constant 0 : i32
    %dma_wait3A_765 = tpu.memref_slice %arg2[%dma_wait3A_763, %dma_wait3A_764] : memref<10000x128xf32, #tpu.memory_space<hbm>> -> memref<10000x128xf32, #tpu.memory_space<hbm>>
    tpu.wait_indirect_dma semaphore(%arg8 : memref<!tpu.dma_semaphore, #tpu.memory_space<semaphore_mem>>) src(%dma_wait3A_765 : memref<10000x128xf32, #tpu.memory_space<hbm>>) dst(%arg6 : memref<128x128xf32, #tpu.memory_space<vmem>>)
    %add3A_766 = arith.constant 34 : i32
    %add3A_767 = arith.addi %mul3A_2, %add3A_766 : i32
    %mul3A_768 = arith.constant 128 : i32
    %mul3A_769 = arith.muli %add3A_767, %mul3A_768 : i32
    %dma_start3A_770 = arith.constant 0 : i32
    %dma_start3A_771 = tpu.memref_slice %arg4[%mul3A_769, %dma_start3A_770] : memref<163840x128xf32, #tpu.memory_space<hbm>> -> memref<128x128xf32, #tpu.memory_space<hbm>>
    %dma_start3A_772 = arith.constant 0 : i32
    %dma_start3A_773 = tpu.memref_slice %arg4[%mul3A_769, %dma_start3A_772] : memref<163840x128xf32, #tpu.memory_space<hbm>> -> memref<128x128xf32, #tpu.memory_space<hbm>>
    tpu.enqueue_dma source(%arg6 : memref<128x128xf32, #tpu.memory_space<vmem>>) target(%dma_start3A_773 : memref<128x128xf32, #tpu.memory_space<hbm>>) target_semaphore(%arg10 : memref<!tpu.dma_semaphore, #tpu.memory_space<semaphore_mem>>)
    %dma_wait3A_774 = arith.constant 0 : i32
    %dma_wait3A_775 = tpu.memref_slice %arg4[%mul3A_769, %dma_wait3A_774] : memref<163840x128xf32, #tpu.memory_space<hbm>> -> memref<128x128xf32, #tpu.memory_space<hbm>>
    %dma_wait3A_776 = arith.constant 0 : i32
    %dma_wait3A_777 = tpu.memref_slice %arg4[%mul3A_769, %dma_wait3A_776] : memref<163840x128xf32, #tpu.memory_space<hbm>> -> memref<128x128xf32, #tpu.memory_space<hbm>>
    tpu.wait_dma2 semaphore(%arg10 : memref<!tpu.dma_semaphore, #tpu.memory_space<semaphore_mem>>) src(%arg6 : memref<128x128xf32, #tpu.memory_space<vmem>>) dst(%dma_wait3A_777 : memref<128x128xf32, #tpu.memory_space<hbm>>)
    %dma_start3A_778 = arith.constant 4608 : i32
    %dma_start3A_779 = tpu.memref_slice %arg5[%dma_start3A_778] : memref<5120xi32, #tpu.memory_space<vmem>> -> memref<128xi32, #tpu.memory_space<vmem>>
    %dma_start3A_780 = arith.constant 0 : i32
    %dma_start3A_781 = arith.constant 0 : i32
    %dma_start3A_782 = tpu.memref_slice %arg2[%dma_start3A_780, %dma_start3A_781] : memref<10000x128xf32, #tpu.memory_space<hbm>> -> memref<10000x128xf32, #tpu.memory_space<hbm>>
    tpu.enqueue_indirect_dma source(%dma_start3A_782 : memref<10000x128xf32, #tpu.memory_space<hbm>>) target(%arg6 : memref<128x128xf32, #tpu.memory_space<vmem>>) offsets(%dma_start3A_779 : memref<128xi32, #tpu.memory_space<vmem>>) semaphore(%arg8 : memref<!tpu.dma_semaphore, #tpu.memory_space<semaphore_mem>>)
    %dma_wait3A_783 = arith.constant 4480 : i32
    %dma_wait3A_784 = tpu.memref_slice %arg5[%dma_wait3A_783] : memref<5120xi32, #tpu.memory_space<vmem>> -> memref<128xi32, #tpu.memory_space<vmem>>
    %dma_wait3A_785 = arith.constant 0 : i32
    %dma_wait3A_786 = arith.constant 0 : i32
    %dma_wait3A_787 = tpu.memref_slice %arg2[%dma_wait3A_785, %dma_wait3A_786] : memref<10000x128xf32, #tpu.memory_space<hbm>> -> memref<10000x128xf32, #tpu.memory_space<hbm>>
    tpu.wait_indirect_dma semaphore(%arg9 : memref<!tpu.dma_semaphore, #tpu.memory_space<semaphore_mem>>) src(%dma_wait3A_787 : memref<10000x128xf32, #tpu.memory_space<hbm>>) dst(%arg7 : memref<128x128xf32, #tpu.memory_space<vmem>>)
    %add3A_788 = arith.constant 35 : i32
    %add3A_789 = arith.addi %mul3A_2, %add3A_788 : i32
    %mul3A_790 = arith.constant 128 : i32
    %mul3A_791 = arith.muli %add3A_789, %mul3A_790 : i32
    %dma_start3A_792 = arith.constant 0 : i32
    %dma_start3A_793 = tpu.memref_slice %arg4[%mul3A_791, %dma_start3A_792] : memref<163840x128xf32, #tpu.memory_space<hbm>> -> memref<128x128xf32, #tpu.memory_space<hbm>>
    %dma_start3A_794 = arith.constant 0 : i32
    %dma_start3A_795 = tpu.memref_slice %arg4[%mul3A_791, %dma_start3A_794] : memref<163840x128xf32, #tpu.memory_space<hbm>> -> memref<128x128xf32, #tpu.memory_space<hbm>>
    tpu.enqueue_dma source(%arg7 : memref<128x128xf32, #tpu.memory_space<vmem>>) target(%dma_start3A_795 : memref<128x128xf32, #tpu.memory_space<hbm>>) target_semaphore(%arg11 : memref<!tpu.dma_semaphore, #tpu.memory_space<semaphore_mem>>)
    %dma_wait3A_796 = arith.constant 0 : i32
    %dma_wait3A_797 = tpu.memref_slice %arg4[%mul3A_791, %dma_wait3A_796] : memref<163840x128xf32, #tpu.memory_space<hbm>> -> memref<128x128xf32, #tpu.memory_space<hbm>>
    %dma_wait3A_798 = arith.constant 0 : i32
    %dma_wait3A_799 = tpu.memref_slice %arg4[%mul3A_791, %dma_wait3A_798] : memref<163840x128xf32, #tpu.memory_space<hbm>> -> memref<128x128xf32, #tpu.memory_space<hbm>>
    tpu.wait_dma2 semaphore(%arg11 : memref<!tpu.dma_semaphore, #tpu.memory_space<semaphore_mem>>) src(%arg7 : memref<128x128xf32, #tpu.memory_space<vmem>>) dst(%dma_wait3A_799 : memref<128x128xf32, #tpu.memory_space<hbm>>)
    %dma_start3A_800 = arith.constant 4736 : i32
    %dma_start3A_801 = tpu.memref_slice %arg5[%dma_start3A_800] : memref<5120xi32, #tpu.memory_space<vmem>> -> memref<128xi32, #tpu.memory_space<vmem>>
    %dma_start3A_802 = arith.constant 0 : i32
    %dma_start3A_803 = arith.constant 0 : i32
    %dma_start3A_804 = tpu.memref_slice %arg2[%dma_start3A_802, %dma_start3A_803] : memref<10000x128xf32, #tpu.memory_space<hbm>> -> memref<10000x128xf32, #tpu.memory_space<hbm>>
    tpu.enqueue_indirect_dma source(%dma_start3A_804 : memref<10000x128xf32, #tpu.memory_space<hbm>>) target(%arg7 : memref<128x128xf32, #tpu.memory_space<vmem>>) offsets(%dma_start3A_801 : memref<128xi32, #tpu.memory_space<vmem>>) semaphore(%arg9 : memref<!tpu.dma_semaphore, #tpu.memory_space<semaphore_mem>>)
    %dma_wait3A_805 = arith.constant 4608 : i32
    %dma_wait3A_806 = tpu.memref_slice %arg5[%dma_wait3A_805] : memref<5120xi32, #tpu.memory_space<vmem>> -> memref<128xi32, #tpu.memory_space<vmem>>
    %dma_wait3A_807 = arith.constant 0 : i32
    %dma_wait3A_808 = arith.constant 0 : i32
    %dma_wait3A_809 = tpu.memref_slice %arg2[%dma_wait3A_807, %dma_wait3A_808] : memref<10000x128xf32, #tpu.memory_space<hbm>> -> memref<10000x128xf32, #tpu.memory_space<hbm>>
    tpu.wait_indirect_dma semaphore(%arg8 : memref<!tpu.dma_semaphore, #tpu.memory_space<semaphore_mem>>) src(%dma_wait3A_809 : memref<10000x128xf32, #tpu.memory_space<hbm>>) dst(%arg6 : memref<128x128xf32, #tpu.memory_space<vmem>>)
    %add3A_810 = arith.constant 36 : i32
    %add3A_811 = arith.addi %mul3A_2, %add3A_810 : i32
    %mul3A_812 = arith.constant 128 : i32
    %mul3A_813 = arith.muli %add3A_811, %mul3A_812 : i32
    %dma_start3A_814 = arith.constant 0 : i32
    %dma_start3A_815 = tpu.memref_slice %arg4[%mul3A_813, %dma_start3A_814] : memref<163840x128xf32, #tpu.memory_space<hbm>> -> memref<128x128xf32, #tpu.memory_space<hbm>>
    %dma_start3A_816 = arith.constant 0 : i32
    %dma_start3A_817 = tpu.memref_slice %arg4[%mul3A_813, %dma_start3A_816] : memref<163840x128xf32, #tpu.memory_space<hbm>> -> memref<128x128xf32, #tpu.memory_space<hbm>>
    tpu.enqueue_dma source(%arg6 : memref<128x128xf32, #tpu.memory_space<vmem>>) target(%dma_start3A_817 : memref<128x128xf32, #tpu.memory_space<hbm>>) target_semaphore(%arg10 : memref<!tpu.dma_semaphore, #tpu.memory_space<semaphore_mem>>)
    %dma_wait3A_818 = arith.constant 0 : i32
    %dma_wait3A_819 = tpu.memref_slice %arg4[%mul3A_813, %dma_wait3A_818] : memref<163840x128xf32, #tpu.memory_space<hbm>> -> memref<128x128xf32, #tpu.memory_space<hbm>>
    %dma_wait3A_820 = arith.constant 0 : i32
    %dma_wait3A_821 = tpu.memref_slice %arg4[%mul3A_813, %dma_wait3A_820] : memref<163840x128xf32, #tpu.memory_space<hbm>> -> memref<128x128xf32, #tpu.memory_space<hbm>>
    tpu.wait_dma2 semaphore(%arg10 : memref<!tpu.dma_semaphore, #tpu.memory_space<semaphore_mem>>) src(%arg6 : memref<128x128xf32, #tpu.memory_space<vmem>>) dst(%dma_wait3A_821 : memref<128x128xf32, #tpu.memory_space<hbm>>)
    %dma_start3A_822 = arith.constant 4864 : i32
    %dma_start3A_823 = tpu.memref_slice %arg5[%dma_start3A_822] : memref<5120xi32, #tpu.memory_space<vmem>> -> memref<128xi32, #tpu.memory_space<vmem>>
    %dma_start3A_824 = arith.constant 0 : i32
    %dma_start3A_825 = arith.constant 0 : i32
    %dma_start3A_826 = tpu.memref_slice %arg2[%dma_start3A_824, %dma_start3A_825] : memref<10000x128xf32, #tpu.memory_space<hbm>> -> memref<10000x128xf32, #tpu.memory_space<hbm>>
    tpu.enqueue_indirect_dma source(%dma_start3A_826 : memref<10000x128xf32, #tpu.memory_space<hbm>>) target(%arg6 : memref<128x128xf32, #tpu.memory_space<vmem>>) offsets(%dma_start3A_823 : memref<128xi32, #tpu.memory_space<vmem>>) semaphore(%arg8 : memref<!tpu.dma_semaphore, #tpu.memory_space<semaphore_mem>>)
    %dma_wait3A_827 = arith.constant 4736 : i32
    %dma_wait3A_828 = tpu.memref_slice %arg5[%dma_wait3A_827] : memref<5120xi32, #tpu.memory_space<vmem>> -> memref<128xi32, #tpu.memory_space<vmem>>
    %dma_wait3A_829 = arith.constant 0 : i32
    %dma_wait3A_830 = arith.constant 0 : i32
    %dma_wait3A_831 = tpu.memref_slice %arg2[%dma_wait3A_829, %dma_wait3A_830] : memref<10000x128xf32, #tpu.memory_space<hbm>> -> memref<10000x128xf32, #tpu.memory_space<hbm>>
    tpu.wait_indirect_dma semaphore(%arg9 : memref<!tpu.dma_semaphore, #tpu.memory_space<semaphore_mem>>) src(%dma_wait3A_831 : memref<10000x128xf32, #tpu.memory_space<hbm>>) dst(%arg7 : memref<128x128xf32, #tpu.memory_space<vmem>>)
    %add3A_832 = arith.constant 37 : i32
    %add3A_833 = arith.addi %mul3A_2, %add3A_832 : i32
    %mul3A_834 = arith.constant 128 : i32
    %mul3A_835 = arith.muli %add3A_833, %mul3A_834 : i32
    %dma_start3A_836 = arith.constant 0 : i32
    %dma_start3A_837 = tpu.memref_slice %arg4[%mul3A_835, %dma_start3A_836] : memref<163840x128xf32, #tpu.memory_space<hbm>> -> memref<128x128xf32, #tpu.memory_space<hbm>>
    %dma_start3A_838 = arith.constant 0 : i32
    %dma_start3A_839 = tpu.memref_slice %arg4[%mul3A_835, %dma_start3A_838] : memref<163840x128xf32, #tpu.memory_space<hbm>> -> memref<128x128xf32, #tpu.memory_space<hbm>>
    tpu.enqueue_dma source(%arg7 : memref<128x128xf32, #tpu.memory_space<vmem>>) target(%dma_start3A_839 : memref<128x128xf32, #tpu.memory_space<hbm>>) target_semaphore(%arg11 : memref<!tpu.dma_semaphore, #tpu.memory_space<semaphore_mem>>)
    %dma_wait3A_840 = arith.constant 0 : i32
    %dma_wait3A_841 = tpu.memref_slice %arg4[%mul3A_835, %dma_wait3A_840] : memref<163840x128xf32, #tpu.memory_space<hbm>> -> memref<128x128xf32, #tpu.memory_space<hbm>>
    %dma_wait3A_842 = arith.constant 0 : i32
    %dma_wait3A_843 = tpu.memref_slice %arg4[%mul3A_835, %dma_wait3A_842] : memref<163840x128xf32, #tpu.memory_space<hbm>> -> memref<128x128xf32, #tpu.memory_space<hbm>>
    tpu.wait_dma2 semaphore(%arg11 : memref<!tpu.dma_semaphore, #tpu.memory_space<semaphore_mem>>) src(%arg7 : memref<128x128xf32, #tpu.memory_space<vmem>>) dst(%dma_wait3A_843 : memref<128x128xf32, #tpu.memory_space<hbm>>)
    %dma_start3A_844 = arith.constant 4992 : i32
    %dma_start3A_845 = tpu.memref_slice %arg5[%dma_start3A_844] : memref<5120xi32, #tpu.memory_space<vmem>> -> memref<128xi32, #tpu.memory_space<vmem>>
    %dma_start3A_846 = arith.constant 0 : i32
    %dma_start3A_847 = arith.constant 0 : i32
    %dma_start3A_848 = tpu.memref_slice %arg2[%dma_start3A_846, %dma_start3A_847] : memref<10000x128xf32, #tpu.memory_space<hbm>> -> memref<10000x128xf32, #tpu.memory_space<hbm>>
    tpu.enqueue_indirect_dma source(%dma_start3A_848 : memref<10000x128xf32, #tpu.memory_space<hbm>>) target(%arg7 : memref<128x128xf32, #tpu.memory_space<vmem>>) offsets(%dma_start3A_845 : memref<128xi32, #tpu.memory_space<vmem>>) semaphore(%arg9 : memref<!tpu.dma_semaphore, #tpu.memory_space<semaphore_mem>>)
    %dma_wait3A_849 = arith.constant 4864 : i32
    %dma_wait3A_850 = tpu.memref_slice %arg5[%dma_wait3A_849] : memref<5120xi32, #tpu.memory_space<vmem>> -> memref<128xi32, #tpu.memory_space<vmem>>
    %dma_wait3A_851 = arith.constant 0 : i32
    %dma_wait3A_852 = arith.constant 0 : i32
    %dma_wait3A_853 = tpu.memref_slice %arg2[%dma_wait3A_851, %dma_wait3A_852] : memref<10000x128xf32, #tpu.memory_space<hbm>> -> memref<10000x128xf32, #tpu.memory_space<hbm>>
    tpu.wait_indirect_dma semaphore(%arg8 : memref<!tpu.dma_semaphore, #tpu.memory_space<semaphore_mem>>) src(%dma_wait3A_853 : memref<10000x128xf32, #tpu.memory_space<hbm>>) dst(%arg6 : memref<128x128xf32, #tpu.memory_space<vmem>>)
    %add3A_854 = arith.constant 38 : i32
    %add3A_855 = arith.addi %mul3A_2, %add3A_854 : i32
    %mul3A_856 = arith.constant 128 : i32
    %mul3A_857 = arith.muli %add3A_855, %mul3A_856 : i32
    %dma_start3A_858 = arith.constant 0 : i32
    %dma_start3A_859 = tpu.memref_slice %arg4[%mul3A_857, %dma_start3A_858] : memref<163840x128xf32, #tpu.memory_space<hbm>> -> memref<128x128xf32, #tpu.memory_space<hbm>>
    %dma_start3A_860 = arith.constant 0 : i32
    %dma_start3A_861 = tpu.memref_slice %arg4[%mul3A_857, %dma_start3A_860] : memref<163840x128xf32, #tpu.memory_space<hbm>> -> memref<128x128xf32, #tpu.memory_space<hbm>>
    tpu.enqueue_dma source(%arg6 : memref<128x128xf32, #tpu.memory_space<vmem>>) target(%dma_start3A_861 : memref<128x128xf32, #tpu.memory_space<hbm>>) target_semaphore(%arg10 : memref<!tpu.dma_semaphore, #tpu.memory_space<semaphore_mem>>)
    %dma_wait3A_862 = arith.constant 4992 : i32
    %dma_wait3A_863 = tpu.memref_slice %arg5[%dma_wait3A_862] : memref<5120xi32, #tpu.memory_space<vmem>> -> memref<128xi32, #tpu.memory_space<vmem>>
    %dma_wait3A_864 = arith.constant 0 : i32
    %dma_wait3A_865 = arith.constant 0 : i32
    %dma_wait3A_866 = tpu.memref_slice %arg2[%dma_wait3A_864, %dma_wait3A_865] : memref<10000x128xf32, #tpu.memory_space<hbm>> -> memref<10000x128xf32, #tpu.memory_space<hbm>>
    tpu.wait_indirect_dma semaphore(%arg9 : memref<!tpu.dma_semaphore, #tpu.memory_space<semaphore_mem>>) src(%dma_wait3A_866 : memref<10000x128xf32, #tpu.memory_space<hbm>>) dst(%arg7 : memref<128x128xf32, #tpu.memory_space<vmem>>)
    %add3A_867 = arith.constant 39 : i32
    %add3A_868 = arith.addi %mul3A_2, %add3A_867 : i32
    %mul3A_869 = arith.constant 128 : i32
    %mul3A_870 = arith.muli %add3A_868, %mul3A_869 : i32
    %dma_start3A_871 = arith.constant 0 : i32
    %dma_start3A_872 = tpu.memref_slice %arg4[%mul3A_870, %dma_start3A_871] : memref<163840x128xf32, #tpu.memory_space<hbm>> -> memref<128x128xf32, #tpu.memory_space<hbm>>
    %dma_start3A_873 = arith.constant 0 : i32
    %dma_start3A_874 = tpu.memref_slice %arg4[%mul3A_870, %dma_start3A_873] : memref<163840x128xf32, #tpu.memory_space<hbm>> -> memref<128x128xf32, #tpu.memory_space<hbm>>
    tpu.enqueue_dma source(%arg7 : memref<128x128xf32, #tpu.memory_space<vmem>>) target(%dma_start3A_874 : memref<128x128xf32, #tpu.memory_space<hbm>>) target_semaphore(%arg11 : memref<!tpu.dma_semaphore, #tpu.memory_space<semaphore_mem>>)
    %dma_wait3A_875 = arith.constant 0 : i32
    %dma_wait3A_876 = tpu.memref_slice %arg4[%mul3A_857, %dma_wait3A_875] : memref<163840x128xf32, #tpu.memory_space<hbm>> -> memref<128x128xf32, #tpu.memory_space<hbm>>
    %dma_wait3A_877 = arith.constant 0 : i32
    %dma_wait3A_878 = tpu.memref_slice %arg4[%mul3A_857, %dma_wait3A_877] : memref<163840x128xf32, #tpu.memory_space<hbm>> -> memref<128x128xf32, #tpu.memory_space<hbm>>
    tpu.wait_dma2 semaphore(%arg10 : memref<!tpu.dma_semaphore, #tpu.memory_space<semaphore_mem>>) src(%arg6 : memref<128x128xf32, #tpu.memory_space<vmem>>) dst(%dma_wait3A_878 : memref<128x128xf32, #tpu.memory_space<hbm>>)
    %dma_wait3A_879 = arith.constant 0 : i32
    %dma_wait3A_880 = tpu.memref_slice %arg4[%mul3A_870, %dma_wait3A_879] : memref<163840x128xf32, #tpu.memory_space<hbm>> -> memref<128x128xf32, #tpu.memory_space<hbm>>
    %dma_wait3A_881 = arith.constant 0 : i32
    %dma_wait3A_882 = tpu.memref_slice %arg4[%mul3A_870, %dma_wait3A_881] : memref<163840x128xf32, #tpu.memory_space<hbm>> -> memref<128x128xf32, #tpu.memory_space<hbm>>
    tpu.wait_dma2 semaphore(%arg11 : memref<!tpu.dma_semaphore, #tpu.memory_space<semaphore_mem>>) src(%arg7 : memref<128x128xf32, #tpu.memory_space<vmem>>) dst(%dma_wait3A_882 : memref<128x128xf32, #tpu.memory_space<hbm>>)
    return
  }
}

module attributes {stable_mosaic.version = 14 : i64} {
  func.func @_stage_a_body(%arg0: i32, %arg1: memref<400x128xf32, #tpu.memory_space<vmem>>, %arg2: memref<128x512xf32, #tpu.memory_space<vmem>>, %arg3: memref<4x128xf32, #tpu.memory_space<vmem>>, %arg4: memref<4x128xf32, #tpu.memory_space<vmem>>, %arg5: memref<400x4xf32, #tpu.memory_space<vmem>>, %arg6: memref<400x4xf32, #tpu.memory_space<vmem>>) attributes {dimension_semantics = [#tpu.dimension_semantics<arbitrary>], iteration_bounds = array<i64: 25>, scalar_prefetch = 0 : i64, scratch_operands = 0 : i64, tpu.core_type = #tpu.core_type<tc>, window_params = [{transform_indices = @transform_0, window_bounds = array<i64: 400, 128>}, {pipeline_mode = #tpu.pipeline_mode<synchronous>, transform_indices = @transform_1, window_bounds = array<i64: 128, 512>}, {pipeline_mode = #tpu.pipeline_mode<synchronous>, transform_indices = @transform_2, window_bounds = array<i64: 4, 128>}, {pipeline_mode = #tpu.pipeline_mode<synchronous>, transform_indices = @transform_3, window_bounds = array<i64: 4, 128>}, {transform_indices = @transform_4, window_bounds = array<i64: 400, 4>}, {transform_indices = @transform_5, window_bounds = array<i64: 400, 4>}]} {
    %get3A = arith.constant 0 : index
    %get3A_0 = arith.constant 0 : index
    %get3A_1 = vector.load %arg1[%get3A, %get3A_0] : memref<400x128xf32, #tpu.memory_space<vmem>>, vector<400x128xf32>
    %get3A_2 = arith.constant 0 : index
    %get3A_3 = arith.constant 0 : index
    %get3A_4 = vector.load %arg2[%get3A_2, %get3A_3] : memref<128x512xf32, #tpu.memory_space<vmem>>, vector<128x512xf32>
    %dot_general3A = arith.constant dense<0.000000e+00> : vector<400x512xf32>
    %dot_general3A_5 = tpu.matmul %get3A_1, %get3A_4, %dot_general3A {dimension_numbers = #tpu.dot_dimension_numbers<[1], [0], [0], [1], [0, 0, 1, 1], [], []>, transpose_lhs_hint = false} : vector<400x128xf32>, vector<128x512xf32>, vector<400x512xf32> -> vector<400x512xf32>
    %reshape3A = vector.shape_cast %dot_general3A_5 : vector<400x512xf32> to vector<400x4x128xf32>
    %get3A_6 = arith.constant 0 : index
    %get3A_7 = arith.constant 0 : index
    %get3A_8 = vector.load %arg3[%get3A_6, %get3A_7] : memref<4x128xf32, #tpu.memory_space<vmem>>, vector<4x128xf32>
    %broadcast_in_dim3A = vector.shape_cast %get3A_8 : vector<4x128xf32> to vector<1x4x128xf32>
    %mul3A = vector.broadcast %broadcast_in_dim3A : vector<1x4x128xf32> to vector<400x4x128xf32>
    %mul3A_9 = arith.mulf %reshape3A, %mul3A : vector<400x4x128xf32>
    %reduce_sum3A = arith.constant dense<0.000000e+00> : vector<400x4xf32>
    %reduce_sum3A_10 = vector.multi_reduction <add>, %mul3A_9, %reduce_sum3A [2] : vector<400x4x128xf32> to vector<400x4xf32>
    %swap3A = arith.constant 0 : index
    %swap3A_11 = arith.constant 0 : index
    %swap3A_12 = vector.load %arg5[%swap3A, %swap3A_11] : memref<400x4xf32, #tpu.memory_space<vmem>>, vector<400x4xf32>
    tpu.vector_store %arg5[%swap3A, %swap3A_11], %reduce_sum3A_10 {strides = array<i32>} : memref<400x4xf32, #tpu.memory_space<vmem>>, vector<400x4xf32>,
    %get3A_13 = arith.constant 0 : index
    %get3A_14 = arith.constant 0 : index
    %get3A_15 = vector.load %arg4[%get3A_13, %get3A_14] : memref<4x128xf32, #tpu.memory_space<vmem>>, vector<4x128xf32>
    %broadcast_in_dim3A_16 = vector.shape_cast %get3A_15 : vector<4x128xf32> to vector<1x4x128xf32>
    %mul3A_17 = vector.broadcast %broadcast_in_dim3A_16 : vector<1x4x128xf32> to vector<400x4x128xf32>
    %mul3A_18 = arith.mulf %reshape3A, %mul3A_17 : vector<400x4x128xf32>
    %reduce_sum3A_19 = arith.constant dense<0.000000e+00> : vector<400x4xf32>
    %reduce_sum3A_20 = vector.multi_reduction <add>, %mul3A_18, %reduce_sum3A_19 [2] : vector<400x4x128xf32> to vector<400x4xf32>
    %swap3A_21 = arith.constant 0 : index
    %swap3A_22 = arith.constant 0 : index
    %swap3A_23 = vector.load %arg6[%swap3A_21, %swap3A_22] : memref<400x4xf32, #tpu.memory_space<vmem>>, vector<400x4xf32>
    tpu.vector_store %arg6[%swap3A_21, %swap3A_22], %reduce_sum3A_20 {strides = array<i32>} : memref<400x4xf32, #tpu.memory_space<vmem>>, vector<400x4xf32>,
    return
  }
  func.func @transform_0(%arg0: i32) -> (i32, i32) {
    %c0_i32 = arith.constant 0 : i32
    %c0_i32_0 = arith.constant 0 : i32
    return %arg0, %c0_i32 : i32, i32
  }
  func.func @transform_1(%arg0: i32) -> (i32, i32) {
    %c0_i32 = arith.constant 0 : i32
    %c0_i32_0 = arith.constant 0 : i32
    %c0_i32_1 = arith.constant 0 : i32
    return %c0_i32, %c0_i32_0 : i32, i32
  }
  func.func @transform_2(%arg0: i32) -> (i32, i32) {
    %c0_i32 = arith.constant 0 : i32
    %c0_i32_0 = arith.constant 0 : i32
    %c0_i32_1 = arith.constant 0 : i32
    return %c0_i32, %c0_i32_0 : i32, i32
  }
  func.func @transform_3(%arg0: i32) -> (i32, i32) {
    %c0_i32 = arith.constant 0 : i32
    %c0_i32_0 = arith.constant 0 : i32
    %c0_i32_1 = arith.constant 0 : i32
    return %c0_i32, %c0_i32_0 : i32, i32
  }
  func.func @transform_4(%arg0: i32) -> (i32, i32) {
    %c0_i32 = arith.constant 0 : i32
    %c0_i32_0 = arith.constant 0 : i32
    return %arg0, %c0_i32 : i32, i32
  }
  func.func @transform_5(%arg0: i32) -> (i32, i32) {
    %c0_i32 = arith.constant 0 : i32
    %c0_i32_0 = arith.constant 0 : i32
    return %arg0, %c0_i32 : i32, i32
  }
}

module attributes {stable_mosaic.version = 14 : i64} {
  func.func @_stage_c_body(%arg0: i32, %arg1: memref<200x128xf32, #tpu.memory_space<vmem>>, %arg2: memref<200x128xf32, #tpu.memory_space<vmem>>, %arg3: memref<200x128xf32, #tpu.memory_space<vmem>>, %arg4: memref<200x128xf32, #tpu.memory_space<vmem>>, %arg5: memref<6400x128xf32, #tpu.memory_space<vmem>>, %arg6: memref<128x512xf32, #tpu.memory_space<vmem>>, %arg7: memref<200x1024xf32, #tpu.memory_space<vmem>>, %arg8: memref<1x1xf32, #tpu.memory_space<vmem>>, %arg9: memref<1x1xf32, #tpu.memory_space<vmem>>) attributes {dimension_semantics = [#tpu.dimension_semantics<arbitrary>], iteration_bounds = array<i64: 25>, scalar_prefetch = 0 : i64, scratch_operands = 0 : i64, tpu.core_type = #tpu.core_type<tc>, window_params = [{transform_indices = @transform_0, window_bounds = array<i64: 200, 128>}, {transform_indices = @transform_1, window_bounds = array<i64: 200, 128>}, {transform_indices = @transform_2, window_bounds = array<i64: 200, 128>}, {transform_indices = @transform_3, window_bounds = array<i64: 200, 128>}, {transform_indices = @transform_4, window_bounds = array<i64: 6400, 128>}, {pipeline_mode = #tpu.pipeline_mode<synchronous>, transform_indices = @transform_5, window_bounds = array<i64: 128, 512>}, {transform_indices = @transform_6, window_bounds = array<i64: 200, 1024>}, {pipeline_mode = #tpu.pipeline_mode<synchronous>, transform_indices = @transform_7, window_bounds = array<i64: 1, 1>}, {pipeline_mode = #tpu.pipeline_mode<synchronous>, transform_indices = @transform_8, window_bounds = array<i64: 1, 1>}]} {
    %get3A = arith.constant 0 : index
    %get3A_0 = arith.constant 0 : index
    %get3A_1 = vector.load %arg1[%get3A, %get3A_0] : memref<200x128xf32, #tpu.memory_space<vmem>>, vector<200x128xf32>
    %get3A_2 = arith.constant 0 : index
    %get3A_3 = arith.constant 0 : index
    %get3A_4 = vector.load %arg3[%get3A_2, %get3A_3] : memref<200x128xf32, #tpu.memory_space<vmem>>, vector<200x128xf32>
    %add3A = arith.addf %get3A_1, %get3A_4 : vector<200x128xf32>
    %ge3A = arith.constant 0.000000e+00 : f32
    %ge3A_5 = vector.broadcast %ge3A : f32 to vector<200x128xf32>
    %ge3A_6 = arith.cmpf oge, %add3A, %ge3A_5 : vector<200x128xf32>
    %mul3A = arith.constant 2.000000e-01 : f32
    %mul3A_7 = vector.broadcast %mul3A : f32 to vector<200x128xf32>
    %mul3A_8 = arith.mulf %mul3A_7, %add3A : vector<200x128xf32>
    %select_n3A = arith.select %ge3A_6, %add3A, %mul3A_8 : vector<200x128xi1>, vector<200x128xf32>
    %get3A_9 = arith.constant 0 : index
    %get3A_10 = arith.constant 0 : index
    %get3A_11 = vector.load %arg1[%get3A_9, %get3A_10] : memref<200x128xf32, #tpu.memory_space<vmem>>, vector<200x128xf32>
    %get3A_12 = arith.constant 0 : index
    %get3A_13 = arith.constant 0 : index
    %get3A_14 = vector.load %arg2[%get3A_12, %get3A_13] : memref<200x128xf32, #tpu.memory_space<vmem>>, vector<200x128xf32>
    %add3A_15 = arith.addf %get3A_11, %get3A_14 : vector<200x128xf32>
    %ge3A_16 = arith.constant 0.000000e+00 : f32
    %ge3A_17 = vector.broadcast %ge3A_16 : f32 to vector<200x128xf32>
    %ge3A_18 = arith.cmpf oge, %add3A_15, %ge3A_17 : vector<200x128xf32>
    %mul3A_19 = arith.constant 2.000000e-01 : f32
    %mul3A_20 = vector.broadcast %mul3A_19 : f32 to vector<200x128xf32>
    %mul3A_21 = arith.mulf %mul3A_20, %add3A_15 : vector<200x128xf32>
    %select_n3A_22 = arith.select %ge3A_18, %add3A_15, %mul3A_21 : vector<200x128xi1>, vector<200x128xf32>
    %get3A_23 = arith.constant 0 : index
    %get3A_24 = arith.constant 0 : index
    %get3A_25 = vector.load %arg4[%get3A_23, %get3A_24] : memref<200x128xf32, #tpu.memory_space<vmem>>, vector<200x128xf32>
    %iota3A = tpu.iota {dimensions = array<i32: 1>} : vector<1x128xi32>
    %jit3A = arith.constant 16 : i32
    %eq3A = arith.constant 0 : i32
    %eq3A_26 = arith.cmpi eq, %jit3A, %eq3A : i32
    %jit3A_27 = arith.constant 1 : i32
    %select_n3A_28 = arith.select %eq3A_26, %jit3A_27, %jit3A : i32
    %rem3A = vector.broadcast %select_n3A_28 : i32 to vector<1x128xi32>
    %rem3A_29 = arith.remsi %iota3A, %rem3A : vector<1x128xi32>
    %ne3A = arith.constant 0 : i32
    %ne3A_30 = vector.broadcast %ne3A : i32 to vector<1x128xi32>
    %ne3A_31 = arith.cmpi ne, %rem3A_29, %ne3A_30 : vector<1x128xi32>
    %lt3A = arith.constant 0 : i32
    %lt3A_32 = vector.broadcast %lt3A : i32 to vector<1x128xi32>
    %lt3A_33 = arith.cmpi slt, %rem3A_29, %lt3A_32 : vector<1x128xi32>
    %lt3A_34 = arith.constant 0 : i32
    %lt3A_35 = arith.cmpi slt, %select_n3A_28, %lt3A_34 : i32
    %ne3A_36 = vector.broadcast %lt3A_35 : i1 to vector<1x128xi1>
    %ne3A_37 = vector.broadcast %ne3A_36 : vector<1x128xi1> to vector<1x128xi1>
    %ne3A_38 = arith.xori %lt3A_33, %ne3A_37 : vector<1x128xi1>
    %and3A = arith.andi %ne3A_38, %ne3A_31 : vector<1x128xi1>
    %add3A_39 = vector.broadcast %select_n3A_28 : i32 to vector<1x128xi32>
    %add3A_40 = arith.addi %rem3A_29, %add3A_39 : vector<1x128xi32>
    %select_n3A_41 = arith.select %and3A, %add3A_40, %rem3A_29 : vector<1x128xi1>, vector<1x128xi32>
    %add3A_42 = arith.constant 1.000000e-01 : f32
    %add3A_43 = vector.broadcast %add3A_42 : f32 to vector<200x128xf32>
    %add3A_44 = arith.addf %select_n3A_22, %add3A_43 : vector<200x128xf32>
    %sub3A = arith.subf %add3A_44, %select_n3A : vector<200x128xf32>
    %max3A = arith.constant 0.000000e+00 : f32
    %max3A_45 = vector.broadcast %max3A : f32 to vector<200x128xf32>
    %max3A_46 = arith.maximumf %sub3A, %max3A_45 : vector<200x128xf32>
    %broadcast_in_dim3A = arith.constant 0.000000e+00 : f32
    %broadcast_in_dim3A_47 = vector.broadcast %broadcast_in_dim3A : f32 to vector<200x128xf32>
    %broadcast_in_dim3A_48 = arith.constant 0.000000e+00 : f32
    %broadcast_in_dim3A_49 = vector.broadcast %broadcast_in_dim3A_48 : f32 to vector<200x128xf32>
    %sub3A_50 = arith.constant 1.000000e+00 : f32
    %sub3A_51 = vector.broadcast %sub3A_50 : f32 to vector<200x128xf32>
    %sub3A_52 = arith.subf %sub3A_51, %get3A_25 : vector<200x128xf32>
    %slice3A = vector.extract_strided_slice %select_n3A {offsets = [0, 1], sizes = [200, 127], strides = [1, 1]} : vector<200x128xf32> to vector<200x127xf32>
    %slice3A_53 = vector.extract_strided_slice %select_n3A {offsets = [0, 0], sizes = [200, 1], strides = [1, 1]} : vector<200x128xf32> to vector<200x1xf32>
    %concatenate3A = tpu.concatenate %slice3A, %slice3A_53 in 1 : vector<200x127xf32>, vector<200x1xf32> -> vector<200x128xf32>
    %slice3A_54 = vector.extract_strided_slice %select_n3A {offsets = [0, 113], sizes = [200, 15], strides = [1, 1]} : vector<200x128xf32> to vector<200x15xf32>
    %slice3A_55 = vector.extract_strided_slice %select_n3A {offsets = [0, 0], sizes = [200, 113], strides = [1, 1]} : vector<200x128xf32> to vector<200x113xf32>
    %concatenate3A_56 = tpu.concatenate %slice3A_54, %slice3A_55 in 1 : vector<200x15xf32>, vector<200x113xf32> -> vector<200x128xf32>
    %lt3A_57 = arith.constant 15 : i32
    %lt3A_58 = vector.broadcast %lt3A_57 : i32 to vector<1x128xi32>
    %lt3A_59 = arith.cmpi slt, %select_n3A_41, %lt3A_58 : vector<1x128xi32>
    %broadcast_in_dim3A_60 = vector.shape_cast %lt3A_59 : vector<1x128xi1> to vector<1x128xi1>
    %broadcast_in_dim3A_61 = vector.broadcast %broadcast_in_dim3A_60 : vector<1x128xi1> to vector<200x128xi1>
    %select_n3A_62 = arith.select %broadcast_in_dim3A_61, %concatenate3A, %concatenate3A_56 : vector<200x128xi1>, vector<200x128xf32>
    %slice3A_63 = vector.extract_strided_slice %get3A_25 {offsets = [0, 1], sizes = [200, 127], strides = [1, 1]} : vector<200x128xf32> to vector<200x127xf32>
    %slice3A_64 = vector.extract_strided_slice %get3A_25 {offsets = [0, 0], sizes = [200, 1], strides = [1, 1]} : vector<200x128xf32> to vector<200x1xf32>
    %concatenate3A_65 = tpu.concatenate %slice3A_63, %slice3A_64 in 1 : vector<200x127xf32>, vector<200x1xf32> -> vector<200x128xf32>
    %slice3A_66 = vector.extract_strided_slice %get3A_25 {offsets = [0, 113], sizes = [200, 15], strides = [1, 1]} : vector<200x128xf32> to vector<200x15xf32>
    %slice3A_67 = vector.extract_strided_slice %get3A_25 {offsets = [0, 0], sizes = [200, 113], strides = [1, 1]} : vector<200x128xf32> to vector<200x113xf32>
    %concatenate3A_68 = tpu.concatenate %slice3A_66, %slice3A_67 in 1 : vector<200x15xf32>, vector<200x113xf32> -> vector<200x128xf32>
    %lt3A_69 = arith.constant 15 : i32
    %lt3A_70 = vector.broadcast %lt3A_69 : i32 to vector<1x128xi32>
    %lt3A_71 = arith.cmpi slt, %select_n3A_41, %lt3A_70 : vector<1x128xi32>
    %broadcast_in_dim3A_72 = vector.shape_cast %lt3A_71 : vector<1x128xi1> to vector<1x128xi1>
    %broadcast_in_dim3A_73 = vector.broadcast %broadcast_in_dim3A_72 : vector<1x128xi1> to vector<200x128xi1>
    %select_n3A_74 = arith.select %broadcast_in_dim3A_73, %concatenate3A_65, %concatenate3A_68 : vector<200x128xi1>, vector<200x128xf32>
    %eq3A_75 = arith.cmpf oeq, %select_n3A_62, %select_n3A : vector<200x128xf32>
    %ge3A_76 = arith.constant 15 : i32
    %ge3A_77 = vector.broadcast %ge3A_76 : i32 to vector<1x128xi32>
    %ge3A_78 = arith.cmpi sge, %select_n3A_41, %ge3A_77 : vector<1x128xi32>
    %and3A_79 = vector.broadcast %ge3A_78 : vector<1x128xi1> to vector<200x128xi1>
    %and3A_80 = arith.andi %eq3A_75, %and3A_79 : vector<200x128xi1>
    %gt3A = arith.cmpf ogt, %select_n3A_62, %select_n3A : vector<200x128xf32>
    %or3A = arith.ori %gt3A, %and3A_80 : vector<200x128xi1>
    %jit3A_81 = arith.constant 1.000000e+00 : f32
    %jit3A_82 = arith.constant 0.000000e+00 : f32
    %broadcast_in_dim3A_83 = vector.broadcast %jit3A_81 : f32 to vector<200x128xf32>
    %broadcast_in_dim3A_84 = vector.broadcast %jit3A_82 : f32 to vector<200x128xf32>
    %select_n3A_85 = arith.select %or3A, %broadcast_in_dim3A_83, %broadcast_in_dim3A_84 : vector<200x128xi1>, vector<200x128xf32>
    %add3A_86 = arith.addf %broadcast_in_dim3A_49, %select_n3A_85 : vector<200x128xf32>
    %add3A_87 = arith.constant 1.000000e-01 : f32
    %add3A_88 = vector.broadcast %add3A_87 : f32 to vector<200x128xf32>
    %add3A_89 = arith.addf %select_n3A_22, %add3A_88 : vector<200x128xf32>
    %sub3A_90 = arith.subf %add3A_89, %select_n3A_62 : vector<200x128xf32>
    %max3A_91 = arith.constant 0.000000e+00 : f32
    %max3A_92 = vector.broadcast %max3A_91 : f32 to vector<200x128xf32>
    %max3A_93 = arith.maximumf %sub3A_90, %max3A_92 : vector<200x128xf32>
    %add3A_94 = arith.addf %max3A_46, %max3A_93 : vector<200x128xf32>
    %add3A_95 = arith.constant 1.000000e-01 : f32
    %add3A_96 = vector.broadcast %add3A_95 : f32 to vector<200x128xf32>
    %add3A_97 = arith.addf %select_n3A, %add3A_96 : vector<200x128xf32>
    %sub3A_98 = arith.subf %add3A_97, %select_n3A_62 : vector<200x128xf32>
    %max3A_99 = arith.constant 0.000000e+00 : f32
    %max3A_100 = vector.broadcast %max3A_99 : f32 to vector<200x128xf32>
    %max3A_101 = arith.maximumf %sub3A_98, %max3A_100 : vector<200x128xf32>
    %mul3A_102 = arith.mulf %select_n3A_74, %sub3A_52 : vector<200x128xf32>
    %mul3A_103 = arith.mulf %max3A_101, %mul3A_102 : vector<200x128xf32>
    %add3A_104 = arith.addf %broadcast_in_dim3A_47, %mul3A_103 : vector<200x128xf32>
    %slice3A_105 = vector.extract_strided_slice %select_n3A {offsets = [0, 2], sizes = [200, 126], strides = [1, 1]} : vector<200x128xf32> to vector<200x126xf32>
    %slice3A_106 = vector.extract_strided_slice %select_n3A {offsets = [0, 0], sizes = [200, 2], strides = [1, 1]} : vector<200x128xf32> to vector<200x2xf32>
    %concatenate3A_107 = tpu.concatenate %slice3A_105, %slice3A_106 in 1 : vector<200x126xf32>, vector<200x2xf32> -> vector<200x128xf32>
    %slice3A_108 = vector.extract_strided_slice %select_n3A {offsets = [0, 114], sizes = [200, 14], strides = [1, 1]} : vector<200x128xf32> to vector<200x14xf32>
    %slice3A_109 = vector.extract_strided_slice %select_n3A {offsets = [0, 0], sizes = [200, 114], strides = [1, 1]} : vector<200x128xf32> to vector<200x114xf32>
    %concatenate3A_110 = tpu.concatenate %slice3A_108, %slice3A_109 in 1 : vector<200x14xf32>, vector<200x114xf32> -> vector<200x128xf32>
    %lt3A_111 = arith.constant 14 : i32
    %lt3A_112 = vector.broadcast %lt3A_111 : i32 to vector<1x128xi32>
    %lt3A_113 = arith.cmpi slt, %select_n3A_41, %lt3A_112 : vector<1x128xi32>
    %broadcast_in_dim3A_114 = vector.shape_cast %lt3A_113 : vector<1x128xi1> to vector<1x128xi1>
    %broadcast_in_dim3A_115 = vector.broadcast %broadcast_in_dim3A_114 : vector<1x128xi1> to vector<200x128xi1>
    %select_n3A_116 = arith.select %broadcast_in_dim3A_115, %concatenate3A_107, %concatenate3A_110 : vector<200x128xi1>, vector<200x128xf32>
    %slice3A_117 = vector.extract_strided_slice %get3A_25 {offsets = [0, 2], sizes = [200, 126], strides = [1, 1]} : vector<200x128xf32> to vector<200x126xf32>
    %slice3A_118 = vector.extract_strided_slice %get3A_25 {offsets = [0, 0], sizes = [200, 2], strides = [1, 1]} : vector<200x128xf32> to vector<200x2xf32>
    %concatenate3A_119 = tpu.concatenate %slice3A_117, %slice3A_118 in 1 : vector<200x126xf32>, vector<200x2xf32> -> vector<200x128xf32>
    %slice3A_120 = vector.extract_strided_slice %get3A_25 {offsets = [0, 114], sizes = [200, 14], strides = [1, 1]} : vector<200x128xf32> to vector<200x14xf32>
    %slice3A_121 = vector.extract_strided_slice %get3A_25 {offsets = [0, 0], sizes = [200, 114], strides = [1, 1]} : vector<200x128xf32> to vector<200x114xf32>
    %concatenate3A_122 = tpu.concatenate %slice3A_120, %slice3A_121 in 1 : vector<200x14xf32>, vector<200x114xf32> -> vector<200x128xf32>
    %lt3A_123 = arith.constant 14 : i32
    %lt3A_124 = vector.broadcast %lt3A_123 : i32 to vector<1x128xi32>
    %lt3A_125 = arith.cmpi slt, %select_n3A_41, %lt3A_124 : vector<1x128xi32>
    %broadcast_in_dim3A_126 = vector.shape_cast %lt3A_125 : vector<1x128xi1> to vector<1x128xi1>
    %broadcast_in_dim3A_127 = vector.broadcast %broadcast_in_dim3A_126 : vector<1x128xi1> to vector<200x128xi1>
    %select_n3A_128 = arith.select %broadcast_in_dim3A_127, %concatenate3A_119, %concatenate3A_122 : vector<200x128xi1>, vector<200x128xf32>
    %eq3A_129 = arith.cmpf oeq, %select_n3A_116, %select_n3A : vector<200x128xf32>
    %ge3A_130 = arith.constant 14 : i32
    %ge3A_131 = vector.broadcast %ge3A_130 : i32 to vector<1x128xi32>
    %ge3A_132 = arith.cmpi sge, %select_n3A_41, %ge3A_131 : vector<1x128xi32>
    %and3A_133 = vector.broadcast %ge3A_132 : vector<1x128xi1> to vector<200x128xi1>
    %and3A_134 = arith.andi %eq3A_129, %and3A_133 : vector<200x128xi1>
    %gt3A_135 = arith.cmpf ogt, %select_n3A_116, %select_n3A : vector<200x128xf32>
    %or3A_136 = arith.ori %gt3A_135, %and3A_134 : vector<200x128xi1>
    %jit3A_137 = arith.constant 1.000000e+00 : f32
    %jit3A_138 = arith.constant 0.000000e+00 : f32
    %broadcast_in_dim3A_139 = vector.broadcast %jit3A_137 : f32 to vector<200x128xf32>
    %broadcast_in_dim3A_140 = vector.broadcast %jit3A_138 : f32 to vector<200x128xf32>
    %select_n3A_141 = arith.select %or3A_136, %broadcast_in_dim3A_139, %broadcast_in_dim3A_140 : vector<200x128xi1>, vector<200x128xf32>
    %add3A_142 = arith.addf %add3A_86, %select_n3A_141 : vector<200x128xf32>
    %add3A_143 = arith.constant 1.000000e-01 : f32
    %add3A_144 = vector.broadcast %add3A_143 : f32 to vector<200x128xf32>
    %add3A_145 = arith.addf %select_n3A_22, %add3A_144 : vector<200x128xf32>
    %sub3A_146 = arith.subf %add3A_145, %select_n3A_116 : vector<200x128xf32>
    %max3A_147 = arith.constant 0.000000e+00 : f32
    %max3A_148 = vector.broadcast %max3A_147 : f32 to vector<200x128xf32>
    %max3A_149 = arith.maximumf %sub3A_146, %max3A_148 : vector<200x128xf32>
    %add3A_150 = arith.addf %add3A_94, %max3A_149 : vector<200x128xf32>
    %add3A_151 = arith.constant 1.000000e-01 : f32
    %add3A_152 = vector.broadcast %add3A_151 : f32 to vector<200x128xf32>
    %add3A_153 = arith.addf %select_n3A, %add3A_152 : vector<200x128xf32>
    %sub3A_154 = arith.subf %add3A_153, %select_n3A_116 : vector<200x128xf32>
    %max3A_155 = arith.constant 0.000000e+00 : f32
    %max3A_156 = vector.broadcast %max3A_155 : f32 to vector<200x128xf32>
    %max3A_157 = arith.maximumf %sub3A_154, %max3A_156 : vector<200x128xf32>
    %mul3A_158 = arith.mulf %select_n3A_128, %sub3A_52 : vector<200x128xf32>
    %mul3A_159 = arith.mulf %max3A_157, %mul3A_158 : vector<200x128xf32>
    %add3A_160 = arith.addf %add3A_104, %mul3A_159 : vector<200x128xf32>
    %slice3A_161 = vector.extract_strided_slice %select_n3A {offsets = [0, 3], sizes = [200, 125], strides = [1, 1]} : vector<200x128xf32> to vector<200x125xf32>
    %slice3A_162 = vector.extract_strided_slice %select_n3A {offsets = [0, 0], sizes = [200, 3], strides = [1, 1]} : vector<200x128xf32> to vector<200x3xf32>
    %concatenate3A_163 = tpu.concatenate %slice3A_161, %slice3A_162 in 1 : vector<200x125xf32>, vector<200x3xf32> -> vector<200x128xf32>
    %slice3A_164 = vector.extract_strided_slice %select_n3A {offsets = [0, 115], sizes = [200, 13], strides = [1, 1]} : vector<200x128xf32> to vector<200x13xf32>
    %slice3A_165 = vector.extract_strided_slice %select_n3A {offsets = [0, 0], sizes = [200, 115], strides = [1, 1]} : vector<200x128xf32> to vector<200x115xf32>
    %concatenate3A_166 = tpu.concatenate %slice3A_164, %slice3A_165 in 1 : vector<200x13xf32>, vector<200x115xf32> -> vector<200x128xf32>
    %lt3A_167 = arith.constant 13 : i32
    %lt3A_168 = vector.broadcast %lt3A_167 : i32 to vector<1x128xi32>
    %lt3A_169 = arith.cmpi slt, %select_n3A_41, %lt3A_168 : vector<1x128xi32>
    %broadcast_in_dim3A_170 = vector.shape_cast %lt3A_169 : vector<1x128xi1> to vector<1x128xi1>
    %broadcast_in_dim3A_171 = vector.broadcast %broadcast_in_dim3A_170 : vector<1x128xi1> to vector<200x128xi1>
    %select_n3A_172 = arith.select %broadcast_in_dim3A_171, %concatenate3A_163, %concatenate3A_166 : vector<200x128xi1>, vector<200x128xf32>
    %slice3A_173 = vector.extract_strided_slice %get3A_25 {offsets = [0, 3], sizes = [200, 125], strides = [1, 1]} : vector<200x128xf32> to vector<200x125xf32>
    %slice3A_174 = vector.extract_strided_slice %get3A_25 {offsets = [0, 0], sizes = [200, 3], strides = [1, 1]} : vector<200x128xf32> to vector<200x3xf32>
    %concatenate3A_175 = tpu.concatenate %slice3A_173, %slice3A_174 in 1 : vector<200x125xf32>, vector<200x3xf32> -> vector<200x128xf32>
    %slice3A_176 = vector.extract_strided_slice %get3A_25 {offsets = [0, 115], sizes = [200, 13], strides = [1, 1]} : vector<200x128xf32> to vector<200x13xf32>
    %slice3A_177 = vector.extract_strided_slice %get3A_25 {offsets = [0, 0], sizes = [200, 115], strides = [1, 1]} : vector<200x128xf32> to vector<200x115xf32>
    %concatenate3A_178 = tpu.concatenate %slice3A_176, %slice3A_177 in 1 : vector<200x13xf32>, vector<200x115xf32> -> vector<200x128xf32>
    %lt3A_179 = arith.constant 13 : i32
    %lt3A_180 = vector.broadcast %lt3A_179 : i32 to vector<1x128xi32>
    %lt3A_181 = arith.cmpi slt, %select_n3A_41, %lt3A_180 : vector<1x128xi32>
    %broadcast_in_dim3A_182 = vector.shape_cast %lt3A_181 : vector<1x128xi1> to vector<1x128xi1>
    %broadcast_in_dim3A_183 = vector.broadcast %broadcast_in_dim3A_182 : vector<1x128xi1> to vector<200x128xi1>
    %select_n3A_184 = arith.select %broadcast_in_dim3A_183, %concatenate3A_175, %concatenate3A_178 : vector<200x128xi1>, vector<200x128xf32>
    %eq3A_185 = arith.cmpf oeq, %select_n3A_172, %select_n3A : vector<200x128xf32>
    %ge3A_186 = arith.constant 13 : i32
    %ge3A_187 = vector.broadcast %ge3A_186 : i32 to vector<1x128xi32>
    %ge3A_188 = arith.cmpi sge, %select_n3A_41, %ge3A_187 : vector<1x128xi32>
    %and3A_189 = vector.broadcast %ge3A_188 : vector<1x128xi1> to vector<200x128xi1>
    %and3A_190 = arith.andi %eq3A_185, %and3A_189 : vector<200x128xi1>
    %gt3A_191 = arith.cmpf ogt, %select_n3A_172, %select_n3A : vector<200x128xf32>
    %or3A_192 = arith.ori %gt3A_191, %and3A_190 : vector<200x128xi1>
    %jit3A_193 = arith.constant 1.000000e+00 : f32
    %jit3A_194 = arith.constant 0.000000e+00 : f32
    %broadcast_in_dim3A_195 = vector.broadcast %jit3A_193 : f32 to vector<200x128xf32>
    %broadcast_in_dim3A_196 = vector.broadcast %jit3A_194 : f32 to vector<200x128xf32>
    %select_n3A_197 = arith.select %or3A_192, %broadcast_in_dim3A_195, %broadcast_in_dim3A_196 : vector<200x128xi1>, vector<200x128xf32>
    %add3A_198 = arith.addf %add3A_142, %select_n3A_197 : vector<200x128xf32>
    %add3A_199 = arith.constant 1.000000e-01 : f32
    %add3A_200 = vector.broadcast %add3A_199 : f32 to vector<200x128xf32>
    %add3A_201 = arith.addf %select_n3A_22, %add3A_200 : vector<200x128xf32>
    %sub3A_202 = arith.subf %add3A_201, %select_n3A_172 : vector<200x128xf32>
    %max3A_203 = arith.constant 0.000000e+00 : f32
    %max3A_204 = vector.broadcast %max3A_203 : f32 to vector<200x128xf32>
    %max3A_205 = arith.maximumf %sub3A_202, %max3A_204 : vector<200x128xf32>
    %add3A_206 = arith.addf %add3A_150, %max3A_205 : vector<200x128xf32>
    %add3A_207 = arith.constant 1.000000e-01 : f32
    %add3A_208 = vector.broadcast %add3A_207 : f32 to vector<200x128xf32>
    %add3A_209 = arith.addf %select_n3A, %add3A_208 : vector<200x128xf32>
    %sub3A_210 = arith.subf %add3A_209, %select_n3A_172 : vector<200x128xf32>
    %max3A_211 = arith.constant 0.000000e+00 : f32
    %max3A_212 = vector.broadcast %max3A_211 : f32 to vector<200x128xf32>
    %max3A_213 = arith.maximumf %sub3A_210, %max3A_212 : vector<200x128xf32>
    %mul3A_214 = arith.mulf %select_n3A_184, %sub3A_52 : vector<200x128xf32>
    %mul3A_215 = arith.mulf %max3A_213, %mul3A_214 : vector<200x128xf32>
    %add3A_216 = arith.addf %add3A_160, %mul3A_215 : vector<200x128xf32>
    %slice3A_217 = vector.extract_strided_slice %select_n3A {offsets = [0, 4], sizes = [200, 124], strides = [1, 1]} : vector<200x128xf32> to vector<200x124xf32>
    %slice3A_218 = vector.extract_strided_slice %select_n3A {offsets = [0, 0], sizes = [200, 4], strides = [1, 1]} : vector<200x128xf32> to vector<200x4xf32>
    %concatenate3A_219 = tpu.concatenate %slice3A_217, %slice3A_218 in 1 : vector<200x124xf32>, vector<200x4xf32> -> vector<200x128xf32>
    %slice3A_220 = vector.extract_strided_slice %select_n3A {offsets = [0, 116], sizes = [200, 12], strides = [1, 1]} : vector<200x128xf32> to vector<200x12xf32>
    %slice3A_221 = vector.extract_strided_slice %select_n3A {offsets = [0, 0], sizes = [200, 116], strides = [1, 1]} : vector<200x128xf32> to vector<200x116xf32>
    %concatenate3A_222 = tpu.concatenate %slice3A_220, %slice3A_221 in 1 : vector<200x12xf32>, vector<200x116xf32> -> vector<200x128xf32>
    %lt3A_223 = arith.constant 12 : i32
    %lt3A_224 = vector.broadcast %lt3A_223 : i32 to vector<1x128xi32>
    %lt3A_225 = arith.cmpi slt, %select_n3A_41, %lt3A_224 : vector<1x128xi32>
    %broadcast_in_dim3A_226 = vector.shape_cast %lt3A_225 : vector<1x128xi1> to vector<1x128xi1>
    %broadcast_in_dim3A_227 = vector.broadcast %broadcast_in_dim3A_226 : vector<1x128xi1> to vector<200x128xi1>
    %select_n3A_228 = arith.select %broadcast_in_dim3A_227, %concatenate3A_219, %concatenate3A_222 : vector<200x128xi1>, vector<200x128xf32>
    %slice3A_229 = vector.extract_strided_slice %get3A_25 {offsets = [0, 4], sizes = [200, 124], strides = [1, 1]} : vector<200x128xf32> to vector<200x124xf32>
    %slice3A_230 = vector.extract_strided_slice %get3A_25 {offsets = [0, 0], sizes = [200, 4], strides = [1, 1]} : vector<200x128xf32> to vector<200x4xf32>
    %concatenate3A_231 = tpu.concatenate %slice3A_229, %slice3A_230 in 1 : vector<200x124xf32>, vector<200x4xf32> -> vector<200x128xf32>
    %slice3A_232 = vector.extract_strided_slice %get3A_25 {offsets = [0, 116], sizes = [200, 12], strides = [1, 1]} : vector<200x128xf32> to vector<200x12xf32>
    %slice3A_233 = vector.extract_strided_slice %get3A_25 {offsets = [0, 0], sizes = [200, 116], strides = [1, 1]} : vector<200x128xf32> to vector<200x116xf32>
    %concatenate3A_234 = tpu.concatenate %slice3A_232, %slice3A_233 in 1 : vector<200x12xf32>, vector<200x116xf32> -> vector<200x128xf32>
    %lt3A_235 = arith.constant 12 : i32
    %lt3A_236 = vector.broadcast %lt3A_235 : i32 to vector<1x128xi32>
    %lt3A_237 = arith.cmpi slt, %select_n3A_41, %lt3A_236 : vector<1x128xi32>
    %broadcast_in_dim3A_238 = vector.shape_cast %lt3A_237 : vector<1x128xi1> to vector<1x128xi1>
    %broadcast_in_dim3A_239 = vector.broadcast %broadcast_in_dim3A_238 : vector<1x128xi1> to vector<200x128xi1>
    %select_n3A_240 = arith.select %broadcast_in_dim3A_239, %concatenate3A_231, %concatenate3A_234 : vector<200x128xi1>, vector<200x128xf32>
    %eq3A_241 = arith.cmpf oeq, %select_n3A_228, %select_n3A : vector<200x128xf32>
    %ge3A_242 = arith.constant 12 : i32
    %ge3A_243 = vector.broadcast %ge3A_242 : i32 to vector<1x128xi32>
    %ge3A_244 = arith.cmpi sge, %select_n3A_41, %ge3A_243 : vector<1x128xi32>
    %and3A_245 = vector.broadcast %ge3A_244 : vector<1x128xi1> to vector<200x128xi1>
    %and3A_246 = arith.andi %eq3A_241, %and3A_245 : vector<200x128xi1>
    %gt3A_247 = arith.cmpf ogt, %select_n3A_228, %select_n3A : vector<200x128xf32>
    %or3A_248 = arith.ori %gt3A_247, %and3A_246 : vector<200x128xi1>
    %jit3A_249 = arith.constant 1.000000e+00 : f32
    %jit3A_250 = arith.constant 0.000000e+00 : f32
    %broadcast_in_dim3A_251 = vector.broadcast %jit3A_249 : f32 to vector<200x128xf32>
    %broadcast_in_dim3A_252 = vector.broadcast %jit3A_250 : f32 to vector<200x128xf32>
    %select_n3A_253 = arith.select %or3A_248, %broadcast_in_dim3A_251, %broadcast_in_dim3A_252 : vector<200x128xi1>, vector<200x128xf32>
    %add3A_254 = arith.addf %add3A_198, %select_n3A_253 : vector<200x128xf32>
    %add3A_255 = arith.constant 1.000000e-01 : f32
    %add3A_256 = vector.broadcast %add3A_255 : f32 to vector<200x128xf32>
    %add3A_257 = arith.addf %select_n3A_22, %add3A_256 : vector<200x128xf32>
    %sub3A_258 = arith.subf %add3A_257, %select_n3A_228 : vector<200x128xf32>
    %max3A_259 = arith.constant 0.000000e+00 : f32
    %max3A_260 = vector.broadcast %max3A_259 : f32 to vector<200x128xf32>
    %max3A_261 = arith.maximumf %sub3A_258, %max3A_260 : vector<200x128xf32>
    %add3A_262 = arith.addf %add3A_206, %max3A_261 : vector<200x128xf32>
    %add3A_263 = arith.constant 1.000000e-01 : f32
    %add3A_264 = vector.broadcast %add3A_263 : f32 to vector<200x128xf32>
    %add3A_265 = arith.addf %select_n3A, %add3A_264 : vector<200x128xf32>
    %sub3A_266 = arith.subf %add3A_265, %select_n3A_228 : vector<200x128xf32>
    %max3A_267 = arith.constant 0.000000e+00 : f32
    %max3A_268 = vector.broadcast %max3A_267 : f32 to vector<200x128xf32>
    %max3A_269 = arith.maximumf %sub3A_266, %max3A_268 : vector<200x128xf32>
    %mul3A_270 = arith.mulf %select_n3A_240, %sub3A_52 : vector<200x128xf32>
    %mul3A_271 = arith.mulf %max3A_269, %mul3A_270 : vector<200x128xf32>
    %add3A_272 = arith.addf %add3A_216, %mul3A_271 : vector<200x128xf32>
    %slice3A_273 = vector.extract_strided_slice %select_n3A {offsets = [0, 5], sizes = [200, 123], strides = [1, 1]} : vector<200x128xf32> to vector<200x123xf32>
    %slice3A_274 = vector.extract_strided_slice %select_n3A {offsets = [0, 0], sizes = [200, 5], strides = [1, 1]} : vector<200x128xf32> to vector<200x5xf32>
    %concatenate3A_275 = tpu.concatenate %slice3A_273, %slice3A_274 in 1 : vector<200x123xf32>, vector<200x5xf32> -> vector<200x128xf32>
    %slice3A_276 = vector.extract_strided_slice %select_n3A {offsets = [0, 117], sizes = [200, 11], strides = [1, 1]} : vector<200x128xf32> to vector<200x11xf32>
    %slice3A_277 = vector.extract_strided_slice %select_n3A {offsets = [0, 0], sizes = [200, 117], strides = [1, 1]} : vector<200x128xf32> to vector<200x117xf32>
    %concatenate3A_278 = tpu.concatenate %slice3A_276, %slice3A_277 in 1 : vector<200x11xf32>, vector<200x117xf32> -> vector<200x128xf32>
    %lt3A_279 = arith.constant 11 : i32
    %lt3A_280 = vector.broadcast %lt3A_279 : i32 to vector<1x128xi32>
    %lt3A_281 = arith.cmpi slt, %select_n3A_41, %lt3A_280 : vector<1x128xi32>
    %broadcast_in_dim3A_282 = vector.shape_cast %lt3A_281 : vector<1x128xi1> to vector<1x128xi1>
    %broadcast_in_dim3A_283 = vector.broadcast %broadcast_in_dim3A_282 : vector<1x128xi1> to vector<200x128xi1>
    %select_n3A_284 = arith.select %broadcast_in_dim3A_283, %concatenate3A_275, %concatenate3A_278 : vector<200x128xi1>, vector<200x128xf32>
    %slice3A_285 = vector.extract_strided_slice %get3A_25 {offsets = [0, 5], sizes = [200, 123], strides = [1, 1]} : vector<200x128xf32> to vector<200x123xf32>
    %slice3A_286 = vector.extract_strided_slice %get3A_25 {offsets = [0, 0], sizes = [200, 5], strides = [1, 1]} : vector<200x128xf32> to vector<200x5xf32>
    %concatenate3A_287 = tpu.concatenate %slice3A_285, %slice3A_286 in 1 : vector<200x123xf32>, vector<200x5xf32> -> vector<200x128xf32>
    %slice3A_288 = vector.extract_strided_slice %get3A_25 {offsets = [0, 117], sizes = [200, 11], strides = [1, 1]} : vector<200x128xf32> to vector<200x11xf32>
    %slice3A_289 = vector.extract_strided_slice %get3A_25 {offsets = [0, 0], sizes = [200, 117], strides = [1, 1]} : vector<200x128xf32> to vector<200x117xf32>
    %concatenate3A_290 = tpu.concatenate %slice3A_288, %slice3A_289 in 1 : vector<200x11xf32>, vector<200x117xf32> -> vector<200x128xf32>
    %lt3A_291 = arith.constant 11 : i32
    %lt3A_292 = vector.broadcast %lt3A_291 : i32 to vector<1x128xi32>
    %lt3A_293 = arith.cmpi slt, %select_n3A_41, %lt3A_292 : vector<1x128xi32>
    %broadcast_in_dim3A_294 = vector.shape_cast %lt3A_293 : vector<1x128xi1> to vector<1x128xi1>
    %broadcast_in_dim3A_295 = vector.broadcast %broadcast_in_dim3A_294 : vector<1x128xi1> to vector<200x128xi1>
    %select_n3A_296 = arith.select %broadcast_in_dim3A_295, %concatenate3A_287, %concatenate3A_290 : vector<200x128xi1>, vector<200x128xf32>
    %eq3A_297 = arith.cmpf oeq, %select_n3A_284, %select_n3A : vector<200x128xf32>
    %ge3A_298 = arith.constant 11 : i32
    %ge3A_299 = vector.broadcast %ge3A_298 : i32 to vector<1x128xi32>
    %ge3A_300 = arith.cmpi sge, %select_n3A_41, %ge3A_299 : vector<1x128xi32>
    %and3A_301 = vector.broadcast %ge3A_300 : vector<1x128xi1> to vector<200x128xi1>
    %and3A_302 = arith.andi %eq3A_297, %and3A_301 : vector<200x128xi1>
    %gt3A_303 = arith.cmpf ogt, %select_n3A_284, %select_n3A : vector<200x128xf32>
    %or3A_304 = arith.ori %gt3A_303, %and3A_302 : vector<200x128xi1>
    %jit3A_305 = arith.constant 1.000000e+00 : f32
    %jit3A_306 = arith.constant 0.000000e+00 : f32
    %broadcast_in_dim3A_307 = vector.broadcast %jit3A_305 : f32 to vector<200x128xf32>
    %broadcast_in_dim3A_308 = vector.broadcast %jit3A_306 : f32 to vector<200x128xf32>
    %select_n3A_309 = arith.select %or3A_304, %broadcast_in_dim3A_307, %broadcast_in_dim3A_308 : vector<200x128xi1>, vector<200x128xf32>
    %add3A_310 = arith.addf %add3A_254, %select_n3A_309 : vector<200x128xf32>
    %add3A_311 = arith.constant 1.000000e-01 : f32
    %add3A_312 = vector.broadcast %add3A_311 : f32 to vector<200x128xf32>
    %add3A_313 = arith.addf %select_n3A_22, %add3A_312 : vector<200x128xf32>
    %sub3A_314 = arith.subf %add3A_313, %select_n3A_284 : vector<200x128xf32>
    %max3A_315 = arith.constant 0.000000e+00 : f32
    %max3A_316 = vector.broadcast %max3A_315 : f32 to vector<200x128xf32>
    %max3A_317 = arith.maximumf %sub3A_314, %max3A_316 : vector<200x128xf32>
    %add3A_318 = arith.addf %add3A_262, %max3A_317 : vector<200x128xf32>
    %add3A_319 = arith.constant 1.000000e-01 : f32
    %add3A_320 = vector.broadcast %add3A_319 : f32 to vector<200x128xf32>
    %add3A_321 = arith.addf %select_n3A, %add3A_320 : vector<200x128xf32>
    %sub3A_322 = arith.subf %add3A_321, %select_n3A_284 : vector<200x128xf32>
    %max3A_323 = arith.constant 0.000000e+00 : f32
    %max3A_324 = vector.broadcast %max3A_323 : f32 to vector<200x128xf32>
    %max3A_325 = arith.maximumf %sub3A_322, %max3A_324 : vector<200x128xf32>
    %mul3A_326 = arith.mulf %select_n3A_296, %sub3A_52 : vector<200x128xf32>
    %mul3A_327 = arith.mulf %max3A_325, %mul3A_326 : vector<200x128xf32>
    %add3A_328 = arith.addf %add3A_272, %mul3A_327 : vector<200x128xf32>
    %slice3A_329 = vector.extract_strided_slice %select_n3A {offsets = [0, 6], sizes = [200, 122], strides = [1, 1]} : vector<200x128xf32> to vector<200x122xf32>
    %slice3A_330 = vector.extract_strided_slice %select_n3A {offsets = [0, 0], sizes = [200, 6], strides = [1, 1]} : vector<200x128xf32> to vector<200x6xf32>
    %concatenate3A_331 = tpu.concatenate %slice3A_329, %slice3A_330 in 1 : vector<200x122xf32>, vector<200x6xf32> -> vector<200x128xf32>
    %slice3A_332 = vector.extract_strided_slice %select_n3A {offsets = [0, 118], sizes = [200, 10], strides = [1, 1]} : vector<200x128xf32> to vector<200x10xf32>
    %slice3A_333 = vector.extract_strided_slice %select_n3A {offsets = [0, 0], sizes = [200, 118], strides = [1, 1]} : vector<200x128xf32> to vector<200x118xf32>
    %concatenate3A_334 = tpu.concatenate %slice3A_332, %slice3A_333 in 1 : vector<200x10xf32>, vector<200x118xf32> -> vector<200x128xf32>
    %lt3A_335 = arith.constant 10 : i32
    %lt3A_336 = vector.broadcast %lt3A_335 : i32 to vector<1x128xi32>
    %lt3A_337 = arith.cmpi slt, %select_n3A_41, %lt3A_336 : vector<1x128xi32>
    %broadcast_in_dim3A_338 = vector.shape_cast %lt3A_337 : vector<1x128xi1> to vector<1x128xi1>
    %broadcast_in_dim3A_339 = vector.broadcast %broadcast_in_dim3A_338 : vector<1x128xi1> to vector<200x128xi1>
    %select_n3A_340 = arith.select %broadcast_in_dim3A_339, %concatenate3A_331, %concatenate3A_334 : vector<200x128xi1>, vector<200x128xf32>
    %slice3A_341 = vector.extract_strided_slice %get3A_25 {offsets = [0, 6], sizes = [200, 122], strides = [1, 1]} : vector<200x128xf32> to vector<200x122xf32>
    %slice3A_342 = vector.extract_strided_slice %get3A_25 {offsets = [0, 0], sizes = [200, 6], strides = [1, 1]} : vector<200x128xf32> to vector<200x6xf32>
    %concatenate3A_343 = tpu.concatenate %slice3A_341, %slice3A_342 in 1 : vector<200x122xf32>, vector<200x6xf32> -> vector<200x128xf32>
    %slice3A_344 = vector.extract_strided_slice %get3A_25 {offsets = [0, 118], sizes = [200, 10], strides = [1, 1]} : vector<200x128xf32> to vector<200x10xf32>
    %slice3A_345 = vector.extract_strided_slice %get3A_25 {offsets = [0, 0], sizes = [200, 118], strides = [1, 1]} : vector<200x128xf32> to vector<200x118xf32>
    %concatenate3A_346 = tpu.concatenate %slice3A_344, %slice3A_345 in 1 : vector<200x10xf32>, vector<200x118xf32> -> vector<200x128xf32>
    %lt3A_347 = arith.constant 10 : i32
    %lt3A_348 = vector.broadcast %lt3A_347 : i32 to vector<1x128xi32>
    %lt3A_349 = arith.cmpi slt, %select_n3A_41, %lt3A_348 : vector<1x128xi32>
    %broadcast_in_dim3A_350 = vector.shape_cast %lt3A_349 : vector<1x128xi1> to vector<1x128xi1>
    %broadcast_in_dim3A_351 = vector.broadcast %broadcast_in_dim3A_350 : vector<1x128xi1> to vector<200x128xi1>
    %select_n3A_352 = arith.select %broadcast_in_dim3A_351, %concatenate3A_343, %concatenate3A_346 : vector<200x128xi1>, vector<200x128xf32>
    %eq3A_353 = arith.cmpf oeq, %select_n3A_340, %select_n3A : vector<200x128xf32>
    %ge3A_354 = arith.constant 10 : i32
    %ge3A_355 = vector.broadcast %ge3A_354 : i32 to vector<1x128xi32>
    %ge3A_356 = arith.cmpi sge, %select_n3A_41, %ge3A_355 : vector<1x128xi32>
    %and3A_357 = vector.broadcast %ge3A_356 : vector<1x128xi1> to vector<200x128xi1>
    %and3A_358 = arith.andi %eq3A_353, %and3A_357 : vector<200x128xi1>
    %gt3A_359 = arith.cmpf ogt, %select_n3A_340, %select_n3A : vector<200x128xf32>
    %or3A_360 = arith.ori %gt3A_359, %and3A_358 : vector<200x128xi1>
    %jit3A_361 = arith.constant 1.000000e+00 : f32
    %jit3A_362 = arith.constant 0.000000e+00 : f32
    %broadcast_in_dim3A_363 = vector.broadcast %jit3A_361 : f32 to vector<200x128xf32>
    %broadcast_in_dim3A_364 = vector.broadcast %jit3A_362 : f32 to vector<200x128xf32>
    %select_n3A_365 = arith.select %or3A_360, %broadcast_in_dim3A_363, %broadcast_in_dim3A_364 : vector<200x128xi1>, vector<200x128xf32>
    %add3A_366 = arith.addf %add3A_310, %select_n3A_365 : vector<200x128xf32>
    %add3A_367 = arith.constant 1.000000e-01 : f32
    %add3A_368 = vector.broadcast %add3A_367 : f32 to vector<200x128xf32>
    %add3A_369 = arith.addf %select_n3A_22, %add3A_368 : vector<200x128xf32>
    %sub3A_370 = arith.subf %add3A_369, %select_n3A_340 : vector<200x128xf32>
    %max3A_371 = arith.constant 0.000000e+00 : f32
    %max3A_372 = vector.broadcast %max3A_371 : f32 to vector<200x128xf32>
    %max3A_373 = arith.maximumf %sub3A_370, %max3A_372 : vector<200x128xf32>
    %add3A_374 = arith.addf %add3A_318, %max3A_373 : vector<200x128xf32>
    %add3A_375 = arith.constant 1.000000e-01 : f32
    %add3A_376 = vector.broadcast %add3A_375 : f32 to vector<200x128xf32>
    %add3A_377 = arith.addf %select_n3A, %add3A_376 : vector<200x128xf32>
    %sub3A_378 = arith.subf %add3A_377, %select_n3A_340 : vector<200x128xf32>
    %max3A_379 = arith.constant 0.000000e+00 : f32
    %max3A_380 = vector.broadcast %max3A_379 : f32 to vector<200x128xf32>
    %max3A_381 = arith.maximumf %sub3A_378, %max3A_380 : vector<200x128xf32>
    %mul3A_382 = arith.mulf %select_n3A_352, %sub3A_52 : vector<200x128xf32>
    %mul3A_383 = arith.mulf %max3A_381, %mul3A_382 : vector<200x128xf32>
    %add3A_384 = arith.addf %add3A_328, %mul3A_383 : vector<200x128xf32>
    %slice3A_385 = vector.extract_strided_slice %select_n3A {offsets = [0, 7], sizes = [200, 121], strides = [1, 1]} : vector<200x128xf32> to vector<200x121xf32>
    %slice3A_386 = vector.extract_strided_slice %select_n3A {offsets = [0, 0], sizes = [200, 7], strides = [1, 1]} : vector<200x128xf32> to vector<200x7xf32>
    %concatenate3A_387 = tpu.concatenate %slice3A_385, %slice3A_386 in 1 : vector<200x121xf32>, vector<200x7xf32> -> vector<200x128xf32>
    %slice3A_388 = vector.extract_strided_slice %select_n3A {offsets = [0, 119], sizes = [200, 9], strides = [1, 1]} : vector<200x128xf32> to vector<200x9xf32>
    %slice3A_389 = vector.extract_strided_slice %select_n3A {offsets = [0, 0], sizes = [200, 119], strides = [1, 1]} : vector<200x128xf32> to vector<200x119xf32>
    %concatenate3A_390 = tpu.concatenate %slice3A_388, %slice3A_389 in 1 : vector<200x9xf32>, vector<200x119xf32> -> vector<200x128xf32>
    %lt3A_391 = arith.constant 9 : i32
    %lt3A_392 = vector.broadcast %lt3A_391 : i32 to vector<1x128xi32>
    %lt3A_393 = arith.cmpi slt, %select_n3A_41, %lt3A_392 : vector<1x128xi32>
    %broadcast_in_dim3A_394 = vector.shape_cast %lt3A_393 : vector<1x128xi1> to vector<1x128xi1>
    %broadcast_in_dim3A_395 = vector.broadcast %broadcast_in_dim3A_394 : vector<1x128xi1> to vector<200x128xi1>
    %select_n3A_396 = arith.select %broadcast_in_dim3A_395, %concatenate3A_387, %concatenate3A_390 : vector<200x128xi1>, vector<200x128xf32>
    %slice3A_397 = vector.extract_strided_slice %get3A_25 {offsets = [0, 7], sizes = [200, 121], strides = [1, 1]} : vector<200x128xf32> to vector<200x121xf32>
    %slice3A_398 = vector.extract_strided_slice %get3A_25 {offsets = [0, 0], sizes = [200, 7], strides = [1, 1]} : vector<200x128xf32> to vector<200x7xf32>
    %concatenate3A_399 = tpu.concatenate %slice3A_397, %slice3A_398 in 1 : vector<200x121xf32>, vector<200x7xf32> -> vector<200x128xf32>
    %slice3A_400 = vector.extract_strided_slice %get3A_25 {offsets = [0, 119], sizes = [200, 9], strides = [1, 1]} : vector<200x128xf32> to vector<200x9xf32>
    %slice3A_401 = vector.extract_strided_slice %get3A_25 {offsets = [0, 0], sizes = [200, 119], strides = [1, 1]} : vector<200x128xf32> to vector<200x119xf32>
    %concatenate3A_402 = tpu.concatenate %slice3A_400, %slice3A_401 in 1 : vector<200x9xf32>, vector<200x119xf32> -> vector<200x128xf32>
    %lt3A_403 = arith.constant 9 : i32
    %lt3A_404 = vector.broadcast %lt3A_403 : i32 to vector<1x128xi32>
    %lt3A_405 = arith.cmpi slt, %select_n3A_41, %lt3A_404 : vector<1x128xi32>
    %broadcast_in_dim3A_406 = vector.shape_cast %lt3A_405 : vector<1x128xi1> to vector<1x128xi1>
    %broadcast_in_dim3A_407 = vector.broadcast %broadcast_in_dim3A_406 : vector<1x128xi1> to vector<200x128xi1>
    %select_n3A_408 = arith.select %broadcast_in_dim3A_407, %concatenate3A_399, %concatenate3A_402 : vector<200x128xi1>, vector<200x128xf32>
    %eq3A_409 = arith.cmpf oeq, %select_n3A_396, %select_n3A : vector<200x128xf32>
    %ge3A_410 = arith.constant 9 : i32
    %ge3A_411 = vector.broadcast %ge3A_410 : i32 to vector<1x128xi32>
    %ge3A_412 = arith.cmpi sge, %select_n3A_41, %ge3A_411 : vector<1x128xi32>
    %and3A_413 = vector.broadcast %ge3A_412 : vector<1x128xi1> to vector<200x128xi1>
    %and3A_414 = arith.andi %eq3A_409, %and3A_413 : vector<200x128xi1>
    %gt3A_415 = arith.cmpf ogt, %select_n3A_396, %select_n3A : vector<200x128xf32>
    %or3A_416 = arith.ori %gt3A_415, %and3A_414 : vector<200x128xi1>
    %jit3A_417 = arith.constant 1.000000e+00 : f32
    %jit3A_418 = arith.constant 0.000000e+00 : f32
    %broadcast_in_dim3A_419 = vector.broadcast %jit3A_417 : f32 to vector<200x128xf32>
    %broadcast_in_dim3A_420 = vector.broadcast %jit3A_418 : f32 to vector<200x128xf32>
    %select_n3A_421 = arith.select %or3A_416, %broadcast_in_dim3A_419, %broadcast_in_dim3A_420 : vector<200x128xi1>, vector<200x128xf32>
    %add3A_422 = arith.addf %add3A_366, %select_n3A_421 : vector<200x128xf32>
    %add3A_423 = arith.constant 1.000000e-01 : f32
    %add3A_424 = vector.broadcast %add3A_423 : f32 to vector<200x128xf32>
    %add3A_425 = arith.addf %select_n3A_22, %add3A_424 : vector<200x128xf32>
    %sub3A_426 = arith.subf %add3A_425, %select_n3A_396 : vector<200x128xf32>
    %max3A_427 = arith.constant 0.000000e+00 : f32
    %max3A_428 = vector.broadcast %max3A_427 : f32 to vector<200x128xf32>
    %max3A_429 = arith.maximumf %sub3A_426, %max3A_428 : vector<200x128xf32>
    %add3A_430 = arith.addf %add3A_374, %max3A_429 : vector<200x128xf32>
    %add3A_431 = arith.constant 1.000000e-01 : f32
    %add3A_432 = vector.broadcast %add3A_431 : f32 to vector<200x128xf32>
    %add3A_433 = arith.addf %select_n3A, %add3A_432 : vector<200x128xf32>
    %sub3A_434 = arith.subf %add3A_433, %select_n3A_396 : vector<200x128xf32>
    %max3A_435 = arith.constant 0.000000e+00 : f32
    %max3A_436 = vector.broadcast %max3A_435 : f32 to vector<200x128xf32>
    %max3A_437 = arith.maximumf %sub3A_434, %max3A_436 : vector<200x128xf32>
    %mul3A_438 = arith.mulf %select_n3A_408, %sub3A_52 : vector<200x128xf32>
    %mul3A_439 = arith.mulf %max3A_437, %mul3A_438 : vector<200x128xf32>
    %add3A_440 = arith.addf %add3A_384, %mul3A_439 : vector<200x128xf32>
    %slice3A_441 = vector.extract_strided_slice %select_n3A {offsets = [0, 8], sizes = [200, 120], strides = [1, 1]} : vector<200x128xf32> to vector<200x120xf32>
    %slice3A_442 = vector.extract_strided_slice %select_n3A {offsets = [0, 0], sizes = [200, 8], strides = [1, 1]} : vector<200x128xf32> to vector<200x8xf32>
    %concatenate3A_443 = tpu.concatenate %slice3A_441, %slice3A_442 in 1 : vector<200x120xf32>, vector<200x8xf32> -> vector<200x128xf32>
    %slice3A_444 = vector.extract_strided_slice %select_n3A {offsets = [0, 120], sizes = [200, 8], strides = [1, 1]} : vector<200x128xf32> to vector<200x8xf32>
    %slice3A_445 = vector.extract_strided_slice %select_n3A {offsets = [0, 0], sizes = [200, 120], strides = [1, 1]} : vector<200x128xf32> to vector<200x120xf32>
    %concatenate3A_446 = tpu.concatenate %slice3A_444, %slice3A_445 in 1 : vector<200x8xf32>, vector<200x120xf32> -> vector<200x128xf32>
    %lt3A_447 = arith.constant 8 : i32
    %lt3A_448 = vector.broadcast %lt3A_447 : i32 to vector<1x128xi32>
    %lt3A_449 = arith.cmpi slt, %select_n3A_41, %lt3A_448 : vector<1x128xi32>
    %broadcast_in_dim3A_450 = vector.shape_cast %lt3A_449 : vector<1x128xi1> to vector<1x128xi1>
    %broadcast_in_dim3A_451 = vector.broadcast %broadcast_in_dim3A_450 : vector<1x128xi1> to vector<200x128xi1>
    %select_n3A_452 = arith.select %broadcast_in_dim3A_451, %concatenate3A_443, %concatenate3A_446 : vector<200x128xi1>, vector<200x128xf32>
    %slice3A_453 = vector.extract_strided_slice %get3A_25 {offsets = [0, 8], sizes = [200, 120], strides = [1, 1]} : vector<200x128xf32> to vector<200x120xf32>
    %slice3A_454 = vector.extract_strided_slice %get3A_25 {offsets = [0, 0], sizes = [200, 8], strides = [1, 1]} : vector<200x128xf32> to vector<200x8xf32>
    %concatenate3A_455 = tpu.concatenate %slice3A_453, %slice3A_454 in 1 : vector<200x120xf32>, vector<200x8xf32> -> vector<200x128xf32>
    %slice3A_456 = vector.extract_strided_slice %get3A_25 {offsets = [0, 120], sizes = [200, 8], strides = [1, 1]} : vector<200x128xf32> to vector<200x8xf32>
    %slice3A_457 = vector.extract_strided_slice %get3A_25 {offsets = [0, 0], sizes = [200, 120], strides = [1, 1]} : vector<200x128xf32> to vector<200x120xf32>
    %concatenate3A_458 = tpu.concatenate %slice3A_456, %slice3A_457 in 1 : vector<200x8xf32>, vector<200x120xf32> -> vector<200x128xf32>
    %lt3A_459 = arith.constant 8 : i32
    %lt3A_460 = vector.broadcast %lt3A_459 : i32 to vector<1x128xi32>
    %lt3A_461 = arith.cmpi slt, %select_n3A_41, %lt3A_460 : vector<1x128xi32>
    %broadcast_in_dim3A_462 = vector.shape_cast %lt3A_461 : vector<1x128xi1> to vector<1x128xi1>
    %broadcast_in_dim3A_463 = vector.broadcast %broadcast_in_dim3A_462 : vector<1x128xi1> to vector<200x128xi1>
    %select_n3A_464 = arith.select %broadcast_in_dim3A_463, %concatenate3A_455, %concatenate3A_458 : vector<200x128xi1>, vector<200x128xf32>
    %eq3A_465 = arith.cmpf oeq, %select_n3A_452, %select_n3A : vector<200x128xf32>
    %ge3A_466 = arith.constant 8 : i32
    %ge3A_467 = vector.broadcast %ge3A_466 : i32 to vector<1x128xi32>
    %ge3A_468 = arith.cmpi sge, %select_n3A_41, %ge3A_467 : vector<1x128xi32>
    %and3A_469 = vector.broadcast %ge3A_468 : vector<1x128xi1> to vector<200x128xi1>
    %and3A_470 = arith.andi %eq3A_465, %and3A_469 : vector<200x128xi1>
    %gt3A_471 = arith.cmpf ogt, %select_n3A_452, %select_n3A : vector<200x128xf32>
    %or3A_472 = arith.ori %gt3A_471, %and3A_470 : vector<200x128xi1>
    %jit3A_473 = arith.constant 1.000000e+00 : f32
    %jit3A_474 = arith.constant 0.000000e+00 : f32
    %broadcast_in_dim3A_475 = vector.broadcast %jit3A_473 : f32 to vector<200x128xf32>
    %broadcast_in_dim3A_476 = vector.broadcast %jit3A_474 : f32 to vector<200x128xf32>
    %select_n3A_477 = arith.select %or3A_472, %broadcast_in_dim3A_475, %broadcast_in_dim3A_476 : vector<200x128xi1>, vector<200x128xf32>
    %add3A_478 = arith.addf %add3A_422, %select_n3A_477 : vector<200x128xf32>
    %add3A_479 = arith.constant 1.000000e-01 : f32
    %add3A_480 = vector.broadcast %add3A_479 : f32 to vector<200x128xf32>
    %add3A_481 = arith.addf %select_n3A_22, %add3A_480 : vector<200x128xf32>
    %sub3A_482 = arith.subf %add3A_481, %select_n3A_452 : vector<200x128xf32>
    %max3A_483 = arith.constant 0.000000e+00 : f32
    %max3A_484 = vector.broadcast %max3A_483 : f32 to vector<200x128xf32>
    %max3A_485 = arith.maximumf %sub3A_482, %max3A_484 : vector<200x128xf32>
    %add3A_486 = arith.addf %add3A_430, %max3A_485 : vector<200x128xf32>
    %add3A_487 = arith.constant 1.000000e-01 : f32
    %add3A_488 = vector.broadcast %add3A_487 : f32 to vector<200x128xf32>
    %add3A_489 = arith.addf %select_n3A, %add3A_488 : vector<200x128xf32>
    %sub3A_490 = arith.subf %add3A_489, %select_n3A_452 : vector<200x128xf32>
    %max3A_491 = arith.constant 0.000000e+00 : f32
    %max3A_492 = vector.broadcast %max3A_491 : f32 to vector<200x128xf32>
    %max3A_493 = arith.maximumf %sub3A_490, %max3A_492 : vector<200x128xf32>
    %mul3A_494 = arith.mulf %select_n3A_464, %sub3A_52 : vector<200x128xf32>
    %mul3A_495 = arith.mulf %max3A_493, %mul3A_494 : vector<200x128xf32>
    %add3A_496 = arith.addf %add3A_440, %mul3A_495 : vector<200x128xf32>
    %slice3A_497 = vector.extract_strided_slice %select_n3A {offsets = [0, 9], sizes = [200, 119], strides = [1, 1]} : vector<200x128xf32> to vector<200x119xf32>
    %slice3A_498 = vector.extract_strided_slice %select_n3A {offsets = [0, 0], sizes = [200, 9], strides = [1, 1]} : vector<200x128xf32> to vector<200x9xf32>
    %concatenate3A_499 = tpu.concatenate %slice3A_497, %slice3A_498 in 1 : vector<200x119xf32>, vector<200x9xf32> -> vector<200x128xf32>
    %slice3A_500 = vector.extract_strided_slice %select_n3A {offsets = [0, 121], sizes = [200, 7], strides = [1, 1]} : vector<200x128xf32> to vector<200x7xf32>
    %slice3A_501 = vector.extract_strided_slice %select_n3A {offsets = [0, 0], sizes = [200, 121], strides = [1, 1]} : vector<200x128xf32> to vector<200x121xf32>
    %concatenate3A_502 = tpu.concatenate %slice3A_500, %slice3A_501 in 1 : vector<200x7xf32>, vector<200x121xf32> -> vector<200x128xf32>
    %lt3A_503 = arith.constant 7 : i32
    %lt3A_504 = vector.broadcast %lt3A_503 : i32 to vector<1x128xi32>
    %lt3A_505 = arith.cmpi slt, %select_n3A_41, %lt3A_504 : vector<1x128xi32>
    %broadcast_in_dim3A_506 = vector.shape_cast %lt3A_505 : vector<1x128xi1> to vector<1x128xi1>
    %broadcast_in_dim3A_507 = vector.broadcast %broadcast_in_dim3A_506 : vector<1x128xi1> to vector<200x128xi1>
    %select_n3A_508 = arith.select %broadcast_in_dim3A_507, %concatenate3A_499, %concatenate3A_502 : vector<200x128xi1>, vector<200x128xf32>
    %slice3A_509 = vector.extract_strided_slice %get3A_25 {offsets = [0, 9], sizes = [200, 119], strides = [1, 1]} : vector<200x128xf32> to vector<200x119xf32>
    %slice3A_510 = vector.extract_strided_slice %get3A_25 {offsets = [0, 0], sizes = [200, 9], strides = [1, 1]} : vector<200x128xf32> to vector<200x9xf32>
    %concatenate3A_511 = tpu.concatenate %slice3A_509, %slice3A_510 in 1 : vector<200x119xf32>, vector<200x9xf32> -> vector<200x128xf32>
    %slice3A_512 = vector.extract_strided_slice %get3A_25 {offsets = [0, 121], sizes = [200, 7], strides = [1, 1]} : vector<200x128xf32> to vector<200x7xf32>
    %slice3A_513 = vector.extract_strided_slice %get3A_25 {offsets = [0, 0], sizes = [200, 121], strides = [1, 1]} : vector<200x128xf32> to vector<200x121xf32>
    %concatenate3A_514 = tpu.concatenate %slice3A_512, %slice3A_513 in 1 : vector<200x7xf32>, vector<200x121xf32> -> vector<200x128xf32>
    %lt3A_515 = arith.constant 7 : i32
    %lt3A_516 = vector.broadcast %lt3A_515 : i32 to vector<1x128xi32>
    %lt3A_517 = arith.cmpi slt, %select_n3A_41, %lt3A_516 : vector<1x128xi32>
    %broadcast_in_dim3A_518 = vector.shape_cast %lt3A_517 : vector<1x128xi1> to vector<1x128xi1>
    %broadcast_in_dim3A_519 = vector.broadcast %broadcast_in_dim3A_518 : vector<1x128xi1> to vector<200x128xi1>
    %select_n3A_520 = arith.select %broadcast_in_dim3A_519, %concatenate3A_511, %concatenate3A_514 : vector<200x128xi1>, vector<200x128xf32>
    %eq3A_521 = arith.cmpf oeq, %select_n3A_508, %select_n3A : vector<200x128xf32>
    %ge3A_522 = arith.constant 7 : i32
    %ge3A_523 = vector.broadcast %ge3A_522 : i32 to vector<1x128xi32>
    %ge3A_524 = arith.cmpi sge, %select_n3A_41, %ge3A_523 : vector<1x128xi32>
    %and3A_525 = vector.broadcast %ge3A_524 : vector<1x128xi1> to vector<200x128xi1>
    %and3A_526 = arith.andi %eq3A_521, %and3A_525 : vector<200x128xi1>
    %gt3A_527 = arith.cmpf ogt, %select_n3A_508, %select_n3A : vector<200x128xf32>
    %or3A_528 = arith.ori %gt3A_527, %and3A_526 : vector<200x128xi1>
    %jit3A_529 = arith.constant 1.000000e+00 : f32
    %jit3A_530 = arith.constant 0.000000e+00 : f32
    %broadcast_in_dim3A_531 = vector.broadcast %jit3A_529 : f32 to vector<200x128xf32>
    %broadcast_in_dim3A_532 = vector.broadcast %jit3A_530 : f32 to vector<200x128xf32>
    %select_n3A_533 = arith.select %or3A_528, %broadcast_in_dim3A_531, %broadcast_in_dim3A_532 : vector<200x128xi1>, vector<200x128xf32>
    %add3A_534 = arith.addf %add3A_478, %select_n3A_533 : vector<200x128xf32>
    %add3A_535 = arith.constant 1.000000e-01 : f32
    %add3A_536 = vector.broadcast %add3A_535 : f32 to vector<200x128xf32>
    %add3A_537 = arith.addf %select_n3A_22, %add3A_536 : vector<200x128xf32>
    %sub3A_538 = arith.subf %add3A_537, %select_n3A_508 : vector<200x128xf32>
    %max3A_539 = arith.constant 0.000000e+00 : f32
    %max3A_540 = vector.broadcast %max3A_539 : f32 to vector<200x128xf32>
    %max3A_541 = arith.maximumf %sub3A_538, %max3A_540 : vector<200x128xf32>
    %add3A_542 = arith.addf %add3A_486, %max3A_541 : vector<200x128xf32>
    %add3A_543 = arith.constant 1.000000e-01 : f32
    %add3A_544 = vector.broadcast %add3A_543 : f32 to vector<200x128xf32>
    %add3A_545 = arith.addf %select_n3A, %add3A_544 : vector<200x128xf32>
    %sub3A_546 = arith.subf %add3A_545, %select_n3A_508 : vector<200x128xf32>
    %max3A_547 = arith.constant 0.000000e+00 : f32
    %max3A_548 = vector.broadcast %max3A_547 : f32 to vector<200x128xf32>
    %max3A_549 = arith.maximumf %sub3A_546, %max3A_548 : vector<200x128xf32>
    %mul3A_550 = arith.mulf %select_n3A_520, %sub3A_52 : vector<200x128xf32>
    %mul3A_551 = arith.mulf %max3A_549, %mul3A_550 : vector<200x128xf32>
    %add3A_552 = arith.addf %add3A_496, %mul3A_551 : vector<200x128xf32>
    %slice3A_553 = vector.extract_strided_slice %select_n3A {offsets = [0, 10], sizes = [200, 118], strides = [1, 1]} : vector<200x128xf32> to vector<200x118xf32>
    %slice3A_554 = vector.extract_strided_slice %select_n3A {offsets = [0, 0], sizes = [200, 10], strides = [1, 1]} : vector<200x128xf32> to vector<200x10xf32>
    %concatenate3A_555 = tpu.concatenate %slice3A_553, %slice3A_554 in 1 : vector<200x118xf32>, vector<200x10xf32> -> vector<200x128xf32>
    %slice3A_556 = vector.extract_strided_slice %select_n3A {offsets = [0, 122], sizes = [200, 6], strides = [1, 1]} : vector<200x128xf32> to vector<200x6xf32>
    %slice3A_557 = vector.extract_strided_slice %select_n3A {offsets = [0, 0], sizes = [200, 122], strides = [1, 1]} : vector<200x128xf32> to vector<200x122xf32>
    %concatenate3A_558 = tpu.concatenate %slice3A_556, %slice3A_557 in 1 : vector<200x6xf32>, vector<200x122xf32> -> vector<200x128xf32>
    %lt3A_559 = arith.constant 6 : i32
    %lt3A_560 = vector.broadcast %lt3A_559 : i32 to vector<1x128xi32>
    %lt3A_561 = arith.cmpi slt, %select_n3A_41, %lt3A_560 : vector<1x128xi32>
    %broadcast_in_dim3A_562 = vector.shape_cast %lt3A_561 : vector<1x128xi1> to vector<1x128xi1>
    %broadcast_in_dim3A_563 = vector.broadcast %broadcast_in_dim3A_562 : vector<1x128xi1> to vector<200x128xi1>
    %select_n3A_564 = arith.select %broadcast_in_dim3A_563, %concatenate3A_555, %concatenate3A_558 : vector<200x128xi1>, vector<200x128xf32>
    %slice3A_565 = vector.extract_strided_slice %get3A_25 {offsets = [0, 10], sizes = [200, 118], strides = [1, 1]} : vector<200x128xf32> to vector<200x118xf32>
    %slice3A_566 = vector.extract_strided_slice %get3A_25 {offsets = [0, 0], sizes = [200, 10], strides = [1, 1]} : vector<200x128xf32> to vector<200x10xf32>
    %concatenate3A_567 = tpu.concatenate %slice3A_565, %slice3A_566 in 1 : vector<200x118xf32>, vector<200x10xf32> -> vector<200x128xf32>
    %slice3A_568 = vector.extract_strided_slice %get3A_25 {offsets = [0, 122], sizes = [200, 6], strides = [1, 1]} : vector<200x128xf32> to vector<200x6xf32>
    %slice3A_569 = vector.extract_strided_slice %get3A_25 {offsets = [0, 0], sizes = [200, 122], strides = [1, 1]} : vector<200x128xf32> to vector<200x122xf32>
    %concatenate3A_570 = tpu.concatenate %slice3A_568, %slice3A_569 in 1 : vector<200x6xf32>, vector<200x122xf32> -> vector<200x128xf32>
    %lt3A_571 = arith.constant 6 : i32
    %lt3A_572 = vector.broadcast %lt3A_571 : i32 to vector<1x128xi32>
    %lt3A_573 = arith.cmpi slt, %select_n3A_41, %lt3A_572 : vector<1x128xi32>
    %broadcast_in_dim3A_574 = vector.shape_cast %lt3A_573 : vector<1x128xi1> to vector<1x128xi1>
    %broadcast_in_dim3A_575 = vector.broadcast %broadcast_in_dim3A_574 : vector<1x128xi1> to vector<200x128xi1>
    %select_n3A_576 = arith.select %broadcast_in_dim3A_575, %concatenate3A_567, %concatenate3A_570 : vector<200x128xi1>, vector<200x128xf32>
    %eq3A_577 = arith.cmpf oeq, %select_n3A_564, %select_n3A : vector<200x128xf32>
    %ge3A_578 = arith.constant 6 : i32
    %ge3A_579 = vector.broadcast %ge3A_578 : i32 to vector<1x128xi32>
    %ge3A_580 = arith.cmpi sge, %select_n3A_41, %ge3A_579 : vector<1x128xi32>
    %and3A_581 = vector.broadcast %ge3A_580 : vector<1x128xi1> to vector<200x128xi1>
    %and3A_582 = arith.andi %eq3A_577, %and3A_581 : vector<200x128xi1>
    %gt3A_583 = arith.cmpf ogt, %select_n3A_564, %select_n3A : vector<200x128xf32>
    %or3A_584 = arith.ori %gt3A_583, %and3A_582 : vector<200x128xi1>
    %jit3A_585 = arith.constant 1.000000e+00 : f32
    %jit3A_586 = arith.constant 0.000000e+00 : f32
    %broadcast_in_dim3A_587 = vector.broadcast %jit3A_585 : f32 to vector<200x128xf32>
    %broadcast_in_dim3A_588 = vector.broadcast %jit3A_586 : f32 to vector<200x128xf32>
    %select_n3A_589 = arith.select %or3A_584, %broadcast_in_dim3A_587, %broadcast_in_dim3A_588 : vector<200x128xi1>, vector<200x128xf32>
    %add3A_590 = arith.addf %add3A_534, %select_n3A_589 : vector<200x128xf32>
    %add3A_591 = arith.constant 1.000000e-01 : f32
    %add3A_592 = vector.broadcast %add3A_591 : f32 to vector<200x128xf32>
    %add3A_593 = arith.addf %select_n3A_22, %add3A_592 : vector<200x128xf32>
    %sub3A_594 = arith.subf %add3A_593, %select_n3A_564 : vector<200x128xf32>
    %max3A_595 = arith.constant 0.000000e+00 : f32
    %max3A_596 = vector.broadcast %max3A_595 : f32 to vector<200x128xf32>
    %max3A_597 = arith.maximumf %sub3A_594, %max3A_596 : vector<200x128xf32>
    %add3A_598 = arith.addf %add3A_542, %max3A_597 : vector<200x128xf32>
    %add3A_599 = arith.constant 1.000000e-01 : f32
    %add3A_600 = vector.broadcast %add3A_599 : f32 to vector<200x128xf32>
    %add3A_601 = arith.addf %select_n3A, %add3A_600 : vector<200x128xf32>
    %sub3A_602 = arith.subf %add3A_601, %select_n3A_564 : vector<200x128xf32>
    %max3A_603 = arith.constant 0.000000e+00 : f32
    %max3A_604 = vector.broadcast %max3A_603 : f32 to vector<200x128xf32>
    %max3A_605 = arith.maximumf %sub3A_602, %max3A_604 : vector<200x128xf32>
    %mul3A_606 = arith.mulf %select_n3A_576, %sub3A_52 : vector<200x128xf32>
    %mul3A_607 = arith.mulf %max3A_605, %mul3A_606 : vector<200x128xf32>
    %add3A_608 = arith.addf %add3A_552, %mul3A_607 : vector<200x128xf32>
    %slice3A_609 = vector.extract_strided_slice %select_n3A {offsets = [0, 11], sizes = [200, 117], strides = [1, 1]} : vector<200x128xf32> to vector<200x117xf32>
    %slice3A_610 = vector.extract_strided_slice %select_n3A {offsets = [0, 0], sizes = [200, 11], strides = [1, 1]} : vector<200x128xf32> to vector<200x11xf32>
    %concatenate3A_611 = tpu.concatenate %slice3A_609, %slice3A_610 in 1 : vector<200x117xf32>, vector<200x11xf32> -> vector<200x128xf32>
    %slice3A_612 = vector.extract_strided_slice %select_n3A {offsets = [0, 123], sizes = [200, 5], strides = [1, 1]} : vector<200x128xf32> to vector<200x5xf32>
    %slice3A_613 = vector.extract_strided_slice %select_n3A {offsets = [0, 0], sizes = [200, 123], strides = [1, 1]} : vector<200x128xf32> to vector<200x123xf32>
    %concatenate3A_614 = tpu.concatenate %slice3A_612, %slice3A_613 in 1 : vector<200x5xf32>, vector<200x123xf32> -> vector<200x128xf32>
    %lt3A_615 = arith.constant 5 : i32
    %lt3A_616 = vector.broadcast %lt3A_615 : i32 to vector<1x128xi32>
    %lt3A_617 = arith.cmpi slt, %select_n3A_41, %lt3A_616 : vector<1x128xi32>
    %broadcast_in_dim3A_618 = vector.shape_cast %lt3A_617 : vector<1x128xi1> to vector<1x128xi1>
    %broadcast_in_dim3A_619 = vector.broadcast %broadcast_in_dim3A_618 : vector<1x128xi1> to vector<200x128xi1>
    %select_n3A_620 = arith.select %broadcast_in_dim3A_619, %concatenate3A_611, %concatenate3A_614 : vector<200x128xi1>, vector<200x128xf32>
    %slice3A_621 = vector.extract_strided_slice %get3A_25 {offsets = [0, 11], sizes = [200, 117], strides = [1, 1]} : vector<200x128xf32> to vector<200x117xf32>
    %slice3A_622 = vector.extract_strided_slice %get3A_25 {offsets = [0, 0], sizes = [200, 11], strides = [1, 1]} : vector<200x128xf32> to vector<200x11xf32>
    %concatenate3A_623 = tpu.concatenate %slice3A_621, %slice3A_622 in 1 : vector<200x117xf32>, vector<200x11xf32> -> vector<200x128xf32>
    %slice3A_624 = vector.extract_strided_slice %get3A_25 {offsets = [0, 123], sizes = [200, 5], strides = [1, 1]} : vector<200x128xf32> to vector<200x5xf32>
    %slice3A_625 = vector.extract_strided_slice %get3A_25 {offsets = [0, 0], sizes = [200, 123], strides = [1, 1]} : vector<200x128xf32> to vector<200x123xf32>
    %concatenate3A_626 = tpu.concatenate %slice3A_624, %slice3A_625 in 1 : vector<200x5xf32>, vector<200x123xf32> -> vector<200x128xf32>
    %lt3A_627 = arith.constant 5 : i32
    %lt3A_628 = vector.broadcast %lt3A_627 : i32 to vector<1x128xi32>
    %lt3A_629 = arith.cmpi slt, %select_n3A_41, %lt3A_628 : vector<1x128xi32>
    %broadcast_in_dim3A_630 = vector.shape_cast %lt3A_629 : vector<1x128xi1> to vector<1x128xi1>
    %broadcast_in_dim3A_631 = vector.broadcast %broadcast_in_dim3A_630 : vector<1x128xi1> to vector<200x128xi1>
    %select_n3A_632 = arith.select %broadcast_in_dim3A_631, %concatenate3A_623, %concatenate3A_626 : vector<200x128xi1>, vector<200x128xf32>
    %eq3A_633 = arith.cmpf oeq, %select_n3A_620, %select_n3A : vector<200x128xf32>
    %ge3A_634 = arith.constant 5 : i32
    %ge3A_635 = vector.broadcast %ge3A_634 : i32 to vector<1x128xi32>
    %ge3A_636 = arith.cmpi sge, %select_n3A_41, %ge3A_635 : vector<1x128xi32>
    %and3A_637 = vector.broadcast %ge3A_636 : vector<1x128xi1> to vector<200x128xi1>
    %and3A_638 = arith.andi %eq3A_633, %and3A_637 : vector<200x128xi1>
    %gt3A_639 = arith.cmpf ogt, %select_n3A_620, %select_n3A : vector<200x128xf32>
    %or3A_640 = arith.ori %gt3A_639, %and3A_638 : vector<200x128xi1>
    %jit3A_641 = arith.constant 1.000000e+00 : f32
    %jit3A_642 = arith.constant 0.000000e+00 : f32
    %broadcast_in_dim3A_643 = vector.broadcast %jit3A_641 : f32 to vector<200x128xf32>
    %broadcast_in_dim3A_644 = vector.broadcast %jit3A_642 : f32 to vector<200x128xf32>
    %select_n3A_645 = arith.select %or3A_640, %broadcast_in_dim3A_643, %broadcast_in_dim3A_644 : vector<200x128xi1>, vector<200x128xf32>
    %add3A_646 = arith.addf %add3A_590, %select_n3A_645 : vector<200x128xf32>
    %add3A_647 = arith.constant 1.000000e-01 : f32
    %add3A_648 = vector.broadcast %add3A_647 : f32 to vector<200x128xf32>
    %add3A_649 = arith.addf %select_n3A_22, %add3A_648 : vector<200x128xf32>
    %sub3A_650 = arith.subf %add3A_649, %select_n3A_620 : vector<200x128xf32>
    %max3A_651 = arith.constant 0.000000e+00 : f32
    %max3A_652 = vector.broadcast %max3A_651 : f32 to vector<200x128xf32>
    %max3A_653 = arith.maximumf %sub3A_650, %max3A_652 : vector<200x128xf32>
    %add3A_654 = arith.addf %add3A_598, %max3A_653 : vector<200x128xf32>
    %add3A_655 = arith.constant 1.000000e-01 : f32
    %add3A_656 = vector.broadcast %add3A_655 : f32 to vector<200x128xf32>
    %add3A_657 = arith.addf %select_n3A, %add3A_656 : vector<200x128xf32>
    %sub3A_658 = arith.subf %add3A_657, %select_n3A_620 : vector<200x128xf32>
    %max3A_659 = arith.constant 0.000000e+00 : f32
    %max3A_660 = vector.broadcast %max3A_659 : f32 to vector<200x128xf32>
    %max3A_661 = arith.maximumf %sub3A_658, %max3A_660 : vector<200x128xf32>
    %mul3A_662 = arith.mulf %select_n3A_632, %sub3A_52 : vector<200x128xf32>
    %mul3A_663 = arith.mulf %max3A_661, %mul3A_662 : vector<200x128xf32>
    %add3A_664 = arith.addf %add3A_608, %mul3A_663 : vector<200x128xf32>
    %slice3A_665 = vector.extract_strided_slice %select_n3A {offsets = [0, 12], sizes = [200, 116], strides = [1, 1]} : vector<200x128xf32> to vector<200x116xf32>
    %slice3A_666 = vector.extract_strided_slice %select_n3A {offsets = [0, 0], sizes = [200, 12], strides = [1, 1]} : vector<200x128xf32> to vector<200x12xf32>
    %concatenate3A_667 = tpu.concatenate %slice3A_665, %slice3A_666 in 1 : vector<200x116xf32>, vector<200x12xf32> -> vector<200x128xf32>
    %slice3A_668 = vector.extract_strided_slice %select_n3A {offsets = [0, 124], sizes = [200, 4], strides = [1, 1]} : vector<200x128xf32> to vector<200x4xf32>
    %slice3A_669 = vector.extract_strided_slice %select_n3A {offsets = [0, 0], sizes = [200, 124], strides = [1, 1]} : vector<200x128xf32> to vector<200x124xf32>
    %concatenate3A_670 = tpu.concatenate %slice3A_668, %slice3A_669 in 1 : vector<200x4xf32>, vector<200x124xf32> -> vector<200x128xf32>
    %lt3A_671 = arith.constant 4 : i32
    %lt3A_672 = vector.broadcast %lt3A_671 : i32 to vector<1x128xi32>
    %lt3A_673 = arith.cmpi slt, %select_n3A_41, %lt3A_672 : vector<1x128xi32>
    %broadcast_in_dim3A_674 = vector.shape_cast %lt3A_673 : vector<1x128xi1> to vector<1x128xi1>
    %broadcast_in_dim3A_675 = vector.broadcast %broadcast_in_dim3A_674 : vector<1x128xi1> to vector<200x128xi1>
    %select_n3A_676 = arith.select %broadcast_in_dim3A_675, %concatenate3A_667, %concatenate3A_670 : vector<200x128xi1>, vector<200x128xf32>
    %slice3A_677 = vector.extract_strided_slice %get3A_25 {offsets = [0, 12], sizes = [200, 116], strides = [1, 1]} : vector<200x128xf32> to vector<200x116xf32>
    %slice3A_678 = vector.extract_strided_slice %get3A_25 {offsets = [0, 0], sizes = [200, 12], strides = [1, 1]} : vector<200x128xf32> to vector<200x12xf32>
    %concatenate3A_679 = tpu.concatenate %slice3A_677, %slice3A_678 in 1 : vector<200x116xf32>, vector<200x12xf32> -> vector<200x128xf32>
    %slice3A_680 = vector.extract_strided_slice %get3A_25 {offsets = [0, 124], sizes = [200, 4], strides = [1, 1]} : vector<200x128xf32> to vector<200x4xf32>
    %slice3A_681 = vector.extract_strided_slice %get3A_25 {offsets = [0, 0], sizes = [200, 124], strides = [1, 1]} : vector<200x128xf32> to vector<200x124xf32>
    %concatenate3A_682 = tpu.concatenate %slice3A_680, %slice3A_681 in 1 : vector<200x4xf32>, vector<200x124xf32> -> vector<200x128xf32>
    %lt3A_683 = arith.constant 4 : i32
    %lt3A_684 = vector.broadcast %lt3A_683 : i32 to vector<1x128xi32>
    %lt3A_685 = arith.cmpi slt, %select_n3A_41, %lt3A_684 : vector<1x128xi32>
    %broadcast_in_dim3A_686 = vector.shape_cast %lt3A_685 : vector<1x128xi1> to vector<1x128xi1>
    %broadcast_in_dim3A_687 = vector.broadcast %broadcast_in_dim3A_686 : vector<1x128xi1> to vector<200x128xi1>
    %select_n3A_688 = arith.select %broadcast_in_dim3A_687, %concatenate3A_679, %concatenate3A_682 : vector<200x128xi1>, vector<200x128xf32>
    %eq3A_689 = arith.cmpf oeq, %select_n3A_676, %select_n3A : vector<200x128xf32>
    %ge3A_690 = arith.constant 4 : i32
    %ge3A_691 = vector.broadcast %ge3A_690 : i32 to vector<1x128xi32>
    %ge3A_692 = arith.cmpi sge, %select_n3A_41, %ge3A_691 : vector<1x128xi32>
    %and3A_693 = vector.broadcast %ge3A_692 : vector<1x128xi1> to vector<200x128xi1>
    %and3A_694 = arith.andi %eq3A_689, %and3A_693 : vector<200x128xi1>
    %gt3A_695 = arith.cmpf ogt, %select_n3A_676, %select_n3A : vector<200x128xf32>
    %or3A_696 = arith.ori %gt3A_695, %and3A_694 : vector<200x128xi1>
    %jit3A_697 = arith.constant 1.000000e+00 : f32
    %jit3A_698 = arith.constant 0.000000e+00 : f32
    %broadcast_in_dim3A_699 = vector.broadcast %jit3A_697 : f32 to vector<200x128xf32>
    %broadcast_in_dim3A_700 = vector.broadcast %jit3A_698 : f32 to vector<200x128xf32>
    %select_n3A_701 = arith.select %or3A_696, %broadcast_in_dim3A_699, %broadcast_in_dim3A_700 : vector<200x128xi1>, vector<200x128xf32>
    %add3A_702 = arith.addf %add3A_646, %select_n3A_701 : vector<200x128xf32>
    %add3A_703 = arith.constant 1.000000e-01 : f32
    %add3A_704 = vector.broadcast %add3A_703 : f32 to vector<200x128xf32>
    %add3A_705 = arith.addf %select_n3A_22, %add3A_704 : vector<200x128xf32>
    %sub3A_706 = arith.subf %add3A_705, %select_n3A_676 : vector<200x128xf32>
    %max3A_707 = arith.constant 0.000000e+00 : f32
    %max3A_708 = vector.broadcast %max3A_707 : f32 to vector<200x128xf32>
    %max3A_709 = arith.maximumf %sub3A_706, %max3A_708 : vector<200x128xf32>
    %add3A_710 = arith.addf %add3A_654, %max3A_709 : vector<200x128xf32>
    %add3A_711 = arith.constant 1.000000e-01 : f32
    %add3A_712 = vector.broadcast %add3A_711 : f32 to vector<200x128xf32>
    %add3A_713 = arith.addf %select_n3A, %add3A_712 : vector<200x128xf32>
    %sub3A_714 = arith.subf %add3A_713, %select_n3A_676 : vector<200x128xf32>
    %max3A_715 = arith.constant 0.000000e+00 : f32
    %max3A_716 = vector.broadcast %max3A_715 : f32 to vector<200x128xf32>
    %max3A_717 = arith.maximumf %sub3A_714, %max3A_716 : vector<200x128xf32>
    %mul3A_718 = arith.mulf %select_n3A_688, %sub3A_52 : vector<200x128xf32>
    %mul3A_719 = arith.mulf %max3A_717, %mul3A_718 : vector<200x128xf32>
    %add3A_720 = arith.addf %add3A_664, %mul3A_719 : vector<200x128xf32>
    %slice3A_721 = vector.extract_strided_slice %select_n3A {offsets = [0, 13], sizes = [200, 115], strides = [1, 1]} : vector<200x128xf32> to vector<200x115xf32>
    %slice3A_722 = vector.extract_strided_slice %select_n3A {offsets = [0, 0], sizes = [200, 13], strides = [1, 1]} : vector<200x128xf32> to vector<200x13xf32>
    %concatenate3A_723 = tpu.concatenate %slice3A_721, %slice3A_722 in 1 : vector<200x115xf32>, vector<200x13xf32> -> vector<200x128xf32>
    %slice3A_724 = vector.extract_strided_slice %select_n3A {offsets = [0, 125], sizes = [200, 3], strides = [1, 1]} : vector<200x128xf32> to vector<200x3xf32>
    %slice3A_725 = vector.extract_strided_slice %select_n3A {offsets = [0, 0], sizes = [200, 125], strides = [1, 1]} : vector<200x128xf32> to vector<200x125xf32>
    %concatenate3A_726 = tpu.concatenate %slice3A_724, %slice3A_725 in 1 : vector<200x3xf32>, vector<200x125xf32> -> vector<200x128xf32>
    %lt3A_727 = arith.constant 3 : i32
    %lt3A_728 = vector.broadcast %lt3A_727 : i32 to vector<1x128xi32>
    %lt3A_729 = arith.cmpi slt, %select_n3A_41, %lt3A_728 : vector<1x128xi32>
    %broadcast_in_dim3A_730 = vector.shape_cast %lt3A_729 : vector<1x128xi1> to vector<1x128xi1>
    %broadcast_in_dim3A_731 = vector.broadcast %broadcast_in_dim3A_730 : vector<1x128xi1> to vector<200x128xi1>
    %select_n3A_732 = arith.select %broadcast_in_dim3A_731, %concatenate3A_723, %concatenate3A_726 : vector<200x128xi1>, vector<200x128xf32>
    %slice3A_733 = vector.extract_strided_slice %get3A_25 {offsets = [0, 13], sizes = [200, 115], strides = [1, 1]} : vector<200x128xf32> to vector<200x115xf32>
    %slice3A_734 = vector.extract_strided_slice %get3A_25 {offsets = [0, 0], sizes = [200, 13], strides = [1, 1]} : vector<200x128xf32> to vector<200x13xf32>
    %concatenate3A_735 = tpu.concatenate %slice3A_733, %slice3A_734 in 1 : vector<200x115xf32>, vector<200x13xf32> -> vector<200x128xf32>
    %slice3A_736 = vector.extract_strided_slice %get3A_25 {offsets = [0, 125], sizes = [200, 3], strides = [1, 1]} : vector<200x128xf32> to vector<200x3xf32>
    %slice3A_737 = vector.extract_strided_slice %get3A_25 {offsets = [0, 0], sizes = [200, 125], strides = [1, 1]} : vector<200x128xf32> to vector<200x125xf32>
    %concatenate3A_738 = tpu.concatenate %slice3A_736, %slice3A_737 in 1 : vector<200x3xf32>, vector<200x125xf32> -> vector<200x128xf32>
    %lt3A_739 = arith.constant 3 : i32
    %lt3A_740 = vector.broadcast %lt3A_739 : i32 to vector<1x128xi32>
    %lt3A_741 = arith.cmpi slt, %select_n3A_41, %lt3A_740 : vector<1x128xi32>
    %broadcast_in_dim3A_742 = vector.shape_cast %lt3A_741 : vector<1x128xi1> to vector<1x128xi1>
    %broadcast_in_dim3A_743 = vector.broadcast %broadcast_in_dim3A_742 : vector<1x128xi1> to vector<200x128xi1>
    %select_n3A_744 = arith.select %broadcast_in_dim3A_743, %concatenate3A_735, %concatenate3A_738 : vector<200x128xi1>, vector<200x128xf32>
    %eq3A_745 = arith.cmpf oeq, %select_n3A_732, %select_n3A : vector<200x128xf32>
    %ge3A_746 = arith.constant 3 : i32
    %ge3A_747 = vector.broadcast %ge3A_746 : i32 to vector<1x128xi32>
    %ge3A_748 = arith.cmpi sge, %select_n3A_41, %ge3A_747 : vector<1x128xi32>
    %and3A_749 = vector.broadcast %ge3A_748 : vector<1x128xi1> to vector<200x128xi1>
    %and3A_750 = arith.andi %eq3A_745, %and3A_749 : vector<200x128xi1>
    %gt3A_751 = arith.cmpf ogt, %select_n3A_732, %select_n3A : vector<200x128xf32>
    %or3A_752 = arith.ori %gt3A_751, %and3A_750 : vector<200x128xi1>
    %jit3A_753 = arith.constant 1.000000e+00 : f32
    %jit3A_754 = arith.constant 0.000000e+00 : f32
    %broadcast_in_dim3A_755 = vector.broadcast %jit3A_753 : f32 to vector<200x128xf32>
    %broadcast_in_dim3A_756 = vector.broadcast %jit3A_754 : f32 to vector<200x128xf32>
    %select_n3A_757 = arith.select %or3A_752, %broadcast_in_dim3A_755, %broadcast_in_dim3A_756 : vector<200x128xi1>, vector<200x128xf32>
    %add3A_758 = arith.addf %add3A_702, %select_n3A_757 : vector<200x128xf32>
    %add3A_759 = arith.constant 1.000000e-01 : f32
    %add3A_760 = vector.broadcast %add3A_759 : f32 to vector<200x128xf32>
    %add3A_761 = arith.addf %select_n3A_22, %add3A_760 : vector<200x128xf32>
    %sub3A_762 = arith.subf %add3A_761, %select_n3A_732 : vector<200x128xf32>
    %max3A_763 = arith.constant 0.000000e+00 : f32
    %max3A_764 = vector.broadcast %max3A_763 : f32 to vector<200x128xf32>
    %max3A_765 = arith.maximumf %sub3A_762, %max3A_764 : vector<200x128xf32>
    %add3A_766 = arith.addf %add3A_710, %max3A_765 : vector<200x128xf32>
    %add3A_767 = arith.constant 1.000000e-01 : f32
    %add3A_768 = vector.broadcast %add3A_767 : f32 to vector<200x128xf32>
    %add3A_769 = arith.addf %select_n3A, %add3A_768 : vector<200x128xf32>
    %sub3A_770 = arith.subf %add3A_769, %select_n3A_732 : vector<200x128xf32>
    %max3A_771 = arith.constant 0.000000e+00 : f32
    %max3A_772 = vector.broadcast %max3A_771 : f32 to vector<200x128xf32>
    %max3A_773 = arith.maximumf %sub3A_770, %max3A_772 : vector<200x128xf32>
    %mul3A_774 = arith.mulf %select_n3A_744, %sub3A_52 : vector<200x128xf32>
    %mul3A_775 = arith.mulf %max3A_773, %mul3A_774 : vector<200x128xf32>
    %add3A_776 = arith.addf %add3A_720, %mul3A_775 : vector<200x128xf32>
    %slice3A_777 = vector.extract_strided_slice %select_n3A {offsets = [0, 14], sizes = [200, 114], strides = [1, 1]} : vector<200x128xf32> to vector<200x114xf32>
    %slice3A_778 = vector.extract_strided_slice %select_n3A {offsets = [0, 0], sizes = [200, 14], strides = [1, 1]} : vector<200x128xf32> to vector<200x14xf32>
    %concatenate3A_779 = tpu.concatenate %slice3A_777, %slice3A_778 in 1 : vector<200x114xf32>, vector<200x14xf32> -> vector<200x128xf32>
    %slice3A_780 = vector.extract_strided_slice %select_n3A {offsets = [0, 126], sizes = [200, 2], strides = [1, 1]} : vector<200x128xf32> to vector<200x2xf32>
    %slice3A_781 = vector.extract_strided_slice %select_n3A {offsets = [0, 0], sizes = [200, 126], strides = [1, 1]} : vector<200x128xf32> to vector<200x126xf32>
    %concatenate3A_782 = tpu.concatenate %slice3A_780, %slice3A_781 in 1 : vector<200x2xf32>, vector<200x126xf32> -> vector<200x128xf32>
    %lt3A_783 = arith.constant 2 : i32
    %lt3A_784 = vector.broadcast %lt3A_783 : i32 to vector<1x128xi32>
    %lt3A_785 = arith.cmpi slt, %select_n3A_41, %lt3A_784 : vector<1x128xi32>
    %broadcast_in_dim3A_786 = vector.shape_cast %lt3A_785 : vector<1x128xi1> to vector<1x128xi1>
    %broadcast_in_dim3A_787 = vector.broadcast %broadcast_in_dim3A_786 : vector<1x128xi1> to vector<200x128xi1>
    %select_n3A_788 = arith.select %broadcast_in_dim3A_787, %concatenate3A_779, %concatenate3A_782 : vector<200x128xi1>, vector<200x128xf32>
    %slice3A_789 = vector.extract_strided_slice %get3A_25 {offsets = [0, 14], sizes = [200, 114], strides = [1, 1]} : vector<200x128xf32> to vector<200x114xf32>
    %slice3A_790 = vector.extract_strided_slice %get3A_25 {offsets = [0, 0], sizes = [200, 14], strides = [1, 1]} : vector<200x128xf32> to vector<200x14xf32>
    %concatenate3A_791 = tpu.concatenate %slice3A_789, %slice3A_790 in 1 : vector<200x114xf32>, vector<200x14xf32> -> vector<200x128xf32>
    %slice3A_792 = vector.extract_strided_slice %get3A_25 {offsets = [0, 126], sizes = [200, 2], strides = [1, 1]} : vector<200x128xf32> to vector<200x2xf32>
    %slice3A_793 = vector.extract_strided_slice %get3A_25 {offsets = [0, 0], sizes = [200, 126], strides = [1, 1]} : vector<200x128xf32> to vector<200x126xf32>
    %concatenate3A_794 = tpu.concatenate %slice3A_792, %slice3A_793 in 1 : vector<200x2xf32>, vector<200x126xf32> -> vector<200x128xf32>
    %lt3A_795 = arith.constant 2 : i32
    %lt3A_796 = vector.broadcast %lt3A_795 : i32 to vector<1x128xi32>
    %lt3A_797 = arith.cmpi slt, %select_n3A_41, %lt3A_796 : vector<1x128xi32>
    %broadcast_in_dim3A_798 = vector.shape_cast %lt3A_797 : vector<1x128xi1> to vector<1x128xi1>
    %broadcast_in_dim3A_799 = vector.broadcast %broadcast_in_dim3A_798 : vector<1x128xi1> to vector<200x128xi1>
    %select_n3A_800 = arith.select %broadcast_in_dim3A_799, %concatenate3A_791, %concatenate3A_794 : vector<200x128xi1>, vector<200x128xf32>
    %eq3A_801 = arith.cmpf oeq, %select_n3A_788, %select_n3A : vector<200x128xf32>
    %ge3A_802 = arith.constant 2 : i32
    %ge3A_803 = vector.broadcast %ge3A_802 : i32 to vector<1x128xi32>
    %ge3A_804 = arith.cmpi sge, %select_n3A_41, %ge3A_803 : vector<1x128xi32>
    %and3A_805 = vector.broadcast %ge3A_804 : vector<1x128xi1> to vector<200x128xi1>
    %and3A_806 = arith.andi %eq3A_801, %and3A_805 : vector<200x128xi1>
    %gt3A_807 = arith.cmpf ogt, %select_n3A_788, %select_n3A : vector<200x128xf32>
    %or3A_808 = arith.ori %gt3A_807, %and3A_806 : vector<200x128xi1>
    %jit3A_809 = arith.constant 1.000000e+00 : f32
    %jit3A_810 = arith.constant 0.000000e+00 : f32
    %broadcast_in_dim3A_811 = vector.broadcast %jit3A_809 : f32 to vector<200x128xf32>
    %broadcast_in_dim3A_812 = vector.broadcast %jit3A_810 : f32 to vector<200x128xf32>
    %select_n3A_813 = arith.select %or3A_808, %broadcast_in_dim3A_811, %broadcast_in_dim3A_812 : vector<200x128xi1>, vector<200x128xf32>
    %add3A_814 = arith.addf %add3A_758, %select_n3A_813 : vector<200x128xf32>
    %add3A_815 = arith.constant 1.000000e-01 : f32
    %add3A_816 = vector.broadcast %add3A_815 : f32 to vector<200x128xf32>
    %add3A_817 = arith.addf %select_n3A_22, %add3A_816 : vector<200x128xf32>
    %sub3A_818 = arith.subf %add3A_817, %select_n3A_788 : vector<200x128xf32>
    %max3A_819 = arith.constant 0.000000e+00 : f32
    %max3A_820 = vector.broadcast %max3A_819 : f32 to vector<200x128xf32>
    %max3A_821 = arith.maximumf %sub3A_818, %max3A_820 : vector<200x128xf32>
    %add3A_822 = arith.addf %add3A_766, %max3A_821 : vector<200x128xf32>
    %add3A_823 = arith.constant 1.000000e-01 : f32
    %add3A_824 = vector.broadcast %add3A_823 : f32 to vector<200x128xf32>
    %add3A_825 = arith.addf %select_n3A, %add3A_824 : vector<200x128xf32>
    %sub3A_826 = arith.subf %add3A_825, %select_n3A_788 : vector<200x128xf32>
    %max3A_827 = arith.constant 0.000000e+00 : f32
    %max3A_828 = vector.broadcast %max3A_827 : f32 to vector<200x128xf32>
    %max3A_829 = arith.maximumf %sub3A_826, %max3A_828 : vector<200x128xf32>
    %mul3A_830 = arith.mulf %select_n3A_800, %sub3A_52 : vector<200x128xf32>
    %mul3A_831 = arith.mulf %max3A_829, %mul3A_830 : vector<200x128xf32>
    %add3A_832 = arith.addf %add3A_776, %mul3A_831 : vector<200x128xf32>
    %slice3A_833 = vector.extract_strided_slice %select_n3A {offsets = [0, 15], sizes = [200, 113], strides = [1, 1]} : vector<200x128xf32> to vector<200x113xf32>
    %slice3A_834 = vector.extract_strided_slice %select_n3A {offsets = [0, 0], sizes = [200, 15], strides = [1, 1]} : vector<200x128xf32> to vector<200x15xf32>
    %concatenate3A_835 = tpu.concatenate %slice3A_833, %slice3A_834 in 1 : vector<200x113xf32>, vector<200x15xf32> -> vector<200x128xf32>
    %slice3A_836 = vector.extract_strided_slice %select_n3A {offsets = [0, 127], sizes = [200, 1], strides = [1, 1]} : vector<200x128xf32> to vector<200x1xf32>
    %slice3A_837 = vector.extract_strided_slice %select_n3A {offsets = [0, 0], sizes = [200, 127], strides = [1, 1]} : vector<200x128xf32> to vector<200x127xf32>
    %concatenate3A_838 = tpu.concatenate %slice3A_836, %slice3A_837 in 1 : vector<200x1xf32>, vector<200x127xf32> -> vector<200x128xf32>
    %lt3A_839 = arith.constant 1 : i32
    %lt3A_840 = vector.broadcast %lt3A_839 : i32 to vector<1x128xi32>
    %lt3A_841 = arith.cmpi slt, %select_n3A_41, %lt3A_840 : vector<1x128xi32>
    %broadcast_in_dim3A_842 = vector.shape_cast %lt3A_841 : vector<1x128xi1> to vector<1x128xi1>
    %broadcast_in_dim3A_843 = vector.broadcast %broadcast_in_dim3A_842 : vector<1x128xi1> to vector<200x128xi1>
    %select_n3A_844 = arith.select %broadcast_in_dim3A_843, %concatenate3A_835, %concatenate3A_838 : vector<200x128xi1>, vector<200x128xf32>
    %slice3A_845 = vector.extract_strided_slice %get3A_25 {offsets = [0, 15], sizes = [200, 113], strides = [1, 1]} : vector<200x128xf32> to vector<200x113xf32>
    %slice3A_846 = vector.extract_strided_slice %get3A_25 {offsets = [0, 0], sizes = [200, 15], strides = [1, 1]} : vector<200x128xf32> to vector<200x15xf32>
    %concatenate3A_847 = tpu.concatenate %slice3A_845, %slice3A_846 in 1 : vector<200x113xf32>, vector<200x15xf32> -> vector<200x128xf32>
    %slice3A_848 = vector.extract_strided_slice %get3A_25 {offsets = [0, 127], sizes = [200, 1], strides = [1, 1]} : vector<200x128xf32> to vector<200x1xf32>
    %slice3A_849 = vector.extract_strided_slice %get3A_25 {offsets = [0, 0], sizes = [200, 127], strides = [1, 1]} : vector<200x128xf32> to vector<200x127xf32>
    %concatenate3A_850 = tpu.concatenate %slice3A_848, %slice3A_849 in 1 : vector<200x1xf32>, vector<200x127xf32> -> vector<200x128xf32>
    %lt3A_851 = arith.constant 1 : i32
    %lt3A_852 = vector.broadcast %lt3A_851 : i32 to vector<1x128xi32>
    %lt3A_853 = arith.cmpi slt, %select_n3A_41, %lt3A_852 : vector<1x128xi32>
    %broadcast_in_dim3A_854 = vector.shape_cast %lt3A_853 : vector<1x128xi1> to vector<1x128xi1>
    %broadcast_in_dim3A_855 = vector.broadcast %broadcast_in_dim3A_854 : vector<1x128xi1> to vector<200x128xi1>
    %select_n3A_856 = arith.select %broadcast_in_dim3A_855, %concatenate3A_847, %concatenate3A_850 : vector<200x128xi1>, vector<200x128xf32>
    %eq3A_857 = arith.cmpf oeq, %select_n3A_844, %select_n3A : vector<200x128xf32>
    %ge3A_858 = arith.constant 1 : i32
    %ge3A_859 = vector.broadcast %ge3A_858 : i32 to vector<1x128xi32>
    %ge3A_860 = arith.cmpi sge, %select_n3A_41, %ge3A_859 : vector<1x128xi32>
    %and3A_861 = vector.broadcast %ge3A_860 : vector<1x128xi1> to vector<200x128xi1>
    %and3A_862 = arith.andi %eq3A_857, %and3A_861 : vector<200x128xi1>
    %gt3A_863 = arith.cmpf ogt, %select_n3A_844, %select_n3A : vector<200x128xf32>
    %or3A_864 = arith.ori %gt3A_863, %and3A_862 : vector<200x128xi1>
    %jit3A_865 = arith.constant 1.000000e+00 : f32
    %jit3A_866 = arith.constant 0.000000e+00 : f32
    %broadcast_in_dim3A_867 = vector.broadcast %jit3A_865 : f32 to vector<200x128xf32>
    %broadcast_in_dim3A_868 = vector.broadcast %jit3A_866 : f32 to vector<200x128xf32>
    %select_n3A_869 = arith.select %or3A_864, %broadcast_in_dim3A_867, %broadcast_in_dim3A_868 : vector<200x128xi1>, vector<200x128xf32>
    %add3A_870 = arith.addf %add3A_814, %select_n3A_869 : vector<200x128xf32>
    %add3A_871 = arith.constant 1.000000e-01 : f32
    %add3A_872 = vector.broadcast %add3A_871 : f32 to vector<200x128xf32>
    %add3A_873 = arith.addf %select_n3A_22, %add3A_872 : vector<200x128xf32>
    %sub3A_874 = arith.subf %add3A_873, %select_n3A_844 : vector<200x128xf32>
    %max3A_875 = arith.constant 0.000000e+00 : f32
    %max3A_876 = vector.broadcast %max3A_875 : f32 to vector<200x128xf32>
    %max3A_877 = arith.maximumf %sub3A_874, %max3A_876 : vector<200x128xf32>
    %add3A_878 = arith.addf %add3A_822, %max3A_877 : vector<200x128xf32>
    %add3A_879 = arith.constant 1.000000e-01 : f32
    %add3A_880 = vector.broadcast %add3A_879 : f32 to vector<200x128xf32>
    %add3A_881 = arith.addf %select_n3A, %add3A_880 : vector<200x128xf32>
    %sub3A_882 = arith.subf %add3A_881, %select_n3A_844 : vector<200x128xf32>
    %max3A_883 = arith.constant 0.000000e+00 : f32
    %max3A_884 = vector.broadcast %max3A_883 : f32 to vector<200x128xf32>
    %max3A_885 = arith.maximumf %sub3A_882, %max3A_884 : vector<200x128xf32>
    %mul3A_886 = arith.mulf %select_n3A_856, %sub3A_52 : vector<200x128xf32>
    %mul3A_887 = arith.mulf %max3A_885, %mul3A_886 : vector<200x128xf32>
    %add3A_888 = arith.addf %add3A_832, %mul3A_887 : vector<200x128xf32>
    %reduce_sum3A = vector.shape_cast %add3A_878 : vector<200x128xf32> to vector<1x200x128xf32>
    %reduce_sum3A_889 = arith.constant dense<0.000000e+00> : vector<1xf32>
    %reduce_sum3A_890 = vector.multi_reduction <add>, %reduce_sum3A, %reduce_sum3A_889 [1, 2] : vector<1x200x128xf32> to vector<1xf32>
    %reduce_sum3A_891 = vector.shape_cast %reduce_sum3A_890 : vector<1xf32> to vector<1x1x1xf32>
    %reduce_sum3A_892 = vector.extract %reduce_sum3A_891[0, 0, 0] : f32 from vector<1x1x1xf32>
    %reduce_sum3A_893 = vector.shape_cast %add3A_888 : vector<200x128xf32> to vector<1x200x128xf32>
    %reduce_sum3A_894 = arith.constant dense<0.000000e+00> : vector<1xf32>
    %reduce_sum3A_895 = vector.multi_reduction <add>, %reduce_sum3A_893, %reduce_sum3A_894 [1, 2] : vector<1x200x128xf32> to vector<1xf32>
    %reduce_sum3A_896 = vector.shape_cast %reduce_sum3A_895 : vector<1xf32> to vector<1x1x1xf32>
    %reduce_sum3A_897 = vector.extract %reduce_sum3A_896[0, 0, 0] : f32 from vector<1x1x1xf32>
    %slice3A_898 = vector.extract_strided_slice %select_n3A {offsets = [0, 1], sizes = [200, 127], strides = [1, 1]} : vector<200x128xf32> to vector<200x127xf32>
    %slice3A_899 = vector.extract_strided_slice %select_n3A {offsets = [0, 0], sizes = [200, 1], strides = [1, 1]} : vector<200x128xf32> to vector<200x1xf32>
    %concatenate3A_900 = tpu.concatenate %slice3A_898, %slice3A_899 in 1 : vector<200x127xf32>, vector<200x1xf32> -> vector<200x128xf32>
    %slice3A_901 = vector.extract_strided_slice %select_n3A {offsets = [0, 113], sizes = [200, 15], strides = [1, 1]} : vector<200x128xf32> to vector<200x15xf32>
    %slice3A_902 = vector.extract_strided_slice %select_n3A {offsets = [0, 0], sizes = [200, 113], strides = [1, 1]} : vector<200x128xf32> to vector<200x113xf32>
    %concatenate3A_903 = tpu.concatenate %slice3A_901, %slice3A_902 in 1 : vector<200x15xf32>, vector<200x113xf32> -> vector<200x128xf32>
    %lt3A_904 = arith.constant 15 : i32
    %lt3A_905 = vector.broadcast %lt3A_904 : i32 to vector<1x128xi32>
    %lt3A_906 = arith.cmpi slt, %select_n3A_41, %lt3A_905 : vector<1x128xi32>
    %broadcast_in_dim3A_907 = vector.shape_cast %lt3A_906 : vector<1x128xi1> to vector<1x128xi1>
    %broadcast_in_dim3A_908 = vector.broadcast %broadcast_in_dim3A_907 : vector<1x128xi1> to vector<200x128xi1>
    %select_n3A_909 = arith.select %broadcast_in_dim3A_908, %concatenate3A_900, %concatenate3A_903 : vector<200x128xi1>, vector<200x128xf32>
    %max3A_910 = arith.maximumf %select_n3A, %select_n3A_909 : vector<200x128xf32>
    %slice3A_911 = vector.extract_strided_slice %max3A_910 {offsets = [0, 2], sizes = [200, 126], strides = [1, 1]} : vector<200x128xf32> to vector<200x126xf32>
    %slice3A_912 = vector.extract_strided_slice %max3A_910 {offsets = [0, 0], sizes = [200, 2], strides = [1, 1]} : vector<200x128xf32> to vector<200x2xf32>
    %concatenate3A_913 = tpu.concatenate %slice3A_911, %slice3A_912 in 1 : vector<200x126xf32>, vector<200x2xf32> -> vector<200x128xf32>
    %slice3A_914 = vector.extract_strided_slice %max3A_910 {offsets = [0, 114], sizes = [200, 14], strides = [1, 1]} : vector<200x128xf32> to vector<200x14xf32>
    %slice3A_915 = vector.extract_strided_slice %max3A_910 {offsets = [0, 0], sizes = [200, 114], strides = [1, 1]} : vector<200x128xf32> to vector<200x114xf32>
    %concatenate3A_916 = tpu.concatenate %slice3A_914, %slice3A_915 in 1 : vector<200x14xf32>, vector<200x114xf32> -> vector<200x128xf32>
    %lt3A_917 = arith.constant 14 : i32
    %lt3A_918 = vector.broadcast %lt3A_917 : i32 to vector<1x128xi32>
    %lt3A_919 = arith.cmpi slt, %select_n3A_41, %lt3A_918 : vector<1x128xi32>
    %broadcast_in_dim3A_920 = vector.shape_cast %lt3A_919 : vector<1x128xi1> to vector<1x128xi1>
    %broadcast_in_dim3A_921 = vector.broadcast %broadcast_in_dim3A_920 : vector<1x128xi1> to vector<200x128xi1>
    %select_n3A_922 = arith.select %broadcast_in_dim3A_921, %concatenate3A_913, %concatenate3A_916 : vector<200x128xi1>, vector<200x128xf32>
    %max3A_923 = arith.maximumf %max3A_910, %select_n3A_922 : vector<200x128xf32>
    %slice3A_924 = vector.extract_strided_slice %max3A_923 {offsets = [0, 4], sizes = [200, 124], strides = [1, 1]} : vector<200x128xf32> to vector<200x124xf32>
    %slice3A_925 = vector.extract_strided_slice %max3A_923 {offsets = [0, 0], sizes = [200, 4], strides = [1, 1]} : vector<200x128xf32> to vector<200x4xf32>
    %concatenate3A_926 = tpu.concatenate %slice3A_924, %slice3A_925 in 1 : vector<200x124xf32>, vector<200x4xf32> -> vector<200x128xf32>
    %slice3A_927 = vector.extract_strided_slice %max3A_923 {offsets = [0, 116], sizes = [200, 12], strides = [1, 1]} : vector<200x128xf32> to vector<200x12xf32>
    %slice3A_928 = vector.extract_strided_slice %max3A_923 {offsets = [0, 0], sizes = [200, 116], strides = [1, 1]} : vector<200x128xf32> to vector<200x116xf32>
    %concatenate3A_929 = tpu.concatenate %slice3A_927, %slice3A_928 in 1 : vector<200x12xf32>, vector<200x116xf32> -> vector<200x128xf32>
    %lt3A_930 = arith.constant 12 : i32
    %lt3A_931 = vector.broadcast %lt3A_930 : i32 to vector<1x128xi32>
    %lt3A_932 = arith.cmpi slt, %select_n3A_41, %lt3A_931 : vector<1x128xi32>
    %broadcast_in_dim3A_933 = vector.shape_cast %lt3A_932 : vector<1x128xi1> to vector<1x128xi1>
    %broadcast_in_dim3A_934 = vector.broadcast %broadcast_in_dim3A_933 : vector<1x128xi1> to vector<200x128xi1>
    %select_n3A_935 = arith.select %broadcast_in_dim3A_934, %concatenate3A_926, %concatenate3A_929 : vector<200x128xi1>, vector<200x128xf32>
    %max3A_936 = arith.maximumf %max3A_923, %select_n3A_935 : vector<200x128xf32>
    %slice3A_937 = vector.extract_strided_slice %max3A_936 {offsets = [0, 8], sizes = [200, 120], strides = [1, 1]} : vector<200x128xf32> to vector<200x120xf32>
    %slice3A_938 = vector.extract_strided_slice %max3A_936 {offsets = [0, 0], sizes = [200, 8], strides = [1, 1]} : vector<200x128xf32> to vector<200x8xf32>
    %concatenate3A_939 = tpu.concatenate %slice3A_937, %slice3A_938 in 1 : vector<200x120xf32>, vector<200x8xf32> -> vector<200x128xf32>
    %slice3A_940 = vector.extract_strided_slice %max3A_936 {offsets = [0, 120], sizes = [200, 8], strides = [1, 1]} : vector<200x128xf32> to vector<200x8xf32>
    %slice3A_941 = vector.extract_strided_slice %max3A_936 {offsets = [0, 0], sizes = [200, 120], strides = [1, 1]} : vector<200x128xf32> to vector<200x120xf32>
    %concatenate3A_942 = tpu.concatenate %slice3A_940, %slice3A_941 in 1 : vector<200x8xf32>, vector<200x120xf32> -> vector<200x128xf32>
    %lt3A_943 = arith.constant 8 : i32
    %lt3A_944 = vector.broadcast %lt3A_943 : i32 to vector<1x128xi32>
    %lt3A_945 = arith.cmpi slt, %select_n3A_41, %lt3A_944 : vector<1x128xi32>
    %broadcast_in_dim3A_946 = vector.shape_cast %lt3A_945 : vector<1x128xi1> to vector<1x128xi1>
    %broadcast_in_dim3A_947 = vector.broadcast %broadcast_in_dim3A_946 : vector<1x128xi1> to vector<200x128xi1>
    %select_n3A_948 = arith.select %broadcast_in_dim3A_947, %concatenate3A_939, %concatenate3A_942 : vector<200x128xi1>, vector<200x128xf32>
    %max3A_949 = arith.maximumf %max3A_936, %select_n3A_948 : vector<200x128xf32>
    %lt3A_950 = arith.constant 8.000000e+00 : f32
    %lt3A_951 = vector.broadcast %lt3A_950 : f32 to vector<200x128xf32>
    %lt3A_952 = arith.cmpf olt, %add3A_870, %lt3A_951 : vector<200x128xf32>
    %sub3A_953 = arith.subf %select_n3A, %max3A_949 : vector<200x128xf32>
    %exp3A = math.exp %sub3A_953 : vector<200x128xf32>
    %jit3A_954 = arith.constant 0.000000e+00 : f32
    %broadcast_in_dim3A_955 = vector.broadcast %jit3A_954 : f32 to vector<200x128xf32>
    %select_n3A_956 = arith.select %lt3A_952, %exp3A, %broadcast_in_dim3A_955 : vector<200x128xi1>, vector<200x128xf32>
    %slice3A_957 = vector.extract_strided_slice %select_n3A_956 {offsets = [0, 1], sizes = [200, 127], strides = [1, 1]} : vector<200x128xf32> to vector<200x127xf32>
    %slice3A_958 = vector.extract_strided_slice %select_n3A_956 {offsets = [0, 0], sizes = [200, 1], strides = [1, 1]} : vector<200x128xf32> to vector<200x1xf32>
    %concatenate3A_959 = tpu.concatenate %slice3A_957, %slice3A_958 in 1 : vector<200x127xf32>, vector<200x1xf32> -> vector<200x128xf32>
    %slice3A_960 = vector.extract_strided_slice %select_n3A_956 {offsets = [0, 113], sizes = [200, 15], strides = [1, 1]} : vector<200x128xf32> to vector<200x15xf32>
    %slice3A_961 = vector.extract_strided_slice %select_n3A_956 {offsets = [0, 0], sizes = [200, 113], strides = [1, 1]} : vector<200x128xf32> to vector<200x113xf32>
    %concatenate3A_962 = tpu.concatenate %slice3A_960, %slice3A_961 in 1 : vector<200x15xf32>, vector<200x113xf32> -> vector<200x128xf32>
    %lt3A_963 = arith.constant 15 : i32
    %lt3A_964 = vector.broadcast %lt3A_963 : i32 to vector<1x128xi32>
    %lt3A_965 = arith.cmpi slt, %select_n3A_41, %lt3A_964 : vector<1x128xi32>
    %broadcast_in_dim3A_966 = vector.shape_cast %lt3A_965 : vector<1x128xi1> to vector<1x128xi1>
    %broadcast_in_dim3A_967 = vector.broadcast %broadcast_in_dim3A_966 : vector<1x128xi1> to vector<200x128xi1>
    %select_n3A_968 = arith.select %broadcast_in_dim3A_967, %concatenate3A_959, %concatenate3A_962 : vector<200x128xi1>, vector<200x128xf32>
    %add3A_969 = arith.addf %select_n3A_956, %select_n3A_968 : vector<200x128xf32>
    %slice3A_970 = vector.extract_strided_slice %add3A_969 {offsets = [0, 2], sizes = [200, 126], strides = [1, 1]} : vector<200x128xf32> to vector<200x126xf32>
    %slice3A_971 = vector.extract_strided_slice %add3A_969 {offsets = [0, 0], sizes = [200, 2], strides = [1, 1]} : vector<200x128xf32> to vector<200x2xf32>
    %concatenate3A_972 = tpu.concatenate %slice3A_970, %slice3A_971 in 1 : vector<200x126xf32>, vector<200x2xf32> -> vector<200x128xf32>
    %slice3A_973 = vector.extract_strided_slice %add3A_969 {offsets = [0, 114], sizes = [200, 14], strides = [1, 1]} : vector<200x128xf32> to vector<200x14xf32>
    %slice3A_974 = vector.extract_strided_slice %add3A_969 {offsets = [0, 0], sizes = [200, 114], strides = [1, 1]} : vector<200x128xf32> to vector<200x114xf32>
    %concatenate3A_975 = tpu.concatenate %slice3A_973, %slice3A_974 in 1 : vector<200x14xf32>, vector<200x114xf32> -> vector<200x128xf32>
    %lt3A_976 = arith.constant 14 : i32
    %lt3A_977 = vector.broadcast %lt3A_976 : i32 to vector<1x128xi32>
    %lt3A_978 = arith.cmpi slt, %select_n3A_41, %lt3A_977 : vector<1x128xi32>
    %broadcast_in_dim3A_979 = vector.shape_cast %lt3A_978 : vector<1x128xi1> to vector<1x128xi1>
    %broadcast_in_dim3A_980 = vector.broadcast %broadcast_in_dim3A_979 : vector<1x128xi1> to vector<200x128xi1>
    %select_n3A_981 = arith.select %broadcast_in_dim3A_980, %concatenate3A_972, %concatenate3A_975 : vector<200x128xi1>, vector<200x128xf32>
    %add3A_982 = arith.addf %add3A_969, %select_n3A_981 : vector<200x128xf32>
    %slice3A_983 = vector.extract_strided_slice %add3A_982 {offsets = [0, 4], sizes = [200, 124], strides = [1, 1]} : vector<200x128xf32> to vector<200x124xf32>
    %slice3A_984 = vector.extract_strided_slice %add3A_982 {offsets = [0, 0], sizes = [200, 4], strides = [1, 1]} : vector<200x128xf32> to vector<200x4xf32>
    %concatenate3A_985 = tpu.concatenate %slice3A_983, %slice3A_984 in 1 : vector<200x124xf32>, vector<200x4xf32> -> vector<200x128xf32>
    %slice3A_986 = vector.extract_strided_slice %add3A_982 {offsets = [0, 116], sizes = [200, 12], strides = [1, 1]} : vector<200x128xf32> to vector<200x12xf32>
    %slice3A_987 = vector.extract_strided_slice %add3A_982 {offsets = [0, 0], sizes = [200, 116], strides = [1, 1]} : vector<200x128xf32> to vector<200x116xf32>
    %concatenate3A_988 = tpu.concatenate %slice3A_986, %slice3A_987 in 1 : vector<200x12xf32>, vector<200x116xf32> -> vector<200x128xf32>
    %lt3A_989 = arith.constant 12 : i32
    %lt3A_990 = vector.broadcast %lt3A_989 : i32 to vector<1x128xi32>
    %lt3A_991 = arith.cmpi slt, %select_n3A_41, %lt3A_990 : vector<1x128xi32>
    %broadcast_in_dim3A_992 = vector.shape_cast %lt3A_991 : vector<1x128xi1> to vector<1x128xi1>
    %broadcast_in_dim3A_993 = vector.broadcast %broadcast_in_dim3A_992 : vector<1x128xi1> to vector<200x128xi1>
    %select_n3A_994 = arith.select %broadcast_in_dim3A_993, %concatenate3A_985, %concatenate3A_988 : vector<200x128xi1>, vector<200x128xf32>
    %add3A_995 = arith.addf %add3A_982, %select_n3A_994 : vector<200x128xf32>
    %slice3A_996 = vector.extract_strided_slice %add3A_995 {offsets = [0, 8], sizes = [200, 120], strides = [1, 1]} : vector<200x128xf32> to vector<200x120xf32>
    %slice3A_997 = vector.extract_strided_slice %add3A_995 {offsets = [0, 0], sizes = [200, 8], strides = [1, 1]} : vector<200x128xf32> to vector<200x8xf32>
    %concatenate3A_998 = tpu.concatenate %slice3A_996, %slice3A_997 in 1 : vector<200x120xf32>, vector<200x8xf32> -> vector<200x128xf32>
    %slice3A_999 = vector.extract_strided_slice %add3A_995 {offsets = [0, 120], sizes = [200, 8], strides = [1, 1]} : vector<200x128xf32> to vector<200x8xf32>
    %slice3A_1000 = vector.extract_strided_slice %add3A_995 {offsets = [0, 0], sizes = [200, 120], strides = [1, 1]} : vector<200x128xf32> to vector<200x120xf32>
    %concatenate3A_1001 = tpu.concatenate %slice3A_999, %slice3A_1000 in 1 : vector<200x8xf32>, vector<200x120xf32> -> vector<200x128xf32>
    %lt3A_1002 = arith.constant 8 : i32
    %lt3A_1003 = vector.broadcast %lt3A_1002 : i32 to vector<1x128xi32>
    %lt3A_1004 = arith.cmpi slt, %select_n3A_41, %lt3A_1003 : vector<1x128xi32>
    %broadcast_in_dim3A_1005 = vector.shape_cast %lt3A_1004 : vector<1x128xi1> to vector<1x128xi1>
    %broadcast_in_dim3A_1006 = vector.broadcast %broadcast_in_dim3A_1005 : vector<1x128xi1> to vector<200x128xi1>
    %select_n3A_1007 = arith.select %broadcast_in_dim3A_1006, %concatenate3A_998, %concatenate3A_1001 : vector<200x128xi1>, vector<200x128xf32>
    %add3A_1008 = arith.addf %add3A_995, %select_n3A_1007 : vector<200x128xf32>
    %div3A = arith.divf %select_n3A_956, %add3A_1008 : vector<200x128xf32>
    %get3A_1009 = arith.constant 0 : index
    %get3A_1010 = arith.constant 0 : index
    %get3A_1011 = vector.load %arg5[%get3A_1009, %get3A_1010] : memref<6400x128xf32, #tpu.memory_space<vmem>>, vector<6400x128xf32>
    %reshape3A = vector.shape_cast %get3A_1011 : vector<6400x128xf32> to vector<200x32x128xf32>
    %broadcast_in_dim3A_1012 = arith.constant 0.000000e+00 : f32
    %broadcast_in_dim3A_1013 = vector.broadcast %broadcast_in_dim3A_1012 : f32 to vector<200x128xf32>
    %slice3A_1014 = vector.extract_strided_slice %reshape3A {offsets = [0, 0, 0], sizes = [200, 1, 128], strides = [1, 1, 1]} : vector<200x32x128xf32> to vector<200x1x128xf32>
    %squeeze3A = vector.shape_cast %slice3A_1014 : vector<200x1x128xf32> to vector<200x128xf32>
    %slice3A_1015 = vector.extract_strided_slice %div3A {offsets = [0, 0], sizes = [200, 1], strides = [1, 1]} : vector<200x128xf32> to vector<200x1xf32>
    %mul3A_1016 = vector.broadcast %slice3A_1015 : vector<200x1xf32> to vector<200x128xf32>
    %mul3A_1017 = arith.mulf %mul3A_1016, %squeeze3A : vector<200x128xf32>
    %add3A_1018 = arith.addf %broadcast_in_dim3A_1013, %mul3A_1017 : vector<200x128xf32>
    %slice3A_1019 = vector.extract_strided_slice %reshape3A {offsets = [0, 1, 0], sizes = [200, 1, 128], strides = [1, 1, 1]} : vector<200x32x128xf32> to vector<200x1x128xf32>
    %squeeze3A_1020 = vector.shape_cast %slice3A_1019 : vector<200x1x128xf32> to vector<200x128xf32>
    %slice3A_1021 = vector.extract_strided_slice %div3A {offsets = [0, 1], sizes = [200, 1], strides = [1, 1]} : vector<200x128xf32> to vector<200x1xf32>
    %mul3A_1022 = vector.broadcast %slice3A_1021 : vector<200x1xf32> to vector<200x128xf32>
    %mul3A_1023 = arith.mulf %mul3A_1022, %squeeze3A_1020 : vector<200x128xf32>
    %add3A_1024 = arith.addf %add3A_1018, %mul3A_1023 : vector<200x128xf32>
    %slice3A_1025 = vector.extract_strided_slice %reshape3A {offsets = [0, 2, 0], sizes = [200, 1, 128], strides = [1, 1, 1]} : vector<200x32x128xf32> to vector<200x1x128xf32>
    %squeeze3A_1026 = vector.shape_cast %slice3A_1025 : vector<200x1x128xf32> to vector<200x128xf32>
    %slice3A_1027 = vector.extract_strided_slice %div3A {offsets = [0, 2], sizes = [200, 1], strides = [1, 1]} : vector<200x128xf32> to vector<200x1xf32>
    %mul3A_1028 = vector.broadcast %slice3A_1027 : vector<200x1xf32> to vector<200x128xf32>
    %mul3A_1029 = arith.mulf %mul3A_1028, %squeeze3A_1026 : vector<200x128xf32>
    %add3A_1030 = arith.addf %add3A_1024, %mul3A_1029 : vector<200x128xf32>
    %slice3A_1031 = vector.extract_strided_slice %reshape3A {offsets = [0, 3, 0], sizes = [200, 1, 128], strides = [1, 1, 1]} : vector<200x32x128xf32> to vector<200x1x128xf32>
    %squeeze3A_1032 = vector.shape_cast %slice3A_1031 : vector<200x1x128xf32> to vector<200x128xf32>
    %slice3A_1033 = vector.extract_strided_slice %div3A {offsets = [0, 3], sizes = [200, 1], strides = [1, 1]} : vector<200x128xf32> to vector<200x1xf32>
    %mul3A_1034 = vector.broadcast %slice3A_1033 : vector<200x1xf32> to vector<200x128xf32>
    %mul3A_1035 = arith.mulf %mul3A_1034, %squeeze3A_1032 : vector<200x128xf32>
    %add3A_1036 = arith.addf %add3A_1030, %mul3A_1035 : vector<200x128xf32>
    %slice3A_1037 = vector.extract_strided_slice %reshape3A {offsets = [0, 4, 0], sizes = [200, 1, 128], strides = [1, 1, 1]} : vector<200x32x128xf32> to vector<200x1x128xf32>
    %squeeze3A_1038 = vector.shape_cast %slice3A_1037 : vector<200x1x128xf32> to vector<200x128xf32>
    %slice3A_1039 = vector.extract_strided_slice %div3A {offsets = [0, 4], sizes = [200, 1], strides = [1, 1]} : vector<200x128xf32> to vector<200x1xf32>
    %mul3A_1040 = vector.broadcast %slice3A_1039 : vector<200x1xf32> to vector<200x128xf32>
    %mul3A_1041 = arith.mulf %mul3A_1040, %squeeze3A_1038 : vector<200x128xf32>
    %add3A_1042 = arith.addf %add3A_1036, %mul3A_1041 : vector<200x128xf32>
    %slice3A_1043 = vector.extract_strided_slice %reshape3A {offsets = [0, 5, 0], sizes = [200, 1, 128], strides = [1, 1, 1]} : vector<200x32x128xf32> to vector<200x1x128xf32>
    %squeeze3A_1044 = vector.shape_cast %slice3A_1043 : vector<200x1x128xf32> to vector<200x128xf32>
    %slice3A_1045 = vector.extract_strided_slice %div3A {offsets = [0, 5], sizes = [200, 1], strides = [1, 1]} : vector<200x128xf32> to vector<200x1xf32>
    %mul3A_1046 = vector.broadcast %slice3A_1045 : vector<200x1xf32> to vector<200x128xf32>
    %mul3A_1047 = arith.mulf %mul3A_1046, %squeeze3A_1044 : vector<200x128xf32>
    %add3A_1048 = arith.addf %add3A_1042, %mul3A_1047 : vector<200x128xf32>
    %slice3A_1049 = vector.extract_strided_slice %reshape3A {offsets = [0, 6, 0], sizes = [200, 1, 128], strides = [1, 1, 1]} : vector<200x32x128xf32> to vector<200x1x128xf32>
    %squeeze3A_1050 = vector.shape_cast %slice3A_1049 : vector<200x1x128xf32> to vector<200x128xf32>
    %slice3A_1051 = vector.extract_strided_slice %div3A {offsets = [0, 6], sizes = [200, 1], strides = [1, 1]} : vector<200x128xf32> to vector<200x1xf32>
    %mul3A_1052 = vector.broadcast %slice3A_1051 : vector<200x1xf32> to vector<200x128xf32>
    %mul3A_1053 = arith.mulf %mul3A_1052, %squeeze3A_1050 : vector<200x128xf32>
    %add3A_1054 = arith.addf %add3A_1048, %mul3A_1053 : vector<200x128xf32>
    %slice3A_1055 = vector.extract_strided_slice %reshape3A {offsets = [0, 7, 0], sizes = [200, 1, 128], strides = [1, 1, 1]} : vector<200x32x128xf32> to vector<200x1x128xf32>
    %squeeze3A_1056 = vector.shape_cast %slice3A_1055 : vector<200x1x128xf32> to vector<200x128xf32>
    %slice3A_1057 = vector.extract_strided_slice %div3A {offsets = [0, 7], sizes = [200, 1], strides = [1, 1]} : vector<200x128xf32> to vector<200x1xf32>
    %mul3A_1058 = vector.broadcast %slice3A_1057 : vector<200x1xf32> to vector<200x128xf32>
    %mul3A_1059 = arith.mulf %mul3A_1058, %squeeze3A_1056 : vector<200x128xf32>
    %add3A_1060 = arith.addf %add3A_1054, %mul3A_1059 : vector<200x128xf32>
    %slice3A_1061 = vector.extract_strided_slice %reshape3A {offsets = [0, 8, 0], sizes = [200, 1, 128], strides = [1, 1, 1]} : vector<200x32x128xf32> to vector<200x1x128xf32>
    %squeeze3A_1062 = vector.shape_cast %slice3A_1061 : vector<200x1x128xf32> to vector<200x128xf32>
    %slice3A_1063 = vector.extract_strided_slice %div3A {offsets = [0, 8], sizes = [200, 1], strides = [1, 1]} : vector<200x128xf32> to vector<200x1xf32>
    %mul3A_1064 = vector.broadcast %slice3A_1063 : vector<200x1xf32> to vector<200x128xf32>
    %mul3A_1065 = arith.mulf %mul3A_1064, %squeeze3A_1062 : vector<200x128xf32>
    %add3A_1066 = arith.addf %add3A_1060, %mul3A_1065 : vector<200x128xf32>
    %slice3A_1067 = vector.extract_strided_slice %reshape3A {offsets = [0, 9, 0], sizes = [200, 1, 128], strides = [1, 1, 1]} : vector<200x32x128xf32> to vector<200x1x128xf32>
    %squeeze3A_1068 = vector.shape_cast %slice3A_1067 : vector<200x1x128xf32> to vector<200x128xf32>
    %slice3A_1069 = vector.extract_strided_slice %div3A {offsets = [0, 9], sizes = [200, 1], strides = [1, 1]} : vector<200x128xf32> to vector<200x1xf32>
    %mul3A_1070 = vector.broadcast %slice3A_1069 : vector<200x1xf32> to vector<200x128xf32>
    %mul3A_1071 = arith.mulf %mul3A_1070, %squeeze3A_1068 : vector<200x128xf32>
    %add3A_1072 = arith.addf %add3A_1066, %mul3A_1071 : vector<200x128xf32>
    %slice3A_1073 = vector.extract_strided_slice %reshape3A {offsets = [0, 10, 0], sizes = [200, 1, 128], strides = [1, 1, 1]} : vector<200x32x128xf32> to vector<200x1x128xf32>
    %squeeze3A_1074 = vector.shape_cast %slice3A_1073 : vector<200x1x128xf32> to vector<200x128xf32>
    %slice3A_1075 = vector.extract_strided_slice %div3A {offsets = [0, 10], sizes = [200, 1], strides = [1, 1]} : vector<200x128xf32> to vector<200x1xf32>
    %mul3A_1076 = vector.broadcast %slice3A_1075 : vector<200x1xf32> to vector<200x128xf32>
    %mul3A_1077 = arith.mulf %mul3A_1076, %squeeze3A_1074 : vector<200x128xf32>
    %add3A_1078 = arith.addf %add3A_1072, %mul3A_1077 : vector<200x128xf32>
    %slice3A_1079 = vector.extract_strided_slice %reshape3A {offsets = [0, 11, 0], sizes = [200, 1, 128], strides = [1, 1, 1]} : vector<200x32x128xf32> to vector<200x1x128xf32>
    %squeeze3A_1080 = vector.shape_cast %slice3A_1079 : vector<200x1x128xf32> to vector<200x128xf32>
    %slice3A_1081 = vector.extract_strided_slice %div3A {offsets = [0, 11], sizes = [200, 1], strides = [1, 1]} : vector<200x128xf32> to vector<200x1xf32>
    %mul3A_1082 = vector.broadcast %slice3A_1081 : vector<200x1xf32> to vector<200x128xf32>
    %mul3A_1083 = arith.mulf %mul3A_1082, %squeeze3A_1080 : vector<200x128xf32>
    %add3A_1084 = arith.addf %add3A_1078, %mul3A_1083 : vector<200x128xf32>
    %slice3A_1085 = vector.extract_strided_slice %reshape3A {offsets = [0, 12, 0], sizes = [200, 1, 128], strides = [1, 1, 1]} : vector<200x32x128xf32> to vector<200x1x128xf32>
    %squeeze3A_1086 = vector.shape_cast %slice3A_1085 : vector<200x1x128xf32> to vector<200x128xf32>
    %slice3A_1087 = vector.extract_strided_slice %div3A {offsets = [0, 12], sizes = [200, 1], strides = [1, 1]} : vector<200x128xf32> to vector<200x1xf32>
    %mul3A_1088 = vector.broadcast %slice3A_1087 : vector<200x1xf32> to vector<200x128xf32>
    %mul3A_1089 = arith.mulf %mul3A_1088, %squeeze3A_1086 : vector<200x128xf32>
    %add3A_1090 = arith.addf %add3A_1084, %mul3A_1089 : vector<200x128xf32>
    %slice3A_1091 = vector.extract_strided_slice %reshape3A {offsets = [0, 13, 0], sizes = [200, 1, 128], strides = [1, 1, 1]} : vector<200x32x128xf32> to vector<200x1x128xf32>
    %squeeze3A_1092 = vector.shape_cast %slice3A_1091 : vector<200x1x128xf32> to vector<200x128xf32>
    %slice3A_1093 = vector.extract_strided_slice %div3A {offsets = [0, 13], sizes = [200, 1], strides = [1, 1]} : vector<200x128xf32> to vector<200x1xf32>
    %mul3A_1094 = vector.broadcast %slice3A_1093 : vector<200x1xf32> to vector<200x128xf32>
    %mul3A_1095 = arith.mulf %mul3A_1094, %squeeze3A_1092 : vector<200x128xf32>
    %add3A_1096 = arith.addf %add3A_1090, %mul3A_1095 : vector<200x128xf32>
    %slice3A_1097 = vector.extract_strided_slice %reshape3A {offsets = [0, 14, 0], sizes = [200, 1, 128], strides = [1, 1, 1]} : vector<200x32x128xf32> to vector<200x1x128xf32>
    %squeeze3A_1098 = vector.shape_cast %slice3A_1097 : vector<200x1x128xf32> to vector<200x128xf32>
    %slice3A_1099 = vector.extract_strided_slice %div3A {offsets = [0, 14], sizes = [200, 1], strides = [1, 1]} : vector<200x128xf32> to vector<200x1xf32>
    %mul3A_1100 = vector.broadcast %slice3A_1099 : vector<200x1xf32> to vector<200x128xf32>
    %mul3A_1101 = arith.mulf %mul3A_1100, %squeeze3A_1098 : vector<200x128xf32>
    %add3A_1102 = arith.addf %add3A_1096, %mul3A_1101 : vector<200x128xf32>
    %slice3A_1103 = vector.extract_strided_slice %reshape3A {offsets = [0, 15, 0], sizes = [200, 1, 128], strides = [1, 1, 1]} : vector<200x32x128xf32> to vector<200x1x128xf32>
    %squeeze3A_1104 = vector.shape_cast %slice3A_1103 : vector<200x1x128xf32> to vector<200x128xf32>
    %slice3A_1105 = vector.extract_strided_slice %div3A {offsets = [0, 15], sizes = [200, 1], strides = [1, 1]} : vector<200x128xf32> to vector<200x1xf32>
    %mul3A_1106 = vector.broadcast %slice3A_1105 : vector<200x1xf32> to vector<200x128xf32>
    %mul3A_1107 = arith.mulf %mul3A_1106, %squeeze3A_1104 : vector<200x128xf32>
    %add3A_1108 = arith.addf %add3A_1102, %mul3A_1107 : vector<200x128xf32>
    %get3A_1109 = arith.constant 0 : index
    %get3A_1110 = arith.constant 0 : index
    %get3A_1111 = vector.load %arg6[%get3A_1109, %get3A_1110] : memref<128x512xf32, #tpu.memory_space<vmem>>, vector<128x128xf32>
    %dot_general3A = arith.constant dense<0.000000e+00> : vector<200x128xf32>
    %dot_general3A_1112 = tpu.matmul %add3A_1108, %get3A_1111, %dot_general3A {dimension_numbers = #tpu.dot_dimension_numbers<[1], [0], [0], [1], [0, 0, 1, 1], [], []>, precision = #tpu.contract_precision<fp32>, transpose_lhs_hint = false} : vector<200x128xf32>, vector<128x128xf32>, vector<200x128xf32> -> vector<200x128xf32>
    %broadcast_in_dim3A_1113 = arith.constant 0.000000e+00 : f32
    %broadcast_in_dim3A_1114 = vector.broadcast %broadcast_in_dim3A_1113 : f32 to vector<200x128xf32>
    %slice3A_1115 = vector.extract_strided_slice %reshape3A {offsets = [0, 0, 0], sizes = [200, 1, 128], strides = [1, 1, 1]} : vector<200x32x128xf32> to vector<200x1x128xf32>
    %squeeze3A_1116 = vector.shape_cast %slice3A_1115 : vector<200x1x128xf32> to vector<200x128xf32>
    %slice3A_1117 = vector.extract_strided_slice %div3A {offsets = [0, 16], sizes = [200, 1], strides = [1, 1]} : vector<200x128xf32> to vector<200x1xf32>
    %mul3A_1118 = vector.broadcast %slice3A_1117 : vector<200x1xf32> to vector<200x128xf32>
    %mul3A_1119 = arith.mulf %mul3A_1118, %squeeze3A_1116 : vector<200x128xf32>
    %add3A_1120 = arith.addf %broadcast_in_dim3A_1114, %mul3A_1119 : vector<200x128xf32>
    %slice3A_1121 = vector.extract_strided_slice %reshape3A {offsets = [0, 1, 0], sizes = [200, 1, 128], strides = [1, 1, 1]} : vector<200x32x128xf32> to vector<200x1x128xf32>
    %squeeze3A_1122 = vector.shape_cast %slice3A_1121 : vector<200x1x128xf32> to vector<200x128xf32>
    %slice3A_1123 = vector.extract_strided_slice %div3A {offsets = [0, 17], sizes = [200, 1], strides = [1, 1]} : vector<200x128xf32> to vector<200x1xf32>
    %mul3A_1124 = vector.broadcast %slice3A_1123 : vector<200x1xf32> to vector<200x128xf32>
    %mul3A_1125 = arith.mulf %mul3A_1124, %squeeze3A_1122 : vector<200x128xf32>
    %add3A_1126 = arith.addf %add3A_1120, %mul3A_1125 : vector<200x128xf32>
    %slice3A_1127 = vector.extract_strided_slice %reshape3A {offsets = [0, 2, 0], sizes = [200, 1, 128], strides = [1, 1, 1]} : vector<200x32x128xf32> to vector<200x1x128xf32>
    %squeeze3A_1128 = vector.shape_cast %slice3A_1127 : vector<200x1x128xf32> to vector<200x128xf32>
    %slice3A_1129 = vector.extract_strided_slice %div3A {offsets = [0, 18], sizes = [200, 1], strides = [1, 1]} : vector<200x128xf32> to vector<200x1xf32>
    %mul3A_1130 = vector.broadcast %slice3A_1129 : vector<200x1xf32> to vector<200x128xf32>
    %mul3A_1131 = arith.mulf %mul3A_1130, %squeeze3A_1128 : vector<200x128xf32>
    %add3A_1132 = arith.addf %add3A_1126, %mul3A_1131 : vector<200x128xf32>
    %slice3A_1133 = vector.extract_strided_slice %reshape3A {offsets = [0, 3, 0], sizes = [200, 1, 128], strides = [1, 1, 1]} : vector<200x32x128xf32> to vector<200x1x128xf32>
    %squeeze3A_1134 = vector.shape_cast %slice3A_1133 : vector<200x1x128xf32> to vector<200x128xf32>
    %slice3A_1135 = vector.extract_strided_slice %div3A {offsets = [0, 19], sizes = [200, 1], strides = [1, 1]} : vector<200x128xf32> to vector<200x1xf32>
    %mul3A_1136 = vector.broadcast %slice3A_1135 : vector<200x1xf32> to vector<200x128xf32>
    %mul3A_1137 = arith.mulf %mul3A_1136, %squeeze3A_1134 : vector<200x128xf32>
    %add3A_1138 = arith.addf %add3A_1132, %mul3A_1137 : vector<200x128xf32>
    %slice3A_1139 = vector.extract_strided_slice %reshape3A {offsets = [0, 4, 0], sizes = [200, 1, 128], strides = [1, 1, 1]} : vector<200x32x128xf32> to vector<200x1x128xf32>
    %squeeze3A_1140 = vector.shape_cast %slice3A_1139 : vector<200x1x128xf32> to vector<200x128xf32>
    %slice3A_1141 = vector.extract_strided_slice %div3A {offsets = [0, 20], sizes = [200, 1], strides = [1, 1]} : vector<200x128xf32> to vector<200x1xf32>
    %mul3A_1142 = vector.broadcast %slice3A_1141 : vector<200x1xf32> to vector<200x128xf32>
    %mul3A_1143 = arith.mulf %mul3A_1142, %squeeze3A_1140 : vector<200x128xf32>
    %add3A_1144 = arith.addf %add3A_1138, %mul3A_1143 : vector<200x128xf32>
    %slice3A_1145 = vector.extract_strided_slice %reshape3A {offsets = [0, 5, 0], sizes = [200, 1, 128], strides = [1, 1, 1]} : vector<200x32x128xf32> to vector<200x1x128xf32>
    %squeeze3A_1146 = vector.shape_cast %slice3A_1145 : vector<200x1x128xf32> to vector<200x128xf32>
    %slice3A_1147 = vector.extract_strided_slice %div3A {offsets = [0, 21], sizes = [200, 1], strides = [1, 1]} : vector<200x128xf32> to vector<200x1xf32>
    %mul3A_1148 = vector.broadcast %slice3A_1147 : vector<200x1xf32> to vector<200x128xf32>
    %mul3A_1149 = arith.mulf %mul3A_1148, %squeeze3A_1146 : vector<200x128xf32>
    %add3A_1150 = arith.addf %add3A_1144, %mul3A_1149 : vector<200x128xf32>
    %slice3A_1151 = vector.extract_strided_slice %reshape3A {offsets = [0, 6, 0], sizes = [200, 1, 128], strides = [1, 1, 1]} : vector<200x32x128xf32> to vector<200x1x128xf32>
    %squeeze3A_1152 = vector.shape_cast %slice3A_1151 : vector<200x1x128xf32> to vector<200x128xf32>
    %slice3A_1153 = vector.extract_strided_slice %div3A {offsets = [0, 22], sizes = [200, 1], strides = [1, 1]} : vector<200x128xf32> to vector<200x1xf32>
    %mul3A_1154 = vector.broadcast %slice3A_1153 : vector<200x1xf32> to vector<200x128xf32>
    %mul3A_1155 = arith.mulf %mul3A_1154, %squeeze3A_1152 : vector<200x128xf32>
    %add3A_1156 = arith.addf %add3A_1150, %mul3A_1155 : vector<200x128xf32>
    %slice3A_1157 = vector.extract_strided_slice %reshape3A {offsets = [0, 7, 0], sizes = [200, 1, 128], strides = [1, 1, 1]} : vector<200x32x128xf32> to vector<200x1x128xf32>
    %squeeze3A_1158 = vector.shape_cast %slice3A_1157 : vector<200x1x128xf32> to vector<200x128xf32>
    %slice3A_1159 = vector.extract_strided_slice %div3A {offsets = [0, 23], sizes = [200, 1], strides = [1, 1]} : vector<200x128xf32> to vector<200x1xf32>
    %mul3A_1160 = vector.broadcast %slice3A_1159 : vector<200x1xf32> to vector<200x128xf32>
    %mul3A_1161 = arith.mulf %mul3A_1160, %squeeze3A_1158 : vector<200x128xf32>
    %add3A_1162 = arith.addf %add3A_1156, %mul3A_1161 : vector<200x128xf32>
    %slice3A_1163 = vector.extract_strided_slice %reshape3A {offsets = [0, 8, 0], sizes = [200, 1, 128], strides = [1, 1, 1]} : vector<200x32x128xf32> to vector<200x1x128xf32>
    %squeeze3A_1164 = vector.shape_cast %slice3A_1163 : vector<200x1x128xf32> to vector<200x128xf32>
    %slice3A_1165 = vector.extract_strided_slice %div3A {offsets = [0, 24], sizes = [200, 1], strides = [1, 1]} : vector<200x128xf32> to vector<200x1xf32>
    %mul3A_1166 = vector.broadcast %slice3A_1165 : vector<200x1xf32> to vector<200x128xf32>
    %mul3A_1167 = arith.mulf %mul3A_1166, %squeeze3A_1164 : vector<200x128xf32>
    %add3A_1168 = arith.addf %add3A_1162, %mul3A_1167 : vector<200x128xf32>
    %slice3A_1169 = vector.extract_strided_slice %reshape3A {offsets = [0, 9, 0], sizes = [200, 1, 128], strides = [1, 1, 1]} : vector<200x32x128xf32> to vector<200x1x128xf32>
    %squeeze3A_1170 = vector.shape_cast %slice3A_1169 : vector<200x1x128xf32> to vector<200x128xf32>
    %slice3A_1171 = vector.extract_strided_slice %div3A {offsets = [0, 25], sizes = [200, 1], strides = [1, 1]} : vector<200x128xf32> to vector<200x1xf32>
    %mul3A_1172 = vector.broadcast %slice3A_1171 : vector<200x1xf32> to vector<200x128xf32>
    %mul3A_1173 = arith.mulf %mul3A_1172, %squeeze3A_1170 : vector<200x128xf32>
    %add3A_1174 = arith.addf %add3A_1168, %mul3A_1173 : vector<200x128xf32>
    %slice3A_1175 = vector.extract_strided_slice %reshape3A {offsets = [0, 10, 0], sizes = [200, 1, 128], strides = [1, 1, 1]} : vector<200x32x128xf32> to vector<200x1x128xf32>
    %squeeze3A_1176 = vector.shape_cast %slice3A_1175 : vector<200x1x128xf32> to vector<200x128xf32>
    %slice3A_1177 = vector.extract_strided_slice %div3A {offsets = [0, 26], sizes = [200, 1], strides = [1, 1]} : vector<200x128xf32> to vector<200x1xf32>
    %mul3A_1178 = vector.broadcast %slice3A_1177 : vector<200x1xf32> to vector<200x128xf32>
    %mul3A_1179 = arith.mulf %mul3A_1178, %squeeze3A_1176 : vector<200x128xf32>
    %add3A_1180 = arith.addf %add3A_1174, %mul3A_1179 : vector<200x128xf32>
    %slice3A_1181 = vector.extract_strided_slice %reshape3A {offsets = [0, 11, 0], sizes = [200, 1, 128], strides = [1, 1, 1]} : vector<200x32x128xf32> to vector<200x1x128xf32>
    %squeeze3A_1182 = vector.shape_cast %slice3A_1181 : vector<200x1x128xf32> to vector<200x128xf32>
    %slice3A_1183 = vector.extract_strided_slice %div3A {offsets = [0, 27], sizes = [200, 1], strides = [1, 1]} : vector<200x128xf32> to vector<200x1xf32>
    %mul3A_1184 = vector.broadcast %slice3A_1183 : vector<200x1xf32> to vector<200x128xf32>
    %mul3A_1185 = arith.mulf %mul3A_1184, %squeeze3A_1182 : vector<200x128xf32>
    %add3A_1186 = arith.addf %add3A_1180, %mul3A_1185 : vector<200x128xf32>
    %slice3A_1187 = vector.extract_strided_slice %reshape3A {offsets = [0, 12, 0], sizes = [200, 1, 128], strides = [1, 1, 1]} : vector<200x32x128xf32> to vector<200x1x128xf32>
    %squeeze3A_1188 = vector.shape_cast %slice3A_1187 : vector<200x1x128xf32> to vector<200x128xf32>
    %slice3A_1189 = vector.extract_strided_slice %div3A {offsets = [0, 28], sizes = [200, 1], strides = [1, 1]} : vector<200x128xf32> to vector<200x1xf32>
    %mul3A_1190 = vector.broadcast %slice3A_1189 : vector<200x1xf32> to vector<200x128xf32>
    %mul3A_1191 = arith.mulf %mul3A_1190, %squeeze3A_1188 : vector<200x128xf32>
    %add3A_1192 = arith.addf %add3A_1186, %mul3A_1191 : vector<200x128xf32>
    %slice3A_1193 = vector.extract_strided_slice %reshape3A {offsets = [0, 13, 0], sizes = [200, 1, 128], strides = [1, 1, 1]} : vector<200x32x128xf32> to vector<200x1x128xf32>
    %squeeze3A_1194 = vector.shape_cast %slice3A_1193 : vector<200x1x128xf32> to vector<200x128xf32>
    %slice3A_1195 = vector.extract_strided_slice %div3A {offsets = [0, 29], sizes = [200, 1], strides = [1, 1]} : vector<200x128xf32> to vector<200x1xf32>
    %mul3A_1196 = vector.broadcast %slice3A_1195 : vector<200x1xf32> to vector<200x128xf32>
    %mul3A_1197 = arith.mulf %mul3A_1196, %squeeze3A_1194 : vector<200x128xf32>
    %add3A_1198 = arith.addf %add3A_1192, %mul3A_1197 : vector<200x128xf32>
    %slice3A_1199 = vector.extract_strided_slice %reshape3A {offsets = [0, 14, 0], sizes = [200, 1, 128], strides = [1, 1, 1]} : vector<200x32x128xf32> to vector<200x1x128xf32>
    %squeeze3A_1200 = vector.shape_cast %slice3A_1199 : vector<200x1x128xf32> to vector<200x128xf32>
    %slice3A_1201 = vector.extract_strided_slice %div3A {offsets = [0, 30], sizes = [200, 1], strides = [1, 1]} : vector<200x128xf32> to vector<200x1xf32>
    %mul3A_1202 = vector.broadcast %slice3A_1201 : vector<200x1xf32> to vector<200x128xf32>
    %mul3A_1203 = arith.mulf %mul3A_1202, %squeeze3A_1200 : vector<200x128xf32>
    %add3A_1204 = arith.addf %add3A_1198, %mul3A_1203 : vector<200x128xf32>
    %slice3A_1205 = vector.extract_strided_slice %reshape3A {offsets = [0, 15, 0], sizes = [200, 1, 128], strides = [1, 1, 1]} : vector<200x32x128xf32> to vector<200x1x128xf32>
    %squeeze3A_1206 = vector.shape_cast %slice3A_1205 : vector<200x1x128xf32> to vector<200x128xf32>
    %slice3A_1207 = vector.extract_strided_slice %div3A {offsets = [0, 31], sizes = [200, 1], strides = [1, 1]} : vector<200x128xf32> to vector<200x1xf32>
    %mul3A_1208 = vector.broadcast %slice3A_1207 : vector<200x1xf32> to vector<200x128xf32>
    %mul3A_1209 = arith.mulf %mul3A_1208, %squeeze3A_1206 : vector<200x128xf32>
    %add3A_1210 = arith.addf %add3A_1204, %mul3A_1209 : vector<200x128xf32>
    %get3A_1211 = arith.constant 0 : index
    %get3A_1212 = arith.constant 128 : index
    %get3A_1213 = vector.load %arg6[%get3A_1211, %get3A_1212] : memref<128x512xf32, #tpu.memory_space<vmem>>, vector<128x128xf32>
    %dot_general3A_1214 = arith.constant dense<0.000000e+00> : vector<200x128xf32>
    %dot_general3A_1215 = tpu.matmul %add3A_1210, %get3A_1213, %dot_general3A_1214 {dimension_numbers = #tpu.dot_dimension_numbers<[1], [0], [0], [1], [0, 0, 1, 1], [], []>, precision = #tpu.contract_precision<fp32>, transpose_lhs_hint = false} : vector<200x128xf32>, vector<128x128xf32>, vector<200x128xf32> -> vector<200x128xf32>
    %broadcast_in_dim3A_1216 = arith.constant 0.000000e+00 : f32
    %broadcast_in_dim3A_1217 = vector.broadcast %broadcast_in_dim3A_1216 : f32 to vector<200x128xf32>
    %slice3A_1218 = vector.extract_strided_slice %reshape3A {offsets = [0, 0, 0], sizes = [200, 1, 128], strides = [1, 1, 1]} : vector<200x32x128xf32> to vector<200x1x128xf32>
    %squeeze3A_1219 = vector.shape_cast %slice3A_1218 : vector<200x1x128xf32> to vector<200x128xf32>
    %slice3A_1220 = vector.extract_strided_slice %div3A {offsets = [0, 32], sizes = [200, 1], strides = [1, 1]} : vector<200x128xf32> to vector<200x1xf32>
    %mul3A_1221 = vector.broadcast %slice3A_1220 : vector<200x1xf32> to vector<200x128xf32>
    %mul3A_1222 = arith.mulf %mul3A_1221, %squeeze3A_1219 : vector<200x128xf32>
    %add3A_1223 = arith.addf %broadcast_in_dim3A_1217, %mul3A_1222 : vector<200x128xf32>
    %slice3A_1224 = vector.extract_strided_slice %reshape3A {offsets = [0, 1, 0], sizes = [200, 1, 128], strides = [1, 1, 1]} : vector<200x32x128xf32> to vector<200x1x128xf32>
    %squeeze3A_1225 = vector.shape_cast %slice3A_1224 : vector<200x1x128xf32> to vector<200x128xf32>
    %slice3A_1226 = vector.extract_strided_slice %div3A {offsets = [0, 33], sizes = [200, 1], strides = [1, 1]} : vector<200x128xf32> to vector<200x1xf32>
    %mul3A_1227 = vector.broadcast %slice3A_1226 : vector<200x1xf32> to vector<200x128xf32>
    %mul3A_1228 = arith.mulf %mul3A_1227, %squeeze3A_1225 : vector<200x128xf32>
    %add3A_1229 = arith.addf %add3A_1223, %mul3A_1228 : vector<200x128xf32>
    %slice3A_1230 = vector.extract_strided_slice %reshape3A {offsets = [0, 2, 0], sizes = [200, 1, 128], strides = [1, 1, 1]} : vector<200x32x128xf32> to vector<200x1x128xf32>
    %squeeze3A_1231 = vector.shape_cast %slice3A_1230 : vector<200x1x128xf32> to vector<200x128xf32>
    %slice3A_1232 = vector.extract_strided_slice %div3A {offsets = [0, 34], sizes = [200, 1], strides = [1, 1]} : vector<200x128xf32> to vector<200x1xf32>
    %mul3A_1233 = vector.broadcast %slice3A_1232 : vector<200x1xf32> to vector<200x128xf32>
    %mul3A_1234 = arith.mulf %mul3A_1233, %squeeze3A_1231 : vector<200x128xf32>
    %add3A_1235 = arith.addf %add3A_1229, %mul3A_1234 : vector<200x128xf32>
    %slice3A_1236 = vector.extract_strided_slice %reshape3A {offsets = [0, 3, 0], sizes = [200, 1, 128], strides = [1, 1, 1]} : vector<200x32x128xf32> to vector<200x1x128xf32>
    %squeeze3A_1237 = vector.shape_cast %slice3A_1236 : vector<200x1x128xf32> to vector<200x128xf32>
    %slice3A_1238 = vector.extract_strided_slice %div3A {offsets = [0, 35], sizes = [200, 1], strides = [1, 1]} : vector<200x128xf32> to vector<200x1xf32>
    %mul3A_1239 = vector.broadcast %slice3A_1238 : vector<200x1xf32> to vector<200x128xf32>
    %mul3A_1240 = arith.mulf %mul3A_1239, %squeeze3A_1237 : vector<200x128xf32>
    %add3A_1241 = arith.addf %add3A_1235, %mul3A_1240 : vector<200x128xf32>
    %slice3A_1242 = vector.extract_strided_slice %reshape3A {offsets = [0, 4, 0], sizes = [200, 1, 128], strides = [1, 1, 1]} : vector<200x32x128xf32> to vector<200x1x128xf32>
    %squeeze3A_1243 = vector.shape_cast %slice3A_1242 : vector<200x1x128xf32> to vector<200x128xf32>
    %slice3A_1244 = vector.extract_strided_slice %div3A {offsets = [0, 36], sizes = [200, 1], strides = [1, 1]} : vector<200x128xf32> to vector<200x1xf32>
    %mul3A_1245 = vector.broadcast %slice3A_1244 : vector<200x1xf32> to vector<200x128xf32>
    %mul3A_1246 = arith.mulf %mul3A_1245, %squeeze3A_1243 : vector<200x128xf32>
    %add3A_1247 = arith.addf %add3A_1241, %mul3A_1246 : vector<200x128xf32>
    %slice3A_1248 = vector.extract_strided_slice %reshape3A {offsets = [0, 5, 0], sizes = [200, 1, 128], strides = [1, 1, 1]} : vector<200x32x128xf32> to vector<200x1x128xf32>
    %squeeze3A_1249 = vector.shape_cast %slice3A_1248 : vector<200x1x128xf32> to vector<200x128xf32>
    %slice3A_1250 = vector.extract_strided_slice %div3A {offsets = [0, 37], sizes = [200, 1], strides = [1, 1]} : vector<200x128xf32> to vector<200x1xf32>
    %mul3A_1251 = vector.broadcast %slice3A_1250 : vector<200x1xf32> to vector<200x128xf32>
    %mul3A_1252 = arith.mulf %mul3A_1251, %squeeze3A_1249 : vector<200x128xf32>
    %add3A_1253 = arith.addf %add3A_1247, %mul3A_1252 : vector<200x128xf32>
    %slice3A_1254 = vector.extract_strided_slice %reshape3A {offsets = [0, 6, 0], sizes = [200, 1, 128], strides = [1, 1, 1]} : vector<200x32x128xf32> to vector<200x1x128xf32>
    %squeeze3A_1255 = vector.shape_cast %slice3A_1254 : vector<200x1x128xf32> to vector<200x128xf32>
    %slice3A_1256 = vector.extract_strided_slice %div3A {offsets = [0, 38], sizes = [200, 1], strides = [1, 1]} : vector<200x128xf32> to vector<200x1xf32>
    %mul3A_1257 = vector.broadcast %slice3A_1256 : vector<200x1xf32> to vector<200x128xf32>
    %mul3A_1258 = arith.mulf %mul3A_1257, %squeeze3A_1255 : vector<200x128xf32>
    %add3A_1259 = arith.addf %add3A_1253, %mul3A_1258 : vector<200x128xf32>
    %slice3A_1260 = vector.extract_strided_slice %reshape3A {offsets = [0, 7, 0], sizes = [200, 1, 128], strides = [1, 1, 1]} : vector<200x32x128xf32> to vector<200x1x128xf32>
    %squeeze3A_1261 = vector.shape_cast %slice3A_1260 : vector<200x1x128xf32> to vector<200x128xf32>
    %slice3A_1262 = vector.extract_strided_slice %div3A {offsets = [0, 39], sizes = [200, 1], strides = [1, 1]} : vector<200x128xf32> to vector<200x1xf32>
    %mul3A_1263 = vector.broadcast %slice3A_1262 : vector<200x1xf32> to vector<200x128xf32>
    %mul3A_1264 = arith.mulf %mul3A_1263, %squeeze3A_1261 : vector<200x128xf32>
    %add3A_1265 = arith.addf %add3A_1259, %mul3A_1264 : vector<200x128xf32>
    %slice3A_1266 = vector.extract_strided_slice %reshape3A {offsets = [0, 8, 0], sizes = [200, 1, 128], strides = [1, 1, 1]} : vector<200x32x128xf32> to vector<200x1x128xf32>
    %squeeze3A_1267 = vector.shape_cast %slice3A_1266 : vector<200x1x128xf32> to vector<200x128xf32>
    %slice3A_1268 = vector.extract_strided_slice %div3A {offsets = [0, 40], sizes = [200, 1], strides = [1, 1]} : vector<200x128xf32> to vector<200x1xf32>
    %mul3A_1269 = vector.broadcast %slice3A_1268 : vector<200x1xf32> to vector<200x128xf32>
    %mul3A_1270 = arith.mulf %mul3A_1269, %squeeze3A_1267 : vector<200x128xf32>
    %add3A_1271 = arith.addf %add3A_1265, %mul3A_1270 : vector<200x128xf32>
    %slice3A_1272 = vector.extract_strided_slice %reshape3A {offsets = [0, 9, 0], sizes = [200, 1, 128], strides = [1, 1, 1]} : vector<200x32x128xf32> to vector<200x1x128xf32>
    %squeeze3A_1273 = vector.shape_cast %slice3A_1272 : vector<200x1x128xf32> to vector<200x128xf32>
    %slice3A_1274 = vector.extract_strided_slice %div3A {offsets = [0, 41], sizes = [200, 1], strides = [1, 1]} : vector<200x128xf32> to vector<200x1xf32>
    %mul3A_1275 = vector.broadcast %slice3A_1274 : vector<200x1xf32> to vector<200x128xf32>
    %mul3A_1276 = arith.mulf %mul3A_1275, %squeeze3A_1273 : vector<200x128xf32>
    %add3A_1277 = arith.addf %add3A_1271, %mul3A_1276 : vector<200x128xf32>
    %slice3A_1278 = vector.extract_strided_slice %reshape3A {offsets = [0, 10, 0], sizes = [200, 1, 128], strides = [1, 1, 1]} : vector<200x32x128xf32> to vector<200x1x128xf32>
    %squeeze3A_1279 = vector.shape_cast %slice3A_1278 : vector<200x1x128xf32> to vector<200x128xf32>
    %slice3A_1280 = vector.extract_strided_slice %div3A {offsets = [0, 42], sizes = [200, 1], strides = [1, 1]} : vector<200x128xf32> to vector<200x1xf32>
    %mul3A_1281 = vector.broadcast %slice3A_1280 : vector<200x1xf32> to vector<200x128xf32>
    %mul3A_1282 = arith.mulf %mul3A_1281, %squeeze3A_1279 : vector<200x128xf32>
    %add3A_1283 = arith.addf %add3A_1277, %mul3A_1282 : vector<200x128xf32>
    %slice3A_1284 = vector.extract_strided_slice %reshape3A {offsets = [0, 11, 0], sizes = [200, 1, 128], strides = [1, 1, 1]} : vector<200x32x128xf32> to vector<200x1x128xf32>
    %squeeze3A_1285 = vector.shape_cast %slice3A_1284 : vector<200x1x128xf32> to vector<200x128xf32>
    %slice3A_1286 = vector.extract_strided_slice %div3A {offsets = [0, 43], sizes = [200, 1], strides = [1, 1]} : vector<200x128xf32> to vector<200x1xf32>
    %mul3A_1287 = vector.broadcast %slice3A_1286 : vector<200x1xf32> to vector<200x128xf32>
    %mul3A_1288 = arith.mulf %mul3A_1287, %squeeze3A_1285 : vector<200x128xf32>
    %add3A_1289 = arith.addf %add3A_1283, %mul3A_1288 : vector<200x128xf32>
    %slice3A_1290 = vector.extract_strided_slice %reshape3A {offsets = [0, 12, 0], sizes = [200, 1, 128], strides = [1, 1, 1]} : vector<200x32x128xf32> to vector<200x1x128xf32>
    %squeeze3A_1291 = vector.shape_cast %slice3A_1290 : vector<200x1x128xf32> to vector<200x128xf32>
    %slice3A_1292 = vector.extract_strided_slice %div3A {offsets = [0, 44], sizes = [200, 1], strides = [1, 1]} : vector<200x128xf32> to vector<200x1xf32>
    %mul3A_1293 = vector.broadcast %slice3A_1292 : vector<200x1xf32> to vector<200x128xf32>
    %mul3A_1294 = arith.mulf %mul3A_1293, %squeeze3A_1291 : vector<200x128xf32>
    %add3A_1295 = arith.addf %add3A_1289, %mul3A_1294 : vector<200x128xf32>
    %slice3A_1296 = vector.extract_strided_slice %reshape3A {offsets = [0, 13, 0], sizes = [200, 1, 128], strides = [1, 1, 1]} : vector<200x32x128xf32> to vector<200x1x128xf32>
    %squeeze3A_1297 = vector.shape_cast %slice3A_1296 : vector<200x1x128xf32> to vector<200x128xf32>
    %slice3A_1298 = vector.extract_strided_slice %div3A {offsets = [0, 45], sizes = [200, 1], strides = [1, 1]} : vector<200x128xf32> to vector<200x1xf32>
    %mul3A_1299 = vector.broadcast %slice3A_1298 : vector<200x1xf32> to vector<200x128xf32>
    %mul3A_1300 = arith.mulf %mul3A_1299, %squeeze3A_1297 : vector<200x128xf32>
    %add3A_1301 = arith.addf %add3A_1295, %mul3A_1300 : vector<200x128xf32>
    %slice3A_1302 = vector.extract_strided_slice %reshape3A {offsets = [0, 14, 0], sizes = [200, 1, 128], strides = [1, 1, 1]} : vector<200x32x128xf32> to vector<200x1x128xf32>
    %squeeze3A_1303 = vector.shape_cast %slice3A_1302 : vector<200x1x128xf32> to vector<200x128xf32>
    %slice3A_1304 = vector.extract_strided_slice %div3A {offsets = [0, 46], sizes = [200, 1], strides = [1, 1]} : vector<200x128xf32> to vector<200x1xf32>
    %mul3A_1305 = vector.broadcast %slice3A_1304 : vector<200x1xf32> to vector<200x128xf32>
    %mul3A_1306 = arith.mulf %mul3A_1305, %squeeze3A_1303 : vector<200x128xf32>
    %add3A_1307 = arith.addf %add3A_1301, %mul3A_1306 : vector<200x128xf32>
    %slice3A_1308 = vector.extract_strided_slice %reshape3A {offsets = [0, 15, 0], sizes = [200, 1, 128], strides = [1, 1, 1]} : vector<200x32x128xf32> to vector<200x1x128xf32>
    %squeeze3A_1309 = vector.shape_cast %slice3A_1308 : vector<200x1x128xf32> to vector<200x128xf32>
    %slice3A_1310 = vector.extract_strided_slice %div3A {offsets = [0, 47], sizes = [200, 1], strides = [1, 1]} : vector<200x128xf32> to vector<200x1xf32>
    %mul3A_1311 = vector.broadcast %slice3A_1310 : vector<200x1xf32> to vector<200x128xf32>
    %mul3A_1312 = arith.mulf %mul3A_1311, %squeeze3A_1309 : vector<200x128xf32>
    %add3A_1313 = arith.addf %add3A_1307, %mul3A_1312 : vector<200x128xf32>
    %get3A_1314 = arith.constant 0 : index
    %get3A_1315 = arith.constant 256 : index
    %get3A_1316 = vector.load %arg6[%get3A_1314, %get3A_1315] : memref<128x512xf32, #tpu.memory_space<vmem>>, vector<128x128xf32>
    %dot_general3A_1317 = arith.constant dense<0.000000e+00> : vector<200x128xf32>
    %dot_general3A_1318 = tpu.matmul %add3A_1313, %get3A_1316, %dot_general3A_1317 {dimension_numbers = #tpu.dot_dimension_numbers<[1], [0], [0], [1], [0, 0, 1, 1], [], []>, precision = #tpu.contract_precision<fp32>, transpose_lhs_hint = false} : vector<200x128xf32>, vector<128x128xf32>, vector<200x128xf32> -> vector<200x128xf32>
    %broadcast_in_dim3A_1319 = arith.constant 0.000000e+00 : f32
    %broadcast_in_dim3A_1320 = vector.broadcast %broadcast_in_dim3A_1319 : f32 to vector<200x128xf32>
    %slice3A_1321 = vector.extract_strided_slice %reshape3A {offsets = [0, 0, 0], sizes = [200, 1, 128], strides = [1, 1, 1]} : vector<200x32x128xf32> to vector<200x1x128xf32>
    %squeeze3A_1322 = vector.shape_cast %slice3A_1321 : vector<200x1x128xf32> to vector<200x128xf32>
    %slice3A_1323 = vector.extract_strided_slice %div3A {offsets = [0, 48], sizes = [200, 1], strides = [1, 1]} : vector<200x128xf32> to vector<200x1xf32>
    %mul3A_1324 = vector.broadcast %slice3A_1323 : vector<200x1xf32> to vector<200x128xf32>
    %mul3A_1325 = arith.mulf %mul3A_1324, %squeeze3A_1322 : vector<200x128xf32>
    %add3A_1326 = arith.addf %broadcast_in_dim3A_1320, %mul3A_1325 : vector<200x128xf32>
    %slice3A_1327 = vector.extract_strided_slice %reshape3A {offsets = [0, 1, 0], sizes = [200, 1, 128], strides = [1, 1, 1]} : vector<200x32x128xf32> to vector<200x1x128xf32>
    %squeeze3A_1328 = vector.shape_cast %slice3A_1327 : vector<200x1x128xf32> to vector<200x128xf32>
    %slice3A_1329 = vector.extract_strided_slice %div3A {offsets = [0, 49], sizes = [200, 1], strides = [1, 1]} : vector<200x128xf32> to vector<200x1xf32>
    %mul3A_1330 = vector.broadcast %slice3A_1329 : vector<200x1xf32> to vector<200x128xf32>
    %mul3A_1331 = arith.mulf %mul3A_1330, %squeeze3A_1328 : vector<200x128xf32>
    %add3A_1332 = arith.addf %add3A_1326, %mul3A_1331 : vector<200x128xf32>
    %slice3A_1333 = vector.extract_strided_slice %reshape3A {offsets = [0, 2, 0], sizes = [200, 1, 128], strides = [1, 1, 1]} : vector<200x32x128xf32> to vector<200x1x128xf32>
    %squeeze3A_1334 = vector.shape_cast %slice3A_1333 : vector<200x1x128xf32> to vector<200x128xf32>
    %slice3A_1335 = vector.extract_strided_slice %div3A {offsets = [0, 50], sizes = [200, 1], strides = [1, 1]} : vector<200x128xf32> to vector<200x1xf32>
    %mul3A_1336 = vector.broadcast %slice3A_1335 : vector<200x1xf32> to vector<200x128xf32>
    %mul3A_1337 = arith.mulf %mul3A_1336, %squeeze3A_1334 : vector<200x128xf32>
    %add3A_1338 = arith.addf %add3A_1332, %mul3A_1337 : vector<200x128xf32>
    %slice3A_1339 = vector.extract_strided_slice %reshape3A {offsets = [0, 3, 0], sizes = [200, 1, 128], strides = [1, 1, 1]} : vector<200x32x128xf32> to vector<200x1x128xf32>
    %squeeze3A_1340 = vector.shape_cast %slice3A_1339 : vector<200x1x128xf32> to vector<200x128xf32>
    %slice3A_1341 = vector.extract_strided_slice %div3A {offsets = [0, 51], sizes = [200, 1], strides = [1, 1]} : vector<200x128xf32> to vector<200x1xf32>
    %mul3A_1342 = vector.broadcast %slice3A_1341 : vector<200x1xf32> to vector<200x128xf32>
    %mul3A_1343 = arith.mulf %mul3A_1342, %squeeze3A_1340 : vector<200x128xf32>
    %add3A_1344 = arith.addf %add3A_1338, %mul3A_1343 : vector<200x128xf32>
    %slice3A_1345 = vector.extract_strided_slice %reshape3A {offsets = [0, 4, 0], sizes = [200, 1, 128], strides = [1, 1, 1]} : vector<200x32x128xf32> to vector<200x1x128xf32>
    %squeeze3A_1346 = vector.shape_cast %slice3A_1345 : vector<200x1x128xf32> to vector<200x128xf32>
    %slice3A_1347 = vector.extract_strided_slice %div3A {offsets = [0, 52], sizes = [200, 1], strides = [1, 1]} : vector<200x128xf32> to vector<200x1xf32>
    %mul3A_1348 = vector.broadcast %slice3A_1347 : vector<200x1xf32> to vector<200x128xf32>
    %mul3A_1349 = arith.mulf %mul3A_1348, %squeeze3A_1346 : vector<200x128xf32>
    %add3A_1350 = arith.addf %add3A_1344, %mul3A_1349 : vector<200x128xf32>
    %slice3A_1351 = vector.extract_strided_slice %reshape3A {offsets = [0, 5, 0], sizes = [200, 1, 128], strides = [1, 1, 1]} : vector<200x32x128xf32> to vector<200x1x128xf32>
    %squeeze3A_1352 = vector.shape_cast %slice3A_1351 : vector<200x1x128xf32> to vector<200x128xf32>
    %slice3A_1353 = vector.extract_strided_slice %div3A {offsets = [0, 53], sizes = [200, 1], strides = [1, 1]} : vector<200x128xf32> to vector<200x1xf32>
    %mul3A_1354 = vector.broadcast %slice3A_1353 : vector<200x1xf32> to vector<200x128xf32>
    %mul3A_1355 = arith.mulf %mul3A_1354, %squeeze3A_1352 : vector<200x128xf32>
    %add3A_1356 = arith.addf %add3A_1350, %mul3A_1355 : vector<200x128xf32>
    %slice3A_1357 = vector.extract_strided_slice %reshape3A {offsets = [0, 6, 0], sizes = [200, 1, 128], strides = [1, 1, 1]} : vector<200x32x128xf32> to vector<200x1x128xf32>
    %squeeze3A_1358 = vector.shape_cast %slice3A_1357 : vector<200x1x128xf32> to vector<200x128xf32>
    %slice3A_1359 = vector.extract_strided_slice %div3A {offsets = [0, 54], sizes = [200, 1], strides = [1, 1]} : vector<200x128xf32> to vector<200x1xf32>
    %mul3A_1360 = vector.broadcast %slice3A_1359 : vector<200x1xf32> to vector<200x128xf32>
    %mul3A_1361 = arith.mulf %mul3A_1360, %squeeze3A_1358 : vector<200x128xf32>
    %add3A_1362 = arith.addf %add3A_1356, %mul3A_1361 : vector<200x128xf32>
    %slice3A_1363 = vector.extract_strided_slice %reshape3A {offsets = [0, 7, 0], sizes = [200, 1, 128], strides = [1, 1, 1]} : vector<200x32x128xf32> to vector<200x1x128xf32>
    %squeeze3A_1364 = vector.shape_cast %slice3A_1363 : vector<200x1x128xf32> to vector<200x128xf32>
    %slice3A_1365 = vector.extract_strided_slice %div3A {offsets = [0, 55], sizes = [200, 1], strides = [1, 1]} : vector<200x128xf32> to vector<200x1xf32>
    %mul3A_1366 = vector.broadcast %slice3A_1365 : vector<200x1xf32> to vector<200x128xf32>
    %mul3A_1367 = arith.mulf %mul3A_1366, %squeeze3A_1364 : vector<200x128xf32>
    %add3A_1368 = arith.addf %add3A_1362, %mul3A_1367 : vector<200x128xf32>
    %slice3A_1369 = vector.extract_strided_slice %reshape3A {offsets = [0, 8, 0], sizes = [200, 1, 128], strides = [1, 1, 1]} : vector<200x32x128xf32> to vector<200x1x128xf32>
    %squeeze3A_1370 = vector.shape_cast %slice3A_1369 : vector<200x1x128xf32> to vector<200x128xf32>
    %slice3A_1371 = vector.extract_strided_slice %div3A {offsets = [0, 56], sizes = [200, 1], strides = [1, 1]} : vector<200x128xf32> to vector<200x1xf32>
    %mul3A_1372 = vector.broadcast %slice3A_1371 : vector<200x1xf32> to vector<200x128xf32>
    %mul3A_1373 = arith.mulf %mul3A_1372, %squeeze3A_1370 : vector<200x128xf32>
    %add3A_1374 = arith.addf %add3A_1368, %mul3A_1373 : vector<200x128xf32>
    %slice3A_1375 = vector.extract_strided_slice %reshape3A {offsets = [0, 9, 0], sizes = [200, 1, 128], strides = [1, 1, 1]} : vector<200x32x128xf32> to vector<200x1x128xf32>
    %squeeze3A_1376 = vector.shape_cast %slice3A_1375 : vector<200x1x128xf32> to vector<200x128xf32>
    %slice3A_1377 = vector.extract_strided_slice %div3A {offsets = [0, 57], sizes = [200, 1], strides = [1, 1]} : vector<200x128xf32> to vector<200x1xf32>
    %mul3A_1378 = vector.broadcast %slice3A_1377 : vector<200x1xf32> to vector<200x128xf32>
    %mul3A_1379 = arith.mulf %mul3A_1378, %squeeze3A_1376 : vector<200x128xf32>
    %add3A_1380 = arith.addf %add3A_1374, %mul3A_1379 : vector<200x128xf32>
    %slice3A_1381 = vector.extract_strided_slice %reshape3A {offsets = [0, 10, 0], sizes = [200, 1, 128], strides = [1, 1, 1]} : vector<200x32x128xf32> to vector<200x1x128xf32>
    %squeeze3A_1382 = vector.shape_cast %slice3A_1381 : vector<200x1x128xf32> to vector<200x128xf32>
    %slice3A_1383 = vector.extract_strided_slice %div3A {offsets = [0, 58], sizes = [200, 1], strides = [1, 1]} : vector<200x128xf32> to vector<200x1xf32>
    %mul3A_1384 = vector.broadcast %slice3A_1383 : vector<200x1xf32> to vector<200x128xf32>
    %mul3A_1385 = arith.mulf %mul3A_1384, %squeeze3A_1382 : vector<200x128xf32>
    %add3A_1386 = arith.addf %add3A_1380, %mul3A_1385 : vector<200x128xf32>
    %slice3A_1387 = vector.extract_strided_slice %reshape3A {offsets = [0, 11, 0], sizes = [200, 1, 128], strides = [1, 1, 1]} : vector<200x32x128xf32> to vector<200x1x128xf32>
    %squeeze3A_1388 = vector.shape_cast %slice3A_1387 : vector<200x1x128xf32> to vector<200x128xf32>
    %slice3A_1389 = vector.extract_strided_slice %div3A {offsets = [0, 59], sizes = [200, 1], strides = [1, 1]} : vector<200x128xf32> to vector<200x1xf32>
    %mul3A_1390 = vector.broadcast %slice3A_1389 : vector<200x1xf32> to vector<200x128xf32>
    %mul3A_1391 = arith.mulf %mul3A_1390, %squeeze3A_1388 : vector<200x128xf32>
    %add3A_1392 = arith.addf %add3A_1386, %mul3A_1391 : vector<200x128xf32>
    %slice3A_1393 = vector.extract_strided_slice %reshape3A {offsets = [0, 12, 0], sizes = [200, 1, 128], strides = [1, 1, 1]} : vector<200x32x128xf32> to vector<200x1x128xf32>
    %squeeze3A_1394 = vector.shape_cast %slice3A_1393 : vector<200x1x128xf32> to vector<200x128xf32>
    %slice3A_1395 = vector.extract_strided_slice %div3A {offsets = [0, 60], sizes = [200, 1], strides = [1, 1]} : vector<200x128xf32> to vector<200x1xf32>
    %mul3A_1396 = vector.broadcast %slice3A_1395 : vector<200x1xf32> to vector<200x128xf32>
    %mul3A_1397 = arith.mulf %mul3A_1396, %squeeze3A_1394 : vector<200x128xf32>
    %add3A_1398 = arith.addf %add3A_1392, %mul3A_1397 : vector<200x128xf32>
    %slice3A_1399 = vector.extract_strided_slice %reshape3A {offsets = [0, 13, 0], sizes = [200, 1, 128], strides = [1, 1, 1]} : vector<200x32x128xf32> to vector<200x1x128xf32>
    %squeeze3A_1400 = vector.shape_cast %slice3A_1399 : vector<200x1x128xf32> to vector<200x128xf32>
    %slice3A_1401 = vector.extract_strided_slice %div3A {offsets = [0, 61], sizes = [200, 1], strides = [1, 1]} : vector<200x128xf32> to vector<200x1xf32>
    %mul3A_1402 = vector.broadcast %slice3A_1401 : vector<200x1xf32> to vector<200x128xf32>
    %mul3A_1403 = arith.mulf %mul3A_1402, %squeeze3A_1400 : vector<200x128xf32>
    %add3A_1404 = arith.addf %add3A_1398, %mul3A_1403 : vector<200x128xf32>
    %slice3A_1405 = vector.extract_strided_slice %reshape3A {offsets = [0, 14, 0], sizes = [200, 1, 128], strides = [1, 1, 1]} : vector<200x32x128xf32> to vector<200x1x128xf32>
    %squeeze3A_1406 = vector.shape_cast %slice3A_1405 : vector<200x1x128xf32> to vector<200x128xf32>
    %slice3A_1407 = vector.extract_strided_slice %div3A {offsets = [0, 62], sizes = [200, 1], strides = [1, 1]} : vector<200x128xf32> to vector<200x1xf32>
    %mul3A_1408 = vector.broadcast %slice3A_1407 : vector<200x1xf32> to vector<200x128xf32>
    %mul3A_1409 = arith.mulf %mul3A_1408, %squeeze3A_1406 : vector<200x128xf32>
    %add3A_1410 = arith.addf %add3A_1404, %mul3A_1409 : vector<200x128xf32>
    %slice3A_1411 = vector.extract_strided_slice %reshape3A {offsets = [0, 15, 0], sizes = [200, 1, 128], strides = [1, 1, 1]} : vector<200x32x128xf32> to vector<200x1x128xf32>
    %squeeze3A_1412 = vector.shape_cast %slice3A_1411 : vector<200x1x128xf32> to vector<200x128xf32>
    %slice3A_1413 = vector.extract_strided_slice %div3A {offsets = [0, 63], sizes = [200, 1], strides = [1, 1]} : vector<200x128xf32> to vector<200x1xf32>
    %mul3A_1414 = vector.broadcast %slice3A_1413 : vector<200x1xf32> to vector<200x128xf32>
    %mul3A_1415 = arith.mulf %mul3A_1414, %squeeze3A_1412 : vector<200x128xf32>
    %add3A_1416 = arith.addf %add3A_1410, %mul3A_1415 : vector<200x128xf32>
    %get3A_1417 = arith.constant 0 : index
    %get3A_1418 = arith.constant 384 : index
    %get3A_1419 = vector.load %arg6[%get3A_1417, %get3A_1418] : memref<128x512xf32, #tpu.memory_space<vmem>>, vector<128x128xf32>
    %dot_general3A_1420 = arith.constant dense<0.000000e+00> : vector<200x128xf32>
    %dot_general3A_1421 = tpu.matmul %add3A_1416, %get3A_1419, %dot_general3A_1420 {dimension_numbers = #tpu.dot_dimension_numbers<[1], [0], [0], [1], [0, 0, 1, 1], [], []>, precision = #tpu.contract_precision<fp32>, transpose_lhs_hint = false} : vector<200x128xf32>, vector<128x128xf32>, vector<200x128xf32> -> vector<200x128xf32>
    %broadcast_in_dim3A_1422 = arith.constant 0.000000e+00 : f32
    %broadcast_in_dim3A_1423 = vector.broadcast %broadcast_in_dim3A_1422 : f32 to vector<200x128xf32>
    %slice3A_1424 = vector.extract_strided_slice %reshape3A {offsets = [0, 16, 0], sizes = [200, 1, 128], strides = [1, 1, 1]} : vector<200x32x128xf32> to vector<200x1x128xf32>
    %squeeze3A_1425 = vector.shape_cast %slice3A_1424 : vector<200x1x128xf32> to vector<200x128xf32>
    %slice3A_1426 = vector.extract_strided_slice %div3A {offsets = [0, 64], sizes = [200, 1], strides = [1, 1]} : vector<200x128xf32> to vector<200x1xf32>
    %mul3A_1427 = vector.broadcast %slice3A_1426 : vector<200x1xf32> to vector<200x128xf32>
    %mul3A_1428 = arith.mulf %mul3A_1427, %squeeze3A_1425 : vector<200x128xf32>
    %add3A_1429 = arith.addf %broadcast_in_dim3A_1423, %mul3A_1428 : vector<200x128xf32>
    %slice3A_1430 = vector.extract_strided_slice %reshape3A {offsets = [0, 17, 0], sizes = [200, 1, 128], strides = [1, 1, 1]} : vector<200x32x128xf32> to vector<200x1x128xf32>
    %squeeze3A_1431 = vector.shape_cast %slice3A_1430 : vector<200x1x128xf32> to vector<200x128xf32>
    %slice3A_1432 = vector.extract_strided_slice %div3A {offsets = [0, 65], sizes = [200, 1], strides = [1, 1]} : vector<200x128xf32> to vector<200x1xf32>
    %mul3A_1433 = vector.broadcast %slice3A_1432 : vector<200x1xf32> to vector<200x128xf32>
    %mul3A_1434 = arith.mulf %mul3A_1433, %squeeze3A_1431 : vector<200x128xf32>
    %add3A_1435 = arith.addf %add3A_1429, %mul3A_1434 : vector<200x128xf32>
    %slice3A_1436 = vector.extract_strided_slice %reshape3A {offsets = [0, 18, 0], sizes = [200, 1, 128], strides = [1, 1, 1]} : vector<200x32x128xf32> to vector<200x1x128xf32>
    %squeeze3A_1437 = vector.shape_cast %slice3A_1436 : vector<200x1x128xf32> to vector<200x128xf32>
    %slice3A_1438 = vector.extract_strided_slice %div3A {offsets = [0, 66], sizes = [200, 1], strides = [1, 1]} : vector<200x128xf32> to vector<200x1xf32>
    %mul3A_1439 = vector.broadcast %slice3A_1438 : vector<200x1xf32> to vector<200x128xf32>
    %mul3A_1440 = arith.mulf %mul3A_1439, %squeeze3A_1437 : vector<200x128xf32>
    %add3A_1441 = arith.addf %add3A_1435, %mul3A_1440 : vector<200x128xf32>
    %slice3A_1442 = vector.extract_strided_slice %reshape3A {offsets = [0, 19, 0], sizes = [200, 1, 128], strides = [1, 1, 1]} : vector<200x32x128xf32> to vector<200x1x128xf32>
    %squeeze3A_1443 = vector.shape_cast %slice3A_1442 : vector<200x1x128xf32> to vector<200x128xf32>
    %slice3A_1444 = vector.extract_strided_slice %div3A {offsets = [0, 67], sizes = [200, 1], strides = [1, 1]} : vector<200x128xf32> to vector<200x1xf32>
    %mul3A_1445 = vector.broadcast %slice3A_1444 : vector<200x1xf32> to vector<200x128xf32>
    %mul3A_1446 = arith.mulf %mul3A_1445, %squeeze3A_1443 : vector<200x128xf32>
    %add3A_1447 = arith.addf %add3A_1441, %mul3A_1446 : vector<200x128xf32>
    %slice3A_1448 = vector.extract_strided_slice %reshape3A {offsets = [0, 20, 0], sizes = [200, 1, 128], strides = [1, 1, 1]} : vector<200x32x128xf32> to vector<200x1x128xf32>
    %squeeze3A_1449 = vector.shape_cast %slice3A_1448 : vector<200x1x128xf32> to vector<200x128xf32>
    %slice3A_1450 = vector.extract_strided_slice %div3A {offsets = [0, 68], sizes = [200, 1], strides = [1, 1]} : vector<200x128xf32> to vector<200x1xf32>
    %mul3A_1451 = vector.broadcast %slice3A_1450 : vector<200x1xf32> to vector<200x128xf32>
    %mul3A_1452 = arith.mulf %mul3A_1451, %squeeze3A_1449 : vector<200x128xf32>
    %add3A_1453 = arith.addf %add3A_1447, %mul3A_1452 : vector<200x128xf32>
    %slice3A_1454 = vector.extract_strided_slice %reshape3A {offsets = [0, 21, 0], sizes = [200, 1, 128], strides = [1, 1, 1]} : vector<200x32x128xf32> to vector<200x1x128xf32>
    %squeeze3A_1455 = vector.shape_cast %slice3A_1454 : vector<200x1x128xf32> to vector<200x128xf32>
    %slice3A_1456 = vector.extract_strided_slice %div3A {offsets = [0, 69], sizes = [200, 1], strides = [1, 1]} : vector<200x128xf32> to vector<200x1xf32>
    %mul3A_1457 = vector.broadcast %slice3A_1456 : vector<200x1xf32> to vector<200x128xf32>
    %mul3A_1458 = arith.mulf %mul3A_1457, %squeeze3A_1455 : vector<200x128xf32>
    %add3A_1459 = arith.addf %add3A_1453, %mul3A_1458 : vector<200x128xf32>
    %slice3A_1460 = vector.extract_strided_slice %reshape3A {offsets = [0, 22, 0], sizes = [200, 1, 128], strides = [1, 1, 1]} : vector<200x32x128xf32> to vector<200x1x128xf32>
    %squeeze3A_1461 = vector.shape_cast %slice3A_1460 : vector<200x1x128xf32> to vector<200x128xf32>
    %slice3A_1462 = vector.extract_strided_slice %div3A {offsets = [0, 70], sizes = [200, 1], strides = [1, 1]} : vector<200x128xf32> to vector<200x1xf32>
    %mul3A_1463 = vector.broadcast %slice3A_1462 : vector<200x1xf32> to vector<200x128xf32>
    %mul3A_1464 = arith.mulf %mul3A_1463, %squeeze3A_1461 : vector<200x128xf32>
    %add3A_1465 = arith.addf %add3A_1459, %mul3A_1464 : vector<200x128xf32>
    %slice3A_1466 = vector.extract_strided_slice %reshape3A {offsets = [0, 23, 0], sizes = [200, 1, 128], strides = [1, 1, 1]} : vector<200x32x128xf32> to vector<200x1x128xf32>
    %squeeze3A_1467 = vector.shape_cast %slice3A_1466 : vector<200x1x128xf32> to vector<200x128xf32>
    %slice3A_1468 = vector.extract_strided_slice %div3A {offsets = [0, 71], sizes = [200, 1], strides = [1, 1]} : vector<200x128xf32> to vector<200x1xf32>
    %mul3A_1469 = vector.broadcast %slice3A_1468 : vector<200x1xf32> to vector<200x128xf32>
    %mul3A_1470 = arith.mulf %mul3A_1469, %squeeze3A_1467 : vector<200x128xf32>
    %add3A_1471 = arith.addf %add3A_1465, %mul3A_1470 : vector<200x128xf32>
    %slice3A_1472 = vector.extract_strided_slice %reshape3A {offsets = [0, 24, 0], sizes = [200, 1, 128], strides = [1, 1, 1]} : vector<200x32x128xf32> to vector<200x1x128xf32>
    %squeeze3A_1473 = vector.shape_cast %slice3A_1472 : vector<200x1x128xf32> to vector<200x128xf32>
    %slice3A_1474 = vector.extract_strided_slice %div3A {offsets = [0, 72], sizes = [200, 1], strides = [1, 1]} : vector<200x128xf32> to vector<200x1xf32>
    %mul3A_1475 = vector.broadcast %slice3A_1474 : vector<200x1xf32> to vector<200x128xf32>
    %mul3A_1476 = arith.mulf %mul3A_1475, %squeeze3A_1473 : vector<200x128xf32>
    %add3A_1477 = arith.addf %add3A_1471, %mul3A_1476 : vector<200x128xf32>
    %slice3A_1478 = vector.extract_strided_slice %reshape3A {offsets = [0, 25, 0], sizes = [200, 1, 128], strides = [1, 1, 1]} : vector<200x32x128xf32> to vector<200x1x128xf32>
    %squeeze3A_1479 = vector.shape_cast %slice3A_1478 : vector<200x1x128xf32> to vector<200x128xf32>
    %slice3A_1480 = vector.extract_strided_slice %div3A {offsets = [0, 73], sizes = [200, 1], strides = [1, 1]} : vector<200x128xf32> to vector<200x1xf32>
    %mul3A_1481 = vector.broadcast %slice3A_1480 : vector<200x1xf32> to vector<200x128xf32>
    %mul3A_1482 = arith.mulf %mul3A_1481, %squeeze3A_1479 : vector<200x128xf32>
    %add3A_1483 = arith.addf %add3A_1477, %mul3A_1482 : vector<200x128xf32>
    %slice3A_1484 = vector.extract_strided_slice %reshape3A {offsets = [0, 26, 0], sizes = [200, 1, 128], strides = [1, 1, 1]} : vector<200x32x128xf32> to vector<200x1x128xf32>
    %squeeze3A_1485 = vector.shape_cast %slice3A_1484 : vector<200x1x128xf32> to vector<200x128xf32>
    %slice3A_1486 = vector.extract_strided_slice %div3A {offsets = [0, 74], sizes = [200, 1], strides = [1, 1]} : vector<200x128xf32> to vector<200x1xf32>
    %mul3A_1487 = vector.broadcast %slice3A_1486 : vector<200x1xf32> to vector<200x128xf32>
    %mul3A_1488 = arith.mulf %mul3A_1487, %squeeze3A_1485 : vector<200x128xf32>
    %add3A_1489 = arith.addf %add3A_1483, %mul3A_1488 : vector<200x128xf32>
    %slice3A_1490 = vector.extract_strided_slice %reshape3A {offsets = [0, 27, 0], sizes = [200, 1, 128], strides = [1, 1, 1]} : vector<200x32x128xf32> to vector<200x1x128xf32>
    %squeeze3A_1491 = vector.shape_cast %slice3A_1490 : vector<200x1x128xf32> to vector<200x128xf32>
    %slice3A_1492 = vector.extract_strided_slice %div3A {offsets = [0, 75], sizes = [200, 1], strides = [1, 1]} : vector<200x128xf32> to vector<200x1xf32>
    %mul3A_1493 = vector.broadcast %slice3A_1492 : vector<200x1xf32> to vector<200x128xf32>
    %mul3A_1494 = arith.mulf %mul3A_1493, %squeeze3A_1491 : vector<200x128xf32>
    %add3A_1495 = arith.addf %add3A_1489, %mul3A_1494 : vector<200x128xf32>
    %slice3A_1496 = vector.extract_strided_slice %reshape3A {offsets = [0, 28, 0], sizes = [200, 1, 128], strides = [1, 1, 1]} : vector<200x32x128xf32> to vector<200x1x128xf32>
    %squeeze3A_1497 = vector.shape_cast %slice3A_1496 : vector<200x1x128xf32> to vector<200x128xf32>
    %slice3A_1498 = vector.extract_strided_slice %div3A {offsets = [0, 76], sizes = [200, 1], strides = [1, 1]} : vector<200x128xf32> to vector<200x1xf32>
    %mul3A_1499 = vector.broadcast %slice3A_1498 : vector<200x1xf32> to vector<200x128xf32>
    %mul3A_1500 = arith.mulf %mul3A_1499, %squeeze3A_1497 : vector<200x128xf32>
    %add3A_1501 = arith.addf %add3A_1495, %mul3A_1500 : vector<200x128xf32>
    %slice3A_1502 = vector.extract_strided_slice %reshape3A {offsets = [0, 29, 0], sizes = [200, 1, 128], strides = [1, 1, 1]} : vector<200x32x128xf32> to vector<200x1x128xf32>
    %squeeze3A_1503 = vector.shape_cast %slice3A_1502 : vector<200x1x128xf32> to vector<200x128xf32>
    %slice3A_1504 = vector.extract_strided_slice %div3A {offsets = [0, 77], sizes = [200, 1], strides = [1, 1]} : vector<200x128xf32> to vector<200x1xf32>
    %mul3A_1505 = vector.broadcast %slice3A_1504 : vector<200x1xf32> to vector<200x128xf32>
    %mul3A_1506 = arith.mulf %mul3A_1505, %squeeze3A_1503 : vector<200x128xf32>
    %add3A_1507 = arith.addf %add3A_1501, %mul3A_1506 : vector<200x128xf32>
    %slice3A_1508 = vector.extract_strided_slice %reshape3A {offsets = [0, 30, 0], sizes = [200, 1, 128], strides = [1, 1, 1]} : vector<200x32x128xf32> to vector<200x1x128xf32>
    %squeeze3A_1509 = vector.shape_cast %slice3A_1508 : vector<200x1x128xf32> to vector<200x128xf32>
    %slice3A_1510 = vector.extract_strided_slice %div3A {offsets = [0, 78], sizes = [200, 1], strides = [1, 1]} : vector<200x128xf32> to vector<200x1xf32>
    %mul3A_1511 = vector.broadcast %slice3A_1510 : vector<200x1xf32> to vector<200x128xf32>
    %mul3A_1512 = arith.mulf %mul3A_1511, %squeeze3A_1509 : vector<200x128xf32>
    %add3A_1513 = arith.addf %add3A_1507, %mul3A_1512 : vector<200x128xf32>
    %slice3A_1514 = vector.extract_strided_slice %reshape3A {offsets = [0, 31, 0], sizes = [200, 1, 128], strides = [1, 1, 1]} : vector<200x32x128xf32> to vector<200x1x128xf32>
    %squeeze3A_1515 = vector.shape_cast %slice3A_1514 : vector<200x1x128xf32> to vector<200x128xf32>
    %slice3A_1516 = vector.extract_strided_slice %div3A {offsets = [0, 79], sizes = [200, 1], strides = [1, 1]} : vector<200x128xf32> to vector<200x1xf32>
    %mul3A_1517 = vector.broadcast %slice3A_1516 : vector<200x1xf32> to vector<200x128xf32>
    %mul3A_1518 = arith.mulf %mul3A_1517, %squeeze3A_1515 : vector<200x128xf32>
    %add3A_1519 = arith.addf %add3A_1513, %mul3A_1518 : vector<200x128xf32>
    %get3A_1520 = arith.constant 0 : index
    %get3A_1521 = arith.constant 0 : index
    %get3A_1522 = vector.load %arg6[%get3A_1520, %get3A_1521] : memref<128x512xf32, #tpu.memory_space<vmem>>, vector<128x128xf32>
    %dot_general3A_1523 = arith.constant dense<0.000000e+00> : vector<200x128xf32>
    %dot_general3A_1524 = tpu.matmul %add3A_1519, %get3A_1522, %dot_general3A_1523 {dimension_numbers = #tpu.dot_dimension_numbers<[1], [0], [0], [1], [0, 0, 1, 1], [], []>, precision = #tpu.contract_precision<fp32>, transpose_lhs_hint = false} : vector<200x128xf32>, vector<128x128xf32>, vector<200x128xf32> -> vector<200x128xf32>
    %broadcast_in_dim3A_1525 = arith.constant 0.000000e+00 : f32
    %broadcast_in_dim3A_1526 = vector.broadcast %broadcast_in_dim3A_1525 : f32 to vector<200x128xf32>
    %slice3A_1527 = vector.extract_strided_slice %reshape3A {offsets = [0, 16, 0], sizes = [200, 1, 128], strides = [1, 1, 1]} : vector<200x32x128xf32> to vector<200x1x128xf32>
    %squeeze3A_1528 = vector.shape_cast %slice3A_1527 : vector<200x1x128xf32> to vector<200x128xf32>
    %slice3A_1529 = vector.extract_strided_slice %div3A {offsets = [0, 80], sizes = [200, 1], strides = [1, 1]} : vector<200x128xf32> to vector<200x1xf32>
    %mul3A_1530 = vector.broadcast %slice3A_1529 : vector<200x1xf32> to vector<200x128xf32>
    %mul3A_1531 = arith.mulf %mul3A_1530, %squeeze3A_1528 : vector<200x128xf32>
    %add3A_1532 = arith.addf %broadcast_in_dim3A_1526, %mul3A_1531 : vector<200x128xf32>
    %slice3A_1533 = vector.extract_strided_slice %reshape3A {offsets = [0, 17, 0], sizes = [200, 1, 128], strides = [1, 1, 1]} : vector<200x32x128xf32> to vector<200x1x128xf32>
    %squeeze3A_1534 = vector.shape_cast %slice3A_1533 : vector<200x1x128xf32> to vector<200x128xf32>
    %slice3A_1535 = vector.extract_strided_slice %div3A {offsets = [0, 81], sizes = [200, 1], strides = [1, 1]} : vector<200x128xf32> to vector<200x1xf32>
    %mul3A_1536 = vector.broadcast %slice3A_1535 : vector<200x1xf32> to vector<200x128xf32>
    %mul3A_1537 = arith.mulf %mul3A_1536, %squeeze3A_1534 : vector<200x128xf32>
    %add3A_1538 = arith.addf %add3A_1532, %mul3A_1537 : vector<200x128xf32>
    %slice3A_1539 = vector.extract_strided_slice %reshape3A {offsets = [0, 18, 0], sizes = [200, 1, 128], strides = [1, 1, 1]} : vector<200x32x128xf32> to vector<200x1x128xf32>
    %squeeze3A_1540 = vector.shape_cast %slice3A_1539 : vector<200x1x128xf32> to vector<200x128xf32>
    %slice3A_1541 = vector.extract_strided_slice %div3A {offsets = [0, 82], sizes = [200, 1], strides = [1, 1]} : vector<200x128xf32> to vector<200x1xf32>
    %mul3A_1542 = vector.broadcast %slice3A_1541 : vector<200x1xf32> to vector<200x128xf32>
    %mul3A_1543 = arith.mulf %mul3A_1542, %squeeze3A_1540 : vector<200x128xf32>
    %add3A_1544 = arith.addf %add3A_1538, %mul3A_1543 : vector<200x128xf32>
    %slice3A_1545 = vector.extract_strided_slice %reshape3A {offsets = [0, 19, 0], sizes = [200, 1, 128], strides = [1, 1, 1]} : vector<200x32x128xf32> to vector<200x1x128xf32>
    %squeeze3A_1546 = vector.shape_cast %slice3A_1545 : vector<200x1x128xf32> to vector<200x128xf32>
    %slice3A_1547 = vector.extract_strided_slice %div3A {offsets = [0, 83], sizes = [200, 1], strides = [1, 1]} : vector<200x128xf32> to vector<200x1xf32>
    %mul3A_1548 = vector.broadcast %slice3A_1547 : vector<200x1xf32> to vector<200x128xf32>
    %mul3A_1549 = arith.mulf %mul3A_1548, %squeeze3A_1546 : vector<200x128xf32>
    %add3A_1550 = arith.addf %add3A_1544, %mul3A_1549 : vector<200x128xf32>
    %slice3A_1551 = vector.extract_strided_slice %reshape3A {offsets = [0, 20, 0], sizes = [200, 1, 128], strides = [1, 1, 1]} : vector<200x32x128xf32> to vector<200x1x128xf32>
    %squeeze3A_1552 = vector.shape_cast %slice3A_1551 : vector<200x1x128xf32> to vector<200x128xf32>
    %slice3A_1553 = vector.extract_strided_slice %div3A {offsets = [0, 84], sizes = [200, 1], strides = [1, 1]} : vector<200x128xf32> to vector<200x1xf32>
    %mul3A_1554 = vector.broadcast %slice3A_1553 : vector<200x1xf32> to vector<200x128xf32>
    %mul3A_1555 = arith.mulf %mul3A_1554, %squeeze3A_1552 : vector<200x128xf32>
    %add3A_1556 = arith.addf %add3A_1550, %mul3A_1555 : vector<200x128xf32>
    %slice3A_1557 = vector.extract_strided_slice %reshape3A {offsets = [0, 21, 0], sizes = [200, 1, 128], strides = [1, 1, 1]} : vector<200x32x128xf32> to vector<200x1x128xf32>
    %squeeze3A_1558 = vector.shape_cast %slice3A_1557 : vector<200x1x128xf32> to vector<200x128xf32>
    %slice3A_1559 = vector.extract_strided_slice %div3A {offsets = [0, 85], sizes = [200, 1], strides = [1, 1]} : vector<200x128xf32> to vector<200x1xf32>
    %mul3A_1560 = vector.broadcast %slice3A_1559 : vector<200x1xf32> to vector<200x128xf32>
    %mul3A_1561 = arith.mulf %mul3A_1560, %squeeze3A_1558 : vector<200x128xf32>
    %add3A_1562 = arith.addf %add3A_1556, %mul3A_1561 : vector<200x128xf32>
    %slice3A_1563 = vector.extract_strided_slice %reshape3A {offsets = [0, 22, 0], sizes = [200, 1, 128], strides = [1, 1, 1]} : vector<200x32x128xf32> to vector<200x1x128xf32>
    %squeeze3A_1564 = vector.shape_cast %slice3A_1563 : vector<200x1x128xf32> to vector<200x128xf32>
    %slice3A_1565 = vector.extract_strided_slice %div3A {offsets = [0, 86], sizes = [200, 1], strides = [1, 1]} : vector<200x128xf32> to vector<200x1xf32>
    %mul3A_1566 = vector.broadcast %slice3A_1565 : vector<200x1xf32> to vector<200x128xf32>
    %mul3A_1567 = arith.mulf %mul3A_1566, %squeeze3A_1564 : vector<200x128xf32>
    %add3A_1568 = arith.addf %add3A_1562, %mul3A_1567 : vector<200x128xf32>
    %slice3A_1569 = vector.extract_strided_slice %reshape3A {offsets = [0, 23, 0], sizes = [200, 1, 128], strides = [1, 1, 1]} : vector<200x32x128xf32> to vector<200x1x128xf32>
    %squeeze3A_1570 = vector.shape_cast %slice3A_1569 : vector<200x1x128xf32> to vector<200x128xf32>
    %slice3A_1571 = vector.extract_strided_slice %div3A {offsets = [0, 87], sizes = [200, 1], strides = [1, 1]} : vector<200x128xf32> to vector<200x1xf32>
    %mul3A_1572 = vector.broadcast %slice3A_1571 : vector<200x1xf32> to vector<200x128xf32>
    %mul3A_1573 = arith.mulf %mul3A_1572, %squeeze3A_1570 : vector<200x128xf32>
    %add3A_1574 = arith.addf %add3A_1568, %mul3A_1573 : vector<200x128xf32>
    %slice3A_1575 = vector.extract_strided_slice %reshape3A {offsets = [0, 24, 0], sizes = [200, 1, 128], strides = [1, 1, 1]} : vector<200x32x128xf32> to vector<200x1x128xf32>
    %squeeze3A_1576 = vector.shape_cast %slice3A_1575 : vector<200x1x128xf32> to vector<200x128xf32>
    %slice3A_1577 = vector.extract_strided_slice %div3A {offsets = [0, 88], sizes = [200, 1], strides = [1, 1]} : vector<200x128xf32> to vector<200x1xf32>
    %mul3A_1578 = vector.broadcast %slice3A_1577 : vector<200x1xf32> to vector<200x128xf32>
    %mul3A_1579 = arith.mulf %mul3A_1578, %squeeze3A_1576 : vector<200x128xf32>
    %add3A_1580 = arith.addf %add3A_1574, %mul3A_1579 : vector<200x128xf32>
    %slice3A_1581 = vector.extract_strided_slice %reshape3A {offsets = [0, 25, 0], sizes = [200, 1, 128], strides = [1, 1, 1]} : vector<200x32x128xf32> to vector<200x1x128xf32>
    %squeeze3A_1582 = vector.shape_cast %slice3A_1581 : vector<200x1x128xf32> to vector<200x128xf32>
    %slice3A_1583 = vector.extract_strided_slice %div3A {offsets = [0, 89], sizes = [200, 1], strides = [1, 1]} : vector<200x128xf32> to vector<200x1xf32>
    %mul3A_1584 = vector.broadcast %slice3A_1583 : vector<200x1xf32> to vector<200x128xf32>
    %mul3A_1585 = arith.mulf %mul3A_1584, %squeeze3A_1582 : vector<200x128xf32>
    %add3A_1586 = arith.addf %add3A_1580, %mul3A_1585 : vector<200x128xf32>
    %slice3A_1587 = vector.extract_strided_slice %reshape3A {offsets = [0, 26, 0], sizes = [200, 1, 128], strides = [1, 1, 1]} : vector<200x32x128xf32> to vector<200x1x128xf32>
    %squeeze3A_1588 = vector.shape_cast %slice3A_1587 : vector<200x1x128xf32> to vector<200x128xf32>
    %slice3A_1589 = vector.extract_strided_slice %div3A {offsets = [0, 90], sizes = [200, 1], strides = [1, 1]} : vector<200x128xf32> to vector<200x1xf32>
    %mul3A_1590 = vector.broadcast %slice3A_1589 : vector<200x1xf32> to vector<200x128xf32>
    %mul3A_1591 = arith.mulf %mul3A_1590, %squeeze3A_1588 : vector<200x128xf32>
    %add3A_1592 = arith.addf %add3A_1586, %mul3A_1591 : vector<200x128xf32>
    %slice3A_1593 = vector.extract_strided_slice %reshape3A {offsets = [0, 27, 0], sizes = [200, 1, 128], strides = [1, 1, 1]} : vector<200x32x128xf32> to vector<200x1x128xf32>
    %squeeze3A_1594 = vector.shape_cast %slice3A_1593 : vector<200x1x128xf32> to vector<200x128xf32>
    %slice3A_1595 = vector.extract_strided_slice %div3A {offsets = [0, 91], sizes = [200, 1], strides = [1, 1]} : vector<200x128xf32> to vector<200x1xf32>
    %mul3A_1596 = vector.broadcast %slice3A_1595 : vector<200x1xf32> to vector<200x128xf32>
    %mul3A_1597 = arith.mulf %mul3A_1596, %squeeze3A_1594 : vector<200x128xf32>
    %add3A_1598 = arith.addf %add3A_1592, %mul3A_1597 : vector<200x128xf32>
    %slice3A_1599 = vector.extract_strided_slice %reshape3A {offsets = [0, 28, 0], sizes = [200, 1, 128], strides = [1, 1, 1]} : vector<200x32x128xf32> to vector<200x1x128xf32>
    %squeeze3A_1600 = vector.shape_cast %slice3A_1599 : vector<200x1x128xf32> to vector<200x128xf32>
    %slice3A_1601 = vector.extract_strided_slice %div3A {offsets = [0, 92], sizes = [200, 1], strides = [1, 1]} : vector<200x128xf32> to vector<200x1xf32>
    %mul3A_1602 = vector.broadcast %slice3A_1601 : vector<200x1xf32> to vector<200x128xf32>
    %mul3A_1603 = arith.mulf %mul3A_1602, %squeeze3A_1600 : vector<200x128xf32>
    %add3A_1604 = arith.addf %add3A_1598, %mul3A_1603 : vector<200x128xf32>
    %slice3A_1605 = vector.extract_strided_slice %reshape3A {offsets = [0, 29, 0], sizes = [200, 1, 128], strides = [1, 1, 1]} : vector<200x32x128xf32> to vector<200x1x128xf32>
    %squeeze3A_1606 = vector.shape_cast %slice3A_1605 : vector<200x1x128xf32> to vector<200x128xf32>
    %slice3A_1607 = vector.extract_strided_slice %div3A {offsets = [0, 93], sizes = [200, 1], strides = [1, 1]} : vector<200x128xf32> to vector<200x1xf32>
    %mul3A_1608 = vector.broadcast %slice3A_1607 : vector<200x1xf32> to vector<200x128xf32>
    %mul3A_1609 = arith.mulf %mul3A_1608, %squeeze3A_1606 : vector<200x128xf32>
    %add3A_1610 = arith.addf %add3A_1604, %mul3A_1609 : vector<200x128xf32>
    %slice3A_1611 = vector.extract_strided_slice %reshape3A {offsets = [0, 30, 0], sizes = [200, 1, 128], strides = [1, 1, 1]} : vector<200x32x128xf32> to vector<200x1x128xf32>
    %squeeze3A_1612 = vector.shape_cast %slice3A_1611 : vector<200x1x128xf32> to vector<200x128xf32>
    %slice3A_1613 = vector.extract_strided_slice %div3A {offsets = [0, 94], sizes = [200, 1], strides = [1, 1]} : vector<200x128xf32> to vector<200x1xf32>
    %mul3A_1614 = vector.broadcast %slice3A_1613 : vector<200x1xf32> to vector<200x128xf32>
    %mul3A_1615 = arith.mulf %mul3A_1614, %squeeze3A_1612 : vector<200x128xf32>
    %add3A_1616 = arith.addf %add3A_1610, %mul3A_1615 : vector<200x128xf32>
    %slice3A_1617 = vector.extract_strided_slice %reshape3A {offsets = [0, 31, 0], sizes = [200, 1, 128], strides = [1, 1, 1]} : vector<200x32x128xf32> to vector<200x1x128xf32>
    %squeeze3A_1618 = vector.shape_cast %slice3A_1617 : vector<200x1x128xf32> to vector<200x128xf32>
    %slice3A_1619 = vector.extract_strided_slice %div3A {offsets = [0, 95], sizes = [200, 1], strides = [1, 1]} : vector<200x128xf32> to vector<200x1xf32>
    %mul3A_1620 = vector.broadcast %slice3A_1619 : vector<200x1xf32> to vector<200x128xf32>
    %mul3A_1621 = arith.mulf %mul3A_1620, %squeeze3A_1618 : vector<200x128xf32>
    %add3A_1622 = arith.addf %add3A_1616, %mul3A_1621 : vector<200x128xf32>
    %get3A_1623 = arith.constant 0 : index
    %get3A_1624 = arith.constant 128 : index
    %get3A_1625 = vector.load %arg6[%get3A_1623, %get3A_1624] : memref<128x512xf32, #tpu.memory_space<vmem>>, vector<128x128xf32>
    %dot_general3A_1626 = arith.constant dense<0.000000e+00> : vector<200x128xf32>
    %dot_general3A_1627 = tpu.matmul %add3A_1622, %get3A_1625, %dot_general3A_1626 {dimension_numbers = #tpu.dot_dimension_numbers<[1], [0], [0], [1], [0, 0, 1, 1], [], []>, precision = #tpu.contract_precision<fp32>, transpose_lhs_hint = false} : vector<200x128xf32>, vector<128x128xf32>, vector<200x128xf32> -> vector<200x128xf32>
    %broadcast_in_dim3A_1628 = arith.constant 0.000000e+00 : f32
    %broadcast_in_dim3A_1629 = vector.broadcast %broadcast_in_dim3A_1628 : f32 to vector<200x128xf32>
    %slice3A_1630 = vector.extract_strided_slice %reshape3A {offsets = [0, 16, 0], sizes = [200, 1, 128], strides = [1, 1, 1]} : vector<200x32x128xf32> to vector<200x1x128xf32>
    %squeeze3A_1631 = vector.shape_cast %slice3A_1630 : vector<200x1x128xf32> to vector<200x128xf32>
    %slice3A_1632 = vector.extract_strided_slice %div3A {offsets = [0, 96], sizes = [200, 1], strides = [1, 1]} : vector<200x128xf32> to vector<200x1xf32>
    %mul3A_1633 = vector.broadcast %slice3A_1632 : vector<200x1xf32> to vector<200x128xf32>
    %mul3A_1634 = arith.mulf %mul3A_1633, %squeeze3A_1631 : vector<200x128xf32>
    %add3A_1635 = arith.addf %broadcast_in_dim3A_1629, %mul3A_1634 : vector<200x128xf32>
    %slice3A_1636 = vector.extract_strided_slice %reshape3A {offsets = [0, 17, 0], sizes = [200, 1, 128], strides = [1, 1, 1]} : vector<200x32x128xf32> to vector<200x1x128xf32>
    %squeeze3A_1637 = vector.shape_cast %slice3A_1636 : vector<200x1x128xf32> to vector<200x128xf32>
    %slice3A_1638 = vector.extract_strided_slice %div3A {offsets = [0, 97], sizes = [200, 1], strides = [1, 1]} : vector<200x128xf32> to vector<200x1xf32>
    %mul3A_1639 = vector.broadcast %slice3A_1638 : vector<200x1xf32> to vector<200x128xf32>
    %mul3A_1640 = arith.mulf %mul3A_1639, %squeeze3A_1637 : vector<200x128xf32>
    %add3A_1641 = arith.addf %add3A_1635, %mul3A_1640 : vector<200x128xf32>
    %slice3A_1642 = vector.extract_strided_slice %reshape3A {offsets = [0, 18, 0], sizes = [200, 1, 128], strides = [1, 1, 1]} : vector<200x32x128xf32> to vector<200x1x128xf32>
    %squeeze3A_1643 = vector.shape_cast %slice3A_1642 : vector<200x1x128xf32> to vector<200x128xf32>
    %slice3A_1644 = vector.extract_strided_slice %div3A {offsets = [0, 98], sizes = [200, 1], strides = [1, 1]} : vector<200x128xf32> to vector<200x1xf32>
    %mul3A_1645 = vector.broadcast %slice3A_1644 : vector<200x1xf32> to vector<200x128xf32>
    %mul3A_1646 = arith.mulf %mul3A_1645, %squeeze3A_1643 : vector<200x128xf32>
    %add3A_1647 = arith.addf %add3A_1641, %mul3A_1646 : vector<200x128xf32>
    %slice3A_1648 = vector.extract_strided_slice %reshape3A {offsets = [0, 19, 0], sizes = [200, 1, 128], strides = [1, 1, 1]} : vector<200x32x128xf32> to vector<200x1x128xf32>
    %squeeze3A_1649 = vector.shape_cast %slice3A_1648 : vector<200x1x128xf32> to vector<200x128xf32>
    %slice3A_1650 = vector.extract_strided_slice %div3A {offsets = [0, 99], sizes = [200, 1], strides = [1, 1]} : vector<200x128xf32> to vector<200x1xf32>
    %mul3A_1651 = vector.broadcast %slice3A_1650 : vector<200x1xf32> to vector<200x128xf32>
    %mul3A_1652 = arith.mulf %mul3A_1651, %squeeze3A_1649 : vector<200x128xf32>
    %add3A_1653 = arith.addf %add3A_1647, %mul3A_1652 : vector<200x128xf32>
    %slice3A_1654 = vector.extract_strided_slice %reshape3A {offsets = [0, 20, 0], sizes = [200, 1, 128], strides = [1, 1, 1]} : vector<200x32x128xf32> to vector<200x1x128xf32>
    %squeeze3A_1655 = vector.shape_cast %slice3A_1654 : vector<200x1x128xf32> to vector<200x128xf32>
    %slice3A_1656 = vector.extract_strided_slice %div3A {offsets = [0, 100], sizes = [200, 1], strides = [1, 1]} : vector<200x128xf32> to vector<200x1xf32>
    %mul3A_1657 = vector.broadcast %slice3A_1656 : vector<200x1xf32> to vector<200x128xf32>
    %mul3A_1658 = arith.mulf %mul3A_1657, %squeeze3A_1655 : vector<200x128xf32>
    %add3A_1659 = arith.addf %add3A_1653, %mul3A_1658 : vector<200x128xf32>
    %slice3A_1660 = vector.extract_strided_slice %reshape3A {offsets = [0, 21, 0], sizes = [200, 1, 128], strides = [1, 1, 1]} : vector<200x32x128xf32> to vector<200x1x128xf32>
    %squeeze3A_1661 = vector.shape_cast %slice3A_1660 : vector<200x1x128xf32> to vector<200x128xf32>
    %slice3A_1662 = vector.extract_strided_slice %div3A {offsets = [0, 101], sizes = [200, 1], strides = [1, 1]} : vector<200x128xf32> to vector<200x1xf32>
    %mul3A_1663 = vector.broadcast %slice3A_1662 : vector<200x1xf32> to vector<200x128xf32>
    %mul3A_1664 = arith.mulf %mul3A_1663, %squeeze3A_1661 : vector<200x128xf32>
    %add3A_1665 = arith.addf %add3A_1659, %mul3A_1664 : vector<200x128xf32>
    %slice3A_1666 = vector.extract_strided_slice %reshape3A {offsets = [0, 22, 0], sizes = [200, 1, 128], strides = [1, 1, 1]} : vector<200x32x128xf32> to vector<200x1x128xf32>
    %squeeze3A_1667 = vector.shape_cast %slice3A_1666 : vector<200x1x128xf32> to vector<200x128xf32>
    %slice3A_1668 = vector.extract_strided_slice %div3A {offsets = [0, 102], sizes = [200, 1], strides = [1, 1]} : vector<200x128xf32> to vector<200x1xf32>
    %mul3A_1669 = vector.broadcast %slice3A_1668 : vector<200x1xf32> to vector<200x128xf32>
    %mul3A_1670 = arith.mulf %mul3A_1669, %squeeze3A_1667 : vector<200x128xf32>
    %add3A_1671 = arith.addf %add3A_1665, %mul3A_1670 : vector<200x128xf32>
    %slice3A_1672 = vector.extract_strided_slice %reshape3A {offsets = [0, 23, 0], sizes = [200, 1, 128], strides = [1, 1, 1]} : vector<200x32x128xf32> to vector<200x1x128xf32>
    %squeeze3A_1673 = vector.shape_cast %slice3A_1672 : vector<200x1x128xf32> to vector<200x128xf32>
    %slice3A_1674 = vector.extract_strided_slice %div3A {offsets = [0, 103], sizes = [200, 1], strides = [1, 1]} : vector<200x128xf32> to vector<200x1xf32>
    %mul3A_1675 = vector.broadcast %slice3A_1674 : vector<200x1xf32> to vector<200x128xf32>
    %mul3A_1676 = arith.mulf %mul3A_1675, %squeeze3A_1673 : vector<200x128xf32>
    %add3A_1677 = arith.addf %add3A_1671, %mul3A_1676 : vector<200x128xf32>
    %slice3A_1678 = vector.extract_strided_slice %reshape3A {offsets = [0, 24, 0], sizes = [200, 1, 128], strides = [1, 1, 1]} : vector<200x32x128xf32> to vector<200x1x128xf32>
    %squeeze3A_1679 = vector.shape_cast %slice3A_1678 : vector<200x1x128xf32> to vector<200x128xf32>
    %slice3A_1680 = vector.extract_strided_slice %div3A {offsets = [0, 104], sizes = [200, 1], strides = [1, 1]} : vector<200x128xf32> to vector<200x1xf32>
    %mul3A_1681 = vector.broadcast %slice3A_1680 : vector<200x1xf32> to vector<200x128xf32>
    %mul3A_1682 = arith.mulf %mul3A_1681, %squeeze3A_1679 : vector<200x128xf32>
    %add3A_1683 = arith.addf %add3A_1677, %mul3A_1682 : vector<200x128xf32>
    %slice3A_1684 = vector.extract_strided_slice %reshape3A {offsets = [0, 25, 0], sizes = [200, 1, 128], strides = [1, 1, 1]} : vector<200x32x128xf32> to vector<200x1x128xf32>
    %squeeze3A_1685 = vector.shape_cast %slice3A_1684 : vector<200x1x128xf32> to vector<200x128xf32>
    %slice3A_1686 = vector.extract_strided_slice %div3A {offsets = [0, 105], sizes = [200, 1], strides = [1, 1]} : vector<200x128xf32> to vector<200x1xf32>
    %mul3A_1687 = vector.broadcast %slice3A_1686 : vector<200x1xf32> to vector<200x128xf32>
    %mul3A_1688 = arith.mulf %mul3A_1687, %squeeze3A_1685 : vector<200x128xf32>
    %add3A_1689 = arith.addf %add3A_1683, %mul3A_1688 : vector<200x128xf32>
    %slice3A_1690 = vector.extract_strided_slice %reshape3A {offsets = [0, 26, 0], sizes = [200, 1, 128], strides = [1, 1, 1]} : vector<200x32x128xf32> to vector<200x1x128xf32>
    %squeeze3A_1691 = vector.shape_cast %slice3A_1690 : vector<200x1x128xf32> to vector<200x128xf32>
    %slice3A_1692 = vector.extract_strided_slice %div3A {offsets = [0, 106], sizes = [200, 1], strides = [1, 1]} : vector<200x128xf32> to vector<200x1xf32>
    %mul3A_1693 = vector.broadcast %slice3A_1692 : vector<200x1xf32> to vector<200x128xf32>
    %mul3A_1694 = arith.mulf %mul3A_1693, %squeeze3A_1691 : vector<200x128xf32>
    %add3A_1695 = arith.addf %add3A_1689, %mul3A_1694 : vector<200x128xf32>
    %slice3A_1696 = vector.extract_strided_slice %reshape3A {offsets = [0, 27, 0], sizes = [200, 1, 128], strides = [1, 1, 1]} : vector<200x32x128xf32> to vector<200x1x128xf32>
    %squeeze3A_1697 = vector.shape_cast %slice3A_1696 : vector<200x1x128xf32> to vector<200x128xf32>
    %slice3A_1698 = vector.extract_strided_slice %div3A {offsets = [0, 107], sizes = [200, 1], strides = [1, 1]} : vector<200x128xf32> to vector<200x1xf32>
    %mul3A_1699 = vector.broadcast %slice3A_1698 : vector<200x1xf32> to vector<200x128xf32>
    %mul3A_1700 = arith.mulf %mul3A_1699, %squeeze3A_1697 : vector<200x128xf32>
    %add3A_1701 = arith.addf %add3A_1695, %mul3A_1700 : vector<200x128xf32>
    %slice3A_1702 = vector.extract_strided_slice %reshape3A {offsets = [0, 28, 0], sizes = [200, 1, 128], strides = [1, 1, 1]} : vector<200x32x128xf32> to vector<200x1x128xf32>
    %squeeze3A_1703 = vector.shape_cast %slice3A_1702 : vector<200x1x128xf32> to vector<200x128xf32>
    %slice3A_1704 = vector.extract_strided_slice %div3A {offsets = [0, 108], sizes = [200, 1], strides = [1, 1]} : vector<200x128xf32> to vector<200x1xf32>
    %mul3A_1705 = vector.broadcast %slice3A_1704 : vector<200x1xf32> to vector<200x128xf32>
    %mul3A_1706 = arith.mulf %mul3A_1705, %squeeze3A_1703 : vector<200x128xf32>
    %add3A_1707 = arith.addf %add3A_1701, %mul3A_1706 : vector<200x128xf32>
    %slice3A_1708 = vector.extract_strided_slice %reshape3A {offsets = [0, 29, 0], sizes = [200, 1, 128], strides = [1, 1, 1]} : vector<200x32x128xf32> to vector<200x1x128xf32>
    %squeeze3A_1709 = vector.shape_cast %slice3A_1708 : vector<200x1x128xf32> to vector<200x128xf32>
    %slice3A_1710 = vector.extract_strided_slice %div3A {offsets = [0, 109], sizes = [200, 1], strides = [1, 1]} : vector<200x128xf32> to vector<200x1xf32>
    %mul3A_1711 = vector.broadcast %slice3A_1710 : vector<200x1xf32> to vector<200x128xf32>
    %mul3A_1712 = arith.mulf %mul3A_1711, %squeeze3A_1709 : vector<200x128xf32>
    %add3A_1713 = arith.addf %add3A_1707, %mul3A_1712 : vector<200x128xf32>
    %slice3A_1714 = vector.extract_strided_slice %reshape3A {offsets = [0, 30, 0], sizes = [200, 1, 128], strides = [1, 1, 1]} : vector<200x32x128xf32> to vector<200x1x128xf32>
    %squeeze3A_1715 = vector.shape_cast %slice3A_1714 : vector<200x1x128xf32> to vector<200x128xf32>
    %slice3A_1716 = vector.extract_strided_slice %div3A {offsets = [0, 110], sizes = [200, 1], strides = [1, 1]} : vector<200x128xf32> to vector<200x1xf32>
    %mul3A_1717 = vector.broadcast %slice3A_1716 : vector<200x1xf32> to vector<200x128xf32>
    %mul3A_1718 = arith.mulf %mul3A_1717, %squeeze3A_1715 : vector<200x128xf32>
    %add3A_1719 = arith.addf %add3A_1713, %mul3A_1718 : vector<200x128xf32>
    %slice3A_1720 = vector.extract_strided_slice %reshape3A {offsets = [0, 31, 0], sizes = [200, 1, 128], strides = [1, 1, 1]} : vector<200x32x128xf32> to vector<200x1x128xf32>
    %squeeze3A_1721 = vector.shape_cast %slice3A_1720 : vector<200x1x128xf32> to vector<200x128xf32>
    %slice3A_1722 = vector.extract_strided_slice %div3A {offsets = [0, 111], sizes = [200, 1], strides = [1, 1]} : vector<200x128xf32> to vector<200x1xf32>
    %mul3A_1723 = vector.broadcast %slice3A_1722 : vector<200x1xf32> to vector<200x128xf32>
    %mul3A_1724 = arith.mulf %mul3A_1723, %squeeze3A_1721 : vector<200x128xf32>
    %add3A_1725 = arith.addf %add3A_1719, %mul3A_1724 : vector<200x128xf32>
    %get3A_1726 = arith.constant 0 : index
    %get3A_1727 = arith.constant 256 : index
    %get3A_1728 = vector.load %arg6[%get3A_1726, %get3A_1727] : memref<128x512xf32, #tpu.memory_space<vmem>>, vector<128x128xf32>
    %dot_general3A_1729 = arith.constant dense<0.000000e+00> : vector<200x128xf32>
    %dot_general3A_1730 = tpu.matmul %add3A_1725, %get3A_1728, %dot_general3A_1729 {dimension_numbers = #tpu.dot_dimension_numbers<[1], [0], [0], [1], [0, 0, 1, 1], [], []>, precision = #tpu.contract_precision<fp32>, transpose_lhs_hint = false} : vector<200x128xf32>, vector<128x128xf32>, vector<200x128xf32> -> vector<200x128xf32>
    %broadcast_in_dim3A_1731 = arith.constant 0.000000e+00 : f32
    %broadcast_in_dim3A_1732 = vector.broadcast %broadcast_in_dim3A_1731 : f32 to vector<200x128xf32>
    %slice3A_1733 = vector.extract_strided_slice %reshape3A {offsets = [0, 16, 0], sizes = [200, 1, 128], strides = [1, 1, 1]} : vector<200x32x128xf32> to vector<200x1x128xf32>
    %squeeze3A_1734 = vector.shape_cast %slice3A_1733 : vector<200x1x128xf32> to vector<200x128xf32>
    %slice3A_1735 = vector.extract_strided_slice %div3A {offsets = [0, 112], sizes = [200, 1], strides = [1, 1]} : vector<200x128xf32> to vector<200x1xf32>
    %mul3A_1736 = vector.broadcast %slice3A_1735 : vector<200x1xf32> to vector<200x128xf32>
    %mul3A_1737 = arith.mulf %mul3A_1736, %squeeze3A_1734 : vector<200x128xf32>
    %add3A_1738 = arith.addf %broadcast_in_dim3A_1732, %mul3A_1737 : vector<200x128xf32>
    %slice3A_1739 = vector.extract_strided_slice %reshape3A {offsets = [0, 17, 0], sizes = [200, 1, 128], strides = [1, 1, 1]} : vector<200x32x128xf32> to vector<200x1x128xf32>
    %squeeze3A_1740 = vector.shape_cast %slice3A_1739 : vector<200x1x128xf32> to vector<200x128xf32>
    %slice3A_1741 = vector.extract_strided_slice %div3A {offsets = [0, 113], sizes = [200, 1], strides = [1, 1]} : vector<200x128xf32> to vector<200x1xf32>
    %mul3A_1742 = vector.broadcast %slice3A_1741 : vector<200x1xf32> to vector<200x128xf32>
    %mul3A_1743 = arith.mulf %mul3A_1742, %squeeze3A_1740 : vector<200x128xf32>
    %add3A_1744 = arith.addf %add3A_1738, %mul3A_1743 : vector<200x128xf32>
    %slice3A_1745 = vector.extract_strided_slice %reshape3A {offsets = [0, 18, 0], sizes = [200, 1, 128], strides = [1, 1, 1]} : vector<200x32x128xf32> to vector<200x1x128xf32>
    %squeeze3A_1746 = vector.shape_cast %slice3A_1745 : vector<200x1x128xf32> to vector<200x128xf32>
    %slice3A_1747 = vector.extract_strided_slice %div3A {offsets = [0, 114], sizes = [200, 1], strides = [1, 1]} : vector<200x128xf32> to vector<200x1xf32>
    %mul3A_1748 = vector.broadcast %slice3A_1747 : vector<200x1xf32> to vector<200x128xf32>
    %mul3A_1749 = arith.mulf %mul3A_1748, %squeeze3A_1746 : vector<200x128xf32>
    %add3A_1750 = arith.addf %add3A_1744, %mul3A_1749 : vector<200x128xf32>
    %slice3A_1751 = vector.extract_strided_slice %reshape3A {offsets = [0, 19, 0], sizes = [200, 1, 128], strides = [1, 1, 1]} : vector<200x32x128xf32> to vector<200x1x128xf32>
    %squeeze3A_1752 = vector.shape_cast %slice3A_1751 : vector<200x1x128xf32> to vector<200x128xf32>
    %slice3A_1753 = vector.extract_strided_slice %div3A {offsets = [0, 115], sizes = [200, 1], strides = [1, 1]} : vector<200x128xf32> to vector<200x1xf32>
    %mul3A_1754 = vector.broadcast %slice3A_1753 : vector<200x1xf32> to vector<200x128xf32>
    %mul3A_1755 = arith.mulf %mul3A_1754, %squeeze3A_1752 : vector<200x128xf32>
    %add3A_1756 = arith.addf %add3A_1750, %mul3A_1755 : vector<200x128xf32>
    %slice3A_1757 = vector.extract_strided_slice %reshape3A {offsets = [0, 20, 0], sizes = [200, 1, 128], strides = [1, 1, 1]} : vector<200x32x128xf32> to vector<200x1x128xf32>
    %squeeze3A_1758 = vector.shape_cast %slice3A_1757 : vector<200x1x128xf32> to vector<200x128xf32>
    %slice3A_1759 = vector.extract_strided_slice %div3A {offsets = [0, 116], sizes = [200, 1], strides = [1, 1]} : vector<200x128xf32> to vector<200x1xf32>
    %mul3A_1760 = vector.broadcast %slice3A_1759 : vector<200x1xf32> to vector<200x128xf32>
    %mul3A_1761 = arith.mulf %mul3A_1760, %squeeze3A_1758 : vector<200x128xf32>
    %add3A_1762 = arith.addf %add3A_1756, %mul3A_1761 : vector<200x128xf32>
    %slice3A_1763 = vector.extract_strided_slice %reshape3A {offsets = [0, 21, 0], sizes = [200, 1, 128], strides = [1, 1, 1]} : vector<200x32x128xf32> to vector<200x1x128xf32>
    %squeeze3A_1764 = vector.shape_cast %slice3A_1763 : vector<200x1x128xf32> to vector<200x128xf32>
    %slice3A_1765 = vector.extract_strided_slice %div3A {offsets = [0, 117], sizes = [200, 1], strides = [1, 1]} : vector<200x128xf32> to vector<200x1xf32>
    %mul3A_1766 = vector.broadcast %slice3A_1765 : vector<200x1xf32> to vector<200x128xf32>
    %mul3A_1767 = arith.mulf %mul3A_1766, %squeeze3A_1764 : vector<200x128xf32>
    %add3A_1768 = arith.addf %add3A_1762, %mul3A_1767 : vector<200x128xf32>
    %slice3A_1769 = vector.extract_strided_slice %reshape3A {offsets = [0, 22, 0], sizes = [200, 1, 128], strides = [1, 1, 1]} : vector<200x32x128xf32> to vector<200x1x128xf32>
    %squeeze3A_1770 = vector.shape_cast %slice3A_1769 : vector<200x1x128xf32> to vector<200x128xf32>
    %slice3A_1771 = vector.extract_strided_slice %div3A {offsets = [0, 118], sizes = [200, 1], strides = [1, 1]} : vector<200x128xf32> to vector<200x1xf32>
    %mul3A_1772 = vector.broadcast %slice3A_1771 : vector<200x1xf32> to vector<200x128xf32>
    %mul3A_1773 = arith.mulf %mul3A_1772, %squeeze3A_1770 : vector<200x128xf32>
    %add3A_1774 = arith.addf %add3A_1768, %mul3A_1773 : vector<200x128xf32>
    %slice3A_1775 = vector.extract_strided_slice %reshape3A {offsets = [0, 23, 0], sizes = [200, 1, 128], strides = [1, 1, 1]} : vector<200x32x128xf32> to vector<200x1x128xf32>
    %squeeze3A_1776 = vector.shape_cast %slice3A_1775 : vector<200x1x128xf32> to vector<200x128xf32>
    %slice3A_1777 = vector.extract_strided_slice %div3A {offsets = [0, 119], sizes = [200, 1], strides = [1, 1]} : vector<200x128xf32> to vector<200x1xf32>
    %mul3A_1778 = vector.broadcast %slice3A_1777 : vector<200x1xf32> to vector<200x128xf32>
    %mul3A_1779 = arith.mulf %mul3A_1778, %squeeze3A_1776 : vector<200x128xf32>
    %add3A_1780 = arith.addf %add3A_1774, %mul3A_1779 : vector<200x128xf32>
    %slice3A_1781 = vector.extract_strided_slice %reshape3A {offsets = [0, 24, 0], sizes = [200, 1, 128], strides = [1, 1, 1]} : vector<200x32x128xf32> to vector<200x1x128xf32>
    %squeeze3A_1782 = vector.shape_cast %slice3A_1781 : vector<200x1x128xf32> to vector<200x128xf32>
    %slice3A_1783 = vector.extract_strided_slice %div3A {offsets = [0, 120], sizes = [200, 1], strides = [1, 1]} : vector<200x128xf32> to vector<200x1xf32>
    %mul3A_1784 = vector.broadcast %slice3A_1783 : vector<200x1xf32> to vector<200x128xf32>
    %mul3A_1785 = arith.mulf %mul3A_1784, %squeeze3A_1782 : vector<200x128xf32>
    %add3A_1786 = arith.addf %add3A_1780, %mul3A_1785 : vector<200x128xf32>
    %slice3A_1787 = vector.extract_strided_slice %reshape3A {offsets = [0, 25, 0], sizes = [200, 1, 128], strides = [1, 1, 1]} : vector<200x32x128xf32> to vector<200x1x128xf32>
    %squeeze3A_1788 = vector.shape_cast %slice3A_1787 : vector<200x1x128xf32> to vector<200x128xf32>
    %slice3A_1789 = vector.extract_strided_slice %div3A {offsets = [0, 121], sizes = [200, 1], strides = [1, 1]} : vector<200x128xf32> to vector<200x1xf32>
    %mul3A_1790 = vector.broadcast %slice3A_1789 : vector<200x1xf32> to vector<200x128xf32>
    %mul3A_1791 = arith.mulf %mul3A_1790, %squeeze3A_1788 : vector<200x128xf32>
    %add3A_1792 = arith.addf %add3A_1786, %mul3A_1791 : vector<200x128xf32>
    %slice3A_1793 = vector.extract_strided_slice %reshape3A {offsets = [0, 26, 0], sizes = [200, 1, 128], strides = [1, 1, 1]} : vector<200x32x128xf32> to vector<200x1x128xf32>
    %squeeze3A_1794 = vector.shape_cast %slice3A_1793 : vector<200x1x128xf32> to vector<200x128xf32>
    %slice3A_1795 = vector.extract_strided_slice %div3A {offsets = [0, 122], sizes = [200, 1], strides = [1, 1]} : vector<200x128xf32> to vector<200x1xf32>
    %mul3A_1796 = vector.broadcast %slice3A_1795 : vector<200x1xf32> to vector<200x128xf32>
    %mul3A_1797 = arith.mulf %mul3A_1796, %squeeze3A_1794 : vector<200x128xf32>
    %add3A_1798 = arith.addf %add3A_1792, %mul3A_1797 : vector<200x128xf32>
    %slice3A_1799 = vector.extract_strided_slice %reshape3A {offsets = [0, 27, 0], sizes = [200, 1, 128], strides = [1, 1, 1]} : vector<200x32x128xf32> to vector<200x1x128xf32>
    %squeeze3A_1800 = vector.shape_cast %slice3A_1799 : vector<200x1x128xf32> to vector<200x128xf32>
    %slice3A_1801 = vector.extract_strided_slice %div3A {offsets = [0, 123], sizes = [200, 1], strides = [1, 1]} : vector<200x128xf32> to vector<200x1xf32>
    %mul3A_1802 = vector.broadcast %slice3A_1801 : vector<200x1xf32> to vector<200x128xf32>
    %mul3A_1803 = arith.mulf %mul3A_1802, %squeeze3A_1800 : vector<200x128xf32>
    %add3A_1804 = arith.addf %add3A_1798, %mul3A_1803 : vector<200x128xf32>
    %slice3A_1805 = vector.extract_strided_slice %reshape3A {offsets = [0, 28, 0], sizes = [200, 1, 128], strides = [1, 1, 1]} : vector<200x32x128xf32> to vector<200x1x128xf32>
    %squeeze3A_1806 = vector.shape_cast %slice3A_1805 : vector<200x1x128xf32> to vector<200x128xf32>
    %slice3A_1807 = vector.extract_strided_slice %div3A {offsets = [0, 124], sizes = [200, 1], strides = [1, 1]} : vector<200x128xf32> to vector<200x1xf32>
    %mul3A_1808 = vector.broadcast %slice3A_1807 : vector<200x1xf32> to vector<200x128xf32>
    %mul3A_1809 = arith.mulf %mul3A_1808, %squeeze3A_1806 : vector<200x128xf32>
    %add3A_1810 = arith.addf %add3A_1804, %mul3A_1809 : vector<200x128xf32>
    %slice3A_1811 = vector.extract_strided_slice %reshape3A {offsets = [0, 29, 0], sizes = [200, 1, 128], strides = [1, 1, 1]} : vector<200x32x128xf32> to vector<200x1x128xf32>
    %squeeze3A_1812 = vector.shape_cast %slice3A_1811 : vector<200x1x128xf32> to vector<200x128xf32>
    %slice3A_1813 = vector.extract_strided_slice %div3A {offsets = [0, 125], sizes = [200, 1], strides = [1, 1]} : vector<200x128xf32> to vector<200x1xf32>
    %mul3A_1814 = vector.broadcast %slice3A_1813 : vector<200x1xf32> to vector<200x128xf32>
    %mul3A_1815 = arith.mulf %mul3A_1814, %squeeze3A_1812 : vector<200x128xf32>
    %add3A_1816 = arith.addf %add3A_1810, %mul3A_1815 : vector<200x128xf32>
    %slice3A_1817 = vector.extract_strided_slice %reshape3A {offsets = [0, 30, 0], sizes = [200, 1, 128], strides = [1, 1, 1]} : vector<200x32x128xf32> to vector<200x1x128xf32>
    %squeeze3A_1818 = vector.shape_cast %slice3A_1817 : vector<200x1x128xf32> to vector<200x128xf32>
    %slice3A_1819 = vector.extract_strided_slice %div3A {offsets = [0, 126], sizes = [200, 1], strides = [1, 1]} : vector<200x128xf32> to vector<200x1xf32>
    %mul3A_1820 = vector.broadcast %slice3A_1819 : vector<200x1xf32> to vector<200x128xf32>
    %mul3A_1821 = arith.mulf %mul3A_1820, %squeeze3A_1818 : vector<200x128xf32>
    %add3A_1822 = arith.addf %add3A_1816, %mul3A_1821 : vector<200x128xf32>
    %slice3A_1823 = vector.extract_strided_slice %reshape3A {offsets = [0, 31, 0], sizes = [200, 1, 128], strides = [1, 1, 1]} : vector<200x32x128xf32> to vector<200x1x128xf32>
    %squeeze3A_1824 = vector.shape_cast %slice3A_1823 : vector<200x1x128xf32> to vector<200x128xf32>
    %slice3A_1825 = vector.extract_strided_slice %div3A {offsets = [0, 127], sizes = [200, 1], strides = [1, 1]} : vector<200x128xf32> to vector<200x1xf32>
    %mul3A_1826 = vector.broadcast %slice3A_1825 : vector<200x1xf32> to vector<200x128xf32>
    %mul3A_1827 = arith.mulf %mul3A_1826, %squeeze3A_1824 : vector<200x128xf32>
    %add3A_1828 = arith.addf %add3A_1822, %mul3A_1827 : vector<200x128xf32>
    %get3A_1829 = arith.constant 0 : index
    %get3A_1830 = arith.constant 384 : index
    %get3A_1831 = vector.load %arg6[%get3A_1829, %get3A_1830] : memref<128x512xf32, #tpu.memory_space<vmem>>, vector<128x128xf32>
    %dot_general3A_1832 = arith.constant dense<0.000000e+00> : vector<200x128xf32>
    %dot_general3A_1833 = tpu.matmul %add3A_1828, %get3A_1831, %dot_general3A_1832 {dimension_numbers = #tpu.dot_dimension_numbers<[1], [0], [0], [1], [0, 0, 1, 1], [], []>, precision = #tpu.contract_precision<fp32>, transpose_lhs_hint = false} : vector<200x128xf32>, vector<128x128xf32>, vector<200x128xf32> -> vector<200x128xf32>
    %concatenate3A_1834 = tpu.concatenate %dot_general3A_1112, %dot_general3A_1215, %dot_general3A_1318, %dot_general3A_1421, %dot_general3A_1524, %dot_general3A_1627, %dot_general3A_1730, %dot_general3A_1833 in 1 : vector<200x128xf32>, vector<200x128xf32>, vector<200x128xf32>, vector<200x128xf32>, vector<200x128xf32>, vector<200x128xf32>, vector<200x128xf32>, vector<200x128xf32> -> vector<200x1024xf32>
    %swap3A = arith.constant 0 : index
    %swap3A_1835 = arith.constant 0 : index
    %swap3A_1836 = vector.load %arg7[%swap3A, %swap3A_1835] : memref<200x1024xf32, #tpu.memory_space<vmem>>, vector<200x1024xf32>
    tpu.vector_store %arg7[%swap3A, %swap3A_1835], %concatenate3A_1834 {strides = array<i32>} : memref<200x1024xf32, #tpu.memory_space<vmem>>, vector<200x1024xf32>,
    %eq3A_1837 = arith.constant 0 : i32
    %eq3A_1838 = arith.cmpi eq, %arg0, %eq3A_1837 : i32
    %convert_element_type3A = arith.extui %eq3A_1838 : i1 to i32
    %cond3A = arith.constant 0 : i32
    %cond3A_1839 = arith.cmpi ne, %convert_element_type3A, %cond3A : i32
    scf.if %cond3A_1839 {
      %broadcast_in_dim3A_1860 = arith.constant 0.000000e+00 : f32
      %broadcast_in_dim3A_1861 = vector.broadcast %broadcast_in_dim3A_1860 : f32 to vector<1x1xf32>
      %swap3A_1862 = arith.constant 0 : index
      %swap3A_1863 = arith.constant 0 : index
      %swap3A_1864 = vector.load %arg8[%swap3A_1862, %swap3A_1863] : memref<1x1xf32, #tpu.memory_space<vmem>>, vector<1x1xf32>
      tpu.vector_store %arg8[%swap3A_1862, %swap3A_1863], %broadcast_in_dim3A_1861 {strides = array<i32>} : memref<1x1xf32, #tpu.memory_space<vmem>>, vector<1x1xf32>,
      %broadcast_in_dim3A_1865 = arith.constant 0.000000e+00 : f32
      %broadcast_in_dim3A_1866 = vector.broadcast %broadcast_in_dim3A_1865 : f32 to vector<1x1xf32>
      %swap3A_1867 = arith.constant 0 : index
      %swap3A_1868 = arith.constant 0 : index
      %swap3A_1869 = vector.load %arg9[%swap3A_1867, %swap3A_1868] : memref<1x1xf32, #tpu.memory_space<vmem>>, vector<1x1xf32>
      tpu.vector_store %arg9[%swap3A_1867, %swap3A_1868], %broadcast_in_dim3A_1866 {strides = array<i32>} : memref<1x1xf32, #tpu.memory_space<vmem>>, vector<1x1xf32>,
    } else {
    }
    %get3A_1840 = arith.constant 0 : index
    %get3A_1841 = arith.constant 0 : index
    %get3A_1842 = vector.load %arg8[%get3A_1840, %get3A_1841] : memref<1x1xf32, #tpu.memory_space<vmem>>, vector<1x1xf32>
    %div3A_1843 = arith.constant 4.000000e+04 : f32
    %div3A_1844 = arith.divf %reduce_sum3A_892, %div3A_1843 : f32
    %reshape3A_1845 = vector.broadcast %div3A_1844 : f32 to vector<1x1xf32>
    %add3A_1846 = arith.addf %get3A_1842, %reshape3A_1845 : vector<1x1xf32>
    %swap3A_1847 = arith.constant 0 : index
    %swap3A_1848 = arith.constant 0 : index
    %swap3A_1849 = vector.load %arg8[%swap3A_1847, %swap3A_1848] : memref<1x1xf32, #tpu.memory_space<vmem>>, vector<1x1xf32>
    tpu.vector_store %arg8[%swap3A_1847, %swap3A_1848], %add3A_1846 {strides = array<i32>} : memref<1x1xf32, #tpu.memory_space<vmem>>, vector<1x1xf32>,
    %get3A_1850 = arith.constant 0 : index
    %get3A_1851 = arith.constant 0 : index
    %get3A_1852 = vector.load %arg9[%get3A_1850, %get3A_1851] : memref<1x1xf32, #tpu.memory_space<vmem>>, vector<1x1xf32>
    %div3A_1853 = arith.constant 4.000000e+04 : f32
    %div3A_1854 = arith.divf %reduce_sum3A_897, %div3A_1853 : f32
    %reshape3A_1855 = vector.broadcast %div3A_1854 : f32 to vector<1x1xf32>
    %add3A_1856 = arith.addf %get3A_1852, %reshape3A_1855 : vector<1x1xf32>
    %swap3A_1857 = arith.constant 0 : index
    %swap3A_1858 = arith.constant 0 : index
    %swap3A_1859 = vector.load %arg9[%swap3A_1857, %swap3A_1858] : memref<1x1xf32, #tpu.memory_space<vmem>>, vector<1x1xf32>
    tpu.vector_store %arg9[%swap3A_1857, %swap3A_1858], %add3A_1856 {strides = array<i32>} : memref<1x1xf32, #tpu.memory_space<vmem>>, vector<1x1xf32>,
    return
  }
  func.func @transform_0(%arg0: i32) -> (i32, i32) {
    %c0_i32 = arith.constant 0 : i32
    %c0_i32_0 = arith.constant 0 : i32
    return %arg0, %c0_i32 : i32, i32
  }
  func.func @transform_1(%arg0: i32) -> (i32, i32) {
    %c0_i32 = arith.constant 0 : i32
    %c0_i32_0 = arith.constant 0 : i32
    return %arg0, %c0_i32 : i32, i32
  }
  func.func @transform_2(%arg0: i32) -> (i32, i32) {
    %c0_i32 = arith.constant 0 : i32
    %c0_i32_0 = arith.constant 0 : i32
    return %arg0, %c0_i32 : i32, i32
  }
  func.func @transform_3(%arg0: i32) -> (i32, i32) {
    %c0_i32 = arith.constant 0 : i32
    %c0_i32_0 = arith.constant 0 : i32
    return %arg0, %c0_i32 : i32, i32
  }
  func.func @transform_4(%arg0: i32) -> (i32, i32) {
    %c0_i32 = arith.constant 0 : i32
    %c0_i32_0 = arith.constant 0 : i32
    return %arg0, %c0_i32 : i32, i32
  }
  func.func @transform_5(%arg0: i32) -> (i32, i32) {
    %c0_i32 = arith.constant 0 : i32
    %c0_i32_0 = arith.constant 0 : i32
    %c0_i32_1 = arith.constant 0 : i32
    return %c0_i32, %c0_i32_0 : i32, i32
  }
  func.func @transform_6(%arg0: i32) -> (i32, i32) {
    %c0_i32 = arith.constant 0 : i32
    %c0_i32_0 = arith.constant 0 : i32
    return %arg0, %c0_i32 : i32, i32
  }
  func.func @transform_7(%arg0: i32) -> (i32, i32) {
    %c0_i32 = arith.constant 0 : i32
    %c0_i32_0 = arith.constant 0 : i32
    %c0_i32_1 = arith.constant 0 : i32
    return %c0_i32, %c0_i32_0 : i32, i32
  }
  func.func @transform_8(%arg0: i32) -> (i32, i32) {
    %c0_i32 = arith.constant 0 : i32
    %c0_i32_0 = arith.constant 0 : i32
    %c0_i32_1 = arith.constant 0 : i32
    return %c0_i32, %c0_i32_0 : i32, i32
  }
}

</mosaic_0001>

<sc_bundles>
// kernel: kernel.6.cloned.1.call-start
scs
__scs_entry_jumppad:
0x0: {  	(pc) =	sbr.rel $0x88, $3  }
0x1: {  	(tag) =	ssettag $0x0;
	lr =	simm.s32 $0x1  }
0x2: {  	[smem:$0x3F9A] =	sst lr;
	_ =	strace $0xD0000000  }
0x3: {  	_ = 	snop  }
0x4: {  	_ = 	snop  }
0x5: {  	_ = 	snop  }
0x6: {  	_ = 	snop  }
0x7: {  	_ = 	snop  }
__scs_overlays_trampoline_lowered:
0x8: {  	[smem:$0x3FA9] =	sst s0  }
0x9: {  	[smem:$0x3FAA] =	sst s1  }
0xa: {  	[smem:$0x3FAB] =	sst s2  }
0xb: {  	[smem:$0x3FAC] =	sst s3  }
0xc: {  	[smem:$0x3FAD] =	sst s4  }
0xd: {  	[smem:$0x3FAE] =	sst s5  }
0xe: {  	[smem:$0x3FAF] =	sst s6  }
0xf: {  	[smem:$0x3FB0] =	sst s7  }
0x10: {  	[smem:$0x3FB1] =	sst s8  }
0x11: {  	[smem:$0x3FB2] =	sst s9;
	s0 =	simm.s32 @!p0 $0x0  }
0x12: {  	s1 =	sld [smem:$0x3F98];
	s0 =	simm.s32 @p0 $0x1  }
0x13: {  	[smem:$0x3FB3] =	sst s0;
	s0 =	simm.s32 @!p1 $0x0  }
0x14: {  	s2 =	sld [smem:$0x3F97];
	s0 =	simm.s32 @p1 $0x1  }
0x15: {  	[smem:$0x3FB4] =	sst s0;
	s0 =	simm.s32 @!p2 $0x0  }
0x16: {  	s3 =	sld [smem:$0x3FDB];
	s0 =	simm.s32 @p2 $0x1  }
0x17: {  	s4 =	simm.s32 $0x1BF5;
	[smem:$0x3FB6] =	sst s0  }
0x18: {  	s0 =	sld [smem:$0x3F99];
	_ =	swait.ge [sflag:s4], $0x0  }
0x19: {  	s7 =	sld [smem:$0x3F9A]  }
0x1a: {  	s8 =	sadd.s32 $0xFFFFE003, lr  }
0x1b: {  	s9 =	sadd.s32 $0xFFFFFEF7, lr;
	s5 =	simm.s32 $0xFFFFFFFF;
	p2 =	slt.u32 s8, $0xFFFFF086  }
0x1c: {  	p1 =	slt.u32 s9, $0xF7A;
	s5 =	simm.s32 @!p2 $0x0  }
0x1d: {  	s5 =	simm.s32 @p1 $0x1;
	p0 =	seq.s32 s7, s2  }
0x1e: {  	s7 =	smul.u32 @!p0 $0xF7A, s2;
	p2 =	seq.s32 @!p0 s5, $0x0  }
0x1f: {  	s9 =	smul.u32 $0xF7A, s1;
	s8 =	simm.s32 @!p0 $0x1BF5;
	p2 =	por !p2, p0  }
0x20: {  	[sflag:s8] =	ssyncset.s32 @!p0 $0xFFFFF086;
	s6 =	sadd.s32 @!p0 s3, s7;
	s7 =	simm.s32 @!p0 $0x108  }
0x21: {  	s3 =	sadd.s32 s3, s9;
	s6 =	sadd.s32 @!p0 $0x88, s6;
	s7 =	simm.s32 @p2 $0x1082  }
0x22: {  	[simem:s7], [sflag:s8] =	dma.local @!p0 [hbm:s6], $0xF7A  }
0x23: {  	s9 =	sor.u32 $0xD0000000, s2;
	s6 =	simm.s32 $0x108;
	_ =	swait.ge @!p0 [sflag:s8], $0x0  }
0x24: {  	s3 =	sadd.s32 $0x88, s3;
	s6 =	simm.s32 @!p1 $0x1082;
	[sflag:s4] =	ssyncset.s32 $0xFFFFF086  }
0x25: {  	[simem:s6], [sflag:s4] =	dma.local [hbm:s3], $0xF7A  }
0x26: {  	[smem:$0x3F9A] =	sst s1;
	(tag) =	ssettag s2;
	_ =	strace s9  }
0x27: {  	s1 =	sld [smem:$0x3FAA]  }
0x28: {  	s2 =	sld [smem:$0x3FAB]  }
0x29: {  	s4 =	sld [smem:$0x3FAD]  }
0x2a: {  	p0 =	seq.s32 s5, $0x0;
	s5 =	sld [smem:$0x3FAE]  }
0x2b: {  	s6 =	sld [smem:$0x3FAF]  }
0x2c: {  	s7 =	sld [smem:$0x3FB0]  }
0x2d: {  	s3 =	simm.s32 $0x108;
	s8 =	sld [smem:$0x3FB1]  }
0x2e: {  	s3 =	simm.s32 @!p0 $0x1082;
	s9 =	sld [smem:$0x3FB2]  }
0x2f: {  	lr =	sadd.s32 s0, s3;
	s0 =	sld [smem:$0x3FA9]  }
0x30: {  	s3 =	sld [smem:$0x3FAC]  }
0x31: {  	[smem:$0x3FB5] =	sst s10  }
0x32: {  	s10 =	sld [smem:$0x3FB3];
	_ =	sdelay $0x3  }
0x33: {  	p0 =	seq.s32 s10, $0x1;
	s10 =	sld [smem:$0x3FB5];
	_ =	sdelay $0x3  }
0x34: {  	[smem:$0x3FB5] =	sst s10  }
0x35: {  	s10 =	sld [smem:$0x3FB4];
	_ =	sdelay $0x3  }
0x36: {  	p1 =	seq.s32 s10, $0x1;
	s10 =	sld [smem:$0x3FB5];
	_ =	sdelay $0x3  }
0x37: {  	[smem:$0x3FB5] =	sst s10  }
0x38: {  	s10 =	sld [smem:$0x3FB6]  }
0x39: {  	_ = 	snop;
	(pc) =	sbr.ind lr, $3  }
0x3a: {  	_ = 	snop  }
0x3b: {  	_ = 	snop  }
0x3c: {  	p2 =	seq.s32 s10, $0x1;
	s10 =	sld [smem:$0x3FB5]  }
0x3d: {  	_ =	shalt  }
0x3e: {  	_ =	shalt  }
0x3f: {  	_ =	shalt  }
0x40: {  	_ =	shalt  }
0x41: {  	_ =	shalt  }
0x42: {  	_ =	shalt  }
0x43: {  	_ =	shalt  }
0x44: {  	_ =	shalt  }
0x45: {  	_ =	shalt  }
0x46: {  	_ =	shalt  }
0x47: {  	_ =	shalt  }
0x48: {  	_ =	shalt  }
0x49: {  	_ =	shalt  }
0x4a: {  	_ =	shalt  }
0x4b: {  	_ =	shalt  }
0x4c: {  	_ =	shalt  }
0x4d: {  	_ =	shalt  }
0x4e: {  	_ =	shalt  }
0x4f: {  	_ =	shalt  }
0x50: {  	_ =	shalt  }
0x51: {  	_ =	shalt  }
0x52: {  	_ =	shalt  }
0x53: {  	_ =	shalt  }
0x54: {  	_ =	shalt  }
0x55: {  	_ =	shalt  }
0x56: {  	_ =	shalt  }
0x57: {  	_ =	shalt  }
0x58: {  	_ =	shalt  }
0x59: {  	_ =	shalt  }
0x5a: {  	_ =	shalt  }
0x5b: {  	_ =	shalt  }
0x5c: {  	_ =	shalt  }
0x5d: {  	_ =	shalt  }
0x5e: {  	_ =	shalt  }
0x5f: {  	_ =	shalt  }
0x60: {  	_ =	shalt  }
0x61: {  	_ =	shalt  }
0x62: {  	_ =	shalt  }
0x63: {  	_ =	shalt  }
0x64: {  	_ =	shalt  }
0x65: {  	_ =	shalt  }
0x66: {  	_ =	shalt  }
0x67: {  	_ =	shalt  }
0x68: {  	_ =	shalt  }
0x69: {  	_ =	shalt  }
0x6a: {  	_ =	shalt  }
0x6b: {  	_ =	shalt  }
0x6c: {  	_ =	shalt  }
0x6d: {  	_ =	shalt  }
0x6e: {  	_ =	shalt  }
0x6f: {  	_ =	shalt  }
0x70: {  	_ =	shalt  }
0x71: {  	_ =	shalt  }
0x72: {  	_ =	shalt  }
0x73: {  	_ =	shalt  }
0x74: {  	_ =	shalt  }
0x75: {  	_ =	shalt  }
0x76: {  	_ =	shalt  }
0x77: {  	_ =	shalt  }
0x78: {  	_ =	shalt  }
0x79: {  	_ =	shalt  }
0x7a: {  	_ =	shalt  }
0x7b: {  	_ =	shalt  }
0x7c: {  	_ =	shalt  }
0x7d: {  	_ =	shalt  }
0x7e: {  	_ =	shalt  }
0x7f: {  	_ =	shalt  }
0x80: {  	_ =	shalt  }
0x81: {  	_ =	shalt  }
0x82: {  	_ =	shalt  }
0x83: {  	_ =	shalt  }
0x84: {  	_ =	shalt  }
0x85: {  	_ =	shalt  }
0x86: {  	_ =	shalt  }
0x87: {  	_ =	shalt  }
.Lfunc_end0:
.L_simem_size_0:
called_computation_lowered:
.L_overlay_start_0:
0x88: {  	s2 =	sld [smem:$0x3FD9]  }
0x89: {  	s3 =	sld [smem:$0x3FFE];
	_ =	sdelay $0x1  }
0x8a: {  	s1 =	srdreg.scid  }
0x8b: {  	s0 =	sand.u32 $0x1, s1  }
0x8c: {  	s17 =	sshll.u32 s0, $0xA;
	s2 =	sadd.s32 s3, s2  }
0x8d: {  	s2 =	sadd.s32 s2, s17  }
0x8e: {  	[smem:$0x3FC1] =	sst s2  }
0x8f: {  	_ = 	snop  }
0x90: {  	s18 =	sld [smem:$0x3FC9];
	(tm) =	ssettm $0x1  }
0x91: {  	s19 =	sld [smem:$0x3FFB];
	_ =	sdelay $0x3  }
0x92: {  	_ =	strace s19  }
0x93: {  	s2 =	sld [smem:$0x3FFC];
	_ =	sdelay $0x3  }
0x94: {  	_ =	strace s2  }
0x95: {  	s2 =	sld [smem:$0x3FFD];
	_ =	sdelay $0x3  }
0x96: {  	_ =	strace s2  }
0x97: {  	_ =	strace $0x8FFFFFFF  }
0x98: {  	s20 =	sld [smem:$0x3FDB];
	_ =	sdelay $0x1  }
0x99: {  	s4 =	simm.s32 $_scs_section_size  }
0x9a: {  	s5 =	simm.s32 $_size__tile_overlayer_lowered;
	s6 =	simm.s32 $_tile_overlayer_lowered  }
0x9b: {  	s7 =	simm.s32 $0x1BFF;
	s21 =	sshll.u32 s6, $0x1;
	s4 =	sadd.s32 s4, s20  }
0x9c: {  	s22 =	simm.s32 $0x0;
	s5 =	sshll.u32 s5, $0x1;
	s6 =	sadd.s32 s21, s4  }
0x9d: {  	[timem:s22], [sflag:s7] =	dma.local [hbm:s6], s5  }
0x9e: {  	_ =	swait.ge [sflag:s7], s5  }
0x9f: {  	s5 =	ssub.s32 $0x0, s5;
	[sflag:s7] =	ssyncset.done $0x0  }
0xa0: {  	[sflag:s7] =	ssyncadd.s32 s5;
	_ =	sdelay $0x1  }
0xa1: {  	s23 =	simm.s32 $0x1B8B  }
0xa2: {  	_ =	swait.ge [sflag:s23], $0x1  }
0xa3: {  	[sflag:s23] =	ssyncset.done $0x0  }
0xa4: {  	[sflag:s23] =	ssyncadd.s32 $0xFFFFFFFF  }
0xa5: {  	s5 =	sld [smem:$0x0]  }
0xa6: {  	s6 =	sand.u32 $0xFFFFFFFE, s1  }
0xa7: {  	p0 =	sne.s32 s1, s6  }
0xa8: {  	s6 =	sshll.u32 @p0 s6, $0xE  }
0xa9: {  	s6 =	sadd.s32 @p0 $0x11B8D, s6;
	s7 =	sshll.u32 @p0 s5, $0x11  }
0xaa: {  	s6 =	sor.u32 @p0 s7, s6  }
0xab: {  	[sflag:s6] =	ssyncadd.remote.s32 @p0 $0x1;
	_ =	sdelay $0x1  }
0xac: {  	s6 =	simm.s32 @p0 $0x1B8D  }
0xad: {  	_ =	swait.eq @p0 [sflag:s6], $0x1  }
0xae: {  	[sflag:s6] =	ssyncadd.s32 @p0 $0xFFFFFFFF  }
0xaf: {  	s7 =	sshll.u32 @!p0 s1, $0xE  }
0xb0: {  	s7 =	sor.u32 @!p0 $0x4000, s7;
	s6 =	simm.s32 @!p0 $0x1B8D  }
0xb1: {  	s5 =	sshll.u32 @!p0 s5, $0x11;
	s7 =	sadd.s32 @!p0 $0x11B8D, s7;
	_ =	swait.eq @!p0 [sflag:s6], $0x1  }
0xb2: {  	s5 =	sor.u32 @!p0 s5, s7;
	[sflag:s6] =	ssyncadd.s32 @!p0 $0xFFFFFFFF  }
0xb3: {  	s25 =	simm.s32 $0x1B8E;
	s24 =	sld [smem:$0x3FFE];
	[sflag:s5] =	ssyncadd.remote.s32 @!p0 $0x1  }
0xb4: {  	s26 =	simm.s32 $execute0_lowered;
	[smem:$0x3FD2] =	sst s25  }
0xb5: {  	s6 =	sshll.u32 s26, $0x1;
	_ =	strace $0x80000049;
	[dreg:$0x1] =	wrdreg $0xFFFFFFFF  }
0xb6: {  	s28 =	simm.s32 $_size_execute0_lowered;
	s4 =	sadd.s32 s4, s6;
	[dreg:$0x0] =	wrdreg $0x0  }
0xb7: {  	s6 =	sshll.u32 s28, $0x1;
	[dreg:$0x2] =	wrdreg s4  }
0xb8: {  	[dreg:$0x3] =	wrdreg s6  }
0xb9: {  	[dreg:$0x4] =	wrdreg $0xC0  }
0xba: {  	_ =	task [dreg:s22], $0x5FFFF  }
0xbb: {  	[dreg:$0x1] =	wrdreg $0xFFFFFFFF  }
0xbc: {  	[dreg:$0x0] =	wrdreg $0x60  }
0xbd: {  	[dreg:$0x2] =	wrdreg s18  }
0xbe: {  	[dreg:$0x3] =	wrdreg s24  }
0xbf: {  	[dreg:$0x4] =	wrdreg $0x9  }
0xc0: {  	_ =	task.clear_ibuf [dreg:s22], $0x5FFFF;
	_ =	strace $0x90000049  }
0xc1: {  	s29 =	simm.s32 $0x9;
	_ =	strace $0x8000004B  }
0xc2: {  	_ =	swait.ge [sflag:s29], $0x1  }
0xc3: {  	[sflag:s29] =	ssyncadd.s32 $0xFFFFFFFF  }
0xc4: {  	_ =	strace $0x9000004B  }
0xc5: {  	_ =	sfence  }
0xc6: {  	s30 =	sld [smem:$0x0];
	_ =	sdelay $0x2  }
0xc7: {  	s31 =	sshll.u32 s1, $0xD;
	s1 =	sshrl.u32 s1, $0x2  }
0xc8: {  	s4 =	sand.u32 $0x4000, s31;
	s1 =	sadd.s32 s1, s30  }
0xc9: {  	s0 =	sor.u32 s4, s0;
	s1 =	sshll.u32 s1, $0x11  }
0xca: {  	s0 =	sor.u32 s1, s0  }
0xcb: {  	s0 =	sadd.s32 $0x8F2B, s0  }
0xcc: {  	[sflag:s0] =	ssyncadd.remote.s32 $0x1  }
0xcd: {  	_ =	sfence.sel $0xFFFF  }
0xce: {  	[dreg:$0x0] =	wrdreg $0xFFFFFFFF;
	(pc) =	sbr.abs _section_cstart, $3  }
0xcf: {  	[dreg:$0x1] =	wrdreg $0xFFFFFFFF  }
0xd0: {  	_ =	task.clear_ibuf [dreg:s22], $0x2FFFF;
	_ =	strace $0x9FFFFFFF  }
0xd1: {  	(tm) =	ssettm $0x7FFFFFFF  }
tec
execute0_lowered:
.L_overlay_start_1:
0x0: {  	(tag) =	ssettag $0x1  }
0x1: {  	s0 =	srdreg.scid;
	s2 =	stileid.u32  }
0x2: {  	s1 =	sand.u32 $0x1, s0;
	s11 =	sshll.u32 s2, $0x1  }
0x3: {  	s0 =	sor.u32 s1, s11  }
0x4: {  	s3 =	rddreg [dreg:$0x0];
	s5 =	smul.u32 $0x280, s0  }
0x5: {  	s4 =	rddreg [dreg:$0x1];
	s6 =	smul.u32 $0x14000, s0  }
0x6: {  	s2 =	simm.s32 $0x0;
	s5 =	sadd.s32 s5, s4;
	s4 =	sadd.s32 $0x4B400, s4  }
0x7: {  	[smem:$0x7FF] =	sst s2;
	s5 =	sadd.s32 $0x2C00, s5;
	s30 =	sadd.s32 s4, s6  }
0x8: {  	_ =	strace $0x8000004A;
	[dreg:$0x3] =	wrdreg s5;
	s12 =	sadd.s32 $0x800, s30  }
0x9: {  	s13 =	sadd.s32 $0x1000, s30;
	[dreg:$0x4] =	wrdreg s12  }
0xa: {  	s14 =	sadd.s32 $0x1800, s30;
	[dreg:$0x5] =	wrdreg s13  }
0xb: {  	s0 =	smul.u32 $0xA0000, s0;
	s15 =	sadd.s32 $0x2000, s30;
	[dreg:$0x6] =	wrdreg s14  }
0xc: {  	s16 =	sadd.s32 $0x2800, s30;
	[dreg:$0x7] =	wrdreg s15  }
0xd: {  	s0 =	sshrl.u32 s0, $0x3;
	s17 =	sadd.s32 $0x3000, s30;
	[dreg:$0x8] =	wrdreg s16  }
0xe: {  	s4 =	sadd.s32 s4, s0;
	s18 =	sadd.s32 $0x3800, s30;
	[dreg:$0x9] =	wrdreg s17  }
0xf: {  	s0 =	sadd.s32 $0x4000, s4;
	[dreg:$0xa] =	wrdreg s18  }
0x10: {  	s19 =	sadd.s32 $0x4800, s4;
	[dreg:$0xb] =	wrdreg s0  }
0x11: {  	s20 =	sadd.s32 $0x5000, s4;
	[dreg:$0xc] =	wrdreg s19  }
0x12: {  	s21 =	sadd.s32 $0x5800, s4;
	[dreg:$0xd] =	wrdreg s20  }
0x13: {  	s22 =	sadd.s32 $0x6000, s4;
	[dreg:$0xe] =	wrdreg s21  }
0x14: {  	s23 =	sadd.s32 $0x6800, s4;
	[dreg:$0xf] =	wrdreg s22  }
0x15: {  	s24 =	sadd.s32 $0x7000, s4;
	[dreg:$0x10] =	wrdreg s23  }
0x16: {  	s25 =	sadd.s32 $0x7800, s4;
	[dreg:$0x11] =	wrdreg s24  }
0x17: {  	s26 =	sadd.s32 $0x8000, s4;
	[dreg:$0x12] =	wrdreg s25  }
0x18: {  	s5 =	sadd.s32 $0x8800, s4;
	[dreg:$0x13] =	wrdreg s26  }
0x19: {  	s6 =	sadd.s32 $0x9000, s4;
	[dreg:$0x14] =	wrdreg s5  }
0x1a: {  	s7 =	sadd.s32 $0x9800, s4;
	[dreg:$0x15] =	wrdreg s6  }
0x1b: {  	s8 =	sadd.s32 $0xA000, s4;
	[dreg:$0x16] =	wrdreg s7  }
0x1c: {  	s9 =	sadd.s32 $0xA800, s4;
	[dreg:$0x17] =	wrdreg s8  }
0x1d: {  	s10 =	sadd.s32 $0xB000, s4;
	[dreg:$0x18] =	wrdreg s9  }
0x1e: {  	s11 =	sadd.s32 $0xB800, s4;
	[dreg:$0x19] =	wrdreg s10  }
0x1f: {  	[dreg:$0x1a] =	wrdreg s11  }
0x20: {  	s12 =	sadd.s32 $0xC000, s4;
	s0 =	rddreg [dreg:$0x3]  }
0x21: {  	s13 =	sadd.s32 $0xC800, s4;
	[dreg:$0x1b] =	wrdreg s12  }
0x22: {  	s14 =	sadd.s32 $0xD000, s4;
	[dreg:$0x1c] =	wrdreg s13  }
0x23: {  	s15 =	sadd.s32 $0xD800, s4;
	[dreg:$0x1d] =	wrdreg s14  }
0x24: {  	s16 =	sadd.s32 $0xE000, s4;
	[dreg:$0x1e] =	wrdreg s15  }
0x25: {  	s17 =	sadd.s32 $0xE800, s4;
	[dreg:$0x1f] =	wrdreg s16  }
0x26: {  	s18 =	sadd.s32 $0xF000, s4;
	[smem:$0x7DF] =	sst s17  }
0x27: {  	s19 =	sadd.s32 $0xF800, s4;
	[smem:$0x7E0] =	sst s18  }
0x28: {  	s20 =	sadd.s32 $0x10000, s4;
	[smem:$0x7E1] =	sst s19  }
0x29: {  	s21 =	sadd.s32 $0x10800, s4;
	[smem:$0x7E2] =	sst s20  }
0x2a: {  	s22 =	sadd.s32 $0x11000, s4;
	[smem:$0x7E3] =	sst s21  }
0x2b: {  	s23 =	sadd.s32 $0x11800, s4;
	[smem:$0x7E4] =	sst s22  }
0x2c: {  	s24 =	sadd.s32 $0x12000, s4;
	[smem:$0x7E5] =	sst s23  }
0x2d: {  	s25 =	sadd.s32 $0x12800, s4;
	[smem:$0x7E6] =	sst s24  }
0x2e: {  	s26 =	sadd.s32 $0x13000, s4;
	[smem:$0x7E7] =	sst s25  }
0x2f: {  	s5 =	sadd.s32 $0x13800, s4;
	[smem:$0x7E8] =	sst s26  }
0x30: {  	s6 =	simm.s32 $0x100;
	[smem:$0x7E9] =	sst s5  }
0x31: {  	s7 =	simm.s32 $0x180;
	[smem:$0x7EA] =	sst s6  }
0x32: {  	s8 =	simm.s32 $0x200;
	[smem:$0x7EB] =	sst s7  }
0x33: {  	s9 =	simm.s32 $0x280;
	[smem:$0x7EC] =	sst s8  }
0x34: {  	s10 =	simm.s32 $0x300;
	[smem:$0x7ED] =	sst s9  }
0x35: {  	s11 =	simm.s32 $0x380;
	[smem:$0x7EE] =	sst s10  }
0x36: {  	s31 =	simm.s32 $0x5;
	[smem:$0x7EF] =	sst s11;
	s12 =	simm.s32 $0x400  }
0x37: {  	s29 =	simm.s32 $0xB00;
	s13 =	simm.s32 $0x480;
	[smem:$0x7F0] =	sst s12  }
0x38: {  	s28 =	simm.s32 $0xB80;
	s14 =	simm.s32 $0x500;
	[smem:$0x7F1] =	sst s13  }
0x39: {  	p0 =	por $0x0, $0x0;
	s15 =	simm.s32 $0x580;
	[smem:$0x7F2] =	sst s14  }
0x3a: {  	s1 =	ssub.s32 $0x2, s1;
	s17 =	simm.s32 $0x600;
	[smem:$0x7F3] =	sst s15  }
0x3b: {  	s4 =	simm.s32 $0x5400;
	s18 =	simm.s32 $0x680;
	[smem:$0x7F4] =	sst s17  }
0x3c: {  	s16 =	sshrl.u32 s1, $0x1;
	s19 =	simm.s32 $0x700;
	[smem:$0x7F5] =	sst s18  }
0x3d: {  	s20 =	simm.s32 $0x780;
	s7 =	simm.s32 $0x80;
	[smem:$0x7F6] =	sst s19  }
0x3e: {  	s21 =	simm.s32 $0x800;
	s5 =	simm.s32 $0x1400;
	[smem:$0x7F7] =	sst s20  }
0x3f: {  	s22 =	simm.s32 $0x880;
	s23 =	simm.s32 $0x900;
	[smem:$0x7F8] =	sst s21  }
0x40: {  	s9 =	simm.s32 $0x1;
	s24 =	simm.s32 $0x980;
	[smem:$0x7F9] =	sst s22  }
0x41: {  	s6 =	simm.s32 $0x3;
	s25 =	simm.s32 $0xA00;
	[smem:$0x7FA] =	sst s23  }
0x42: {  	s10 =	simm.s32 $0x2;
	s26 =	simm.s32 $0xA80;
	[smem:$0x7FB] =	sst s24  }
0x43: {  	s8 =	simm.s32 $0x4;
	s1 =	ssub.s32 s1, s16;
	[smem:$0x7FC] =	sst s25  }
0x44: {  	s11 =	simm.s32 $0x1380;
	[smem:$0x7FD] =	sst s26;
	s1 =	smax.u32 s1, $0x1  }
0x45: {  	s26 =	simm.s32 $0xC00;
	s25 =	simm.s32 $0xC80;
	p1 =	sne.s32 s1, $0x1  }
.Ltmp0:
0x46: {  	s24 =	simm.s32 $0xD00;
	s23 =	simm.s32 $0xD80;
	(pc) =	sbr.rel @!p1 .LBB2_3-.Ltmp0, $4  }
0x47: {  	s22 =	simm.s32 $0xE00;
	s21 =	simm.s32 $0xE80;
	s20 =	simm.s32 $0xF00  }
0x48: {  	s19 =	simm.s32 $0xF80;
	s18 =	simm.s32 $0x1000;
	s17 =	simm.s32 $0x1080  }
0x49: {  	s16 =	simm.s32 $0x1100;
	s15 =	simm.s32 $0x1180;
	s14 =	simm.s32 $0x1200  }
0x4a: {  	s13 =	simm.s32 $0x1280;
	s12 =	simm.s32 $0x1300;
	s1 =	sadd.s32 $0xFFFFFFFF, s1  }
0x4b: {  	[tilespmem:s2], [sflag:$0x5] =	stream.linear.gather [hbm4b:s0+s2], $0x1400, $0x38;
	[tilespmem:$0x9400] =	vst v63  }
0x4c: {  	_ =	swait.ge [sflag:s31], $0x1400  }
0x4d: {  	[sflag:s31] =	ssyncset.done $0x0  }
0x4e: {  	[sflag:s31] =	ssyncadd.s32 $0xFFFFEC00  }
0x4f: {  	[tilespmem:s5], [sflag:$0x1] =	stream.indirect.gather [hbm4b:s3+s7], $0x80, s2, s7, $0xb8;
	[tilespmem:$0x9400] =	vst v63  }
0x50: {  	_ = 	snop  }
0x51: {  	[tilespmem:s4], [sflag:$0x2] =	stream.indirect.gather [hbm4b:s3+s7], $0x80, s7, s7, $0xb8;
	[tilespmem:$0x9400] =	vst v63  }
0x52: {  	_ =	swait.ge [sflag:s9], $0x4000  }
0x53: {  	[sflag:s9] =	ssyncset.done $0x0  }
0x54: {  	[sflag:s9] =	ssyncadd.s32 $0xFFFFC000  }
0x55: {  	[hbm4b:s30+s2] =	stream.linear.scatter [tilespmem:s5], [sflag:$0x3], $0x4000, $0x38;
	[tilespmem:$0x9400] =	vst v63  }
0x56: {  	_ =	swait.ge [sflag:s6], $0x4000  }
0x57: {  	s0 =	sld [smem:$0x7EA]  }
0x58: {  	[sflag:s6] =	ssyncset.done $0x0  }
0x59: {  	[sflag:s6] =	ssyncadd.s32 $0xFFFFC000  }
0x5a: {  	[tilespmem:s5], [sflag:$0x1] =	stream.indirect.gather [hbm4b:s3+s7], $0x80, s0, s7, $0xb8;
	[tilespmem:$0x9400] =	vst v63  }
0x5b: {  	_ =	swait.ge [sflag:s10], $0x4000  }
0x5c: {  	[sflag:s10] =	ssyncset.done $0x0  }
0x5d: {  	s0 =	rddreg [dreg:$0x4];
	[sflag:s10] =	ssyncadd.s32 $0xFFFFC000  }
0x5e: {  	[hbm4b:s0+s2] =	stream.linear.scatter [tilespmem:s4], [sflag:$0x4], $0x4000, $0x38;
	[tilespmem:$0x9400] =	vst v63  }
0x5f: {  	_ =	swait.ge [sflag:s8], $0x4000  }
0x60: {  	s0 =	sld [smem:$0x7EB]  }
0x61: {  	[sflag:s8] =	ssyncset.done $0x0  }
0x62: {  	[sflag:s8] =	ssyncadd.s32 $0xFFFFC000  }
0x63: {  	[tilespmem:s4], [sflag:$0x2] =	stream.indirect.gather [hbm4b:s3+s7], $0x80, s0, s7, $0xb8;
	[tilespmem:$0x9400] =	vst v63  }
0x64: {  	_ =	swait.ge [sflag:s9], $0x4000  }
0x65: {  	[sflag:s9] =	ssyncset.done $0x0  }
0x66: {  	s0 =	rddreg [dreg:$0x5];
	[sflag:s9] =	ssyncadd.s32 $0xFFFFC000  }
0x67: {  	[hbm4b:s0+s2] =	stream.linear.scatter [tilespmem:s5], [sflag:$0x3], $0x4000, $0x38;
	[tilespmem:$0x9400] =	vst v63  }
0x68: {  	_ =	swait.ge [sflag:s6], $0x4000  }
0x69: {  	s0 =	sld [smem:$0x7EC]  }
0x6a: {  	[sflag:s6] =	ssyncset.done $0x0  }
0x6b: {  	[sflag:s6] =	ssyncadd.s32 $0xFFFFC000  }
0x6c: {  	[tilespmem:s5], [sflag:$0x1] =	stream.indirect.gather [hbm4b:s3+s7], $0x80, s0, s7, $0xb8;
	[tilespmem:$0x9400] =	vst v63  }
0x6d: {  	_ =	swait.ge [sflag:s10], $0x4000  }
0x6e: {  	[sflag:s10] =	ssyncset.done $0x0  }
0x6f: {  	s0 =	rddreg [dreg:$0x6];
	[sflag:s10] =	ssyncadd.s32 $0xFFFFC000  }
0x70: {  	[hbm4b:s0+s2] =	stream.linear.scatter [tilespmem:s4], [sflag:$0x4], $0x4000, $0x38;
	[tilespmem:$0x9400] =	vst v63  }
0x71: {  	_ =	swait.ge [sflag:s8], $0x4000  }
0x72: {  	s0 =	sld [smem:$0x7ED]  }
0x73: {  	[sflag:s8] =	ssyncset.done $0x0  }
0x74: {  	[sflag:s8] =	ssyncadd.s32 $0xFFFFC000  }
0x75: {  	[tilespmem:s4], [sflag:$0x2] =	stream.indirect.gather [hbm4b:s3+s7], $0x80, s0, s7, $0xb8;
	[tilespmem:$0x9400] =	vst v63  }
0x76: {  	_ =	swait.ge [sflag:s9], $0x4000  }
0x77: {  	[sflag:s9] =	ssyncset.done $0x0  }
0x78: {  	s0 =	rddreg [dreg:$0x7];
	[sflag:s9] =	ssyncadd.s32 $0xFFFFC000  }
0x79: {  	[hbm4b:s0+s2] =	stream.linear.scatter [tilespmem:s5], [sflag:$0x3], $0x4000, $0x38;
	[tilespmem:$0x9400] =	vst v63  }
0x7a: {  	_ =	swait.ge [sflag:s6], $0x4000  }
0x7b: {  	s0 =	sld [smem:$0x7EE]  }
0x7c: {  	[sflag:s6] =	ssyncset.done $0x0  }
0x7d: {  	[sflag:s6] =	ssyncadd.s32 $0xFFFFC000  }
0x7e: {  	[tilespmem:s5], [sflag:$0x1] =	stream.indirect.gather [hbm4b:s3+s7], $0x80, s0, s7, $0xb8;
	[tilespmem:$0x9400] =	vst v63  }
0x7f: {  	_ =	swait.ge [sflag:s10], $0x4000  }
0x80: {  	[sflag:s10] =	ssyncset.done $0x0  }
0x81: {  	s0 =	rddreg [dreg:$0x8];
	[sflag:s10] =	ssyncadd.s32 $0xFFFFC000  }
0x82: {  	[hbm4b:s0+s2] =	stream.linear.scatter [tilespmem:s4], [sflag:$0x4], $0x4000, $0x38;
	[tilespmem:$0x9400] =	vst v63  }
0x83: {  	_ =	swait.ge [sflag:s8], $0x4000  }
0x84: {  	s0 =	sld [smem:$0x7EF]  }
0x85: {  	[sflag:s8] =	ssyncset.done $0x0  }
0x86: {  	[sflag:s8] =	ssyncadd.s32 $0xFFFFC000  }
0x87: {  	[tilespmem:s4], [sflag:$0x2] =	stream.indirect.gather [hbm4b:s3+s7], $0x80, s0, s7, $0xb8;
	[tilespmem:$0x9400] =	vst v63  }
0x88: {  	_ =	swait.ge [sflag:s9], $0x4000  }
0x89: {  	[sflag:s9] =	ssyncset.done $0x0  }
0x8a: {  	s0 =	rddreg [dreg:$0x9];
	[sflag:s9] =	ssyncadd.s32 $0xFFFFC000  }
0x8b: {  	[hbm4b:s0+s2] =	stream.linear.scatter [tilespmem:s5], [sflag:$0x3], $0x4000, $0x38;
	[tilespmem:$0x9400] =	vst v63  }
0x8c: {  	_ =	swait.ge [sflag:s6], $0x4000  }
0x8d: {  	s0 =	sld [smem:$0x7F0]  }
0x8e: {  	[sflag:s6] =	ssyncset.done $0x0  }
0x8f: {  	[sflag:s6] =	ssyncadd.s32 $0xFFFFC000  }
0x90: {  	[tilespmem:s5], [sflag:$0x1] =	stream.indirect.gather [hbm4b:s3+s7], $0x80, s0, s7, $0xb8;
	[tilespmem:$0x9400] =	vst v63  }
0x91: {  	_ =	swait.ge [sflag:s10], $0x4000  }
0x92: {  	[sflag:s10] =	ssyncset.done $0x0  }
0x93: {  	s0 =	rddreg [dreg:$0xa];
	[sflag:s10] =	ssyncadd.s32 $0xFFFFC000  }
0x94: {  	[hbm4b:s0+s2] =	stream.linear.scatter [tilespmem:s4], [sflag:$0x4], $0x4000, $0x38;
	[tilespmem:$0x9400] =	vst v63  }
0x95: {  	_ =	swait.ge [sflag:s8], $0x4000  }
0x96: {  	s0 =	sld [smem:$0x7F1]  }
0x97: {  	[sflag:s8] =	ssyncset.done $0x0  }
0x98: {  	[sflag:s8] =	ssyncadd.s32 $0xFFFFC000  }
0x99: {  	[tilespmem:s4], [sflag:$0x2] =	stream.indirect.gather [hbm4b:s3+s7], $0x80, s0, s7, $0xb8;
	[tilespmem:$0x9400] =	vst v63  }
0x9a: {  	_ =	swait.ge [sflag:s9], $0x4000  }
0x9b: {  	[sflag:s9] =	ssyncset.done $0x0  }
0x9c: {  	s0 =	rddreg [dreg:$0xb];
	[sflag:s9] =	ssyncadd.s32 $0xFFFFC000  }
0x9d: {  	[hbm4b:s0+s2] =	stream.linear.scatter [tilespmem:s5], [sflag:$0x3], $0x4000, $0x38;
	[tilespmem:$0x9400] =	vst v63  }
0x9e: {  	_ =	swait.ge [sflag:s6], $0x4000  }
0x9f: {  	s0 =	sld [smem:$0x7F2]  }
0xa0: {  	[sflag:s6] =	ssyncset.done $0x0  }
0xa1: {  	[sflag:s6] =	ssyncadd.s32 $0xFFFFC000  }
0xa2: {  	[tilespmem:s5], [sflag:$0x1] =	stream.indirect.gather [hbm4b:s3+s7], $0x80, s0, s7, $0xb8;
	[tilespmem:$0x9400] =	vst v63  }
0xa3: {  	_ =	swait.ge [sflag:s10], $0x4000  }
0xa4: {  	[sflag:s10] =	ssyncset.done $0x0  }
0xa5: {  	s0 =	rddreg [dreg:$0xc];
	[sflag:s10] =	ssyncadd.s32 $0xFFFFC000  }
0xa6: {  	[hbm4b:s0+s2] =	stream.linear.scatter [tilespmem:s4], [sflag:$0x4], $0x4000, $0x38;
	[tilespmem:$0x9400] =	vst v63  }
0xa7: {  	_ =	swait.ge [sflag:s8], $0x4000  }
0xa8: {  	s0 =	sld [smem:$0x7F3]  }
0xa9: {  	[sflag:s8] =	ssyncset.done $0x0  }
0xaa: {  	[sflag:s8] =	ssyncadd.s32 $0xFFFFC000  }
0xab: {  	[tilespmem:s4], [sflag:$0x2] =	stream.indirect.gather [hbm4b:s3+s7], $0x80, s0, s7, $0xb8;
	[tilespmem:$0x9400] =	vst v63  }
0xac: {  	_ =	swait.ge [sflag:s9], $0x4000  }
0xad: {  	[sflag:s9] =	ssyncset.done $0x0  }
0xae: {  	s0 =	rddreg [dreg:$0xd];
	[sflag:s9] =	ssyncadd.s32 $0xFFFFC000  }
0xaf: {  	[hbm4b:s0+s2] =	stream.linear.scatter [tilespmem:s5], [sflag:$0x3], $0x4000, $0x38;
	[tilespmem:$0x9400] =	vst v63  }
0xb0: {  	_ =	swait.ge [sflag:s6], $0x4000  }
0xb1: {  	s0 =	sld [smem:$0x7F4]  }
0xb2: {  	[sflag:s6] =	ssyncset.done $0x0  }
0xb3: {  	[sflag:s6] =	ssyncadd.s32 $0xFFFFC000  }
0xb4: {  	[tilespmem:s5], [sflag:$0x1] =	stream.indirect.gather [hbm4b:s3+s7], $0x80, s0, s7, $0xb8;
	[tilespmem:$0x9400] =	vst v63  }
0xb5: {  	_ =	swait.ge [sflag:s10], $0x4000  }
0xb6: {  	[sflag:s10] =	ssyncset.done $0x0  }
0xb7: {  	s0 =	rddreg [dreg:$0xe];
	[sflag:s10] =	ssyncadd.s32 $0xFFFFC000  }
0xb8: {  	[hbm4b:s0+s2] =	stream.linear.scatter [tilespmem:s4], [sflag:$0x4], $0x4000, $0x38;
	[tilespmem:$0x9400] =	vst v63  }
0xb9: {  	_ =	swait.ge [sflag:s8], $0x4000  }
0xba: {  	s0 =	sld [smem:$0x7F5]  }
0xbb: {  	[sflag:s8] =	ssyncset.done $0x0  }
0xbc: {  	[sflag:s8] =	ssyncadd.s32 $0xFFFFC000  }
0xbd: {  	[tilespmem:s4], [sflag:$0x2] =	stream.indirect.gather [hbm4b:s3+s7], $0x80, s0, s7, $0xb8;
	[tilespmem:$0x9400] =	vst v63  }
0xbe: {  	_ =	swait.ge [sflag:s9], $0x4000  }
0xbf: {  	[sflag:s9] =	ssyncset.done $0x0  }
0xc0: {  	s0 =	rddreg [dreg:$0xf];
	[sflag:s9] =	ssyncadd.s32 $0xFFFFC000  }
0xc1: {  	[hbm4b:s0+s2] =	stream.linear.scatter [tilespmem:s5], [sflag:$0x3], $0x4000, $0x38;
	[tilespmem:$0x9400] =	vst v63  }
0xc2: {  	_ =	swait.ge [sflag:s6], $0x4000  }
0xc3: {  	s0 =	sld [smem:$0x7F6]  }
0xc4: {  	[sflag:s6] =	ssyncset.done $0x0  }
0xc5: {  	[sflag:s6] =	ssyncadd.s32 $0xFFFFC000  }
0xc6: {  	[tilespmem:s5], [sflag:$0x1] =	stream.indirect.gather [hbm4b:s3+s7], $0x80, s0, s7, $0xb8;
	[tilespmem:$0x9400] =	vst v63  }
0xc7: {  	_ =	swait.ge [sflag:s10], $0x4000  }
0xc8: {  	[sflag:s10] =	ssyncset.done $0x0  }
0xc9: {  	s0 =	rddreg [dreg:$0x10];
	[sflag:s10] =	ssyncadd.s32 $0xFFFFC000  }
0xca: {  	[hbm4b:s0+s2] =	stream.linear.scatter [tilespmem:s4], [sflag:$0x4], $0x4000, $0x38;
	[tilespmem:$0x9400] =	vst v63  }
0xcb: {  	_ =	swait.ge [sflag:s8], $0x4000  }
0xcc: {  	s0 =	sld [smem:$0x7F7]  }
0xcd: {  	[sflag:s8] =	ssyncset.done $0x0  }
0xce: {  	[sflag:s8] =	ssyncadd.s32 $0xFFFFC000  }
0xcf: {  	[tilespmem:s4], [sflag:$0x2] =	stream.indirect.gather [hbm4b:s3+s7], $0x80, s0, s7, $0xb8;
	[tilespmem:$0x9400] =	vst v63  }
0xd0: {  	_ =	swait.ge [sflag:s9], $0x4000  }
0xd1: {  	[sflag:s9] =	ssyncset.done $0x0  }
0xd2: {  	s0 =	rddreg [dreg:$0x11];
	[sflag:s9] =	ssyncadd.s32 $0xFFFFC000  }
0xd3: {  	[hbm4b:s0+s2] =	stream.linear.scatter [tilespmem:s5], [sflag:$0x3], $0x4000, $0x38;
	[tilespmem:$0x9400] =	vst v63  }
0xd4: {  	_ =	swait.ge [sflag:s6], $0x4000  }
0xd5: {  	s0 =	sld [smem:$0x7F8]  }
0xd6: {  	[sflag:s6] =	ssyncset.done $0x0  }
0xd7: {  	[sflag:s6] =	ssyncadd.s32 $0xFFFFC000  }
0xd8: {  	[tilespmem:s5], [sflag:$0x1] =	stream.indirect.gather [hbm4b:s3+s7], $0x80, s0, s7, $0xb8;
	[tilespmem:$0x9400] =	vst v63  }
0xd9: {  	_ =	swait.ge [sflag:s10], $0x4000  }
0xda: {  	[sflag:s10] =	ssyncset.done $0x0  }
0xdb: {  	s0 =	rddreg [dreg:$0x12];
	[sflag:s10] =	ssyncadd.s32 $0xFFFFC000  }
0xdc: {  	[hbm4b:s0+s2] =	stream.linear.scatter [tilespmem:s4], [sflag:$0x4], $0x4000, $0x38;
	[tilespmem:$0x9400] =	vst v63  }
0xdd: {  	_ =	swait.ge [sflag:s8], $0x4000  }
0xde: {  	s0 =	sld [smem:$0x7F9]  }
0xdf: {  	[sflag:s8] =	ssyncset.done $0x0  }
0xe0: {  	[sflag:s8] =	ssyncadd.s32 $0xFFFFC000  }
0xe1: {  	[tilespmem:s4], [sflag:$0x2] =	stream.indirect.gather [hbm4b:s3+s7], $0x80, s0, s7, $0xb8;
	[tilespmem:$0x9400] =	vst v63  }
0xe2: {  	_ =	swait.ge [sflag:s9], $0x4000  }
0xe3: {  	[sflag:s9] =	ssyncset.done $0x0  }
0xe4: {  	s0 =	rddreg [dreg:$0x13];
	[sflag:s9] =	ssyncadd.s32 $0xFFFFC000  }
0xe5: {  	[hbm4b:s0+s2] =	stream.linear.scatter [tilespmem:s5], [sflag:$0x3], $0x4000, $0x38;
	[tilespmem:$0x9400] =	vst v63  }
0xe6: {  	_ =	swait.ge [sflag:s6], $0x4000  }
0xe7: {  	s0 =	sld [smem:$0x7FA]  }
0xe8: {  	[sflag:s6] =	ssyncset.done $0x0  }
0xe9: {  	[sflag:s6] =	ssyncadd.s32 $0xFFFFC000  }
0xea: {  	[tilespmem:s5], [sflag:$0x1] =	stream.indirect.gather [hbm4b:s3+s7], $0x80, s0, s7, $0xb8;
	[tilespmem:$0x9400] =	vst v63  }
0xeb: {  	_ =	swait.ge [sflag:s10], $0x4000  }
0xec: {  	[sflag:s10] =	ssyncset.done $0x0  }
0xed: {  	s0 =	rddreg [dreg:$0x14];
	[sflag:s10] =	ssyncadd.s32 $0xFFFFC000  }
0xee: {  	[hbm4b:s0+s2] =	stream.linear.scatter [tilespmem:s4], [sflag:$0x4], $0x4000, $0x38;
	[tilespmem:$0x9400] =	vst v63  }
0xef: {  	_ =	swait.ge [sflag:s8], $0x4000  }
0xf0: {  	s0 =	sld [smem:$0x7FB]  }
0xf1: {  	[sflag:s8] =	ssyncset.done $0x0  }
0xf2: {  	[sflag:s8] =	ssyncadd.s32 $0xFFFFC000  }
0xf3: {  	[tilespmem:s4], [sflag:$0x2] =	stream.indirect.gather [hbm4b:s3+s7], $0x80, s0, s7, $0xb8;
	[tilespmem:$0x9400] =	vst v63  }
0xf4: {  	_ =	swait.ge [sflag:s9], $0x4000  }
0xf5: {  	[sflag:s9] =	ssyncset.done $0x0  }
0xf6: {  	s0 =	rddreg [dreg:$0x15];
	[sflag:s9] =	ssyncadd.s32 $0xFFFFC000  }
0xf7: {  	[hbm4b:s0+s2] =	stream.linear.scatter [tilespmem:s5], [sflag:$0x3], $0x4000, $0x38;
	[tilespmem:$0x9400] =	vst v63  }
0xf8: {  	_ =	swait.ge [sflag:s6], $0x4000  }
0xf9: {  	s0 =	sld [smem:$0x7FC]  }
0xfa: {  	[sflag:s6] =	ssyncset.done $0x0  }
0xfb: {  	[sflag:s6] =	ssyncadd.s32 $0xFFFFC000  }
0xfc: {  	[tilespmem:s5], [sflag:$0x1] =	stream.indirect.gather [hbm4b:s3+s7], $0x80, s0, s7, $0xb8;
	[tilespmem:$0x9400] =	vst v63  }
0xfd: {  	_ =	swait.ge [sflag:s10], $0x4000  }
0xfe: {  	[sflag:s10] =	ssyncset.done $0x0  }
0xff: {  	s0 =	rddreg [dreg:$0x16];
	[sflag:s10] =	ssyncadd.s32 $0xFFFFC000  }
0x100: {  	[hbm4b:s0+s2] =	stream.linear.scatter [tilespmem:s4], [sflag:$0x4], $0x4000, $0x38;
	[tilespmem:$0x9400] =	vst v63  }
0x101: {  	_ =	swait.ge [sflag:s8], $0x4000  }
0x102: {  	s0 =	sld [smem:$0x7FD]  }
0x103: {  	[sflag:s8] =	ssyncset.done $0x0  }
0x104: {  	[sflag:s8] =	ssyncadd.s32 $0xFFFFC000  }
0x105: {  	[tilespmem:s4], [sflag:$0x2] =	stream.indirect.gather [hbm4b:s3+s7], $0x80, s0, s7, $0xb8;
	[tilespmem:$0x9400] =	vst v63  }
0x106: {  	_ =	swait.ge [sflag:s9], $0x4000  }
0x107: {  	[sflag:s9] =	ssyncset.done $0x0  }
0x108: {  	s0 =	rddreg [dreg:$0x17];
	[sflag:s9] =	ssyncadd.s32 $0xFFFFC000  }
0x109: {  	[hbm4b:s0+s2] =	stream.linear.scatter [tilespmem:s5], [sflag:$0x3], $0x4000, $0x38;
	[tilespmem:$0x9400] =	vst v63  }
0x10a: {  	_ =	swait.ge [sflag:s6], $0x4000  }
0x10b: {  	[sflag:s6] =	ssyncset.done $0x0  }
0x10c: {  	[sflag:s6] =	ssyncadd.s32 $0xFFFFC000  }
0x10d: {  	[tilespmem:s5], [sflag:$0x1] =	stream.indirect.gather [hbm4b:s3+s7], $0x80, s29, s7, $0xb8;
	[tilespmem:$0x9400] =	vst v63  }
0x10e: {  	_ =	swait.ge [sflag:s10], $0x4000  }
0x10f: {  	[sflag:s10] =	ssyncset.done $0x0  }
0x110: {  	s0 =	rddreg [dreg:$0x18];
	[sflag:s10] =	ssyncadd.s32 $0xFFFFC000  }
0x111: {  	[hbm4b:s0+s2] =	stream.linear.scatter [tilespmem:s4], [sflag:$0x4], $0x4000, $0x38;
	[tilespmem:$0x9400] =	vst v63  }
0x112: {  	_ =	swait.ge [sflag:s8], $0x4000  }
0x113: {  	[sflag:s8] =	ssyncset.done $0x0  }
0x114: {  	[sflag:s8] =	ssyncadd.s32 $0xFFFFC000  }
0x115: {  	[tilespmem:s4], [sflag:$0x2] =	stream.indirect.gather [hbm4b:s3+s7], $0x80, s28, s7, $0xb8;
	[tilespmem:$0x9400] =	vst v63  }
0x116: {  	_ =	swait.ge [sflag:s9], $0x4000  }
0x117: {  	[sflag:s9] =	ssyncset.done $0x0  }
0x118: {  	s0 =	rddreg [dreg:$0x19];
	[sflag:s9] =	ssyncadd.s32 $0xFFFFC000  }
0x119: {  	[hbm4b:s0+s2] =	stream.linear.scatter [tilespmem:s5], [sflag:$0x3], $0x4000, $0x38;
	[tilespmem:$0x9400] =	vst v63  }
0x11a: {  	_ =	swait.ge [sflag:s6], $0x4000  }
0x11b: {  	[sflag:s6] =	ssyncset.done $0x0  }
0x11c: {  	[sflag:s6] =	ssyncadd.s32 $0xFFFFC000  }
0x11d: {  	[tilespmem:s5], [sflag:$0x1] =	stream.indirect.gather [hbm4b:s3+s7], $0x80, s26, s7, $0xb8;
	[tilespmem:$0x9400] =	vst v63  }
0x11e: {  	_ =	swait.ge [sflag:s10], $0x4000  }
0x11f: {  	[sflag:s10] =	ssyncset.done $0x0  }
0x120: {  	s0 =	rddreg [dreg:$0x1a];
	[sflag:s10] =	ssyncadd.s32 $0xFFFFC000  }
0x121: {  	[hbm4b:s0+s2] =	stream.linear.scatter [tilespmem:s4], [sflag:$0x4], $0x4000, $0x38;
	[tilespmem:$0x9400] =	vst v63  }
0x122: {  	_ =	swait.ge [sflag:s8], $0x4000  }
0x123: {  	[sflag:s8] =	ssyncset.done $0x0  }
0x124: {  	[sflag:s8] =	ssyncadd.s32 $0xFFFFC000  }
0x125: {  	[tilespmem:s4], [sflag:$0x2] =	stream.indirect.gather [hbm4b:s3+s7], $0x80, s25, s7, $0xb8;
	[tilespmem:$0x9400] =	vst v63  }
0x126: {  	_ =	swait.ge [sflag:s9], $0x4000  }
0x127: {  	[sflag:s9] =	ssyncset.done $0x0  }
0x128: {  	s0 =	rddreg [dreg:$0x1b];
	[sflag:s9] =	ssyncadd.s32 $0xFFFFC000  }
0x129: {  	[hbm4b:s0+s2] =	stream.linear.scatter [tilespmem:s5], [sflag:$0x3], $0x4000, $0x38;
	[tilespmem:$0x9400] =	vst v63  }
0x12a: {  	_ =	swait.ge [sflag:s6], $0x4000  }
0x12b: {  	[sflag:s6] =	ssyncset.done $0x0  }
0x12c: {  	[sflag:s6] =	ssyncadd.s32 $0xFFFFC000  }
0x12d: {  	[tilespmem:s5], [sflag:$0x1] =	stream.indirect.gather [hbm4b:s3+s7], $0x80, s24, s7, $0xb8;
	[tilespmem:$0x9400] =	vst v63  }
0x12e: {  	_ =	swait.ge [sflag:s10], $0x4000  }
0x12f: {  	[sflag:s10] =	ssyncset.done $0x0  }
0x130: {  	s0 =	rddreg [dreg:$0x1c];
	[sflag:s10] =	ssyncadd.s32 $0xFFFFC000  }
0x131: {  	[hbm4b:s0+s2] =	stream.linear.scatter [tilespmem:s4], [sflag:$0x4], $0x4000, $0x38;
	[tilespmem:$0x9400] =	vst v63  }
0x132: {  	_ =	swait.ge [sflag:s8], $0x4000  }
0x133: {  	[sflag:s8] =	ssyncset.done $0x0  }
0x134: {  	[sflag:s8] =	ssyncadd.s32 $0xFFFFC000  }
0x135: {  	[tilespmem:s4], [sflag:$0x2] =	stream.indirect.gather [hbm4b:s3+s7], $0x80, s23, s7, $0xb8;
	[tilespmem:$0x9400] =	vst v63  }
0x136: {  	_ =	swait.ge [sflag:s9], $0x4000  }
0x137: {  	[sflag:s9] =	ssyncset.done $0x0  }
0x138: {  	s0 =	rddreg [dreg:$0x1d];
	[sflag:s9] =	ssyncadd.s32 $0xFFFFC000  }
0x139: {  	[hbm4b:s0+s2] =	stream.linear.scatter [tilespmem:s5], [sflag:$0x3], $0x4000, $0x38;
	[tilespmem:$0x9400] =	vst v63  }
0x13a: {  	_ =	swait.ge [sflag:s6], $0x4000  }
0x13b: {  	[sflag:s6] =	ssyncset.done $0x0  }
0x13c: {  	[sflag:s6] =	ssyncadd.s32 $0xFFFFC000  }
0x13d: {  	[tilespmem:s5], [sflag:$0x1] =	stream.indirect.gather [hbm4b:s3+s7], $0x80, s22, s7, $0xb8;
	[tilespmem:$0x9400] =	vst v63  }
0x13e: {  	_ =	swait.ge [sflag:s10], $0x4000  }
0x13f: {  	[sflag:s10] =	ssyncset.done $0x0  }
0x140: {  	s0 =	rddreg [dreg:$0x1e];
	[sflag:s10] =	ssyncadd.s32 $0xFFFFC000  }
0x141: {  	[hbm4b:s0+s2] =	stream.linear.scatter [tilespmem:s4], [sflag:$0x4], $0x4000, $0x38;
	[tilespmem:$0x9400] =	vst v63  }
0x142: {  	_ =	swait.ge [sflag:s8], $0x4000  }
0x143: {  	[sflag:s8] =	ssyncset.done $0x0  }
0x144: {  	[sflag:s8] =	ssyncadd.s32 $0xFFFFC000  }
0x145: {  	[tilespmem:s4], [sflag:$0x2] =	stream.indirect.gather [hbm4b:s3+s7], $0x80, s21, s7, $0xb8;
	[tilespmem:$0x9400] =	vst v63  }
0x146: {  	_ =	swait.ge [sflag:s9], $0x4000  }
0x147: {  	[sflag:s9] =	ssyncset.done $0x0  }
0x148: {  	s0 =	rddreg [dreg:$0x1f];
	[sflag:s9] =	ssyncadd.s32 $0xFFFFC000  }
0x149: {  	[hbm4b:s0+s2] =	stream.linear.scatter [tilespmem:s5], [sflag:$0x3], $0x4000, $0x38;
	[tilespmem:$0x9400] =	vst v63  }
0x14a: {  	_ =	swait.ge [sflag:s6], $0x4000  }
0x14b: {  	[sflag:s6] =	ssyncset.done $0x0  }
0x14c: {  	[sflag:s6] =	ssyncadd.s32 $0xFFFFC000  }
0x14d: {  	[tilespmem:s5], [sflag:$0x1] =	stream.indirect.gather [hbm4b:s3+s7], $0x80, s20, s7, $0xb8;
	[tilespmem:$0x9400] =	vst v63  }
0x14e: {  	_ =	swait.ge [sflag:s10], $0x4000  }
0x14f: {  	s0 =	sld [smem:$0x7DF]  }
0x150: {  	[sflag:s10] =	ssyncset.done $0x0  }
0x151: {  	[sflag:s10] =	ssyncadd.s32 $0xFFFFC000  }
0x152: {  	[hbm4b:s0+s2] =	stream.linear.scatter [tilespmem:s4], [sflag:$0x4], $0x4000, $0x38;
	[tilespmem:$0x9400] =	vst v63  }
0x153: {  	_ =	swait.ge [sflag:s8], $0x4000  }
0x154: {  	[sflag:s8] =	ssyncset.done $0x0  }
0x155: {  	[sflag:s8] =	ssyncadd.s32 $0xFFFFC000  }
0x156: {  	[tilespmem:s4], [sflag:$0x2] =	stream.indirect.gather [hbm4b:s3+s7], $0x80, s19, s7, $0xb8;
	[tilespmem:$0x9400] =	vst v63  }
0x157: {  	_ =	swait.ge [sflag:s9], $0x4000  }
0x158: {  	s0 =	sld [smem:$0x7E0]  }
0x159: {  	[sflag:s9] =	ssyncset.done $0x0  }
0x15a: {  	[sflag:s9] =	ssyncadd.s32 $0xFFFFC000  }
0x15b: {  	[hbm4b:s0+s2] =	stream.linear.scatter [tilespmem:s5], [sflag:$0x3], $0x4000, $0x38;
	[tilespmem:$0x9400] =	vst v63  }
0x15c: {  	_ =	swait.ge [sflag:s6], $0x4000  }
0x15d: {  	[sflag:s6] =	ssyncset.done $0x0  }
0x15e: {  	[sflag:s6] =	ssyncadd.s32 $0xFFFFC000  }
0x15f: {  	[tilespmem:s5], [sflag:$0x1] =	stream.indirect.gather [hbm4b:s3+s7], $0x80, s18, s7, $0xb8;
	[tilespmem:$0x9400] =	vst v63  }
0x160: {  	_ =	swait.ge [sflag:s10], $0x4000  }
0x161: {  	s0 =	sld [smem:$0x7E1]  }
0x162: {  	[sflag:s10] =	ssyncset.done $0x0  }
0x163: {  	[sflag:s10] =	ssyncadd.s32 $0xFFFFC000  }
0x164: {  	[hbm4b:s0+s2] =	stream.linear.scatter [tilespmem:s4], [sflag:$0x4], $0x4000, $0x38;
	[tilespmem:$0x9400] =	vst v63  }
0x165: {  	_ =	swait.ge [sflag:s8], $0x4000  }
0x166: {  	[sflag:s8] =	ssyncset.done $0x0  }
0x167: {  	[sflag:s8] =	ssyncadd.s32 $0xFFFFC000  }
0x168: {  	[tilespmem:s4], [sflag:$0x2] =	stream.indirect.gather [hbm4b:s3+s7], $0x80, s17, s7, $0xb8;
	[tilespmem:$0x9400] =	vst v63  }
0x169: {  	_ =	swait.ge [sflag:s9], $0x4000  }
0x16a: {  	s0 =	sld [smem:$0x7E2]  }
0x16b: {  	[sflag:s9] =	ssyncset.done $0x0  }
0x16c: {  	[sflag:s9] =	ssyncadd.s32 $0xFFFFC000  }
0x16d: {  	[hbm4b:s0+s2] =	stream.linear.scatter [tilespmem:s5], [sflag:$0x3], $0x4000, $0x38;
	[tilespmem:$0x9400] =	vst v63  }
0x16e: {  	_ =	swait.ge [sflag:s6], $0x4000  }
0x16f: {  	[sflag:s6] =	ssyncset.done $0x0  }
0x170: {  	[sflag:s6] =	ssyncadd.s32 $0xFFFFC000  }
0x171: {  	[tilespmem:s5], [sflag:$0x1] =	stream.indirect.gather [hbm4b:s3+s7], $0x80, s16, s7, $0xb8;
	[tilespmem:$0x9400] =	vst v63  }
0x172: {  	_ =	swait.ge [sflag:s10], $0x4000  }
0x173: {  	s0 =	sld [smem:$0x7E3]  }
0x174: {  	[sflag:s10] =	ssyncset.done $0x0  }
0x175: {  	[sflag:s10] =	ssyncadd.s32 $0xFFFFC000  }
0x176: {  	[hbm4b:s0+s2] =	stream.linear.scatter [tilespmem:s4], [sflag:$0x4], $0x4000, $0x38;
	[tilespmem:$0x9400] =	vst v63  }
0x177: {  	_ =	swait.ge [sflag:s8], $0x4000  }
0x178: {  	[sflag:s8] =	ssyncset.done $0x0  }
0x179: {  	[sflag:s8] =	ssyncadd.s32 $0xFFFFC000  }
0x17a: {  	[tilespmem:s4], [sflag:$0x2] =	stream.indirect.gather [hbm4b:s3+s7], $0x80, s15, s7, $0xb8;
	[tilespmem:$0x9400] =	vst v63  }
0x17b: {  	_ =	swait.ge [sflag:s9], $0x4000  }
0x17c: {  	s0 =	sld [smem:$0x7E4]  }
0x17d: {  	[sflag:s9] =	ssyncset.done $0x0  }
0x17e: {  	[sflag:s9] =	ssyncadd.s32 $0xFFFFC000  }
0x17f: {  	[hbm4b:s0+s2] =	stream.linear.scatter [tilespmem:s5], [sflag:$0x3], $0x4000, $0x38;
	[tilespmem:$0x9400] =	vst v63  }
0x180: {  	_ =	swait.ge [sflag:s6], $0x4000  }
0x181: {  	[sflag:s6] =	ssyncset.done $0x0  }
0x182: {  	[sflag:s6] =	ssyncadd.s32 $0xFFFFC000  }
0x183: {  	[tilespmem:s5], [sflag:$0x1] =	stream.indirect.gather [hbm4b:s3+s7], $0x80, s14, s7, $0xb8;
	[tilespmem:$0x9400] =	vst v63  }
0x184: {  	_ =	swait.ge [sflag:s10], $0x4000  }
0x185: {  	s0 =	sld [smem:$0x7E5]  }
0x186: {  	[sflag:s10] =	ssyncset.done $0x0  }
0x187: {  	[sflag:s10] =	ssyncadd.s32 $0xFFFFC000  }
0x188: {  	[hbm4b:s0+s2] =	stream.linear.scatter [tilespmem:s4], [sflag:$0x4], $0x4000, $0x38;
	[tilespmem:$0x9400] =	vst v63  }
0x189: {  	_ =	swait.ge [sflag:s8], $0x4000  }
0x18a: {  	[sflag:s8] =	ssyncset.done $0x0  }
0x18b: {  	[sflag:s8] =	ssyncadd.s32 $0xFFFFC000  }
0x18c: {  	[tilespmem:s4], [sflag:$0x2] =	stream.indirect.gather [hbm4b:s3+s7], $0x80, s13, s7, $0xb8;
	[tilespmem:$0x9400] =	vst v63  }
0x18d: {  	_ =	swait.ge [sflag:s9], $0x4000  }
0x18e: {  	s0 =	sld [smem:$0x7E6]  }
0x18f: {  	[sflag:s9] =	ssyncset.done $0x0  }
0x190: {  	[sflag:s9] =	ssyncadd.s32 $0xFFFFC000  }
0x191: {  	[hbm4b:s0+s2] =	stream.linear.scatter [tilespmem:s5], [sflag:$0x3], $0x4000, $0x38;
	[tilespmem:$0x9400] =	vst v63  }
0x192: {  	_ =	swait.ge [sflag:s6], $0x4000  }
0x193: {  	[sflag:s6] =	ssyncset.done $0x0  }
0x194: {  	[sflag:s6] =	ssyncadd.s32 $0xFFFFC000  }
0x195: {  	[tilespmem:s5], [sflag:$0x1] =	stream.indirect.gather [hbm4b:s3+s7], $0x80, s12, s7, $0xb8;
	[tilespmem:$0x9400] =	vst v63  }
0x196: {  	_ =	swait.ge [sflag:s10], $0x4000  }
0x197: {  	s0 =	sld [smem:$0x7E7]  }
0x198: {  	[sflag:s10] =	ssyncset.done $0x0  }
0x199: {  	[sflag:s10] =	ssyncadd.s32 $0xFFFFC000  }
0x19a: {  	[hbm4b:s0+s2] =	stream.linear.scatter [tilespmem:s4], [sflag:$0x4], $0x4000, $0x38;
	[tilespmem:$0x9400] =	vst v63  }
0x19b: {  	_ =	swait.ge [sflag:s8], $0x4000  }
0x19c: {  	[sflag:s8] =	ssyncset.done $0x0  }
0x19d: {  	[sflag:s8] =	ssyncadd.s32 $0xFFFFC000  }
0x19e: {  	[tilespmem:s4], [sflag:$0x2] =	stream.indirect.gather [hbm4b:s3+s7], $0x80, s11, s7, $0xb8;
	[tilespmem:$0x9400] =	vst v63  }
0x19f: {  	_ =	swait.ge [sflag:s9], $0x4000  }
0x1a0: {  	s0 =	sld [smem:$0x7E8]  }
0x1a1: {  	[sflag:s9] =	ssyncset.done $0x0  }
0x1a2: {  	[sflag:s9] =	ssyncadd.s32 $0xFFFFC000  }
0x1a3: {  	[hbm4b:s0+s2] =	stream.linear.scatter [tilespmem:s5], [sflag:$0x3], $0x4000, $0x38;
	[tilespmem:$0x9400] =	vst v63  }
0x1a4: {  	_ =	swait.ge [sflag:s10], $0x4000  }
0x1a5: {  	s0 =	sld [smem:$0x7E9]  }
0x1a6: {  	[sflag:s10] =	ssyncset.done $0x0  }
0x1a7: {  	p1 =	sne.s32 s1, $0x1;
	[sflag:s10] =	ssyncadd.s32 $0xFFFFC000  }
0x1a8: {  	[hbm4b:s0+s2] =	stream.linear.scatter [tilespmem:s4], [sflag:$0x4], $0x4000, $0x38;
	[tilespmem:$0x9400] =	vst v63  }
.Ltmp1:
0x1a9: {  	_ =	swait.ge [sflag:s6], $0x4000;
	(pc) =	sbr.rel @!p1 .LBB2_3-.Ltmp1, $4  }
0x1aa: {  	[sflag:s6] =	ssyncset.done $0x0  }
0x1ab: {  	[sflag:s6] =	ssyncadd.s32 $0xFFFFC000  }
0x1ac: {  	s1 =	sadd.s32 $0xFFFFFFFF, s1;
	_ =	swait.ge [sflag:s8], $0x4000  }
0x1ad: {  	p0 =	por $0x1, $0x1;
	s0 =	rddreg [dreg:$0x3];
	[sflag:s8] =	ssyncset.done $0x0  }
.LBB2_2:
0x1ae: {  	[sflag:s8] =	ssyncadd.s32 $0xFFFFC000  }
0x1af: {  	[tilespmem:s2], [sflag:$0x5] =	stream.linear.gather [hbm4b:s0+s2], $0x1400, $0x38;
	[tilespmem:$0x9400] =	vst v63  }
0x1b0: {  	_ =	swait.ge [sflag:s31], $0x1400  }
0x1b1: {  	[sflag:s31] =	ssyncset.done $0x0  }
0x1b2: {  	[sflag:s31] =	ssyncadd.s32 $0xFFFFEC00  }
0x1b3: {  	[tilespmem:s5], [sflag:$0x1] =	stream.indirect.gather [hbm4b:s3+s7], $0x80, s2, s7, $0xb8;
	[tilespmem:$0x9400] =	vst v63  }
0x1b4: {  	_ = 	snop  }
0x1b5: {  	[tilespmem:s4], [sflag:$0x2] =	stream.indirect.gather [hbm4b:s3+s7], $0x80, s7, s7, $0xb8;
	[tilespmem:$0x9400] =	vst v63  }
0x1b6: {  	_ =	swait.ge [sflag:s9], $0x4000  }
0x1b7: {  	[sflag:s9] =	ssyncset.done $0x0  }
0x1b8: {  	[sflag:s9] =	ssyncadd.s32 $0xFFFFC000  }
0x1b9: {  	[hbm4b:s30+s2] =	stream.linear.scatter [tilespmem:s5], [sflag:$0x3], $0x4000, $0x38;
	[tilespmem:$0x9400] =	vst v63  }
0x1ba: {  	_ =	swait.ge [sflag:s6], $0x4000  }
0x1bb: {  	s0 =	sld [smem:$0x7EA]  }
0x1bc: {  	[sflag:s6] =	ssyncset.done $0x0  }
0x1bd: {  	[sflag:s6] =	ssyncadd.s32 $0xFFFFC000  }
0x1be: {  	[tilespmem:s5], [sflag:$0x1] =	stream.indirect.gather [hbm4b:s3+s7], $0x80, s0, s7, $0xb8;
	[tilespmem:$0x9400] =	vst v63  }
0x1bf: {  	_ =	swait.ge [sflag:s10], $0x4000  }
0x1c0: {  	[sflag:s10] =	ssyncset.done $0x0  }
0x1c1: {  	s0 =	rddreg [dreg:$0x4];
	[sflag:s10] =	ssyncadd.s32 $0xFFFFC000  }
0x1c2: {  	[hbm4b:s0+s2] =	stream.linear.scatter [tilespmem:s4], [sflag:$0x4], $0x4000, $0x38;
	[tilespmem:$0x9400] =	vst v63  }
0x1c3: {  	_ =	swait.ge [sflag:s8], $0x4000  }
0x1c4: {  	s0 =	sld [smem:$0x7EB]  }
0x1c5: {  	[sflag:s8] =	ssyncset.done $0x0  }
0x1c6: {  	[sflag:s8] =	ssyncadd.s32 $0xFFFFC000  }
0x1c7: {  	[tilespmem:s4], [sflag:$0x2] =	stream.indirect.gather [hbm4b:s3+s7], $0x80, s0, s7, $0xb8;
	[tilespmem:$0x9400] =	vst v63  }
0x1c8: {  	_ =	swait.ge [sflag:s9], $0x4000  }
0x1c9: {  	[sflag:s9] =	ssyncset.done $0x0  }
0x1ca: {  	s0 =	rddreg [dreg:$0x5];
	[sflag:s9] =	ssyncadd.s32 $0xFFFFC000  }
0x1cb: {  	[hbm4b:s0+s2] =	stream.linear.scatter [tilespmem:s5], [sflag:$0x3], $0x4000, $0x38;
	[tilespmem:$0x9400] =	vst v63  }
0x1cc: {  	_ =	swait.ge [sflag:s6], $0x4000  }
0x1cd: {  	s0 =	sld [smem:$0x7EC]  }
0x1ce: {  	[sflag:s6] =	ssyncset.done $0x0  }
0x1cf: {  	[sflag:s6] =	ssyncadd.s32 $0xFFFFC000  }
0x1d0: {  	[tilespmem:s5], [sflag:$0x1] =	stream.indirect.gather [hbm4b:s3+s7], $0x80, s0, s7, $0xb8;
	[tilespmem:$0x9400] =	vst v63  }
0x1d1: {  	_ =	swait.ge [sflag:s10], $0x4000  }
0x1d2: {  	[sflag:s10] =	ssyncset.done $0x0  }
0x1d3: {  	s0 =	rddreg [dreg:$0x6];
	[sflag:s10] =	ssyncadd.s32 $0xFFFFC000  }
0x1d4: {  	[hbm4b:s0+s2] =	stream.linear.scatter [tilespmem:s4], [sflag:$0x4], $0x4000, $0x38;
	[tilespmem:$0x9400] =	vst v63  }
0x1d5: {  	_ =	swait.ge [sflag:s8], $0x4000  }
0x1d6: {  	s0 =	sld [smem:$0x7ED]  }
0x1d7: {  	[sflag:s8] =	ssyncset.done $0x0  }
0x1d8: {  	[sflag:s8] =	ssyncadd.s32 $0xFFFFC000  }
0x1d9: {  	[tilespmem:s4], [sflag:$0x2] =	stream.indirect.gather [hbm4b:s3+s7], $0x80, s0, s7, $0xb8;
	[tilespmem:$0x9400] =	vst v63  }
0x1da: {  	_ =	swait.ge [sflag:s9], $0x4000  }
0x1db: {  	[sflag:s9] =	ssyncset.done $0x0  }
0x1dc: {  	s0 =	rddreg [dreg:$0x7];
	[sflag:s9] =	ssyncadd.s32 $0xFFFFC000  }
0x1dd: {  	[hbm4b:s0+s2] =	stream.linear.scatter [tilespmem:s5], [sflag:$0x3], $0x4000, $0x38;
	[tilespmem:$0x9400] =	vst v63  }
0x1de: {  	_ =	swait.ge [sflag:s6], $0x4000  }
0x1df: {  	s0 =	sld [smem:$0x7EE]  }
0x1e0: {  	[sflag:s6] =	ssyncset.done $0x0  }
0x1e1: {  	[sflag:s6] =	ssyncadd.s32 $0xFFFFC000  }
0x1e2: {  	[tilespmem:s5], [sflag:$0x1] =	stream.indirect.gather [hbm4b:s3+s7], $0x80, s0, s7, $0xb8;
	[tilespmem:$0x9400] =	vst v63  }
0x1e3: {  	_ =	swait.ge [sflag:s10], $0x4000  }
0x1e4: {  	[sflag:s10] =	ssyncset.done $0x0  }
0x1e5: {  	s0 =	rddreg [dreg:$0x8];
	[sflag:s10] =	ssyncadd.s32 $0xFFFFC000  }
0x1e6: {  	[hbm4b:s0+s2] =	stream.linear.scatter [tilespmem:s4], [sflag:$0x4], $0x4000, $0x38;
	[tilespmem:$0x9400] =	vst v63  }
0x1e7: {  	_ =	swait.ge [sflag:s8], $0x4000  }
0x1e8: {  	s0 =	sld [smem:$0x7EF]  }
0x1e9: {  	[sflag:s8] =	ssyncset.done $0x0  }
0x1ea: {  	[sflag:s8] =	ssyncadd.s32 $0xFFFFC000  }
0x1eb: {  	[tilespmem:s4], [sflag:$0x2] =	stream.indirect.gather [hbm4b:s3+s7], $0x80, s0, s7, $0xb8;
	[tilespmem:$0x9400] =	vst v63  }
0x1ec: {  	_ =	swait.ge [sflag:s9], $0x4000  }
0x1ed: {  	[sflag:s9] =	ssyncset.done $0x0  }
0x1ee: {  	s0 =	rddreg [dreg:$0x9];
	[sflag:s9] =	ssyncadd.s32 $0xFFFFC000  }
0x1ef: {  	[hbm4b:s0+s2] =	stream.linear.scatter [tilespmem:s5], [sflag:$0x3], $0x4000, $0x38;
	[tilespmem:$0x9400] =	vst v63  }
0x1f0: {  	_ =	swait.ge [sflag:s6], $0x4000  }
0x1f1: {  	s0 =	sld [smem:$0x7F0]  }
0x1f2: {  	[sflag:s6] =	ssyncset.done $0x0  }
0x1f3: {  	[sflag:s6] =	ssyncadd.s32 $0xFFFFC000  }
0x1f4: {  	[tilespmem:s5], [sflag:$0x1] =	stream.indirect.gather [hbm4b:s3+s7], $0x80, s0, s7, $0xb8;
	[tilespmem:$0x9400] =	vst v63  }
0x1f5: {  	_ =	swait.ge [sflag:s10], $0x4000  }
0x1f6: {  	[sflag:s10] =	ssyncset.done $0x0  }
0x1f7: {  	s0 =	rddreg [dreg:$0xa];
	[sflag:s10] =	ssyncadd.s32 $0xFFFFC000  }
0x1f8: {  	[hbm4b:s0+s2] =	stream.linear.scatter [tilespmem:s4], [sflag:$0x4], $0x4000, $0x38;
	[tilespmem:$0x9400] =	vst v63  }
0x1f9: {  	_ =	swait.ge [sflag:s8], $0x4000  }
0x1fa: {  	s0 =	sld [smem:$0x7F1]  }
0x1fb: {  	[sflag:s8] =	ssyncset.done $0x0  }
0x1fc: {  	[sflag:s8] =	ssyncadd.s32 $0xFFFFC000  }
0x1fd: {  	[tilespmem:s4], [sflag:$0x2] =	stream.indirect.gather [hbm4b:s3+s7], $0x80, s0, s7, $0xb8;
	[tilespmem:$0x9400] =	vst v63  }
0x1fe: {  	_ =	swait.ge [sflag:s9], $0x4000  }
0x1ff: {  	[sflag:s9] =	ssyncset.done $0x0  }
0x200: {  	s0 =	rddreg [dreg:$0xb];
	[sflag:s9] =	ssyncadd.s32 $0xFFFFC000  }
0x201: {  	[hbm4b:s0+s2] =	stream.linear.scatter [tilespmem:s5], [sflag:$0x3], $0x4000, $0x38;
	[tilespmem:$0x9400] =	vst v63  }
0x202: {  	_ =	swait.ge [sflag:s6], $0x4000  }
0x203: {  	s0 =	sld [smem:$0x7F2]  }
0x204: {  	[sflag:s6] =	ssyncset.done $0x0  }
0x205: {  	[sflag:s6] =	ssyncadd.s32 $0xFFFFC000  }
0x206: {  	[tilespmem:s5], [sflag:$0x1] =	stream.indirect.gather [hbm4b:s3+s7], $0x80, s0, s7, $0xb8;
	[tilespmem:$0x9400] =	vst v63  }
0x207: {  	_ =	swait.ge [sflag:s10], $0x4000  }
0x208: {  	[sflag:s10] =	ssyncset.done $0x0  }
0x209: {  	s0 =	rddreg [dreg:$0xc];
	[sflag:s10] =	ssyncadd.s32 $0xFFFFC000  }
0x20a: {  	[hbm4b:s0+s2] =	stream.linear.scatter [tilespmem:s4], [sflag:$0x4], $0x4000, $0x38;
	[tilespmem:$0x9400] =	vst v63  }
0x20b: {  	_ =	swait.ge [sflag:s8], $0x4000  }
0x20c: {  	s0 =	sld [smem:$0x7F3]  }
0x20d: {  	[sflag:s8] =	ssyncset.done $0x0  }
0x20e: {  	[sflag:s8] =	ssyncadd.s32 $0xFFFFC000  }
0x20f: {  	[tilespmem:s4], [sflag:$0x2] =	stream.indirect.gather [hbm4b:s3+s7], $0x80, s0, s7, $0xb8;
	[tilespmem:$0x9400] =	vst v63  }
0x210: {  	_ =	swait.ge [sflag:s9], $0x4000  }
0x211: {  	[sflag:s9] =	ssyncset.done $0x0  }
0x212: {  	s0 =	rddreg [dreg:$0xd];
	[sflag:s9] =	ssyncadd.s32 $0xFFFFC000  }
0x213: {  	[hbm4b:s0+s2] =	stream.linear.scatter [tilespmem:s5], [sflag:$0x3], $0x4000, $0x38;
	[tilespmem:$0x9400] =	vst v63  }
0x214: {  	_ =	swait.ge [sflag:s6], $0x4000  }
0x215: {  	s0 =	sld [smem:$0x7F4]  }
0x216: {  	[sflag:s6] =	ssyncset.done $0x0  }
0x217: {  	[sflag:s6] =	ssyncadd.s32 $0xFFFFC000  }
0x218: {  	[tilespmem:s5], [sflag:$0x1] =	stream.indirect.gather [hbm4b:s3+s7], $0x80, s0, s7, $0xb8;
	[tilespmem:$0x9400] =	vst v63  }
0x219: {  	_ =	swait.ge [sflag:s10], $0x4000  }
0x21a: {  	[sflag:s10] =	ssyncset.done $0x0  }
0x21b: {  	s0 =	rddreg [dreg:$0xe];
	[sflag:s10] =	ssyncadd.s32 $0xFFFFC000  }
0x21c: {  	[hbm4b:s0+s2] =	stream.linear.scatter [tilespmem:s4], [sflag:$0x4], $0x4000, $0x38;
	[tilespmem:$0x9400] =	vst v63  }
0x21d: {  	_ =	swait.ge [sflag:s8], $0x4000  }
0x21e: {  	s0 =	sld [smem:$0x7F5]  }
0x21f: {  	[sflag:s8] =	ssyncset.done $0x0  }
0x220: {  	[sflag:s8] =	ssyncadd.s32 $0xFFFFC000  }
0x221: {  	[tilespmem:s4], [sflag:$0x2] =	stream.indirect.gather [hbm4b:s3+s7], $0x80, s0, s7, $0xb8;
	[tilespmem:$0x9400] =	vst v63  }
0x222: {  	_ =	swait.ge [sflag:s9], $0x4000  }
0x223: {  	[sflag:s9] =	ssyncset.done $0x0  }
0x224: {  	s0 =	rddreg [dreg:$0xf];
	[sflag:s9] =	ssyncadd.s32 $0xFFFFC000  }
0x225: {  	[hbm4b:s0+s2] =	stream.linear.scatter [tilespmem:s5], [sflag:$0x3], $0x4000, $0x38;
	[tilespmem:$0x9400] =	vst v63  }
0x226: {  	_ =	swait.ge [sflag:s6], $0x4000  }
0x227: {  	s0 =	sld [smem:$0x7F6]  }
0x228: {  	[sflag:s6] =	ssyncset.done $0x0  }
0x229: {  	[sflag:s6] =	ssyncadd.s32 $0xFFFFC000  }
0x22a: {  	[tilespmem:s5], [sflag:$0x1] =	stream.indirect.gather [hbm4b:s3+s7], $0x80, s0, s7, $0xb8;
	[tilespmem:$0x9400] =	vst v63  }
0x22b: {  	_ =	swait.ge [sflag:s10], $0x4000  }
0x22c: {  	[sflag:s10] =	ssyncset.done $0x0  }
0x22d: {  	s0 =	rddreg [dreg:$0x10];
	[sflag:s10] =	ssyncadd.s32 $0xFFFFC000  }
0x22e: {  	[hbm4b:s0+s2] =	stream.linear.scatter [tilespmem:s4], [sflag:$0x4], $0x4000, $0x38;
	[tilespmem:$0x9400] =	vst v63  }
0x22f: {  	_ =	swait.ge [sflag:s8], $0x4000  }
0x230: {  	s0 =	sld [smem:$0x7F7]  }
0x231: {  	[sflag:s8] =	ssyncset.done $0x0  }
0x232: {  	[sflag:s8] =	ssyncadd.s32 $0xFFFFC000  }
0x233: {  	[tilespmem:s4], [sflag:$0x2] =	stream.indirect.gather [hbm4b:s3+s7], $0x80, s0, s7, $0xb8;
	[tilespmem:$0x9400] =	vst v63  }
0x234: {  	_ =	swait.ge [sflag:s9], $0x4000  }
0x235: {  	[sflag:s9] =	ssyncset.done $0x0  }
0x236: {  	s0 =	rddreg [dreg:$0x11];
	[sflag:s9] =	ssyncadd.s32 $0xFFFFC000  }
0x237: {  	[hbm4b:s0+s2] =	stream.linear.scatter [tilespmem:s5], [sflag:$0x3], $0x4000, $0x38;
	[tilespmem:$0x9400] =	vst v63  }
0x238: {  	_ =	swait.ge [sflag:s6], $0x4000  }
0x239: {  	s0 =	sld [smem:$0x7F8]  }
0x23a: {  	[sflag:s6] =	ssyncset.done $0x0  }
0x23b: {  	[sflag:s6] =	ssyncadd.s32 $0xFFFFC000  }
0x23c: {  	[tilespmem:s5], [sflag:$0x1] =	stream.indirect.gather [hbm4b:s3+s7], $0x80, s0, s7, $0xb8;
	[tilespmem:$0x9400] =	vst v63  }
0x23d: {  	_ =	swait.ge [sflag:s10], $0x4000  }
0x23e: {  	[sflag:s10] =	ssyncset.done $0x0  }
0x23f: {  	s0 =	rddreg [dreg:$0x12];
	[sflag:s10] =	ssyncadd.s32 $0xFFFFC000  }
0x240: {  	[hbm4b:s0+s2] =	stream.linear.scatter [tilespmem:s4], [sflag:$0x4], $0x4000, $0x38;
	[tilespmem:$0x9400] =	vst v63  }
0x241: {  	_ =	swait.ge [sflag:s8], $0x4000  }
0x242: {  	s0 =	sld [smem:$0x7F9]  }
0x243: {  	[sflag:s8] =	ssyncset.done $0x0  }
0x244: {  	[sflag:s8] =	ssyncadd.s32 $0xFFFFC000  }
0x245: {  	[tilespmem:s4], [sflag:$0x2] =	stream.indirect.gather [hbm4b:s3+s7], $0x80, s0, s7, $0xb8;
	[tilespmem:$0x9400] =	vst v63  }
0x246: {  	_ =	swait.ge [sflag:s9], $0x4000  }
0x247: {  	[sflag:s9] =	ssyncset.done $0x0  }
0x248: {  	s0 =	rddreg [dreg:$0x13];
	[sflag:s9] =	ssyncadd.s32 $0xFFFFC000  }
0x249: {  	[hbm4b:s0+s2] =	stream.linear.scatter [tilespmem:s5], [sflag:$0x3], $0x4000, $0x38;
	[tilespmem:$0x9400] =	vst v63  }
0x24a: {  	_ =	swait.ge [sflag:s6], $0x4000  }
0x24b: {  	s0 =	sld [smem:$0x7FA]  }
0x24c: {  	[sflag:s6] =	ssyncset.done $0x0  }
0x24d: {  	[sflag:s6] =	ssyncadd.s32 $0xFFFFC000  }
0x24e: {  	[tilespmem:s5], [sflag:$0x1] =	stream.indirect.gather [hbm4b:s3+s7], $0x80, s0, s7, $0xb8;
	[tilespmem:$0x9400] =	vst v63  }
0x24f: {  	_ =	swait.ge [sflag:s10], $0x4000  }
0x250: {  	[sflag:s10] =	ssyncset.done $0x0  }
0x251: {  	s0 =	rddreg [dreg:$0x14];
	[sflag:s10] =	ssyncadd.s32 $0xFFFFC000  }
0x252: {  	[hbm4b:s0+s2] =	stream.linear.scatter [tilespmem:s4], [sflag:$0x4], $0x4000, $0x38;
	[tilespmem:$0x9400] =	vst v63  }
0x253: {  	_ =	swait.ge [sflag:s8], $0x4000  }
0x254: {  	s0 =	sld [smem:$0x7FB]  }
0x255: {  	[sflag:s8] =	ssyncset.done $0x0  }
0x256: {  	[sflag:s8] =	ssyncadd.s32 $0xFFFFC000  }
0x257: {  	[tilespmem:s4], [sflag:$0x2] =	stream.indirect.gather [hbm4b:s3+s7], $0x80, s0, s7, $0xb8;
	[tilespmem:$0x9400] =	vst v63  }
0x258: {  	_ =	swait.ge [sflag:s9], $0x4000  }
0x259: {  	[sflag:s9] =	ssyncset.done $0x0  }
0x25a: {  	s0 =	rddreg [dreg:$0x15];
	[sflag:s9] =	ssyncadd.s32 $0xFFFFC000  }
0x25b: {  	[hbm4b:s0+s2] =	stream.linear.scatter [tilespmem:s5], [sflag:$0x3], $0x4000, $0x38;
	[tilespmem:$0x9400] =	vst v63  }
0x25c: {  	_ =	swait.ge [sflag:s6], $0x4000  }
0x25d: {  	s0 =	sld [smem:$0x7FC]  }
0x25e: {  	[sflag:s6] =	ssyncset.done $0x0  }
0x25f: {  	[sflag:s6] =	ssyncadd.s32 $0xFFFFC000  }
0x260: {  	[tilespmem:s5], [sflag:$0x1] =	stream.indirect.gather [hbm4b:s3+s7], $0x80, s0, s7, $0xb8;
	[tilespmem:$0x9400] =	vst v63  }
0x261: {  	_ =	swait.ge [sflag:s10], $0x4000  }
0x262: {  	[sflag:s10] =	ssyncset.done $0x0  }
0x263: {  	s0 =	rddreg [dreg:$0x16];
	[sflag:s10] =	ssyncadd.s32 $0xFFFFC000  }
0x264: {  	[hbm4b:s0+s2] =	stream.linear.scatter [tilespmem:s4], [sflag:$0x4], $0x4000, $0x38;
	[tilespmem:$0x9400] =	vst v63  }
0x265: {  	_ =	swait.ge [sflag:s8], $0x4000  }
0x266: {  	s0 =	sld [smem:$0x7FD]  }
0x267: {  	[sflag:s8] =	ssyncset.done $0x0  }
0x268: {  	[sflag:s8] =	ssyncadd.s32 $0xFFFFC000  }
0x269: {  	[tilespmem:s4], [sflag:$0x2] =	stream.indirect.gather [hbm4b:s3+s7], $0x80, s0, s7, $0xb8;
	[tilespmem:$0x9400] =	vst v63  }
0x26a: {  	_ =	swait.ge [sflag:s9], $0x4000  }
0x26b: {  	[sflag:s9] =	ssyncset.done $0x0  }
0x26c: {  	s0 =	rddreg [dreg:$0x17];
	[sflag:s9] =	ssyncadd.s32 $0xFFFFC000  }
0x26d: {  	[hbm4b:s0+s2] =	stream.linear.scatter [tilespmem:s5], [sflag:$0x3], $0x4000, $0x38;
	[tilespmem:$0x9400] =	vst v63  }
0x26e: {  	_ =	swait.ge [sflag:s6], $0x4000  }
0x26f: {  	[sflag:s6] =	ssyncset.done $0x0  }
0x270: {  	[sflag:s6] =	ssyncadd.s32 $0xFFFFC000  }
0x271: {  	[tilespmem:s5], [sflag:$0x1] =	stream.indirect.gather [hbm4b:s3+s7], $0x80, s29, s7, $0xb8;
	[tilespmem:$0x9400] =	vst v63  }
0x272: {  	_ =	swait.ge [sflag:s10], $0x4000  }
0x273: {  	[sflag:s10] =	ssyncset.done $0x0  }
0x274: {  	s0 =	rddreg [dreg:$0x18];
	[sflag:s10] =	ssyncadd.s32 $0xFFFFC000  }
0x275: {  	[hbm4b:s0+s2] =	stream.linear.scatter [tilespmem:s4], [sflag:$0x4], $0x4000, $0x38;
	[tilespmem:$0x9400] =	vst v63  }
0x276: {  	_ =	swait.ge [sflag:s8], $0x4000  }
0x277: {  	[sflag:s8] =	ssyncset.done $0x0  }
0x278: {  	[sflag:s8] =	ssyncadd.s32 $0xFFFFC000  }
0x279: {  	[tilespmem:s4], [sflag:$0x2] =	stream.indirect.gather [hbm4b:s3+s7], $0x80, s28, s7, $0xb8;
	[tilespmem:$0x9400] =	vst v63  }
0x27a: {  	_ =	swait.ge [sflag:s9], $0x4000  }
0x27b: {  	[sflag:s9] =	ssyncset.done $0x0  }
0x27c: {  	s0 =	rddreg [dreg:$0x19];
	[sflag:s9] =	ssyncadd.s32 $0xFFFFC000  }
0x27d: {  	[hbm4b:s0+s2] =	stream.linear.scatter [tilespmem:s5], [sflag:$0x3], $0x4000, $0x38;
	[tilespmem:$0x9400] =	vst v63  }
0x27e: {  	_ =	swait.ge [sflag:s6], $0x4000  }
0x27f: {  	[sflag:s6] =	ssyncset.done $0x0  }
0x280: {  	[sflag:s6] =	ssyncadd.s32 $0xFFFFC000  }
0x281: {  	[tilespmem:s5], [sflag:$0x1] =	stream.indirect.gather [hbm4b:s3+s7], $0x80, s26, s7, $0xb8;
	[tilespmem:$0x9400] =	vst v63  }
0x282: {  	_ =	swait.ge [sflag:s10], $0x4000  }
0x283: {  	[sflag:s10] =	ssyncset.done $0x0  }
0x284: {  	s0 =	rddreg [dreg:$0x1a];
	[sflag:s10] =	ssyncadd.s32 $0xFFFFC000  }
0x285: {  	[hbm4b:s0+s2] =	stream.linear.scatter [tilespmem:s4], [sflag:$0x4], $0x4000, $0x38;
	[tilespmem:$0x9400] =	vst v63  }
0x286: {  	_ =	swait.ge [sflag:s8], $0x4000  }
0x287: {  	[sflag:s8] =	ssyncset.done $0x0  }
0x288: {  	[sflag:s8] =	ssyncadd.s32 $0xFFFFC000  }
0x289: {  	[tilespmem:s4], [sflag:$0x2] =	stream.indirect.gather [hbm4b:s3+s7], $0x80, s25, s7, $0xb8;
	[tilespmem:$0x9400] =	vst v63  }
0x28a: {  	_ =	swait.ge [sflag:s9], $0x4000  }
0x28b: {  	[sflag:s9] =	ssyncset.done $0x0  }
0x28c: {  	s0 =	rddreg [dreg:$0x1b];
	[sflag:s9] =	ssyncadd.s32 $0xFFFFC000  }
0x28d: {  	[hbm4b:s0+s2] =	stream.linear.scatter [tilespmem:s5], [sflag:$0x3], $0x4000, $0x38;
	[tilespmem:$0x9400] =	vst v63  }
0x28e: {  	_ =	swait.ge [sflag:s6], $0x4000  }
0x28f: {  	[sflag:s6] =	ssyncset.done $0x0  }
0x290: {  	[sflag:s6] =	ssyncadd.s32 $0xFFFFC000  }
0x291: {  	[tilespmem:s5], [sflag:$0x1] =	stream.indirect.gather [hbm4b:s3+s7], $0x80, s24, s7, $0xb8;
	[tilespmem:$0x9400] =	vst v63  }
0x292: {  	_ =	swait.ge [sflag:s10], $0x4000  }
0x293: {  	[sflag:s10] =	ssyncset.done $0x0  }
0x294: {  	s0 =	rddreg [dreg:$0x1c];
	[sflag:s10] =	ssyncadd.s32 $0xFFFFC000  }
0x295: {  	[hbm4b:s0+s2] =	stream.linear.scatter [tilespmem:s4], [sflag:$0x4], $0x4000, $0x38;
	[tilespmem:$0x9400] =	vst v63  }
0x296: {  	_ =	swait.ge [sflag:s8], $0x4000  }
0x297: {  	[sflag:s8] =	ssyncset.done $0x0  }
0x298: {  	[sflag:s8] =	ssyncadd.s32 $0xFFFFC000  }
0x299: {  	[tilespmem:s4], [sflag:$0x2] =	stream.indirect.gather [hbm4b:s3+s7], $0x80, s23, s7, $0xb8;
	[tilespmem:$0x9400] =	vst v63  }
0x29a: {  	_ =	swait.ge [sflag:s9], $0x4000  }
0x29b: {  	[sflag:s9] =	ssyncset.done $0x0  }
0x29c: {  	s0 =	rddreg [dreg:$0x1d];
	[sflag:s9] =	ssyncadd.s32 $0xFFFFC000  }
0x29d: {  	[hbm4b:s0+s2] =	stream.linear.scatter [tilespmem:s5], [sflag:$0x3], $0x4000, $0x38;
	[tilespmem:$0x9400] =	vst v63  }
0x29e: {  	_ =	swait.ge [sflag:s6], $0x4000  }
0x29f: {  	[sflag:s6] =	ssyncset.done $0x0  }
0x2a0: {  	[sflag:s6] =	ssyncadd.s32 $0xFFFFC000  }
0x2a1: {  	[tilespmem:s5], [sflag:$0x1] =	stream.indirect.gather [hbm4b:s3+s7], $0x80, s22, s7, $0xb8;
	[tilespmem:$0x9400] =	vst v63  }
0x2a2: {  	_ =	swait.ge [sflag:s10], $0x4000  }
0x2a3: {  	[sflag:s10] =	ssyncset.done $0x0  }
0x2a4: {  	s0 =	rddreg [dreg:$0x1e];
	[sflag:s10] =	ssyncadd.s32 $0xFFFFC000  }
0x2a5: {  	[hbm4b:s0+s2] =	stream.linear.scatter [tilespmem:s4], [sflag:$0x4], $0x4000, $0x38;
	[tilespmem:$0x9400] =	vst v63  }
0x2a6: {  	_ =	swait.ge [sflag:s8], $0x4000  }
0x2a7: {  	[sflag:s8] =	ssyncset.done $0x0  }
0x2a8: {  	[sflag:s8] =	ssyncadd.s32 $0xFFFFC000  }
0x2a9: {  	[tilespmem:s4], [sflag:$0x2] =	stream.indirect.gather [hbm4b:s3+s7], $0x80, s21, s7, $0xb8;
	[tilespmem:$0x9400] =	vst v63  }
0x2aa: {  	_ =	swait.ge [sflag:s9], $0x4000  }
0x2ab: {  	[sflag:s9] =	ssyncset.done $0x0  }
0x2ac: {  	s0 =	rddreg [dreg:$0x1f];
	[sflag:s9] =	ssyncadd.s32 $0xFFFFC000  }
0x2ad: {  	[hbm4b:s0+s2] =	stream.linear.scatter [tilespmem:s5], [sflag:$0x3], $0x4000, $0x38;
	[tilespmem:$0x9400] =	vst v63  }
0x2ae: {  	_ =	swait.ge [sflag:s6], $0x4000  }
0x2af: {  	[sflag:s6] =	ssyncset.done $0x0  }
0x2b0: {  	[sflag:s6] =	ssyncadd.s32 $0xFFFFC000  }
0x2b1: {  	[tilespmem:s5], [sflag:$0x1] =	stream.indirect.gather [hbm4b:s3+s7], $0x80, s20, s7, $0xb8;
	[tilespmem:$0x9400] =	vst v63  }
0x2b2: {  	_ =	swait.ge [sflag:s10], $0x4000  }
0x2b3: {  	s0 =	sld [smem:$0x7DF]  }
0x2b4: {  	[sflag:s10] =	ssyncset.done $0x0  }
0x2b5: {  	[sflag:s10] =	ssyncadd.s32 $0xFFFFC000  }
0x2b6: {  	[hbm4b:s0+s2] =	stream.linear.scatter [tilespmem:s4], [sflag:$0x4], $0x4000, $0x38;
	[tilespmem:$0x9400] =	vst v63  }
0x2b7: {  	_ =	swait.ge [sflag:s8], $0x4000  }
0x2b8: {  	[sflag:s8] =	ssyncset.done $0x0  }
0x2b9: {  	[sflag:s8] =	ssyncadd.s32 $0xFFFFC000  }
0x2ba: {  	[tilespmem:s4], [sflag:$0x2] =	stream.indirect.gather [hbm4b:s3+s7], $0x80, s19, s7, $0xb8;
	[tilespmem:$0x9400] =	vst v63  }
0x2bb: {  	_ =	swait.ge [sflag:s9], $0x4000  }
0x2bc: {  	s0 =	sld [smem:$0x7E0]  }
0x2bd: {  	[sflag:s9] =	ssyncset.done $0x0  }
0x2be: {  	[sflag:s9] =	ssyncadd.s32 $0xFFFFC000  }
0x2bf: {  	[hbm4b:s0+s2] =	stream.linear.scatter [tilespmem:s5], [sflag:$0x3], $0x4000, $0x38;
	[tilespmem:$0x9400] =	vst v63  }
0x2c0: {  	_ =	swait.ge [sflag:s6], $0x4000  }
0x2c1: {  	[sflag:s6] =	ssyncset.done $0x0  }
0x2c2: {  	[sflag:s6] =	ssyncadd.s32 $0xFFFFC000  }
0x2c3: {  	[tilespmem:s5], [sflag:$0x1] =	stream.indirect.gather [hbm4b:s3+s7], $0x80, s18, s7, $0xb8;
	[tilespmem:$0x9400] =	vst v63  }
0x2c4: {  	_ =	swait.ge [sflag:s10], $0x4000  }
0x2c5: {  	s0 =	sld [smem:$0x7E1]  }
0x2c6: {  	[sflag:s10] =	ssyncset.done $0x0  }
0x2c7: {  	[sflag:s10] =	ssyncadd.s32 $0xFFFFC000  }
0x2c8: {  	[hbm4b:s0+s2] =	stream.linear.scatter [tilespmem:s4], [sflag:$0x4], $0x4000, $0x38;
	[tilespmem:$0x9400] =	vst v63  }
0x2c9: {  	_ =	swait.ge [sflag:s8], $0x4000  }
0x2ca: {  	[sflag:s8] =	ssyncset.done $0x0  }
0x2cb: {  	[sflag:s8] =	ssyncadd.s32 $0xFFFFC000  }
0x2cc: {  	[tilespmem:s4], [sflag:$0x2] =	stream.indirect.gather [hbm4b:s3+s7], $0x80, s17, s7, $0xb8;
	[tilespmem:$0x9400] =	vst v63  }
0x2cd: {  	_ =	swait.ge [sflag:s9], $0x4000  }
0x2ce: {  	s0 =	sld [smem:$0x7E2]  }
0x2cf: {  	[sflag:s9] =	ssyncset.done $0x0  }
0x2d0: {  	[sflag:s9] =	ssyncadd.s32 $0xFFFFC000  }
0x2d1: {  	[hbm4b:s0+s2] =	stream.linear.scatter [tilespmem:s5], [sflag:$0x3], $0x4000, $0x38;
	[tilespmem:$0x9400] =	vst v63  }
0x2d2: {  	_ =	swait.ge [sflag:s6], $0x4000  }
0x2d3: {  	[sflag:s6] =	ssyncset.done $0x0  }
0x2d4: {  	[sflag:s6] =	ssyncadd.s32 $0xFFFFC000  }
0x2d5: {  	[tilespmem:s5], [sflag:$0x1] =	stream.indirect.gather [hbm4b:s3+s7], $0x80, s16, s7, $0xb8;
	[tilespmem:$0x9400] =	vst v63  }
0x2d6: {  	_ =	swait.ge [sflag:s10], $0x4000  }
0x2d7: {  	s0 =	sld [smem:$0x7E3]  }
0x2d8: {  	[sflag:s10] =	ssyncset.done $0x0  }
0x2d9: {  	[sflag:s10] =	ssyncadd.s32 $0xFFFFC000  }
0x2da: {  	[hbm4b:s0+s2] =	stream.linear.scatter [tilespmem:s4], [sflag:$0x4], $0x4000, $0x38;
	[tilespmem:$0x9400] =	vst v63  }
0x2db: {  	_ =	swait.ge [sflag:s8], $0x4000  }
0x2dc: {  	[sflag:s8] =	ssyncset.done $0x0  }
0x2dd: {  	[sflag:s8] =	ssyncadd.s32 $0xFFFFC000  }
0x2de: {  	[tilespmem:s4], [sflag:$0x2] =	stream.indirect.gather [hbm4b:s3+s7], $0x80, s15, s7, $0xb8;
	[tilespmem:$0x9400] =	vst v63  }
0x2df: {  	_ =	swait.ge [sflag:s9], $0x4000  }
0x2e0: {  	s0 =	sld [smem:$0x7E4]  }
0x2e1: {  	[sflag:s9] =	ssyncset.done $0x0  }
0x2e2: {  	[sflag:s9] =	ssyncadd.s32 $0xFFFFC000  }
0x2e3: {  	[hbm4b:s0+s2] =	stream.linear.scatter [tilespmem:s5], [sflag:$0x3], $0x4000, $0x38;
	[tilespmem:$0x9400] =	vst v63  }
0x2e4: {  	_ =	swait.ge [sflag:s6], $0x4000  }
0x2e5: {  	[sflag:s6] =	ssyncset.done $0x0  }
0x2e6: {  	[sflag:s6] =	ssyncadd.s32 $0xFFFFC000  }
0x2e7: {  	[tilespmem:s5], [sflag:$0x1] =	stream.indirect.gather [hbm4b:s3+s7], $0x80, s14, s7, $0xb8;
	[tilespmem:$0x9400] =	vst v63  }
0x2e8: {  	_ =	swait.ge [sflag:s10], $0x4000  }
0x2e9: {  	s0 =	sld [smem:$0x7E5]  }
0x2ea: {  	[sflag:s10] =	ssyncset.done $0x0  }
0x2eb: {  	[sflag:s10] =	ssyncadd.s32 $0xFFFFC000  }
0x2ec: {  	[hbm4b:s0+s2] =	stream.linear.scatter [tilespmem:s4], [sflag:$0x4], $0x4000, $0x38;
	[tilespmem:$0x9400] =	vst v63  }
0x2ed: {  	_ =	swait.ge [sflag:s8], $0x4000  }
0x2ee: {  	[sflag:s8] =	ssyncset.done $0x0  }
0x2ef: {  	[sflag:s8] =	ssyncadd.s32 $0xFFFFC000  }
0x2f0: {  	[tilespmem:s4], [sflag:$0x2] =	stream.indirect.gather [hbm4b:s3+s7], $0x80, s13, s7, $0xb8;
	[tilespmem:$0x9400] =	vst v63  }
0x2f1: {  	_ =	swait.ge [sflag:s9], $0x4000  }
0x2f2: {  	s0 =	sld [smem:$0x7E6]  }
0x2f3: {  	[sflag:s9] =	ssyncset.done $0x0  }
0x2f4: {  	[sflag:s9] =	ssyncadd.s32 $0xFFFFC000  }
0x2f5: {  	[hbm4b:s0+s2] =	stream.linear.scatter [tilespmem:s5], [sflag:$0x3], $0x4000, $0x38;
	[tilespmem:$0x9400] =	vst v63  }
0x2f6: {  	_ =	swait.ge [sflag:s6], $0x4000  }
0x2f7: {  	[sflag:s6] =	ssyncset.done $0x0  }
0x2f8: {  	[sflag:s6] =	ssyncadd.s32 $0xFFFFC000  }
0x2f9: {  	[tilespmem:s5], [sflag:$0x1] =	stream.indirect.gather [hbm4b:s3+s7], $0x80, s12, s7, $0xb8;
	[tilespmem:$0x9400] =	vst v63  }
0x2fa: {  	_ =	swait.ge [sflag:s10], $0x4000  }
0x2fb: {  	s0 =	sld [smem:$0x7E7]  }
0x2fc: {  	[sflag:s10] =	ssyncset.done $0x0  }
0x2fd: {  	[sflag:s10] =	ssyncadd.s32 $0xFFFFC000  }
0x2fe: {  	[hbm4b:s0+s2] =	stream.linear.scatter [tilespmem:s4], [sflag:$0x4], $0x4000, $0x38;
	[tilespmem:$0x9400] =	vst v63  }
0x2ff: {  	_ =	swait.ge [sflag:s8], $0x4000  }
0x300: {  	[sflag:s8] =	ssyncset.done $0x0  }
0x301: {  	[sflag:s8] =	ssyncadd.s32 $0xFFFFC000  }
0x302: {  	[tilespmem:s4], [sflag:$0x2] =	stream.indirect.gather [hbm4b:s3+s7], $0x80, s11, s7, $0xb8;
	[tilespmem:$0x9400] =	vst v63  }
0x303: {  	_ =	swait.ge [sflag:s9], $0x4000  }
0x304: {  	s0 =	sld [smem:$0x7E8]  }
0x305: {  	[sflag:s9] =	ssyncset.done $0x0  }
0x306: {  	[sflag:s9] =	ssyncadd.s32 $0xFFFFC000  }
0x307: {  	[hbm4b:s0+s2] =	stream.linear.scatter [tilespmem:s5], [sflag:$0x3], $0x4000, $0x38;
	[tilespmem:$0x9400] =	vst v63  }
0x308: {  	_ =	swait.ge [sflag:s10], $0x4000  }
0x309: {  	s0 =	sld [smem:$0x7E9]  }
0x30a: {  	[sflag:s10] =	ssyncset.done $0x0  }
0x30b: {  	p1 =	sne.s32 s1, $0x1;
	[sflag:s10] =	ssyncadd.s32 $0xFFFFC000  }
0x30c: {  	[hbm4b:s0+s2] =	stream.linear.scatter [tilespmem:s4], [sflag:$0x4], $0x4000, $0x38;
	[tilespmem:$0x9400] =	vst v63  }
.Ltmp2:
0x30d: {  	_ =	swait.ge [sflag:s6], $0x4000;
	(pc) =	sbr.rel @p1 .LBB2_2-.Ltmp2, $4  }
0x30e: {  	[sflag:s6] =	ssyncset.done $0x0  }
0x30f: {  	[sflag:s6] =	ssyncadd.s32 $0xFFFFC000  }
0x310: {  	_ =	swait.ge [sflag:s8], $0x4000  }
0x311: {  	s1 =	sadd.s32 $0xFFFFFFFF, s1;
	s0 =	rddreg [dreg:$0x3];
	[sflag:s8] =	ssyncset.done $0x0  }
.LBB2_3:
0x312: {  	[sflag:s8] =	ssyncadd.s32 @p0 $0xFFFFC000  }
0x313: {  	[tilespmem:s2], [sflag:$0x5] =	stream.linear.gather [hbm4b:s0+s2], $0x1400, $0x38;
	[tilespmem:$0x9400] =	vst v63  }
0x314: {  	_ =	swait.ge [sflag:s31], $0x1400  }
0x315: {  	[sflag:s31] =	ssyncset.done $0x0  }
0x316: {  	[sflag:s31] =	ssyncadd.s32 $0xFFFFEC00  }
0x317: {  	[tilespmem:s5], [sflag:$0x1] =	stream.indirect.gather [hbm4b:s3+s7], $0x80, s2, s7, $0xb8;
	[tilespmem:$0x9400] =	vst v63  }
0x318: {  	_ = 	snop  }
0x319: {  	[tilespmem:s4], [sflag:$0x2] =	stream.indirect.gather [hbm4b:s3+s7], $0x80, s7, s7, $0xb8;
	[tilespmem:$0x9400] =	vst v63  }
0x31a: {  	_ =	swait.ge [sflag:s9], $0x4000  }
0x31b: {  	[sflag:s9] =	ssyncset.done $0x0  }
0x31c: {  	[sflag:s9] =	ssyncadd.s32 $0xFFFFC000  }
0x31d: {  	[hbm4b:s30+s2] =	stream.linear.scatter [tilespmem:s5], [sflag:$0x3], $0x4000, $0x38;
	[tilespmem:$0x9400] =	vst v63  }
0x31e: {  	_ =	swait.ge [sflag:s6], $0x4000  }
0x31f: {  	s1 =	sld [smem:$0x7EA]  }
0x320: {  	[sflag:s6] =	ssyncset.done $0x0  }
0x321: {  	[sflag:s6] =	ssyncadd.s32 $0xFFFFC000  }
0x322: {  	[tilespmem:s5], [sflag:$0x1] =	stream.indirect.gather [hbm4b:s3+s7], $0x80, s1, s7, $0xb8;
	[tilespmem:$0x9400] =	vst v63  }
0x323: {  	_ =	swait.ge [sflag:s10], $0x4000  }
0x324: {  	[sflag:s10] =	ssyncset.done $0x0  }
0x325: {  	s30 =	rddreg [dreg:$0x4];
	[sflag:s10] =	ssyncadd.s32 $0xFFFFC000  }
0x326: {  	[hbm4b:s30+s2] =	stream.linear.scatter [tilespmem:s4], [sflag:$0x4], $0x4000, $0x38;
	[tilespmem:$0x9400] =	vst v63  }
0x327: {  	_ =	swait.ge [sflag:s8], $0x4000  }
0x328: {  	s31 =	sld [smem:$0x7EB]  }
0x329: {  	[sflag:s8] =	ssyncset.done $0x0  }
0x32a: {  	[sflag:s8] =	ssyncadd.s32 $0xFFFFC000  }
0x32b: {  	[tilespmem:s4], [sflag:$0x2] =	stream.indirect.gather [hbm4b:s3+s7], $0x80, s31, s7, $0xb8;
	[tilespmem:$0x9400] =	vst v63  }
0x32c: {  	_ =	swait.ge [sflag:s9], $0x4000  }
0x32d: {  	[sflag:s9] =	ssyncset.done $0x0  }
0x32e: {  	s1 =	rddreg [dreg:$0x5];
	[sflag:s9] =	ssyncadd.s32 $0xFFFFC000  }
0x32f: {  	[hbm4b:s1+s2] =	stream.linear.scatter [tilespmem:s5], [sflag:$0x3], $0x4000, $0x38;
	[tilespmem:$0x9400] =	vst v63  }
0x330: {  	_ =	swait.ge [sflag:s6], $0x4000  }
0x331: {  	s30 =	sld [smem:$0x7EC]  }
0x332: {  	[sflag:s6] =	ssyncset.done $0x0  }
0x333: {  	[sflag:s6] =	ssyncadd.s32 $0xFFFFC000  }
0x334: {  	[tilespmem:s5], [sflag:$0x1] =	stream.indirect.gather [hbm4b:s3+s7], $0x80, s30, s7, $0xb8;
	[tilespmem:$0x9400] =	vst v63  }
0x335: {  	_ =	swait.ge [sflag:s10], $0x4000  }
0x336: {  	[sflag:s10] =	ssyncset.done $0x0  }
0x337: {  	s31 =	rddreg [dreg:$0x6];
	[sflag:s10] =	ssyncadd.s32 $0xFFFFC000  }
0x338: {  	[hbm4b:s31+s2] =	stream.linear.scatter [tilespmem:s4], [sflag:$0x4], $0x4000, $0x38;
	[tilespmem:$0x9400] =	vst v63  }
0x339: {  	_ =	swait.ge [sflag:s8], $0x4000  }
0x33a: {  	s1 =	sld [smem:$0x7ED]  }
0x33b: {  	[sflag:s8] =	ssyncset.done $0x0  }
0x33c: {  	[sflag:s8] =	ssyncadd.s32 $0xFFFFC000  }
0x33d: {  	[tilespmem:s4], [sflag:$0x2] =	stream.indirect.gather [hbm4b:s3+s7], $0x80, s1, s7, $0xb8;
	[tilespmem:$0x9400] =	vst v63  }
0x33e: {  	_ =	swait.ge [sflag:s9], $0x4000  }
0x33f: {  	[sflag:s9] =	ssyncset.done $0x0  }
0x340: {  	s30 =	rddreg [dreg:$0x7];
	[sflag:s9] =	ssyncadd.s32 $0xFFFFC000  }
0x341: {  	[hbm4b:s30+s2] =	stream.linear.scatter [tilespmem:s5], [sflag:$0x3], $0x4000, $0x38;
	[tilespmem:$0x9400] =	vst v63  }
0x342: {  	_ =	swait.ge [sflag:s6], $0x4000  }
0x343: {  	s31 =	sld [smem:$0x7EE]  }
0x344: {  	[sflag:s6] =	ssyncset.done $0x0  }
0x345: {  	[sflag:s6] =	ssyncadd.s32 $0xFFFFC000  }
0x346: {  	[tilespmem:s5], [sflag:$0x1] =	stream.indirect.gather [hbm4b:s3+s7], $0x80, s31, s7, $0xb8;
	[tilespmem:$0x9400] =	vst v63  }
0x347: {  	_ =	swait.ge [sflag:s10], $0x4000  }
0x348: {  	[sflag:s10] =	ssyncset.done $0x0  }
0x349: {  	s1 =	rddreg [dreg:$0x8];
	[sflag:s10] =	ssyncadd.s32 $0xFFFFC000  }
0x34a: {  	[hbm4b:s1+s2] =	stream.linear.scatter [tilespmem:s4], [sflag:$0x4], $0x4000, $0x38;
	[tilespmem:$0x9400] =	vst v63  }
0x34b: {  	_ =	swait.ge [sflag:s8], $0x4000  }
0x34c: {  	s30 =	sld [smem:$0x7EF]  }
0x34d: {  	[sflag:s8] =	ssyncset.done $0x0  }
0x34e: {  	[sflag:s8] =	ssyncadd.s32 $0xFFFFC000  }
0x34f: {  	[tilespmem:s4], [sflag:$0x2] =	stream.indirect.gather [hbm4b:s3+s7], $0x80, s30, s7, $0xb8;
	[tilespmem:$0x9400] =	vst v63  }
0x350: {  	_ =	swait.ge [sflag:s9], $0x4000  }
0x351: {  	[sflag:s9] =	ssyncset.done $0x0  }
0x352: {  	s31 =	rddreg [dreg:$0x9];
	[sflag:s9] =	ssyncadd.s32 $0xFFFFC000  }
0x353: {  	[hbm4b:s31+s2] =	stream.linear.scatter [tilespmem:s5], [sflag:$0x3], $0x4000, $0x38;
	[tilespmem:$0x9400] =	vst v63  }
0x354: {  	_ =	swait.ge [sflag:s6], $0x4000  }
0x355: {  	s1 =	sld [smem:$0x7F0]  }
0x356: {  	[sflag:s6] =	ssyncset.done $0x0  }
0x357: {  	[sflag:s6] =	ssyncadd.s32 $0xFFFFC000  }
0x358: {  	[tilespmem:s5], [sflag:$0x1] =	stream.indirect.gather [hbm4b:s3+s7], $0x80, s1, s7, $0xb8;
	[tilespmem:$0x9400] =	vst v63  }
0x359: {  	_ =	swait.ge [sflag:s10], $0x4000  }
0x35a: {  	[sflag:s10] =	ssyncset.done $0x0  }
0x35b: {  	s30 =	rddreg [dreg:$0xa];
	[sflag:s10] =	ssyncadd.s32 $0xFFFFC000  }
0x35c: {  	[hbm4b:s30+s2] =	stream.linear.scatter [tilespmem:s4], [sflag:$0x4], $0x4000, $0x38;
	[tilespmem:$0x9400] =	vst v63  }
0x35d: {  	_ =	swait.ge [sflag:s8], $0x4000  }
0x35e: {  	s31 =	sld [smem:$0x7F1]  }
0x35f: {  	[sflag:s8] =	ssyncset.done $0x0  }
0x360: {  	[sflag:s8] =	ssyncadd.s32 $0xFFFFC000  }
0x361: {  	[tilespmem:s4], [sflag:$0x2] =	stream.indirect.gather [hbm4b:s3+s7], $0x80, s31, s7, $0xb8;
	[tilespmem:$0x9400] =	vst v63  }
0x362: {  	_ =	swait.ge [sflag:s9], $0x4000  }
0x363: {  	[sflag:s9] =	ssyncset.done $0x0  }
0x364: {  	s1 =	rddreg [dreg:$0xb];
	[sflag:s9] =	ssyncadd.s32 $0xFFFFC000  }
0x365: {  	[hbm4b:s1+s2] =	stream.linear.scatter [tilespmem:s5], [sflag:$0x3], $0x4000, $0x38;
	[tilespmem:$0x9400] =	vst v63  }
0x366: {  	_ =	swait.ge [sflag:s6], $0x4000  }
0x367: {  	s30 =	sld [smem:$0x7F2]  }
0x368: {  	[sflag:s6] =	ssyncset.done $0x0  }
0x369: {  	[sflag:s6] =	ssyncadd.s32 $0xFFFFC000  }
0x36a: {  	[tilespmem:s5], [sflag:$0x1] =	stream.indirect.gather [hbm4b:s3+s7], $0x80, s30, s7, $0xb8;
	[tilespmem:$0x9400] =	vst v63  }
0x36b: {  	_ =	swait.ge [sflag:s10], $0x4000  }
0x36c: {  	[sflag:s10] =	ssyncset.done $0x0  }
0x36d: {  	s31 =	rddreg [dreg:$0xc];
	[sflag:s10] =	ssyncadd.s32 $0xFFFFC000  }
0x36e: {  	[hbm4b:s31+s2] =	stream.linear.scatter [tilespmem:s4], [sflag:$0x4], $0x4000, $0x38;
	[tilespmem:$0x9400] =	vst v63  }
0x36f: {  	_ =	swait.ge [sflag:s8], $0x4000  }
0x370: {  	s1 =	sld [smem:$0x7F3]  }
0x371: {  	[sflag:s8] =	ssyncset.done $0x0  }
0x372: {  	[sflag:s8] =	ssyncadd.s32 $0xFFFFC000  }
0x373: {  	[tilespmem:s4], [sflag:$0x2] =	stream.indirect.gather [hbm4b:s3+s7], $0x80, s1, s7, $0xb8;
	[tilespmem:$0x9400] =	vst v63  }
0x374: {  	_ =	swait.ge [sflag:s9], $0x4000  }
0x375: {  	[sflag:s9] =	ssyncset.done $0x0  }
0x376: {  	s30 =	rddreg [dreg:$0xd];
	[sflag:s9] =	ssyncadd.s32 $0xFFFFC000  }
0x377: {  	[hbm4b:s30+s2] =	stream.linear.scatter [tilespmem:s5], [sflag:$0x3], $0x4000, $0x38;
	[tilespmem:$0x9400] =	vst v63  }
0x378: {  	_ =	swait.ge [sflag:s6], $0x4000  }
0x379: {  	s31 =	sld [smem:$0x7F4]  }
0x37a: {  	[sflag:s6] =	ssyncset.done $0x0  }
0x37b: {  	[sflag:s6] =	ssyncadd.s32 $0xFFFFC000  }
0x37c: {  	[tilespmem:s5], [sflag:$0x1] =	stream.indirect.gather [hbm4b:s3+s7], $0x80, s31, s7, $0xb8;
	[tilespmem:$0x9400] =	vst v63  }
0x37d: {  	_ =	swait.ge [sflag:s10], $0x4000  }
0x37e: {  	[sflag:s10] =	ssyncset.done $0x0  }
0x37f: {  	s1 =	rddreg [dreg:$0xe];
	[sflag:s10] =	ssyncadd.s32 $0xFFFFC000  }
0x380: {  	[hbm4b:s1+s2] =	stream.linear.scatter [tilespmem:s4], [sflag:$0x4], $0x4000, $0x38;
	[tilespmem:$0x9400] =	vst v63  }
0x381: {  	_ =	swait.ge [sflag:s8], $0x4000  }
0x382: {  	s30 =	sld [smem:$0x7F5]  }
0x383: {  	[sflag:s8] =	ssyncset.done $0x0  }
0x384: {  	[sflag:s8] =	ssyncadd.s32 $0xFFFFC000  }
0x385: {  	[tilespmem:s4], [sflag:$0x2] =	stream.indirect.gather [hbm4b:s3+s7], $0x80, s30, s7, $0xb8;
	[tilespmem:$0x9400] =	vst v63  }
0x386: {  	_ =	swait.ge [sflag:s9], $0x4000  }
0x387: {  	[sflag:s9] =	ssyncset.done $0x0  }
0x388: {  	s31 =	rddreg [dreg:$0xf];
	[sflag:s9] =	ssyncadd.s32 $0xFFFFC000  }
0x389: {  	[hbm4b:s31+s2] =	stream.linear.scatter [tilespmem:s5], [sflag:$0x3], $0x4000, $0x38;
	[tilespmem:$0x9400] =	vst v63  }
0x38a: {  	_ =	swait.ge [sflag:s6], $0x4000  }
0x38b: {  	s1 =	sld [smem:$0x7F6]  }
0x38c: {  	[sflag:s6] =	ssyncset.done $0x0  }
0x38d: {  	[sflag:s6] =	ssyncadd.s32 $0xFFFFC000  }
0x38e: {  	[tilespmem:s5], [sflag:$0x1] =	stream.indirect.gather [hbm4b:s3+s7], $0x80, s1, s7, $0xb8;
	[tilespmem:$0x9400] =	vst v63  }
0x38f: {  	_ =	swait.ge [sflag:s10], $0x4000  }
0x390: {  	[sflag:s10] =	ssyncset.done $0x0  }
0x391: {  	s30 =	rddreg [dreg:$0x10];
	[sflag:s10] =	ssyncadd.s32 $0xFFFFC000  }
0x392: {  	[hbm4b:s30+s2] =	stream.linear.scatter [tilespmem:s4], [sflag:$0x4], $0x4000, $0x38;
	[tilespmem:$0x9400] =	vst v63  }
0x393: {  	_ =	swait.ge [sflag:s8], $0x4000  }
0x394: {  	s31 =	sld [smem:$0x7F7]  }
0x395: {  	[sflag:s8] =	ssyncset.done $0x0  }
0x396: {  	[sflag:s8] =	ssyncadd.s32 $0xFFFFC000  }
0x397: {  	[tilespmem:s4], [sflag:$0x2] =	stream.indirect.gather [hbm4b:s3+s7], $0x80, s31, s7, $0xb8;
	[tilespmem:$0x9400] =	vst v63  }
0x398: {  	_ =	swait.ge [sflag:s9], $0x4000  }
0x399: {  	[sflag:s9] =	ssyncset.done $0x0  }
0x39a: {  	s1 =	rddreg [dreg:$0x11];
	[sflag:s9] =	ssyncadd.s32 $0xFFFFC000  }
0x39b: {  	[hbm4b:s1+s2] =	stream.linear.scatter [tilespmem:s5], [sflag:$0x3], $0x4000, $0x38;
	[tilespmem:$0x9400] =	vst v63  }
0x39c: {  	_ =	swait.ge [sflag:s6], $0x4000  }
0x39d: {  	s30 =	sld [smem:$0x7F8]  }
0x39e: {  	[sflag:s6] =	ssyncset.done $0x0  }
0x39f: {  	[sflag:s6] =	ssyncadd.s32 $0xFFFFC000  }
0x3a0: {  	[tilespmem:s5], [sflag:$0x1] =	stream.indirect.gather [hbm4b:s3+s7], $0x80, s30, s7, $0xb8;
	[tilespmem:$0x9400] =	vst v63  }
0x3a1: {  	_ =	swait.ge [sflag:s10], $0x4000  }
0x3a2: {  	[sflag:s10] =	ssyncset.done $0x0  }
0x3a3: {  	s31 =	rddreg [dreg:$0x12];
	[sflag:s10] =	ssyncadd.s32 $0xFFFFC000  }
0x3a4: {  	[hbm4b:s31+s2] =	stream.linear.scatter [tilespmem:s4], [sflag:$0x4], $0x4000, $0x38;
	[tilespmem:$0x9400] =	vst v63  }
0x3a5: {  	_ =	swait.ge [sflag:s8], $0x4000  }
0x3a6: {  	s1 =	sld [smem:$0x7F9]  }
0x3a7: {  	[sflag:s8] =	ssyncset.done $0x0  }
0x3a8: {  	[sflag:s8] =	ssyncadd.s32 $0xFFFFC000  }
0x3a9: {  	[tilespmem:s4], [sflag:$0x2] =	stream.indirect.gather [hbm4b:s3+s7], $0x80, s1, s7, $0xb8;
	[tilespmem:$0x9400] =	vst v63  }
0x3aa: {  	_ =	swait.ge [sflag:s9], $0x4000  }
0x3ab: {  	[sflag:s9] =	ssyncset.done $0x0  }
0x3ac: {  	s30 =	rddreg [dreg:$0x13];
	[sflag:s9] =	ssyncadd.s32 $0xFFFFC000  }
0x3ad: {  	[hbm4b:s30+s2] =	stream.linear.scatter [tilespmem:s5], [sflag:$0x3], $0x4000, $0x38;
	[tilespmem:$0x9400] =	vst v63  }
0x3ae: {  	_ =	swait.ge [sflag:s6], $0x4000  }
0x3af: {  	s31 =	sld [smem:$0x7FA]  }
0x3b0: {  	[sflag:s6] =	ssyncset.done $0x0  }
0x3b1: {  	[sflag:s6] =	ssyncadd.s32 $0xFFFFC000  }
0x3b2: {  	[tilespmem:s5], [sflag:$0x1] =	stream.indirect.gather [hbm4b:s3+s7], $0x80, s31, s7, $0xb8;
	[tilespmem:$0x9400] =	vst v63  }
0x3b3: {  	_ =	swait.ge [sflag:s10], $0x4000  }
0x3b4: {  	[sflag:s10] =	ssyncset.done $0x0  }
0x3b5: {  	s1 =	rddreg [dreg:$0x14];
	[sflag:s10] =	ssyncadd.s32 $0xFFFFC000  }
0x3b6: {  	[hbm4b:s1+s2] =	stream.linear.scatter [tilespmem:s4], [sflag:$0x4], $0x4000, $0x38;
	[tilespmem:$0x9400] =	vst v63  }
0x3b7: {  	_ =	swait.ge [sflag:s8], $0x4000  }
0x3b8: {  	s30 =	sld [smem:$0x7FB]  }
0x3b9: {  	[sflag:s8] =	ssyncset.done $0x0  }
0x3ba: {  	[sflag:s8] =	ssyncadd.s32 $0xFFFFC000  }
0x3bb: {  	[tilespmem:s4], [sflag:$0x2] =	stream.indirect.gather [hbm4b:s3+s7], $0x80, s30, s7, $0xb8;
	[tilespmem:$0x9400] =	vst v63  }
0x3bc: {  	_ =	swait.ge [sflag:s9], $0x4000  }
0x3bd: {  	[sflag:s9] =	ssyncset.done $0x0  }
0x3be: {  	s31 =	rddreg [dreg:$0x15];
	[sflag:s9] =	ssyncadd.s32 $0xFFFFC000  }
0x3bf: {  	[hbm4b:s31+s2] =	stream.linear.scatter [tilespmem:s5], [sflag:$0x3], $0x4000, $0x38;
	[tilespmem:$0x9400] =	vst v63  }
0x3c0: {  	_ =	swait.ge [sflag:s6], $0x4000  }
0x3c1: {  	s1 =	sld [smem:$0x7FC]  }
0x3c2: {  	[sflag:s6] =	ssyncset.done $0x0  }
0x3c3: {  	[sflag:s6] =	ssyncadd.s32 $0xFFFFC000  }
0x3c4: {  	[tilespmem:s5], [sflag:$0x1] =	stream.indirect.gather [hbm4b:s3+s7], $0x80, s1, s7, $0xb8;
	[tilespmem:$0x9400] =	vst v63  }
0x3c5: {  	_ =	swait.ge [sflag:s10], $0x4000  }
0x3c6: {  	[sflag:s10] =	ssyncset.done $0x0  }
0x3c7: {  	s30 =	rddreg [dreg:$0x16];
	[sflag:s10] =	ssyncadd.s32 $0xFFFFC000  }
0x3c8: {  	[hbm4b:s30+s2] =	stream.linear.scatter [tilespmem:s4], [sflag:$0x4], $0x4000, $0x38;
	[tilespmem:$0x9400] =	vst v63  }
0x3c9: {  	_ =	swait.ge [sflag:s8], $0x4000  }
0x3ca: {  	s31 =	sld [smem:$0x7FD]  }
0x3cb: {  	[sflag:s8] =	ssyncset.done $0x0  }
0x3cc: {  	[sflag:s8] =	ssyncadd.s32 $0xFFFFC000  }
0x3cd: {  	[tilespmem:s4], [sflag:$0x2] =	stream.indirect.gather [hbm4b:s3+s7], $0x80, s31, s7, $0xb8;
	[tilespmem:$0x9400] =	vst v63  }
0x3ce: {  	_ =	swait.ge [sflag:s9], $0x4000  }
0x3cf: {  	[sflag:s9] =	ssyncset.done $0x0  }
0x3d0: {  	s1 =	rddreg [dreg:$0x17];
	[sflag:s9] =	ssyncadd.s32 $0xFFFFC000  }
0x3d1: {  	[hbm4b:s1+s2] =	stream.linear.scatter [tilespmem:s5], [sflag:$0x3], $0x4000, $0x38;
	[tilespmem:$0x9400] =	vst v63  }
0x3d2: {  	_ =	swait.ge [sflag:s6], $0x4000  }
0x3d3: {  	[sflag:s6] =	ssyncset.done $0x0  }
0x3d4: {  	[sflag:s6] =	ssyncadd.s32 $0xFFFFC000  }
0x3d5: {  	[tilespmem:s5], [sflag:$0x1] =	stream.indirect.gather [hbm4b:s3+s7], $0x80, s29, s7, $0xb8;
	[tilespmem:$0x9400] =	vst v63  }
0x3d6: {  	_ =	swait.ge [sflag:s10], $0x4000  }
0x3d7: {  	[sflag:s10] =	ssyncset.done $0x0  }
0x3d8: {  	s30 =	rddreg [dreg:$0x18];
	[sflag:s10] =	ssyncadd.s32 $0xFFFFC000  }
0x3d9: {  	[hbm4b:s30+s2] =	stream.linear.scatter [tilespmem:s4], [sflag:$0x4], $0x4000, $0x38;
	[tilespmem:$0x9400] =	vst v63  }
0x3da: {  	_ =	swait.ge [sflag:s8], $0x4000  }
0x3db: {  	[sflag:s8] =	ssyncset.done $0x0  }
0x3dc: {  	[sflag:s8] =	ssyncadd.s32 $0xFFFFC000  }
0x3dd: {  	[tilespmem:s4], [sflag:$0x2] =	stream.indirect.gather [hbm4b:s3+s7], $0x80, s28, s7, $0xb8;
	[tilespmem:$0x9400] =	vst v63  }
0x3de: {  	_ =	swait.ge [sflag:s9], $0x4000  }
0x3df: {  	[sflag:s9] =	ssyncset.done $0x0  }
0x3e0: {  	s31 =	rddreg [dreg:$0x19];
	[sflag:s9] =	ssyncadd.s32 $0xFFFFC000  }
0x3e1: {  	[hbm4b:s31+s2] =	stream.linear.scatter [tilespmem:s5], [sflag:$0x3], $0x4000, $0x38;
	[tilespmem:$0x9400] =	vst v63  }
0x3e2: {  	_ =	swait.ge [sflag:s6], $0x4000  }
0x3e3: {  	[sflag:s6] =	ssyncset.done $0x0  }
0x3e4: {  	[sflag:s6] =	ssyncadd.s32 $0xFFFFC000  }
0x3e5: {  	[tilespmem:s5], [sflag:$0x1] =	stream.indirect.gather [hbm4b:s3+s7], $0x80, s26, s7, $0xb8;
	[tilespmem:$0x9400] =	vst v63  }
0x3e6: {  	_ =	swait.ge [sflag:s10], $0x4000  }
0x3e7: {  	[sflag:s10] =	ssyncset.done $0x0  }
0x3e8: {  	s1 =	rddreg [dreg:$0x1a];
	[sflag:s10] =	ssyncadd.s32 $0xFFFFC000  }
0x3e9: {  	[hbm4b:s1+s2] =	stream.linear.scatter [tilespmem:s4], [sflag:$0x4], $0x4000, $0x38;
	[tilespmem:$0x9400] =	vst v63  }
0x3ea: {  	_ =	swait.ge [sflag:s8], $0x4000  }
0x3eb: {  	[sflag:s8] =	ssyncset.done $0x0  }
0x3ec: {  	[sflag:s8] =	ssyncadd.s32 $0xFFFFC000  }
0x3ed: {  	[tilespmem:s4], [sflag:$0x2] =	stream.indirect.gather [hbm4b:s3+s7], $0x80, s25, s7, $0xb8;
	[tilespmem:$0x9400] =	vst v63  }
0x3ee: {  	_ =	swait.ge [sflag:s9], $0x4000  }
0x3ef: {  	[sflag:s9] =	ssyncset.done $0x0  }
0x3f0: {  	s26 =	rddreg [dreg:$0x1b];
	[sflag:s9] =	ssyncadd.s32 $0xFFFFC000  }
0x3f1: {  	[hbm4b:s26+s2] =	stream.linear.scatter [tilespmem:s5], [sflag:$0x3], $0x4000, $0x38;
	[tilespmem:$0x9400] =	vst v63  }
0x3f2: {  	_ =	swait.ge [sflag:s6], $0x4000  }
0x3f3: {  	[sflag:s6] =	ssyncset.done $0x0  }
0x3f4: {  	[sflag:s6] =	ssyncadd.s32 $0xFFFFC000  }
0x3f5: {  	[tilespmem:s5], [sflag:$0x1] =	stream.indirect.gather [hbm4b:s3+s7], $0x80, s24, s7, $0xb8;
	[tilespmem:$0x9400] =	vst v63  }
0x3f6: {  	_ =	swait.ge [sflag:s10], $0x4000  }
0x3f7: {  	[sflag:s10] =	ssyncset.done $0x0  }
0x3f8: {  	s28 =	rddreg [dreg:$0x1c];
	[sflag:s10] =	ssyncadd.s32 $0xFFFFC000  }
0x3f9: {  	[hbm4b:s28+s2] =	stream.linear.scatter [tilespmem:s4], [sflag:$0x4], $0x4000, $0x38;
	[tilespmem:$0x9400] =	vst v63  }
0x3fa: {  	_ =	swait.ge [sflag:s8], $0x4000  }
0x3fb: {  	[sflag:s8] =	ssyncset.done $0x0  }
0x3fc: {  	[sflag:s8] =	ssyncadd.s32 $0xFFFFC000  }
0x3fd: {  	[tilespmem:s4], [sflag:$0x2] =	stream.indirect.gather [hbm4b:s3+s7], $0x80, s23, s7, $0xb8;
	[tilespmem:$0x9400] =	vst v63  }
0x3fe: {  	_ =	swait.ge [sflag:s9], $0x4000  }
0x3ff: {  	[sflag:s9] =	ssyncset.done $0x0  }
0x400: {  	s29 =	rddreg [dreg:$0x1d];
	[sflag:s9] =	ssyncadd.s32 $0xFFFFC000  }
0x401: {  	[hbm4b:s29+s2] =	stream.linear.scatter [tilespmem:s5], [sflag:$0x3], $0x4000, $0x38;
	[tilespmem:$0x9400] =	vst v63  }
0x402: {  	_ =	swait.ge [sflag:s6], $0x4000  }
0x403: {  	[sflag:s6] =	ssyncset.done $0x0  }
0x404: {  	[sflag:s6] =	ssyncadd.s32 $0xFFFFC000  }
0x405: {  	[tilespmem:s5], [sflag:$0x1] =	stream.indirect.gather [hbm4b:s3+s7], $0x80, s22, s7, $0xb8;
	[tilespmem:$0x9400] =	vst v63  }
0x406: {  	_ =	swait.ge [sflag:s10], $0x4000  }
0x407: {  	[sflag:s10] =	ssyncset.done $0x0  }
0x408: {  	s30 =	rddreg [dreg:$0x1e];
	[sflag:s10] =	ssyncadd.s32 $0xFFFFC000  }
0x409: {  	[hbm4b:s30+s2] =	stream.linear.scatter [tilespmem:s4], [sflag:$0x4], $0x4000, $0x38;
	[tilespmem:$0x9400] =	vst v63  }
0x40a: {  	_ =	swait.ge [sflag:s8], $0x4000  }
0x40b: {  	[sflag:s8] =	ssyncset.done $0x0  }
0x40c: {  	[sflag:s8] =	ssyncadd.s32 $0xFFFFC000  }
0x40d: {  	[tilespmem:s4], [sflag:$0x2] =	stream.indirect.gather [hbm4b:s3+s7], $0x80, s21, s7, $0xb8;
	[tilespmem:$0x9400] =	vst v63  }
0x40e: {  	_ =	swait.ge [sflag:s9], $0x4000  }
0x40f: {  	[sflag:s9] =	ssyncset.done $0x0  }
0x410: {  	s31 =	rddreg [dreg:$0x1f];
	[sflag:s9] =	ssyncadd.s32 $0xFFFFC000  }
0x411: {  	[hbm4b:s31+s2] =	stream.linear.scatter [tilespmem:s5], [sflag:$0x3], $0x4000, $0x38;
	[tilespmem:$0x9400] =	vst v63  }
0x412: {  	_ =	swait.ge [sflag:s6], $0x4000  }
0x413: {  	[sflag:s6] =	ssyncset.done $0x0  }
0x414: {  	[sflag:s6] =	ssyncadd.s32 $0xFFFFC000  }
0x415: {  	[tilespmem:s5], [sflag:$0x1] =	stream.indirect.gather [hbm4b:s3+s7], $0x80, s20, s7, $0xb8;
	[tilespmem:$0x9400] =	vst v63  }
0x416: {  	_ =	swait.ge [sflag:s10], $0x4000  }
0x417: {  	s1 =	sld [smem:$0x7DF]  }
0x418: {  	[sflag:s10] =	ssyncset.done $0x0  }
0x419: {  	[sflag:s10] =	ssyncadd.s32 $0xFFFFC000  }
0x41a: {  	[hbm4b:s1+s2] =	stream.linear.scatter [tilespmem:s4], [sflag:$0x4], $0x4000, $0x38;
	[tilespmem:$0x9400] =	vst v63  }
0x41b: {  	_ =	swait.ge [sflag:s8], $0x4000  }
0x41c: {  	[sflag:s8] =	ssyncset.done $0x0  }
0x41d: {  	[sflag:s8] =	ssyncadd.s32 $0xFFFFC000  }
0x41e: {  	[tilespmem:s4], [sflag:$0x2] =	stream.indirect.gather [hbm4b:s3+s7], $0x80, s19, s7, $0xb8;
	[tilespmem:$0x9400] =	vst v63  }
0x41f: {  	_ =	swait.ge [sflag:s9], $0x4000  }
0x420: {  	s20 =	sld [smem:$0x7E0]  }
0x421: {  	[sflag:s9] =	ssyncset.done $0x0  }
0x422: {  	[sflag:s9] =	ssyncadd.s32 $0xFFFFC000  }
0x423: {  	[hbm4b:s20+s2] =	stream.linear.scatter [tilespmem:s5], [sflag:$0x3], $0x4000, $0x38;
	[tilespmem:$0x9400] =	vst v63  }
0x424: {  	_ =	swait.ge [sflag:s6], $0x4000  }
0x425: {  	[sflag:s6] =	ssyncset.done $0x0  }
0x426: {  	[sflag:s6] =	ssyncadd.s32 $0xFFFFC000  }
0x427: {  	[tilespmem:s5], [sflag:$0x1] =	stream.indirect.gather [hbm4b:s3+s7], $0x80, s18, s7, $0xb8;
	[tilespmem:$0x9400] =	vst v63  }
0x428: {  	_ =	swait.ge [sflag:s10], $0x4000  }
0x429: {  	s21 =	sld [smem:$0x7E1]  }
0x42a: {  	[sflag:s10] =	ssyncset.done $0x0  }
0x42b: {  	[sflag:s10] =	ssyncadd.s32 $0xFFFFC000  }
0x42c: {  	[hbm4b:s21+s2] =	stream.linear.scatter [tilespmem:s4], [sflag:$0x4], $0x4000, $0x38;
	[tilespmem:$0x9400] =	vst v63  }
0x42d: {  	_ =	swait.ge [sflag:s8], $0x4000  }
0x42e: {  	[sflag:s8] =	ssyncset.done $0x0  }
0x42f: {  	[sflag:s8] =	ssyncadd.s32 $0xFFFFC000  }
0x430: {  	[tilespmem:s4], [sflag:$0x2] =	stream.indirect.gather [hbm4b:s3+s7], $0x80, s17, s7, $0xb8;
	[tilespmem:$0x9400] =	vst v63  }
0x431: {  	_ =	swait.ge [sflag:s9], $0x4000  }
0x432: {  	s22 =	sld [smem:$0x7E2]  }
0x433: {  	[sflag:s9] =	ssyncset.done $0x0  }
0x434: {  	[sflag:s9] =	ssyncadd.s32 $0xFFFFC000  }
0x435: {  	[hbm4b:s22+s2] =	stream.linear.scatter [tilespmem:s5], [sflag:$0x3], $0x4000, $0x38;
	[tilespmem:$0x9400] =	vst v63  }
0x436: {  	_ =	swait.ge [sflag:s6], $0x4000  }
0x437: {  	[sflag:s6] =	ssyncset.done $0x0  }
0x438: {  	[sflag:s6] =	ssyncadd.s32 $0xFFFFC000  }
0x439: {  	[tilespmem:s5], [sflag:$0x1] =	stream.indirect.gather [hbm4b:s3+s7], $0x80, s16, s7, $0xb8;
	[tilespmem:$0x9400] =	vst v63  }
0x43a: {  	_ =	swait.ge [sflag:s10], $0x4000  }
0x43b: {  	s23 =	sld [smem:$0x7E3]  }
0x43c: {  	[sflag:s10] =	ssyncset.done $0x0  }
0x43d: {  	[sflag:s10] =	ssyncadd.s32 $0xFFFFC000  }
0x43e: {  	[hbm4b:s23+s2] =	stream.linear.scatter [tilespmem:s4], [sflag:$0x4], $0x4000, $0x38;
	[tilespmem:$0x9400] =	vst v63  }
0x43f: {  	_ =	swait.ge [sflag:s8], $0x4000  }
0x440: {  	[sflag:s8] =	ssyncset.done $0x0  }
0x441: {  	[sflag:s8] =	ssyncadd.s32 $0xFFFFC000  }
0x442: {  	[tilespmem:s4], [sflag:$0x2] =	stream.indirect.gather [hbm4b:s3+s7], $0x80, s15, s7, $0xb8;
	[tilespmem:$0x9400] =	vst v63  }
0x443: {  	_ =	swait.ge [sflag:s9], $0x4000  }
0x444: {  	s24 =	sld [smem:$0x7E4]  }
0x445: {  	[sflag:s9] =	ssyncset.done $0x0  }
0x446: {  	[sflag:s9] =	ssyncadd.s32 $0xFFFFC000  }
0x447: {  	[hbm4b:s24+s2] =	stream.linear.scatter [tilespmem:s5], [sflag:$0x3], $0x4000, $0x38;
	[tilespmem:$0x9400] =	vst v63  }
0x448: {  	_ =	swait.ge [sflag:s6], $0x4000  }
0x449: {  	[sflag:s6] =	ssyncset.done $0x0  }
0x44a: {  	[sflag:s6] =	ssyncadd.s32 $0xFFFFC000  }
0x44b: {  	[tilespmem:s5], [sflag:$0x1] =	stream.indirect.gather [hbm4b:s3+s7], $0x80, s14, s7, $0xb8;
	[tilespmem:$0x9400] =	vst v63  }
0x44c: {  	_ =	swait.ge [sflag:s10], $0x4000  }
0x44d: {  	s25 =	sld [smem:$0x7E5]  }
0x44e: {  	[sflag:s10] =	ssyncset.done $0x0  }
0x44f: {  	[sflag:s10] =	ssyncadd.s32 $0xFFFFC000  }
0x450: {  	[hbm4b:s25+s2] =	stream.linear.scatter [tilespmem:s4], [sflag:$0x4], $0x4000, $0x38;
	[tilespmem:$0x9400] =	vst v63  }
0x451: {  	_ =	swait.ge [sflag:s8], $0x4000  }
0x452: {  	[sflag:s8] =	ssyncset.done $0x0  }
0x453: {  	[sflag:s8] =	ssyncadd.s32 $0xFFFFC000  }
0x454: {  	[tilespmem:s4], [sflag:$0x2] =	stream.indirect.gather [hbm4b:s3+s7], $0x80, s13, s7, $0xb8;
	[tilespmem:$0x9400] =	vst v63  }
0x455: {  	_ =	swait.ge [sflag:s9], $0x4000  }
0x456: {  	s26 =	sld [smem:$0x7E6]  }
0x457: {  	[sflag:s9] =	ssyncset.done $0x0  }
0x458: {  	[sflag:s9] =	ssyncadd.s32 $0xFFFFC000  }
0x459: {  	[hbm4b:s26+s2] =	stream.linear.scatter [tilespmem:s5], [sflag:$0x3], $0x4000, $0x38;
	[tilespmem:$0x9400] =	vst v63  }
0x45a: {  	_ =	swait.ge [sflag:s6], $0x4000  }
0x45b: {  	[sflag:s6] =	ssyncset.done $0x0  }
0x45c: {  	[sflag:s6] =	ssyncadd.s32 $0xFFFFC000  }
0x45d: {  	[tilespmem:s5], [sflag:$0x1] =	stream.indirect.gather [hbm4b:s3+s7], $0x80, s12, s7, $0xb8;
	[tilespmem:$0x9400] =	vst v63  }
0x45e: {  	_ =	swait.ge [sflag:s10], $0x4000  }
0x45f: {  	s28 =	sld [smem:$0x7E7]  }
0x460: {  	[sflag:s10] =	ssyncset.done $0x0  }
0x461: {  	[sflag:s10] =	ssyncadd.s32 $0xFFFFC000  }
0x462: {  	[hbm4b:s28+s2] =	stream.linear.scatter [tilespmem:s4], [sflag:$0x4], $0x4000, $0x38;
	[tilespmem:$0x9400] =	vst v63  }
0x463: {  	_ =	swait.ge [sflag:s8], $0x4000  }
0x464: {  	[sflag:s8] =	ssyncset.done $0x0  }
0x465: {  	[sflag:s8] =	ssyncadd.s32 $0xFFFFC000  }
0x466: {  	[tilespmem:s4], [sflag:$0x2] =	stream.indirect.gather [hbm4b:s3+s7], $0x80, s11, s7, $0xb8;
	[tilespmem:$0x9400] =	vst v63  }
0x467: {  	_ =	swait.ge [sflag:s9], $0x4000  }
0x468: {  	s29 =	sld [smem:$0x7E8]  }
0x469: {  	[sflag:s9] =	ssyncset.done $0x0  }
0x46a: {  	[sflag:s9] =	ssyncadd.s32 $0xFFFFC000  }
0x46b: {  	[hbm4b:s29+s2] =	stream.linear.scatter [tilespmem:s5], [sflag:$0x3], $0x4000, $0x38;
	[tilespmem:$0x9400] =	vst v63  }
0x46c: {  	_ =	swait.ge [sflag:s10], $0x4000  }
0x46d: {  	s30 =	sld [smem:$0x7E9]  }
0x46e: {  	[sflag:s10] =	ssyncset.done $0x0  }
0x46f: {  	[sflag:s10] =	ssyncadd.s32 $0xFFFFC000  }
0x470: {  	[hbm4b:s30+s2] =	stream.linear.scatter [tilespmem:s4], [sflag:$0x4], $0x4000, $0x38;
	[tilespmem:$0x9400] =	vst v63  }
0x471: {  	_ =	swait.ge [sflag:s6], $0x4000  }
0x472: {  	[sflag:s6] =	ssyncset.done $0x0  }
0x473: {  	[sflag:s6] =	ssyncadd.s32 $0xFFFFC000  }
0x474: {  	_ =	swait.ge [sflag:s8], $0x4000  }
0x475: {  	[sflag:s8] =	ssyncset.done $0x0  }
0x476: {  	[sflag:s8] =	ssyncadd.s32 $0xFFFFC000  }
0x477: {  	_ =	sfence.sel $0x180000  }
0x478: {  	[bflag:$0x0] =	sbarrier.arrive $0xFFFF  }
0x479: {  	_ =	strace $0x9000004A  }
0x47a: {  	s31 =	stileid.u32;
	[bflag:$0x2] =	sbarrier.arrive $0xFFFF  }
0x47b: {  	p0 =	sne.s32 s31, $0x0;
	s0 =	rddreg [dreg:$0x2]  }
0x47c: {  	s0 =	sadd.s32 @!p0 $0x100000, s0  }
0x47d: {  	[sflag:s0] =	ssyncadd.tile.s32 @!p0 $0x1;
	_ =	shalt  }
.Lfunc_end2:
_tile_overlayer_lowered:
.L_overlay_start_2:
0x47e: {  	(tag) =	ssettag $0x2  }
0x47f: {  	s0 =	rddreg [dreg:$0x0];
	s2 =	stileid.u32  }
0x480: {  	s1 =	rddreg [dreg:$0x1];
	p0 =	sne.s32 s2, $0x0  }
0x481: {  	s3 =	rddreg [dreg:$0x2];
	[bflag:$0x3] =	sbarrier.arrive $0xFFFF;
	s2 =	simm.s32 @!p0 $0x1C05  }
0x482: {  	[timem:s3], [sflag:s2] =	dma.local @!p0 [hbm:s0], s1  }
0x483: {  	s0 =	simm.s32 @!p0 $0x5  }
0x484: {  	_ =	swait.ge @!p0 [sflag:s0], s1  }
0x485: {  	s1 =	ssub.s32 @!p0 $0x0, s1;
	[sflag:s0] =	ssyncset.done @!p0 $0x0  }
0x486: {  	[sflag:s0] =	ssyncadd.s32 @!p0 s1  }
0x487: {  	[bflag:$0x3] =	sbarrier.arrive $0xFFFF  }
0x488: {  	_ =	shalt  }

// kernel: kernel.9.cloned.1.call-start
scs
__scs_entry_jumppad:
0x0: {  	(pc) =	sbr.rel $0x88, $3  }
0x1: {  	(tag) =	ssettag $0x0;
	lr =	simm.s32 $0x1  }
0x2: {  	[smem:$0x3F9A] =	sst lr;
	_ =	strace $0xD0000000  }
0x3: {  	_ = 	snop  }
0x4: {  	_ = 	snop  }
0x5: {  	_ = 	snop  }
0x6: {  	_ = 	snop  }
0x7: {  	_ = 	snop  }
__scs_overlays_trampoline_lowered:
0x8: {  	[smem:$0x3FA9] =	sst s0  }
0x9: {  	[smem:$0x3FAA] =	sst s1  }
0xa: {  	[smem:$0x3FAB] =	sst s2  }
0xb: {  	[smem:$0x3FAC] =	sst s3  }
0xc: {  	[smem:$0x3FAD] =	sst s4  }
0xd: {  	[smem:$0x3FAE] =	sst s5  }
0xe: {  	[smem:$0x3FAF] =	sst s6  }
0xf: {  	[smem:$0x3FB0] =	sst s7  }
0x10: {  	[smem:$0x3FB1] =	sst s8  }
0x11: {  	[smem:$0x3FB2] =	sst s9;
	s0 =	simm.s32 @!p0 $0x0  }
0x12: {  	s1 =	sld [smem:$0x3F98];
	s0 =	simm.s32 @p0 $0x1  }
0x13: {  	[smem:$0x3FB3] =	sst s0;
	s0 =	simm.s32 @!p1 $0x0  }
0x14: {  	s2 =	sld [smem:$0x3F97];
	s0 =	simm.s32 @p1 $0x1  }
0x15: {  	[smem:$0x3FB4] =	sst s0;
	s0 =	simm.s32 @!p2 $0x0  }
0x16: {  	s3 =	sld [smem:$0x3FDB];
	s0 =	simm.s32 @p2 $0x1  }
0x17: {  	s4 =	simm.s32 $0x1BF5;
	[smem:$0x3FB6] =	sst s0  }
0x18: {  	s0 =	sld [smem:$0x3F99];
	_ =	swait.ge [sflag:s4], $0x0  }
0x19: {  	s7 =	sld [smem:$0x3F9A]  }
0x1a: {  	s8 =	sadd.s32 $0xFFFFE003, lr  }
0x1b: {  	s9 =	sadd.s32 $0xFFFFFEF7, lr;
	s5 =	simm.s32 $0xFFFFFFFF;
	p2 =	slt.u32 s8, $0xFFFFF086  }
0x1c: {  	p1 =	slt.u32 s9, $0xF7A;
	s5 =	simm.s32 @!p2 $0x0  }
0x1d: {  	s5 =	simm.s32 @p1 $0x1;
	p0 =	seq.s32 s7, s2  }
0x1e: {  	s7 =	smul.u32 @!p0 $0xF7A, s2;
	p2 =	seq.s32 @!p0 s5, $0x0  }
0x1f: {  	s9 =	smul.u32 $0xF7A, s1;
	s8 =	simm.s32 @!p0 $0x1BF5;
	p2 =	por !p2, p0  }
0x20: {  	[sflag:s8] =	ssyncset.s32 @!p0 $0xFFFFF086;
	s6 =	sadd.s32 @!p0 s3, s7;
	s7 =	simm.s32 @!p0 $0x108  }
0x21: {  	s3 =	sadd.s32 s3, s9;
	s6 =	sadd.s32 @!p0 $0x88, s6;
	s7 =	simm.s32 @p2 $0x1082  }
0x22: {  	[simem:s7], [sflag:s8] =	dma.local @!p0 [hbm:s6], $0xF7A  }
0x23: {  	s9 =	sor.u32 $0xD0000000, s2;
	s6 =	simm.s32 $0x108;
	_ =	swait.ge @!p0 [sflag:s8], $0x0  }
0x24: {  	s3 =	sadd.s32 $0x88, s3;
	s6 =	simm.s32 @!p1 $0x1082;
	[sflag:s4] =	ssyncset.s32 $0xFFFFF086  }
0x25: {  	[simem:s6], [sflag:s4] =	dma.local [hbm:s3], $0xF7A  }
0x26: {  	[smem:$0x3F9A] =	sst s1;
	(tag) =	ssettag s2;
	_ =	strace s9  }
0x27: {  	s1 =	sld [smem:$0x3FAA]  }
0x28: {  	s2 =	sld [smem:$0x3FAB]  }
0x29: {  	s4 =	sld [smem:$0x3FAD]  }
0x2a: {  	p0 =	seq.s32 s5, $0x0;
	s5 =	sld [smem:$0x3FAE]  }
0x2b: {  	s6 =	sld [smem:$0x3FAF]  }
0x2c: {  	s7 =	sld [smem:$0x3FB0]  }
0x2d: {  	s3 =	simm.s32 $0x108;
	s8 =	sld [smem:$0x3FB1]  }
0x2e: {  	s3 =	simm.s32 @!p0 $0x1082;
	s9 =	sld [smem:$0x3FB2]  }
0x2f: {  	lr =	sadd.s32 s0, s3;
	s0 =	sld [smem:$0x3FA9]  }
0x30: {  	s3 =	sld [smem:$0x3FAC]  }
0x31: {  	[smem:$0x3FB5] =	sst s10  }
0x32: {  	s10 =	sld [smem:$0x3FB3];
	_ =	sdelay $0x3  }
0x33: {  	p0 =	seq.s32 s10, $0x1;
	s10 =	sld [smem:$0x3FB5];
	_ =	sdelay $0x3  }
0x34: {  	[smem:$0x3FB5] =	sst s10  }
0x35: {  	s10 =	sld [smem:$0x3FB4];
	_ =	sdelay $0x3  }
0x36: {  	p1 =	seq.s32 s10, $0x1;
	s10 =	sld [smem:$0x3FB5];
	_ =	sdelay $0x3  }
0x37: {  	[smem:$0x3FB5] =	sst s10  }
0x38: {  	s10 =	sld [smem:$0x3FB6]  }
0x39: {  	_ = 	snop;
	(pc) =	sbr.ind lr, $3  }
0x3a: {  	_ = 	snop  }
0x3b: {  	_ = 	snop  }
0x3c: {  	p2 =	seq.s32 s10, $0x1;
	s10 =	sld [smem:$0x3FB5]  }
0x3d: {  	_ =	shalt  }
0x3e: {  	_ =	shalt  }
0x3f: {  	_ =	shalt  }
0x40: {  	_ =	shalt  }
0x41: {  	_ =	shalt  }
0x42: {  	_ =	shalt  }
0x43: {  	_ =	shalt  }
0x44: {  	_ =	shalt  }
0x45: {  	_ =	shalt  }
0x46: {  	_ =	shalt  }
0x47: {  	_ =	shalt  }
0x48: {  	_ =	shalt  }
0x49: {  	_ =	shalt  }
0x4a: {  	_ =	shalt  }
0x4b: {  	_ =	shalt  }
0x4c: {  	_ =	shalt  }
0x4d: {  	_ =	shalt  }
0x4e: {  	_ =	shalt  }
0x4f: {  	_ =	shalt  }
0x50: {  	_ =	shalt  }
0x51: {  	_ =	shalt  }
0x52: {  	_ =	shalt  }
0x53: {  	_ =	shalt  }
0x54: {  	_ =	shalt  }
0x55: {  	_ =	shalt  }
0x56: {  	_ =	shalt  }
0x57: {  	_ =	shalt  }
0x58: {  	_ =	shalt  }
0x59: {  	_ =	shalt  }
0x5a: {  	_ =	shalt  }
0x5b: {  	_ =	shalt  }
0x5c: {  	_ =	shalt  }
0x5d: {  	_ =	shalt  }
0x5e: {  	_ =	shalt  }
0x5f: {  	_ =	shalt  }
0x60: {  	_ =	shalt  }
0x61: {  	_ =	shalt  }
0x62: {  	_ =	shalt  }
0x63: {  	_ =	shalt  }
0x64: {  	_ =	shalt  }
0x65: {  	_ =	shalt  }
0x66: {  	_ =	shalt  }
0x67: {  	_ =	shalt  }
0x68: {  	_ =	shalt  }
0x69: {  	_ =	shalt  }
0x6a: {  	_ =	shalt  }
0x6b: {  	_ =	shalt  }
0x6c: {  	_ =	shalt  }
0x6d: {  	_ =	shalt  }
0x6e: {  	_ =	shalt  }
0x6f: {  	_ =	shalt  }
0x70: {  	_ =	shalt  }
0x71: {  	_ =	shalt  }
0x72: {  	_ =	shalt  }
0x73: {  	_ =	shalt  }
0x74: {  	_ =	shalt  }
0x75: {  	_ =	shalt  }
0x76: {  	_ =	shalt  }
0x77: {  	_ =	shalt  }
0x78: {  	_ =	shalt  }
0x79: {  	_ =	shalt  }
0x7a: {  	_ =	shalt  }
0x7b: {  	_ =	shalt  }
0x7c: {  	_ =	shalt  }
0x7d: {  	_ =	shalt  }
0x7e: {  	_ =	shalt  }
0x7f: {  	_ =	shalt  }
0x80: {  	_ =	shalt  }
0x81: {  	_ =	shalt  }
0x82: {  	_ =	shalt  }
0x83: {  	_ =	shalt  }
0x84: {  	_ =	shalt  }
0x85: {  	_ =	shalt  }
0x86: {  	_ =	shalt  }
0x87: {  	_ =	shalt  }
.Lfunc_end0:
.L_simem_size_0:
called_computation.1_lowered:
.L_overlay_start_0:
0x88: {  	s2 =	sld [smem:$0x3FD9]  }
0x89: {  	s3 =	sld [smem:$0x3FFE];
	_ =	sdelay $0x1  }
0x8a: {  	s1 =	srdreg.scid  }
0x8b: {  	s0 =	sand.u32 $0x1, s1  }
0x8c: {  	s14 =	sshll.u32 s0, $0xA;
	s2 =	sadd.s32 s3, s2  }
0x8d: {  	s2 =	sadd.s32 s2, s14  }
0x8e: {  	[smem:$0x3FC1] =	sst s2  }
0x8f: {  	_ = 	snop  }
0x90: {  	s2 =	sld [smem:$0x3FD0];
	_ =	sdelay $0x2  }
0x91: {  	s15 =	simm.s32 $0xB;
	s4 =	simm.s32 $0x10  }
0x92: {  	[smem:s4], [sflag:s15] =	dma.local [hbm:s2], $0x1  }
0x93: {  	_ =	swait.eq [sflag:s15], $0x1  }
0x94: {  	[sflag:s15] =	ssyncset.done $0x0  }
0x95: {  	[sflag:s15] =	ssyncadd.s32 $0xFFFFFFFF  }
0x96: {  	s16 =	sld [smem:$0x10];
	(tm) =	ssettm $0x1  }
0x97: {  	s17 =	sld [smem:$0x3FFB];
	_ =	sdelay $0x3  }
0x98: {  	_ =	strace s17  }
0x99: {  	s3 =	sld [smem:$0x3FFC];
	_ =	sdelay $0x3  }
0x9a: {  	_ =	strace s3  }
0x9b: {  	s3 =	sld [smem:$0x3FFD];
	_ =	sdelay $0x3  }
0x9c: {  	_ =	strace s3  }
0x9d: {  	_ =	strace $0x8FFFFFFF  }
0x9e: {  	s18 =	sld [smem:$0x3FDB];
	_ =	sdelay $0x1  }
0x9f: {  	s19 =	simm.s32 $_scs_section_size  }
0xa0: {  	s5 =	simm.s32 $_size__tile_overlayer_lowered;
	s6 =	simm.s32 $_tile_overlayer_lowered  }
0xa1: {  	s22 =	simm.s32 $0x1BFF;
	s21 =	sshll.u32 s6, $0x1;
	s3 =	sadd.s32 s19, s18  }
0xa2: {  	s7 =	simm.s32 $0x0;
	s20 =	sshll.u32 s5, $0x1;
	s5 =	sadd.s32 s21, s3  }
0xa3: {  	[timem:s7], [sflag:s22] =	dma.local [hbm:s5], s20  }
0xa4: {  	_ =	swait.ge [sflag:s22], s20  }
0xa5: {  	s4 =	ssub.s32 $0x0, s20;
	[sflag:s22] =	ssyncset.done $0x0  }
0xa6: {  	[sflag:s22] =	ssyncadd.s32 s4;
	_ =	sdelay $0x1  }
0xa7: {  	s23 =	simm.s32 $0x1B8B  }
0xa8: {  	_ =	swait.ge [sflag:s23], $0x1  }
0xa9: {  	[sflag:s23] =	ssyncset.done $0x0  }
0xaa: {  	s25 =	simm.s32 $0x1B8E;
	s24 =	sld [smem:$0x3FFE];
	[sflag:s23] =	ssyncadd.s32 $0xFFFFFFFF  }
0xab: {  	s26 =	simm.s32 $execute0_lowered;
	[smem:$0x3FD2] =	sst s25  }
0xac: {  	s5 =	sshll.u32 s26, $0x1;
	_ =	strace $0x80000046;
	[dreg:$0x1] =	wrdreg $0xFFFFFFFF  }
0xad: {  	s28 =	simm.s32 $_size_execute0_lowered;
	s3 =	sadd.s32 s3, s5;
	[dreg:$0x0] =	wrdreg $0x0  }
0xae: {  	s5 =	sshll.u32 s28, $0x1;
	[dreg:$0x2] =	wrdreg s3  }
0xaf: {  	[dreg:$0x3] =	wrdreg s5  }
0xb0: {  	[dreg:$0x4] =	wrdreg $0xC0  }
0xb1: {  	_ =	task [dreg:s7], $0x5FFFF  }
0xb2: {  	[dreg:$0x1] =	wrdreg $0xFFFFFFFF  }
0xb3: {  	[dreg:$0x0] =	wrdreg $0x60  }
0xb4: {  	[dreg:$0x2] =	wrdreg s24  }
0xb5: {  	[dreg:$0x3] =	wrdreg s16  }
0xb6: {  	[dreg:$0x4] =	wrdreg $0xA  }
0xb7: {  	_ =	task.clear_ibuf [dreg:s7], $0x5FFFF;
	_ =	strace $0x90000046  }
0xb8: {  	s29 =	simm.s32 $0xA;
	_ =	strace $0x80000048  }
0xb9: {  	_ =	swait.ge [sflag:s29], $0x1  }
0xba: {  	[sflag:s29] =	ssyncadd.s32 $0xFFFFFFFF  }
0xbb: {  	_ =	strace $0x90000048  }
0xbc: {  	_ =	sfence  }
0xbd: {  	s30 =	sld [smem:$0x0];
	_ =	sdelay $0x2  }
0xbe: {  	s31 =	sshll.u32 s1, $0xD;
	s1 =	sshrl.u32 s1, $0x2  }
0xbf: {  	s3 =	sand.u32 $0x4000, s31;
	s1 =	sadd.s32 s1, s30  }
0xc0: {  	s0 =	sor.u32 s3, s0;
	s1 =	sshll.u32 s1, $0x11  }
0xc1: {  	s0 =	sor.u32 s1, s0  }
0xc2: {  	s0 =	sadd.s32 $0x8F2B, s0  }
0xc3: {  	[sflag:s0] =	ssyncadd.remote.s32 $0x1  }
0xc4: {  	_ =	sfence.sel $0xFFFF  }
0xc5: {  	[dreg:$0x0] =	wrdreg $0xFFFFFFFF;
	(pc) =	sbr.abs _section_cstart, $3  }
0xc6: {  	[dreg:$0x1] =	wrdreg $0xFFFFFFFF  }
0xc7: {  	_ =	task.clear_ibuf [dreg:s7], $0x2FFFF;
	_ =	strace $0x9FFFFFFF  }
0xc8: {  	(tm) =	ssettm $0x7FFFFFFF  }
0xc9: {  	_ =	shalt  }
tec
execute0_lowered:
.L_overlay_start_1:
0x0: {  	(tag) =	ssettag $0x1  }
0x1: {  	s0 =	rddreg [dreg:$0x0]  }
0x2: {  	s1 =	rddreg [dreg:$0x1];
	s2 =	simm.s32 $0x0;
	s29 =	srdreg.scid  }
0x3: {  	s4 =	stileid.u32;
	s16 =	simm.s32 $0x9C80;
	s17 =	simm.s32 $0x13900  }
0x4: {  	s18 =	simm.s32 $0x16880;
	s19 =	simm.s32 $0x17880;
	s20 =	simm.s32 $0x18880  }
0x5: {  	s21 =	simm.s32 $0x19880;
	s22 =	simm.s32 $0x0;
	[smem:$0x7FF] =	sst s2  }
0x6: {  	s3 =	sadd.s32 $0xCC00, s0;
	s28 =	sadd.s32 $0xE000, s0;
	s5 =	sadd.s32 $0x2600, s0  }
0x7: {  	s7 =	sadd.s32 $0x2C00, s0;
	s8 =	sadd.s32 $0x7C00, s0;
	s9 =	sadd.s32 $0xF400, s0  }
0x8: {  	s10 =	sadd.s32 $0x23400, s0;
	s14 =	smul.u32 $0x2800, s4;
	s13 =	sshll.u32 s4, $0x1  }
0x9: {  	_ =	strace $0x80000047;
	[dreg:$0x3] =	wrdreg s3;
	s3 =	sand.u32 $0x1, s29  }
0xa: {  	s11 =	sadd.s32 $0x37400, s0;
	s6 =	ssub.s32 $0x2, s3;
	s15 =	smul.u32 $0x1400, s3  }
0xb: {  	[dreg:$0x4] =	wrdreg s28;
	s3 =	sor.u32 s3, s13;
	s12 =	sshrl.u32 s6, $0x1  }
0xc: {  	s30 =	ssub.s32 s6, s12;
	s12 =	smul.u32 $0x1400, s3;
	s31 =	sadd.s32 s15, s14  }
0xd: {  	v0 =	vimm.f32 $0.0e+00;
	s15 =	simm.s32 $0x1;
	s13 =	smax.u32 s30, $0x1;
	s14 =	sshrl.u32 s31, $0x4  }
.LBB2_1:
0xe: {  	s0 =	rddreg [dreg:$0x3]  }
0xf: {  	[tilespmem:s2], [sflag:$0x1] =	stream.linear.gather [hbm4b:s0+s2], $0x9C80, $0x38;
	[tilespmem:$0x1A880] =	vst v63  }
0x10: {  	_ =	swait.ge [sflag:s15], $0x9C80  }
0x11: {  	[sflag:s15] =	ssyncset.done $0x0  }
0x12: {  	s31 =	rddreg [dreg:$0x4];
	[sflag:s15] =	ssyncadd.s32 $0xFFFF6380  }
0x13: {  	[tilespmem:s16], [sflag:$0x1] =	stream.linear.gather [hbm4b:s31+s2], $0x9C80, $0x38;
	[tilespmem:$0x1A880] =	vst v63  }
0x14: {  	_ =	swait.ge [sflag:s15], $0x9C80  }
0x15: {  	[sflag:s15] =	ssyncset.done $0x0  }
0x16: {  	[sflag:s15] =	ssyncadd.s32 $0xFFFF6380  }
0x17: {  	[tilespmem:s17], [sflag:$0x1] =	stream.linear.gather [hbm4b:s5+s2], $0x2780, $0x38;
	[tilespmem:$0x1A880] =	vst v63  }
0x18: {  	_ =	swait.ge [sflag:s15], $0x2780  }
0x19: {  	[sflag:s15] =	ssyncset.done $0x0  }
0x1a: {  	s23 =	smov.u32 s14;
	s24 =	simm.s32 $0x0;
	[sflag:s15] =	ssyncadd.s32 $0xFFFFD880  }
.LBB2_2:
0x1b: {  	s0 =	sshll.u32 s24, $0xA  }
0x1c: {  	s25 =	sadd.s32 s12, s0  }
0x1d: {  	s0 =	sshrl.u32 s25, $0x3  }
0x1e: {  	s6 =	simm.s32 $0x0;
	s26 =	simm.s32 $0x16080;
	s3 =	sadd.s32 s7, s0  }
0x1f: {  	[tilespmem:s26], [sflag:$0x1] =	stream.linear.gather [hbm4b:s3+s6], $0x400, $0x38;
	[tilespmem:$0x1A880] =	vst v63  }
0x20: {  	_ =	swait.ge [sflag:s15], $0x400  }
0x21: {  	[sflag:s15] =	ssyncset.done $0x0  }
0x22: {  	s28 =	simm.s32 $0x16480;
	s0 =	sadd.s32 s8, s0;
	[sflag:s15] =	ssyncadd.s32 $0xFFFFFC00  }
0x23: {  	[tilespmem:s28], [sflag:$0x1] =	stream.linear.gather [hbm4b:s0+s6], $0x400, $0x38;
	[tilespmem:$0x1A880] =	vst v63  }
0x24: {  	_ =	swait.ge [sflag:s15], $0x400  }
0x25: {  	[sflag:s15] =	ssyncset.done $0x0  }
0x26: {  	[sflag:s15] =	ssyncadd.s32 $0xFFFFFC00  }
0x27: {  	v1 =	vld [tilespmem:s26+$0x0];
	_ =	sdelay $0x4  }
0x28: {  	v2 =	vshll.u32 v1, $0x2  }
0x29: {  	v3 =	vld [tilespmem:s28+$0x0];
	_ =	sdelay $0x1  }
0x2a: {  	s0 =	smin.u32 s23, $0x270F  }
0x2b: {  	v4 =	vmov s0  }
0x2c: {  	v5 =	vld.idx.msk [tilespmem:v2+s2+$0x0], $0xffff  }
0x2d: {  	v3 =	vshll.u32 v3, $0x2;
	_ =	sdelay $0x2  }
0x2e: {  	s29 =	simm.s32 $0x0;
	s3 =	sshll.u32 s0, $0x2;
	v4 =	vld.idx.msk [tilespmem:v4+s17+$0x0], $0xffff  }
0x2f: {  	v59 =	vmov s3;
	v1 =	vld.idx.msk [tilespmem:v1+s17+$0x0], $0xffff;
	[tilespmem:s29+$0x16880] =	vst v5  }
0x30: {  	v5 =	vbroadcast v59, $0x0;
	v6 =	vld.idx.msk [tilespmem:v3+s16+$0x0], $0xffff;
	_ =	sdelay $0x4  }
0x31: {  	[tilespmem:s29+$0x17880] =	vst v6  }
0x32: {  	v5 =	vld.idx.msk [tilespmem:v5+s16+$0x0], $0xffff  }
0x33: {  	v60 =	vor.u32 $0x1, v2  }
0x34: {  	vm0 =	veq.f32 v1, v4  }
0x35: {  	v4 =	vsel vm0, $0x3F800000, v0  }
0x36: {  	[tilespmem:s29+$0x19880] =	vst v4  }
0x37: {  	[tilespmem:s29+$0x18880] =	vst v5  }
0x38: {  	v1 =	vld.idx.msk [tilespmem:v60+s2+$0x0], $0xffff  }
0x39: {  	v61 =	vor.u32 $0x1, v3;
	_ =	sdelay $0x2  }
0x3a: {  	s4 =	sor.u32 $0x1, s3  }
0x3b: {  	[tilespmem:s29+$0x16890] =	vst v1;
	v1 =	vmov s4  }
0x3c: {  	v5 =	vld.idx.msk [tilespmem:v61+s16+$0x0], $0xffff;
	v1 =	vbroadcast v1, $0x0;
	_ =	sdelay $0x4  }
0x3d: {  	[tilespmem:s29+$0x17890] =	vst v5  }
0x3e: {  	v1 =	vld.idx.msk [tilespmem:v1+s16+$0x0], $0xffff  }
0x3f: {  	v62 =	vor.u32 $0x2, v2;
	_ =	sdelay $0x2  }
0x40: {  	[tilespmem:s29+$0x19890] =	vst v4  }
0x41: {  	[tilespmem:s29+$0x18890] =	vst v1  }
0x42: {  	v1 =	vld.idx.msk [tilespmem:v62+s2+$0x0], $0xffff  }
0x43: {  	v63 =	vor.u32 $0x2, v3;
	_ =	sdelay $0x2  }
0x44: {  	s3 =	sor.u32 $0x2, s3  }
0x45: {  	[tilespmem:s29+$0x168A0] =	vst v1;
	v1 =	vmov s3  }
0x46: {  	v5 =	vld.idx.msk [tilespmem:v63+s16+$0x0], $0xffff;
	v1 =	vbroadcast v1, $0x0;
	_ =	sdelay $0x4  }
0x47: {  	[tilespmem:s29+$0x178A0] =	vst v5  }
0x48: {  	v1 =	vld.idx.msk [tilespmem:v1+s16+$0x0], $0xffff  }
0x49: {  	v2 =	vor.u32 $0x3, v2;
	_ =	sdelay $0x2  }
0x4a: {  	[tilespmem:s29+$0x198A0] =	vst v4  }
0x4b: {  	[tilespmem:s29+$0x188A0] =	vst v1  }
0x4c: {  	v1 =	vld.idx.msk [tilespmem:v2+s2+$0x0], $0xffff  }
0x4d: {  	v2 =	vor.u32 $0x3, v3;
	_ =	sdelay $0x3  }
0x4e: {  	[tilespmem:s29+$0x168B0] =	vst v1  }
0x4f: {  	s0 =	sshllo.u32 s0, $0x2;
	v1 =	vld.idx.msk [tilespmem:v2+s16+$0x0], $0xffff  }
0x50: {  	v2 =	vmov s0;
	_ =	sdelay $0x3  }
0x51: {  	[tilespmem:s29+$0x178B0] =	vst v1  }
0x52: {  	s30 =	simm.s32 $0x100;
	s31 =	smov.u32 s23;
	s0 =	simm.s32 $0x200;
	v1 =	vld.idx.msk [tilespmem:v2+s16+$0x0], $0xffff;
	[tilespmem:s29+$0x198B0] =	vst v4  }
.LBB2_3:
0x53: {  	p0 =	sne.s32 s0, $0x3F00;
	s31 =	sadd.s32 $0x1, s31  }
0x54: {  	s6 =	smin.u32 s31, $0x270F  }
0x55: {  	v2 =	vmov s6;
	_ =	sdelay $0x1  }
0x56: {  	s26 =	sadd.s32 $0x10, s26;
	[tilespmem:s29+$0x188B0] =	vst v1  }
0x57: {  	s28 =	sadd.s32 $0x10, s28;
	v1 =	vld [tilespmem:s26+$0x0]  }
0x58: {  	v3 =	vld [tilespmem:s28+$0x0]  }
0x59: {  	v2 =	vld.idx.msk [tilespmem:v2+s17+$0x0], $0xffff;
	_ =	sdelay $0x2  }
0x5a: {  	v4 =	vshll.u32 v1, $0x2  }
0x5b: {  	v5 =	vor.u32 $0x1, v4;
	v6 =	vor.u32 $0x2, v4;
	v7 =	vor.u32 $0x3, v4;
	_ =	sdelay $0x3  }
0x5c: {  	v4 =	vld.idx.msk [tilespmem:v4+s2+$0x0], $0xffff;
	_ =	sdelay $0x1  }
0x5d: {  	v3 =	vshll.u32 v3, $0x2;
	_ =	sdelay $0x2  }
0x5e: {  	s29 =	sshra.s32 s30, $0x2;
	s30 =	smov.u32 s0  }
0x5f: {  	s3 =	sshll.u32 s6, $0x2;
	v1 =	vld.idx.msk [tilespmem:v1+s17+$0x0], $0xffff;
	[tilespmem:s29+$0x16880] =	vst v4  }
0x60: {  	v8 =	vmov s3;
	v4 =	vld.idx.msk [tilespmem:v3+s16+$0x0], $0xffff  }
0x61: {  	v8 =	vbroadcast v8, $0x0;
	_ =	sdelay $0x3  }
0x62: {  	vm0 =	veq.f32 v1, v2  }
0x63: {  	[tilespmem:s29+$0x17880] =	vst v4  }
0x64: {  	v1 =	vld.idx.msk [tilespmem:v8+s16+$0x0], $0xffff;
	_ =	sdelay $0x3  }
0x65: {  	v2 =	vsel vm0, $0x3F800000, v0  }
0x66: {  	[tilespmem:s29+$0x19880] =	vst v2  }
0x67: {  	[tilespmem:s29+$0x18880] =	vst v1  }
0x68: {  	v1 =	vld.idx.msk [tilespmem:v5+s2+$0x0], $0xffff;
	_ =	sdelay $0x1  }
0x69: {  	v4 =	vor.u32 $0x1, v3;
	_ =	sdelay $0x3  }
0x6a: {  	s4 =	sor.u32 $0x1, s3;
	[tilespmem:s29+$0x16890] =	vst v1  }
0x6b: {  	v1 =	vld.idx.msk [tilespmem:v4+s16+$0x0], $0xffff;
	v4 =	vmov s4  }
0x6c: {  	v4 =	vbroadcast v4, $0x0;
	_ =	sdelay $0x4  }
0x6d: {  	[tilespmem:s29+$0x17890] =	vst v1  }
0x6e: {  	v1 =	vld.idx.msk [tilespmem:v4+s16+$0x0], $0xffff;
	_ =	sdelay $0x4  }
0x6f: {  	[tilespmem:s29+$0x19890] =	vst v2  }
0x70: {  	[tilespmem:s29+$0x18890] =	vst v1  }
0x71: {  	v1 =	vld.idx.msk [tilespmem:v6+s2+$0x0], $0xffff;
	_ =	sdelay $0x1  }
0x72: {  	v4 =	vor.u32 $0x2, v3;
	_ =	sdelay $0x3  }
0x73: {  	s3 =	sor.u32 $0x2, s3;
	[tilespmem:s29+$0x168A0] =	vst v1  }
0x74: {  	v1 =	vld.idx.msk [tilespmem:v4+s16+$0x0], $0xffff;
	v4 =	vmov s3  }
0x75: {  	v4 =	vbroadcast v4, $0x0;
	_ =	sdelay $0x4  }
0x76: {  	[tilespmem:s29+$0x178A0] =	vst v1  }
0x77: {  	v1 =	vld.idx.msk [tilespmem:v4+s16+$0x0], $0xffff;
	_ =	sdelay $0x4  }
0x78: {  	[tilespmem:s29+$0x198A0] =	vst v2  }
0x79: {  	[tilespmem:s29+$0x188A0] =	vst v1  }
0x7a: {  	v1 =	vld.idx.msk [tilespmem:v7+s2+$0x0], $0xffff;
	_ =	sdelay $0x1  }
0x7b: {  	v3 =	vor.u32 $0x3, v3;
	_ =	sdelay $0x3  }
0x7c: {  	[tilespmem:s29+$0x168B0] =	vst v1  }
0x7d: {  	v1 =	vld.idx.msk [tilespmem:v3+s16+$0x0], $0xffff  }
0x7e: {  	s3 =	sshllo.u32 s6, $0x2  }
0x7f: {  	v3 =	vmov s3;
	_ =	sdelay $0x1  }
.Ltmp0:
0x80: {  	(pc) =	sbr.rel @p0 .LBB2_3-.Ltmp0, $4  }
0x81: {  	_ = 	snop  }
0x82: {  	[tilespmem:s29+$0x178B0] =	vst v1  }
0x83: {  	v1 =	vld.idx.msk [tilespmem:v3+s16+$0x0], $0xffff;
	[tilespmem:s29+$0x198B0] =	vst v2  }
0x84: {  	s0 =	sadd.s32 $0x100, s0  }
0x85: {  	_ =	sdelay $0x2  }
0x86: {  	s0 =	sadd.s32 $0x10, s26;
	[tilespmem:s29+$0x188B0] =	vst v1  }
0x87: {  	v1 =	vld [tilespmem:s0+$0x0];
	_ =	sdelay $0x4  }
0x88: {  	s29 =	sadd.s32 $0x10, s28;
	v2 =	vshll.u32 v1, $0x2  }
0x89: {  	v3 =	vld [tilespmem:s29+$0x0]  }
0x8a: {  	s3 =	sadd.s32 $0x1, s31  }
0x8b: {  	s3 =	smin.u32 s3, $0x270F  }
0x8c: {  	v4 =	vmov s3  }
0x8d: {  	v5 =	vld.idx.msk [tilespmem:v2+s2+$0x0], $0xffff  }
0x8e: {  	v3 =	vshll.u32 v3, $0x2;
	_ =	sdelay $0x2  }
0x8f: {  	s26 =	sshra.s32 s30, $0x2;
	s4 =	sshll.u32 s3, $0x2;
	v4 =	vld.idx.msk [tilespmem:v4+s17+$0x0], $0xffff  }
0x90: {  	v56 =	vmov s4;
	v1 =	vld.idx.msk [tilespmem:v1+s17+$0x0], $0xffff;
	[tilespmem:s26+$0x16880] =	vst v5  }
0x91: {  	v5 =	vbroadcast v56, $0x0;
	v6 =	vld.idx.msk [tilespmem:v3+s16+$0x0], $0xffff;
	_ =	sdelay $0x4  }
0x92: {  	[tilespmem:s26+$0x17880] =	vst v6  }
0x93: {  	v5 =	vld.idx.msk [tilespmem:v5+s16+$0x0], $0xffff  }
0x94: {  	v57 =	vor.u32 $0x1, v2  }
0x95: {  	vm0 =	veq.f32 v1, v4  }
0x96: {  	v1 =	vsel vm0, $0x3F800000, v0  }
0x97: {  	[tilespmem:s26+$0x19880] =	vst v1  }
0x98: {  	[tilespmem:s26+$0x18880] =	vst v5  }
0x99: {  	v58 =	vld.idx.msk [tilespmem:v57+s2+$0x0], $0xffff  }
0x9a: {  	v59 =	vor.u32 $0x1, v3;
	_ =	sdelay $0x2  }
0x9b: {  	s6 =	sor.u32 $0x1, s4  }
0x9c: {  	v60 =	vmov s6;
	[tilespmem:s26+$0x16890] =	vst v58  }
0x9d: {  	v4 =	vbroadcast v60, $0x0;
	v5 =	vld.idx.msk [tilespmem:v59+s16+$0x0], $0xffff;
	_ =	sdelay $0x4  }
0x9e: {  	[tilespmem:s26+$0x17890] =	vst v5  }
0x9f: {  	v4 =	vld.idx.msk [tilespmem:v4+s16+$0x0], $0xffff  }
0xa0: {  	v61 =	vor.u32 $0x2, v2;
	_ =	sdelay $0x2  }
0xa1: {  	[tilespmem:s26+$0x19890] =	vst v1  }
0xa2: {  	[tilespmem:s26+$0x18890] =	vst v4  }
0xa3: {  	v4 =	vld.idx.msk [tilespmem:v61+s2+$0x0], $0xffff  }
0xa4: {  	v62 =	vor.u32 $0x2, v3;
	_ =	sdelay $0x2  }
0xa5: {  	s4 =	sor.u32 $0x2, s4  }
0xa6: {  	v63 =	vmov s4;
	[tilespmem:s26+$0x168A0] =	vst v4  }
0xa7: {  	v4 =	vbroadcast v63, $0x0;
	v5 =	vld.idx.msk [tilespmem:v62+s16+$0x0], $0xffff;
	_ =	sdelay $0x4  }
0xa8: {  	[tilespmem:s26+$0x178A0] =	vst v5  }
0xa9: {  	v4 =	vld.idx.msk [tilespmem:v4+s16+$0x0], $0xffff  }
0xaa: {  	v2 =	vor.u32 $0x3, v2;
	_ =	sdelay $0x2  }
0xab: {  	[tilespmem:s26+$0x198A0] =	vst v1  }
0xac: {  	[tilespmem:s26+$0x188A0] =	vst v4  }
0xad: {  	v2 =	vld.idx.msk [tilespmem:v2+s2+$0x0], $0xffff  }
0xae: {  	v3 =	vor.u32 $0x3, v3;
	_ =	sdelay $0x3  }
0xaf: {  	[tilespmem:s26+$0x168B0] =	vst v2  }
0xb0: {  	s0 =	sshllo.u32 s3, $0x2;
	v2 =	vld.idx.msk [tilespmem:v3+s16+$0x0], $0xffff  }
0xb1: {  	v3 =	vmov s0;
	_ =	sdelay $0x3  }
0xb2: {  	[tilespmem:s26+$0x178B0] =	vst v2  }
0xb3: {  	v2 =	vld.idx.msk [tilespmem:v3+s16+$0x0], $0xffff;
	_ =	sdelay $0x3  }
0xb4: {  	s28 =	sshrl.u32 s25, $0x1;
	[tilespmem:s26+$0x198B0] =	vst v1  }
0xb5: {  	s29 =	sadd.s32 s1, s28;
	[tilespmem:s26+$0x188B0] =	vst v2  }
0xb6: {  	[hbm4b:s29+s2] =	stream.linear.scatter [tilespmem:s18], [sflag:$0x1], $0x1000, $0x38;
	[tilespmem:$0x1A880] =	vst v63  }
0xb7: {  	_ =	swait.ge [sflag:s15], $0x1000  }
0xb8: {  	[sflag:s15] =	ssyncset.done $0x0  }
0xb9: {  	s30 =	sadd.s32 s9, s28;
	[sflag:s15] =	ssyncadd.s32 $0xFFFFF000  }
0xba: {  	[hbm4b:s30+s2] =	stream.linear.scatter [tilespmem:s19], [sflag:$0x1], $0x1000, $0x38;
	[tilespmem:$0x1A880] =	vst v63  }
0xbb: {  	_ =	swait.ge [sflag:s15], $0x1000  }
0xbc: {  	[sflag:s15] =	ssyncset.done $0x0  }
0xbd: {  	s31 =	sadd.s32 s10, s28;
	[sflag:s15] =	ssyncadd.s32 $0xFFFFF000  }
0xbe: {  	[hbm4b:s31+s2] =	stream.linear.scatter [tilespmem:s20], [sflag:$0x1], $0x1000, $0x38;
	[tilespmem:$0x1A880] =	vst v63  }
0xbf: {  	s24 =	sadd.s32 $0x1, s24;
	_ =	swait.ge [sflag:s15], $0x1000  }
0xc0: {  	p0 =	sne.s32 s24, $0x5;
	[sflag:s15] =	ssyncset.done $0x0  }
.Ltmp1:
0xc1: {  	s0 =	sadd.s32 s11, s28;
	[sflag:s15] =	ssyncadd.s32 $0xFFFFF000;
	(pc) =	sbr.rel @p0 .LBB2_2-.Ltmp1, $4  }
0xc2: {  	[hbm4b:s0+s2] =	stream.linear.scatter [tilespmem:s21], [sflag:$0x1], $0x1000, $0x38;
	[tilespmem:$0x1A880] =	vst v63  }
0xc3: {  	_ =	swait.ge [sflag:s15], $0x1000  }
0xc4: {  	[sflag:s15] =	ssyncset.done $0x0  }
0xc5: {  	s23 =	sadd.s32 $0x40, s23;
	[sflag:s15] =	ssyncadd.s32 $0xFFFFF000  }
0xc6: {  	s22 =	sadd.s32 $0x1, s22  }
0xc7: {  	p0 =	sne.s32 s22, s13  }
.Ltmp2:
0xc8: {  	_ = 	snop;
	(pc) =	sbr.rel @p0 .LBB2_1-.Ltmp2, $1  }
0xc9: {  	_ =	sdelay $0x3  }
0xca: {  	_ =	sfence.sel $0x180000  }
0xcb: {  	[bflag:$0x0] =	sbarrier.arrive $0xFFFF  }
0xcc: {  	_ =	strace $0x90000047  }
0xcd: {  	s0 =	stileid.u32;
	[bflag:$0x2] =	sbarrier.arrive $0xFFFF  }
0xce: {  	p0 =	sne.s32 s0, $0x0;
	s0 =	rddreg [dreg:$0x2]  }
0xcf: {  	s0 =	sadd.s32 @!p0 $0x100000, s0  }
0xd0: {  	[sflag:s0] =	ssyncadd.tile.s32 @!p0 $0x1;
	_ =	shalt  }
.Lfunc_end2:
_tile_overlayer_lowered:
.L_overlay_start_2:
0xd1: {  	(tag) =	ssettag $0x2  }
0xd2: {  	s0 =	rddreg [dreg:$0x0];
	s2 =	stileid.u32  }
0xd3: {  	s1 =	rddreg [dreg:$0x1];
	p0 =	sne.s32 s2, $0x0  }
0xd4: {  	s3 =	rddreg [dreg:$0x2];
	[bflag:$0x3] =	sbarrier.arrive $0xFFFF;
	s2 =	simm.s32 @!p0 $0x1C01  }
0xd5: {  	[timem:s3], [sflag:s2] =	dma.local @!p0 [hbm:s0], s1  }
0xd6: {  	s0 =	simm.s32 @!p0 $0x1  }
0xd7: {  	_ =	swait.ge @!p0 [sflag:s0], s1  }
0xd8: {  	s1 =	ssub.s32 @!p0 $0x0, s1;
	[sflag:s0] =	ssyncset.done @!p0 $0x0  }
0xd9: {  	[sflag:s0] =	ssyncadd.s32 @!p0 s1  }
0xda: {  	[bflag:$0x3] =	sbarrier.arrive $0xFFFF  }
0xdb: {  	_ =	shalt  }

</sc_bundles>
